<compile_context>
chip_gen: v7x
topology: tpu7x:2x2x1
jax: 0.10.2.dev20260603
libtpu: 0.0.44.dev20260713+nightly
codegen_flags: <defaults>
</compile_context>

<pallas_src>
import functools

import jax
import jax.numpy as jnp
from jax import lax
from jax.experimental import pallas as pl
from jax.experimental.pallas import tpu as pltpu
from jax.experimental.pallas import tpu_sc as plsc

N = 10000
E = 320000
D_IN = 128
D_OUT = 128
C = 16

NC = 2
NS = 16
NW = NC * NS
CHUNK = 128
NCHUNK = E // CHUNK
CH_BASE = NCHUNK // NW
CH_EXTRA = NCHUNK % NW
PAIRS = (CH_BASE + CH_EXTRA + 1) // 2
ROWS_MAIN = 624
TAIL_BASE = NS * ROWS_MAIN
TAIL_ROWS = N - TAIL_BASE
SLOPE = 0.2

_EB = 32000


_EW = E // 8
_EWB = 4000


def _tc_prep_body(nf, w3, a_l, a_r, efw_in, bd, el, er, efw_out):
    i = pl.program_id(0)

    @pl.when(i == 0)
    def _():
        al_mat = jnp.sum(w3[...] * a_l[...][None], axis=-1)
        ar_mat = jnp.sum(w3[...] * a_r[...][None], axis=-1)
        nfv = nf[...]
        el[...] = jnp.dot(nfv, al_mat, preferred_element_type=jnp.float32)
        er[...] = jnp.dot(nfv, ar_mat, preferred_element_type=jnp.float32)

    efw_out[...] = jnp.dot(efw_in[...], bd[...],
                           preferred_element_type=jnp.float32)


def _tc_prep(node_feat, W3, al, ar, edge_feat_w, W_bd):
    return pl.pallas_call(
        _tc_prep_body,
        grid=(_EW // _EWB,),
        in_specs=[
            pl.BlockSpec((N, D_IN), lambda i: (0, 0)),
            pl.BlockSpec((D_IN, C, D_OUT), lambda i: (0, 0, 0)),
            pl.BlockSpec((C, D_OUT), lambda i: (0, 0)),
            pl.BlockSpec((C, D_OUT), lambda i: (0, 0)),
            pl.BlockSpec((_EWB, 128), lambda i: (i, 0)),
            pl.BlockSpec((128, 128), lambda i: (0, 0)),
        ],
        out_specs=[
            pl.BlockSpec((N, C), lambda i: (0, 0)),
            pl.BlockSpec((N, C), lambda i: (0, 0)),
            pl.BlockSpec((_EWB, 128), lambda i: (i, 0)),
        ],
        out_shape=[
            jax.ShapeDtypeStruct((N, C), jnp.float32),
            jax.ShapeDtypeStruct((N, C), jnp.float32),
            jax.ShapeDtypeStruct((_EW, 128), jnp.float32),
        ],
    )(node_feat, W3, al, ar, edge_feat_w, W_bd)


_mesh = plsc.VectorSubcoreMesh(core_axis_name="c", subcore_axis_name="s")


@functools.partial(
    pl.kernel,
    out_type=(
        jax.ShapeDtypeStruct((E, C), jnp.float32),
        jax.ShapeDtypeStruct((N, NC * C), jnp.float32),
    ),
    mesh=_mesh,
    compiler_params=pltpu.CompilerParams(use_tc_tiling_on_sc=False, needs_layout_passes=False),
    scratch_types=[
        pltpu.VMEM((CH_BASE + 1, CHUNK), jnp.int32),
        pltpu.VMEM((CH_BASE + 1, CHUNK), jnp.int32),
        pltpu.VMEM((2, CHUNK, C), jnp.float32),
        pltpu.VMEM((2, CHUNK, C), jnp.float32),
        pltpu.VMEM((2, CHUNK * C), jnp.float32),
        pltpu.VMEM((2, CHUNK, C), jnp.float32),
        pltpu.VMEM((ROWS_MAIN, C), jnp.float32),
        pltpu.VMEM_SHARED((N, C), jnp.float32),
        pltpu.SemaphoreType.DMA,
        pltpu.SemaphoreType.DMA,
        pltpu.SemaphoreType.DMA,
        pltpu.SemaphoreType.DMA,
    ],
)
def _sc_pass1(src_hbm, dst_hbm, el_hbm, er_hbm, ef_hbm,
              ex_hbm, spart_hbm,
              idx_s, idx_d, elb, erb, efb, exb, srow, s_sh,
              sem0, sem1, osem0, osem1):
    cid = lax.axis_index("c")
    sid = lax.axis_index("s")
    wid = sid * NC + cid
    start = CH_BASE * wid + jnp.minimum(wid, CH_EXTRA)
    n_w = CH_BASE + jnp.where(wid < CH_EXTRA, 1, 0)

    def zero_body(j, _):
        srow[j] = jnp.zeros((C,), jnp.float32)
        return 0

    lax.fori_loop(0, ROWS_MAIN, zero_body, 0, unroll=8)
    pltpu.sync_copy(srow, s_sh.at[pl.ds(sid * ROWS_MAIN, ROWS_MAIN)])

    @pl.when(sid == 0)
    def _():
        pltpu.sync_copy(srow.at[pl.ds(0, TAIL_ROWS)],
                        s_sh.at[pl.ds(TAIL_BASE, TAIL_ROWS)])

    pltpu.sync_copy(src_hbm.at[pl.ds(start, CH_BASE)], idx_s.at[pl.ds(0, CH_BASE)])
    pltpu.sync_copy(dst_hbm.at[pl.ds(start, CH_BASE)], idx_d.at[pl.ds(0, CH_BASE)])

    @pl.when(wid < CH_EXTRA)
    def _():
        pltpu.sync_copy(src_hbm.at[pl.ds(start + CH_BASE, 1)],
                        idx_s.at[pl.ds(CH_BASE, 1)])
        pltpu.sync_copy(dst_hbm.at[pl.ds(start + CH_BASE, 1)],
                        idx_d.at[pl.ds(CH_BASE, 1)])

    plsc.subcore_barrier()

    def issue(j, slot, sem):
        base = (start + j) * CHUNK
        pltpu.async_copy(el_hbm.at[idx_s.at[j]], elb.at[slot], sem)
        pltpu.async_copy(er_hbm.at[idx_d.at[j]], erb.at[slot], sem)
        pltpu.async_copy(ef_hbm.at[pl.ds(base * C, CHUNK * C)],
                         efb.at[slot], sem)

    def wait_in(slot, sem):
        pltpu.make_async_copy(el_hbm.at[idx_s.at[0]], elb.at[slot], sem).wait()
        pltpu.make_async_copy(er_hbm.at[idx_d.at[0]], erb.at[slot], sem).wait()
        pltpu.make_async_copy(ef_hbm.at[pl.ds(0, CHUNK * C)],
                              efb.at[slot], sem).wait()

    def drain_out(slot, osem):
        pltpu.make_async_copy(exb.at[slot], ex_hbm.at[pl.ds(0, CHUNK)],
                              osem).wait()

    def process(j, slot, osem):
        def row_body(r, _):
            v = elb[slot, r] + erb[slot, r]
            v = jnp.where(v > 0, v, SLOPE * v)
            efv = efb[slot, pl.ds(r * C, C)]
            exb[slot, r] = jnp.exp(v * efv)
            return 0

        lax.fori_loop(0, CHUNK, row_body, 0, unroll=16)
        pltpu.sync_copy(exb.at[slot], s_sh.at[idx_d.at[j]], add=True)
        pltpu.async_copy(exb.at[slot],
                         ex_hbm.at[pl.ds((start + j) * CHUNK, CHUNK)], osem)

    issue(0, 0, sem0)

    def pair_body(p, _):
        i0 = 2 * p
        i1 = i0 + 1

        @pl.when(i0 < n_w)
        def _():
            @pl.when(i1 < n_w)
            def _():
                issue(i1, 1, sem1)

            wait_in(0, sem0)

            @pl.when(p >= 1)
            def _():
                drain_out(0, osem0)

            process(i0, 0, osem0)

        @pl.when(i1 < n_w)
        def _():
            @pl.when(i1 + 1 < n_w)
            def _():
                issue(i1 + 1, 0, sem0)

            wait_in(1, sem1)

            @pl.when(p >= 1)
            def _():
                drain_out(1, osem1)

            process(i1, 1, osem1)

        return 0

    lax.fori_loop(0, PAIRS, pair_body, 0)
    drain_out(0, osem0)
    drain_out(1, osem1)
    plsc.subcore_barrier()

    pltpu.sync_copy(s_sh.at[pl.ds(sid * ROWS_MAIN, ROWS_MAIN)], srow)
    pltpu.sync_copy(srow, spart_hbm.at[pl.ds(sid * ROWS_MAIN, ROWS_MAIN),
                                       pl.ds(cid * C, C)])

    @pl.when(sid == 0)
    def _():
        pltpu.sync_copy(s_sh.at[pl.ds(TAIL_BASE, TAIL_ROWS)],
                        srow.at[pl.ds(0, TAIL_ROWS)])
        pltpu.sync_copy(srow.at[pl.ds(0, TAIL_ROWS)],
                        spart_hbm.at[pl.ds(TAIL_BASE, TAIL_ROWS),
                                     pl.ds(cid * C, C)])


@functools.partial(
    pl.kernel,
    out_type=jax.ShapeDtypeStruct((C, E), jnp.float32),
    mesh=_mesh,
    compiler_params=pltpu.CompilerParams(use_tc_tiling_on_sc=False, needs_layout_passes=False),
    scratch_types=[
        pltpu.VMEM((CH_BASE + 1, CHUNK), jnp.int32),
        pltpu.VMEM((2, CHUNK * C), jnp.float32),
        pltpu.VMEM((2, CHUNK, 2 * C), jnp.float32),
        pltpu.VMEM((2, C, CHUNK), jnp.float32),
        pltpu.SemaphoreType.DMA,
        pltpu.SemaphoreType.DMA,
        pltpu.SemaphoreType.DMA,
        pltpu.SemaphoreType.DMA,
    ],
)
def _sc_pass2(dst_hbm, ex_hbm, s01_hbm, out_hbm,
              idx_d, exb, s01b, outb, sem0, sem1, osem0, osem1):
    cid = lax.axis_index("c")
    sid = lax.axis_index("s")
    wid = sid * NC + cid
    start = CH_BASE * wid + jnp.minimum(wid, CH_EXTRA)
    n_w = CH_BASE + jnp.where(wid < CH_EXTRA, 1, 0)

    pltpu.sync_copy(dst_hbm.at[pl.ds(start, CH_BASE)], idx_d.at[pl.ds(0, CH_BASE)])

    @pl.when(wid < CH_EXTRA)
    def _():
        pltpu.sync_copy(dst_hbm.at[pl.ds(start + CH_BASE, 1)],
                        idx_d.at[pl.ds(CH_BASE, 1)])

    def issue(j, slot, sem):
        base = (start + j) * CHUNK
        pltpu.async_copy(s01_hbm.at[idx_d.at[j]], s01b.at[slot], sem)
        pltpu.async_copy(ex_hbm.at[pl.ds(base * C, CHUNK * C)], exb.at[slot], sem)

    def wait_in(slot, sem):
        pltpu.make_async_copy(s01_hbm.at[idx_d.at[0]], s01b.at[slot], sem).wait()
        pltpu.make_async_copy(ex_hbm.at[pl.ds(0, CHUNK * C)], exb.at[slot], sem).wait()

    rows16 = lax.broadcasted_iota(jnp.int32, (C,), 0)

    def drain_out(slot, osem):
        pltpu.make_async_copy(outb.at[slot],
                              out_hbm.at[pl.ds(0, C), pl.ds(0, CHUNK)],
                              osem).wait()

    def process(j, slot, osem):
        def row_body(r, _):
            sv = s01b[slot, r, pl.ds(0, C)] + s01b[slot, r, pl.ds(C, C)]
            v = exb[slot, pl.ds(r * C, C)] / sv
            plsc.store_scatter(outb.at[slot],
                               [rows16, jnp.full((C,), r, jnp.int32)], v)
            return 0

        lax.fori_loop(0, CHUNK, row_body, 0, unroll=16)
        pltpu.async_copy(outb.at[slot],
                         out_hbm.at[pl.ds(0, C),
                                    pl.ds((start + j) * CHUNK, CHUNK)], osem)

    issue(0, 0, sem0)

    def pair_body(p, _):
        i0 = 2 * p
        i1 = i0 + 1

        @pl.when(i0 < n_w)
        def _():
            @pl.when(i1 < n_w)
            def _():
                issue(i1, 1, sem1)

            wait_in(0, sem0)

            @pl.when(p >= 1)
            def _():
                drain_out(0, osem0)

            process(i0, 0, osem0)

        @pl.when(i1 < n_w)
        def _():
            @pl.when(i1 + 1 < n_w)
            def _():
                issue(i1 + 1, 0, sem0)

            wait_in(1, sem1)

            @pl.when(p >= 1)
            def _():
                drain_out(1, osem1)

            process(i1, 1, osem1)

        return 0

    lax.fori_loop(0, PAIRS, pair_body, 0)
    drain_out(0, osem0)
    drain_out(1, osem1)


def kernel(node_feat, edge_index, edge_feat, W_fc, W_edge, attn_l, attn_r):
    src2d = edge_index[0].reshape(NCHUNK, CHUNK)
    dst2d = edge_index[1].reshape(NCHUNK, CHUNK)
    W3 = W_fc.reshape(D_IN, C, D_OUT)
    al = attn_l.reshape(C, D_OUT)
    ar = attn_r.reshape(C, D_OUT)
    W_bd = jnp.kron(jnp.eye(8, dtype=jnp.float32), W_edge)
    el, er, efw = _tc_prep(node_feat, W3, al, ar,
                           edge_feat.reshape(_EW, 128), W_bd)
    ex, s01 = _sc_pass1(src2d, dst2d, el, er, efw.reshape(E * C))
    a_t = _sc_pass2(dst2d, ex.reshape(E * C), s01)
    return a_t.T.reshape(E, C, 1)

# --- scband reference (transcript-rebuilt; emitter-appended) ---
"""Pipeline reference for scband-egatlayer-17824114278571 (READ-ONLY COPY).

The authoritative reference and input builder live on the scoring server;
editing this copy changes nothing except your own understanding.
"""

import jax, jax.numpy as jnp
import numpy as np

N = 10000
E = 320000
D_IN = 128
D_OUT = 128
C = 16  # edata_channels


def setup_inputs(seed: int = 0) -> dict:
    key = jax.random.key(seed)
    ks = jax.random.split(key, 7)
    node_feat = jax.random.normal(ks[0], (N, D_IN), dtype=jnp.float32)
    edge_index = jax.random.randint(ks[1], (2, E), 0, N, dtype=jnp.int32)
    edge_feat = jax.random.normal(ks[2], (E, C), dtype=jnp.float32)
    # fc: Linear(D_IN, D_OUT*C, bias=False), xavier_normal with relu gain
    gain = float(np.sqrt(2.0))
    std_fc = gain * np.sqrt(2.0 / (D_IN + D_OUT * C))
    W_fc = jax.random.normal(ks[3], (D_IN, D_OUT * C), dtype=jnp.float32) * std_fc
    # edge_fc: Linear(C, C, bias=False), default init ~ U(-1/sqrt(C), 1/sqrt(C))
    bound = 1.0 / np.sqrt(C)
    W_edge = jax.random.uniform(ks[4], (C, C), dtype=jnp.float32, minval=-bound, maxval=bound)
    std_attn = gain * np.sqrt(2.0 / (C + D_OUT))
    attn_l = jax.random.normal(ks[5], (1, C, D_OUT), dtype=jnp.float32) * std_attn
    attn_r = jax.random.normal(ks[6], (1, C, D_OUT), dtype=jnp.float32) * std_attn
    return {
        "node_feat": node_feat,
        "edge_index": edge_index,
        "edge_feat": edge_feat,
        "W_fc": W_fc,
        "W_edge": W_edge,
        "attn_l": attn_l,
        "attn_r": attn_r,
    }


def _leaky_relu(x, slope=0.2):
    return jnp.where(x > 0, x, slope * x)


def reference(node_feat, edge_index, edge_feat, W_fc, W_edge, attn_l, attn_r):
    # fc(h_src).view(-1, C, D_OUT)
    feat = (node_feat @ W_fc).reshape(-1, C, D_OUT)  # [N, C, D_OUT]
    # edge_fc(edge_feat).view(-1, C, 1)
    e_feat = (edge_feat @ W_edge).reshape(-1, C, 1)  # [E, C, 1]
    # el/er: (feat * attn).sum(-1).unsqueeze(-1)
    el = jnp.sum(feat * attn_l, axis=-1, keepdims=True)  # [N, C, 1]
    er = jnp.sum(feat * attn_r, axis=-1, keepdims=True)  # [N, C, 1]
    src = edge_index[0]
    dst = edge_index[1]
    # u_add_v: el[src] + er[dst]
    e = el[src] + er[dst]  # [E, C, 1]
    e = _leaky_relu(e)
    e = e * e_feat
    # edge_softmax over incoming edges of each dst node
    m = jax.ops.segment_max(e, dst, num_segments=N)  # [N, C, 1]
    m = jnp.where(jnp.isfinite(m), m, 0.0)
    ex = jnp.exp(e - m[dst])
    s = jax.ops.segment_sum(ex, dst, num_segments=N)  # [N, C, 1]
    a = ex / s[dst]
    return a

if __name__ == "__main__":
    import jax
    _d = setup_inputs()
    print(jax.jit(kernel)(*tuple(_d.values())))

</pallas_src>

<mosaic_0001>
#map = affine_map<(d0, d1) -> (0, 0)>
#map1 = affine_map<(d0, d1) -> (0)>
module attributes {stable_mosaic.version = 14 : i64} {
  func.func @_sc_pass1(%arg0: i32, %arg1: i32, %arg2: memref<2500x128xi32, #tpu.memory_space<hbm>>, %arg3: memref<2500x128xi32, #tpu.memory_space<hbm>>, %arg4: memref<10000x16xf32, #tpu.memory_space<hbm>>, %arg5: memref<10000x16xf32, #tpu.memory_space<hbm>>, %arg6: memref<5120000xf32, #tpu.memory_space<hbm>>, %arg7: memref<320000x16xf32, #tpu.memory_space<hbm>>, %arg8: memref<10000x32xf32, #tpu.memory_space<hbm>>, %arg9: memref<79x128xi32, #tpu.memory_space<vmem>>, %arg10: memref<79x128xi32, #tpu.memory_space<vmem>>, %arg11: memref<2x128x16xf32, #tpu.memory_space<vmem>>, %arg12: memref<2x128x16xf32, #tpu.memory_space<vmem>>, %arg13: memref<2x2048xf32, #tpu.memory_space<vmem>>, %arg14: memref<2x128x16xf32, #tpu.memory_space<vmem>>, %arg15: memref<624x16xf32, #tpu.memory_space<vmem>>, %arg16: memref<10000x16xf32, #tpu.memory_space<vmem_shared>>, %arg17: memref<!tpu.dma_semaphore, #tpu.memory_space<semaphore_mem>>, %arg18: memref<!tpu.dma_semaphore, #tpu.memory_space<semaphore_mem>>, %arg19: memref<!tpu.dma_semaphore, #tpu.memory_space<semaphore_mem>>, %arg20: memref<!tpu.dma_semaphore, #tpu.memory_space<semaphore_mem>>) attributes {dimension_semantics = [#tpu.dimension_semantics<core_parallel>, #tpu.dimension_semantics<subcore_parallel>], iteration_bounds = array<i64: 2, 16>, scalar_prefetch = 0 : i64, scratch_operands = 12 : i64, tpu.core_type = #tpu.core_type<sc_vector_subcore>, window_params = [{transform_indices = #map}, {transform_indices = #map}, {transform_indices = #map}, {transform_indices = #map}, {transform_indices = #map1}, {transform_indices = #map}, {transform_indices = #map}]} {
    %mul3A = arith.constant 2 : i32
    %mul3A_0 = arith.muli %arg1, %mul3A : i32
    %add3A = arith.addi %mul3A_0, %arg0 : i32
    %mul3A_1 = arith.constant 78 : i32
    %mul3A_2 = arith.muli %mul3A_1, %add3A : i32
    %min3A = arith.constant 4 : i32
    %min3A_3 = arith.minsi %add3A, %min3A : i32
    %add3A_4 = arith.addi %mul3A_2, %min3A_3 : i32
    %lt3A = arith.constant 4 : i32
    %lt3A_5 = arith.cmpi slt, %add3A, %lt3A : i32
    %jit3A = arith.constant 1 : i32
    %jit3A_6 = arith.constant 0 : i32
    %select_n3A = arith.select %lt3A_5, %jit3A, %jit3A_6 : i32
    %add3A_7 = arith.constant 78 : i32
    %add3A_8 = arith.addi %add3A_7, %select_n3A : i32
    %scan3A = arith.constant 0 : i32
    %scan3A_9 = arith.constant 0 : i32
    %scan3A_10 = arith.constant 624 : i32
    %scan3A_11 = arith.addi %scan3A_9, %scan3A_10 : i32
    %scan3A_12 = arith.constant 8 : i32
    %scan3A_13 = scf.for %scan3A_110 = %scan3A_9 to %scan3A_11 step %scan3A_12 iter_args(%scan3A_111 = %scan3A) -> (i32)  : i32 {
      %broadcast_in_dim3A = arith.constant 0.000000e+00 : f32
      %broadcast_in_dim3A_112 = vector.broadcast %broadcast_in_dim3A : f32 to vector<16xf32>
      %swap3A = arith.index_cast %scan3A_110 : i32 to index
      %swap3A_113 = arith.constant 0 : index
      %swap3A_114 = tpu.vector_load %arg15[%swap3A, %swap3A_113] {strides = array<i32>} : memref<624x16xf32, #tpu.memory_space<vmem>>, vector<16xf32>,
      tpu.vector_store %arg15[%swap3A, %swap3A_113], %broadcast_in_dim3A_112 {strides = array<i32>} : memref<624x16xf32, #tpu.memory_space<vmem>>, vector<16xf32>,
      %scan3A_115 = arith.constant 0 : i32
      %scan3A_116 = arith.constant 1 : i32
      %scan3A_117 = arith.addi %scan3A_110, %scan3A_116 : i32
      %broadcast_in_dim3A_118 = arith.constant 0.000000e+00 : f32
      %broadcast_in_dim3A_119 = vector.broadcast %broadcast_in_dim3A_118 : f32 to vector<16xf32>
      %swap3A_120 = arith.index_cast %scan3A_117 : i32 to index
      %swap3A_121 = arith.constant 0 : index
      %swap3A_122 = tpu.vector_load %arg15[%swap3A_120, %swap3A_121] {strides = array<i32>} : memref<624x16xf32, #tpu.memory_space<vmem>>, vector<16xf32>,
      tpu.vector_store %arg15[%swap3A_120, %swap3A_121], %broadcast_in_dim3A_119 {strides = array<i32>} : memref<624x16xf32, #tpu.memory_space<vmem>>, vector<16xf32>,
      %scan3A_123 = arith.constant 0 : i32
      %scan3A_124 = arith.constant 2 : i32
      %scan3A_125 = arith.addi %scan3A_110, %scan3A_124 : i32
      %broadcast_in_dim3A_126 = arith.constant 0.000000e+00 : f32
      %broadcast_in_dim3A_127 = vector.broadcast %broadcast_in_dim3A_126 : f32 to vector<16xf32>
      %swap3A_128 = arith.index_cast %scan3A_125 : i32 to index
      %swap3A_129 = arith.constant 0 : index
      %swap3A_130 = tpu.vector_load %arg15[%swap3A_128, %swap3A_129] {strides = array<i32>} : memref<624x16xf32, #tpu.memory_space<vmem>>, vector<16xf32>,
      tpu.vector_store %arg15[%swap3A_128, %swap3A_129], %broadcast_in_dim3A_127 {strides = array<i32>} : memref<624x16xf32, #tpu.memory_space<vmem>>, vector<16xf32>,
      %scan3A_131 = arith.constant 0 : i32
      %scan3A_132 = arith.constant 3 : i32
      %scan3A_133 = arith.addi %scan3A_110, %scan3A_132 : i32
      %broadcast_in_dim3A_134 = arith.constant 0.000000e+00 : f32
      %broadcast_in_dim3A_135 = vector.broadcast %broadcast_in_dim3A_134 : f32 to vector<16xf32>
      %swap3A_136 = arith.index_cast %scan3A_133 : i32 to index
      %swap3A_137 = arith.constant 0 : index
      %swap3A_138 = tpu.vector_load %arg15[%swap3A_136, %swap3A_137] {strides = array<i32>} : memref<624x16xf32, #tpu.memory_space<vmem>>, vector<16xf32>,
      tpu.vector_store %arg15[%swap3A_136, %swap3A_137], %broadcast_in_dim3A_135 {strides = array<i32>} : memref<624x16xf32, #tpu.memory_space<vmem>>, vector<16xf32>,
      %scan3A_139 = arith.constant 0 : i32
      %scan3A_140 = arith.constant 4 : i32
      %scan3A_141 = arith.addi %scan3A_110, %scan3A_140 : i32
      %broadcast_in_dim3A_142 = arith.constant 0.000000e+00 : f32
      %broadcast_in_dim3A_143 = vector.broadcast %broadcast_in_dim3A_142 : f32 to vector<16xf32>
      %swap3A_144 = arith.index_cast %scan3A_141 : i32 to index
      %swap3A_145 = arith.constant 0 : index
      %swap3A_146 = tpu.vector_load %arg15[%swap3A_144, %swap3A_145] {strides = array<i32>} : memref<624x16xf32, #tpu.memory_space<vmem>>, vector<16xf32>,
      tpu.vector_store %arg15[%swap3A_144, %swap3A_145], %broadcast_in_dim3A_143 {strides = array<i32>} : memref<624x16xf32, #tpu.memory_space<vmem>>, vector<16xf32>,
      %scan3A_147 = arith.constant 0 : i32
      %scan3A_148 = arith.constant 5 : i32
      %scan3A_149 = arith.addi %scan3A_110, %scan3A_148 : i32
      %broadcast_in_dim3A_150 = arith.constant 0.000000e+00 : f32
      %broadcast_in_dim3A_151 = vector.broadcast %broadcast_in_dim3A_150 : f32 to vector<16xf32>
      %swap3A_152 = arith.index_cast %scan3A_149 : i32 to index
      %swap3A_153 = arith.constant 0 : index
      %swap3A_154 = tpu.vector_load %arg15[%swap3A_152, %swap3A_153] {strides = array<i32>} : memref<624x16xf32, #tpu.memory_space<vmem>>, vector<16xf32>,
      tpu.vector_store %arg15[%swap3A_152, %swap3A_153], %broadcast_in_dim3A_151 {strides = array<i32>} : memref<624x16xf32, #tpu.memory_space<vmem>>, vector<16xf32>,
      %scan3A_155 = arith.constant 0 : i32
      %scan3A_156 = arith.constant 6 : i32
      %scan3A_157 = arith.addi %scan3A_110, %scan3A_156 : i32
      %broadcast_in_dim3A_158 = arith.constant 0.000000e+00 : f32
      %broadcast_in_dim3A_159 = vector.broadcast %broadcast_in_dim3A_158 : f32 to vector<16xf32>
      %swap3A_160 = arith.index_cast %scan3A_157 : i32 to index
      %swap3A_161 = arith.constant 0 : index
      %swap3A_162 = tpu.vector_load %arg15[%swap3A_160, %swap3A_161] {strides = array<i32>} : memref<624x16xf32, #tpu.memory_space<vmem>>, vector<16xf32>,
      tpu.vector_store %arg15[%swap3A_160, %swap3A_161], %broadcast_in_dim3A_159 {strides = array<i32>} : memref<624x16xf32, #tpu.memory_space<vmem>>, vector<16xf32>,
      %scan3A_163 = arith.constant 0 : i32
      %scan3A_164 = arith.constant 7 : i32
      %scan3A_165 = arith.addi %scan3A_110, %scan3A_164 : i32
      %broadcast_in_dim3A_166 = arith.constant 0.000000e+00 : f32
      %broadcast_in_dim3A_167 = vector.broadcast %broadcast_in_dim3A_166 : f32 to vector<16xf32>
      %swap3A_168 = arith.index_cast %scan3A_165 : i32 to index
      %swap3A_169 = arith.constant 0 : index
      %swap3A_170 = tpu.vector_load %arg15[%swap3A_168, %swap3A_169] {strides = array<i32>} : memref<624x16xf32, #tpu.memory_space<vmem>>, vector<16xf32>,
      tpu.vector_store %arg15[%swap3A_168, %swap3A_169], %broadcast_in_dim3A_167 {strides = array<i32>} : memref<624x16xf32, #tpu.memory_space<vmem>>, vector<16xf32>,
      %scan3A_171 = arith.constant 0 : i32
      scf.yield %scan3A_171 : i32
    }
    %scan3A_14 = arith.constant 624 : i32
    %mul3A_15 = arith.constant 624 : i32
    %mul3A_16 = arith.muli %arg1, %mul3A_15 : i32
    "tpu.region"() ({
      %run_scoped3A = tpu.sem_alloc : memref<!tpu.dma_semaphore, #tpu.memory_space<semaphore_mem>>
      %dma_start3A_110 = arith.constant 0 : i32
      %dma_start3A_111 = tpu.memref_slice %arg16[%mul3A_16, %dma_start3A_110] : memref<10000x16xf32, #tpu.memory_space<vmem_shared>> -> memref<624x16xf32, #tpu.memory_space<vmem_shared>>
      %dma_start3A_112 = arith.constant 0 : i32
      %dma_start3A_113 = tpu.memref_slice %arg16[%mul3A_16, %dma_start3A_112] : memref<10000x16xf32, #tpu.memory_space<vmem_shared>> -> memref<624x16xf32, #tpu.memory_space<vmem_shared>>
      tpu.enqueue_dma source(%arg15 : memref<624x16xf32, #tpu.memory_space<vmem>>) target(%dma_start3A_113 : memref<624x16xf32, #tpu.memory_space<vmem_shared>>) target_semaphore(%run_scoped3A : memref<!tpu.dma_semaphore, #tpu.memory_space<semaphore_mem>>)
      %dma_wait3A_114 = arith.constant 0 : i32
      %dma_wait3A_115 = tpu.memref_slice %arg16[%mul3A_16, %dma_wait3A_114] : memref<10000x16xf32, #tpu.memory_space<vmem_shared>> -> memref<624x16xf32, #tpu.memory_space<vmem_shared>>
      %dma_wait3A_116 = arith.constant 0 : i32
      %dma_wait3A_117 = tpu.memref_slice %arg16[%mul3A_16, %dma_wait3A_116] : memref<10000x16xf32, #tpu.memory_space<vmem_shared>> -> memref<624x16xf32, #tpu.memory_space<vmem_shared>>
      tpu.wait_dma2 semaphore(%run_scoped3A : memref<!tpu.dma_semaphore, #tpu.memory_space<semaphore_mem>>) src(%arg15 : memref<624x16xf32, #tpu.memory_space<vmem>>) dst(%dma_wait3A_117 : memref<624x16xf32, #tpu.memory_space<vmem_shared>>)
      tpu.yield
    }) : () -> ()
    %eq3A = arith.constant 0 : i32
    %eq3A_17 = arith.cmpi eq, %arg1, %eq3A : i32
    %convert_element_type3A = arith.extui %eq3A_17 : i1 to i32
    %cond3A = arith.constant 0 : i32
    %cond3A_18 = arith.cmpi ne, %convert_element_type3A, %cond3A : i32
    scf.if %cond3A_18 {
      "tpu.region"() ({
        %run_scoped3A = tpu.sem_alloc : memref<!tpu.dma_semaphore, #tpu.memory_space<semaphore_mem>>
        %dma_start3A_110 = arith.constant 0 : i32
        %dma_start3A_111 = arith.constant 0 : i32
        %dma_start3A_112 = tpu.memref_slice %arg15[%dma_start3A_110, %dma_start3A_111] : memref<624x16xf32, #tpu.memory_space<vmem>> -> memref<16x16xf32, #tpu.memory_space<vmem>>
        %dma_start3A_113 = arith.constant 9984 : i32
        %dma_start3A_114 = arith.constant 0 : i32
        %dma_start3A_115 = tpu.memref_slice %arg16[%dma_start3A_113, %dma_start3A_114] : memref<10000x16xf32, #tpu.memory_space<vmem_shared>> -> memref<16x16xf32, #tpu.memory_space<vmem_shared>>
        %dma_start3A_116 = arith.constant 9984 : i32
        %dma_start3A_117 = arith.constant 0 : i32
        %dma_start3A_118 = tpu.memref_slice %arg16[%dma_start3A_116, %dma_start3A_117] : memref<10000x16xf32, #tpu.memory_space<vmem_shared>> -> memref<16x16xf32, #tpu.memory_space<vmem_shared>>
        %dma_start3A_119 = arith.constant 0 : i32
        %dma_start3A_120 = arith.constant 0 : i32
        %dma_start3A_121 = tpu.memref_slice %arg15[%dma_start3A_119, %dma_start3A_120] : memref<624x16xf32, #tpu.memory_space<vmem>> -> memref<16x16xf32, #tpu.memory_space<vmem>>
        tpu.enqueue_dma source(%dma_start3A_121 : memref<16x16xf32, #tpu.memory_space<vmem>>) target(%dma_start3A_118 : memref<16x16xf32, #tpu.memory_space<vmem_shared>>) target_semaphore(%run_scoped3A : memref<!tpu.dma_semaphore, #tpu.memory_space<semaphore_mem>>)
        %dma_wait3A_122 = arith.constant 0 : i32
        %dma_wait3A_123 = arith.constant 0 : i32
        %dma_wait3A_124 = tpu.memref_slice %arg15[%dma_wait3A_122, %dma_wait3A_123] : memref<624x16xf32, #tpu.memory_space<vmem>> -> memref<16x16xf32, #tpu.memory_space<vmem>>
        %dma_wait3A_125 = arith.constant 9984 : i32
        %dma_wait3A_126 = arith.constant 0 : i32
        %dma_wait3A_127 = tpu.memref_slice %arg16[%dma_wait3A_125, %dma_wait3A_126] : memref<10000x16xf32, #tpu.memory_space<vmem_shared>> -> memref<16x16xf32, #tpu.memory_space<vmem_shared>>
        %dma_wait3A_128 = arith.constant 9984 : i32
        %dma_wait3A_129 = arith.constant 0 : i32
        %dma_wait3A_130 = tpu.memref_slice %arg16[%dma_wait3A_128, %dma_wait3A_129] : memref<10000x16xf32, #tpu.memory_space<vmem_shared>> -> memref<16x16xf32, #tpu.memory_space<vmem_shared>>
        %dma_wait3A_131 = arith.constant 0 : i32
        %dma_wait3A_132 = arith.constant 0 : i32
        %dma_wait3A_133 = tpu.memref_slice %arg15[%dma_wait3A_131, %dma_wait3A_132] : memref<624x16xf32, #tpu.memory_space<vmem>> -> memref<16x16xf32, #tpu.memory_space<vmem>>
        tpu.wait_dma2 semaphore(%run_scoped3A : memref<!tpu.dma_semaphore, #tpu.memory_space<semaphore_mem>>) src(%dma_wait3A_133 : memref<16x16xf32, #tpu.memory_space<vmem>>) dst(%dma_wait3A_130 : memref<16x16xf32, #tpu.memory_space<vmem_shared>>)
        tpu.yield
      }) : () -> ()
    } else {
    }
    "tpu.region"() ({
      %run_scoped3A = tpu.sem_alloc : memref<!tpu.dma_semaphore, #tpu.memory_space<semaphore_mem>>
      %dma_start3A_110 = arith.constant 0 : i32
      %dma_start3A_111 = arith.constant 0 : i32
      %dma_start3A_112 = tpu.memref_slice %arg9[%dma_start3A_110, %dma_start3A_111] : memref<79x128xi32, #tpu.memory_space<vmem>> -> memref<78x128xi32, #tpu.memory_space<vmem>>
      %dma_start3A_113 = arith.constant 0 : i32
      %dma_start3A_114 = tpu.memref_slice %arg2[%add3A_4, %dma_start3A_113] : memref<2500x128xi32, #tpu.memory_space<hbm>> -> memref<78x128xi32, #tpu.memory_space<hbm>>
      %dma_start3A_115 = arith.constant 0 : i32
      %dma_start3A_116 = arith.constant 0 : i32
      %dma_start3A_117 = tpu.memref_slice %arg9[%dma_start3A_115, %dma_start3A_116] : memref<79x128xi32, #tpu.memory_space<vmem>> -> memref<78x128xi32, #tpu.memory_space<vmem>>
      %dma_start3A_118 = arith.constant 0 : i32
      %dma_start3A_119 = tpu.memref_slice %arg2[%add3A_4, %dma_start3A_118] : memref<2500x128xi32, #tpu.memory_space<hbm>> -> memref<78x128xi32, #tpu.memory_space<hbm>>
      tpu.enqueue_dma source(%dma_start3A_119 : memref<78x128xi32, #tpu.memory_space<hbm>>) target(%dma_start3A_117 : memref<78x128xi32, #tpu.memory_space<vmem>>) target_semaphore(%run_scoped3A : memref<!tpu.dma_semaphore, #tpu.memory_space<semaphore_mem>>)
      %dma_wait3A_120 = arith.constant 0 : i32
      %dma_wait3A_121 = arith.constant 0 : i32
      %dma_wait3A_122 = tpu.memref_slice %arg9[%dma_wait3A_120, %dma_wait3A_121] : memref<79x128xi32, #tpu.memory_space<vmem>> -> memref<78x128xi32, #tpu.memory_space<vmem>>
      %dma_wait3A_123 = arith.constant 0 : i32
      %dma_wait3A_124 = tpu.memref_slice %arg2[%add3A_4, %dma_wait3A_123] : memref<2500x128xi32, #tpu.memory_space<hbm>> -> memref<78x128xi32, #tpu.memory_space<hbm>>
      %dma_wait3A_125 = arith.constant 0 : i32
      %dma_wait3A_126 = arith.constant 0 : i32
      %dma_wait3A_127 = tpu.memref_slice %arg9[%dma_wait3A_125, %dma_wait3A_126] : memref<79x128xi32, #tpu.memory_space<vmem>> -> memref<78x128xi32, #tpu.memory_space<vmem>>
      %dma_wait3A_128 = arith.constant 0 : i32
      %dma_wait3A_129 = tpu.memref_slice %arg2[%add3A_4, %dma_wait3A_128] : memref<2500x128xi32, #tpu.memory_space<hbm>> -> memref<78x128xi32, #tpu.memory_space<hbm>>
      tpu.wait_dma2 semaphore(%run_scoped3A : memref<!tpu.dma_semaphore, #tpu.memory_space<semaphore_mem>>) src(%dma_wait3A_129 : memref<78x128xi32, #tpu.memory_space<hbm>>) dst(%dma_wait3A_127 : memref<78x128xi32, #tpu.memory_space<vmem>>)
      tpu.yield
    }) : () -> ()
    "tpu.region"() ({
      %run_scoped3A = tpu.sem_alloc : memref<!tpu.dma_semaphore, #tpu.memory_space<semaphore_mem>>
      %dma_start3A_110 = arith.constant 0 : i32
      %dma_start3A_111 = arith.constant 0 : i32
      %dma_start3A_112 = tpu.memref_slice %arg10[%dma_start3A_110, %dma_start3A_111] : memref<79x128xi32, #tpu.memory_space<vmem>> -> memref<78x128xi32, #tpu.memory_space<vmem>>
      %dma_start3A_113 = arith.constant 0 : i32
      %dma_start3A_114 = tpu.memref_slice %arg3[%add3A_4, %dma_start3A_113] : memref<2500x128xi32, #tpu.memory_space<hbm>> -> memref<78x128xi32, #tpu.memory_space<hbm>>
      %dma_start3A_115 = arith.constant 0 : i32
      %dma_start3A_116 = arith.constant 0 : i32
      %dma_start3A_117 = tpu.memref_slice %arg10[%dma_start3A_115, %dma_start3A_116] : memref<79x128xi32, #tpu.memory_space<vmem>> -> memref<78x128xi32, #tpu.memory_space<vmem>>
      %dma_start3A_118 = arith.constant 0 : i32
      %dma_start3A_119 = tpu.memref_slice %arg3[%add3A_4, %dma_start3A_118] : memref<2500x128xi32, #tpu.memory_space<hbm>> -> memref<78x128xi32, #tpu.memory_space<hbm>>
      tpu.enqueue_dma source(%dma_start3A_119 : memref<78x128xi32, #tpu.memory_space<hbm>>) target(%dma_start3A_117 : memref<78x128xi32, #tpu.memory_space<vmem>>) target_semaphore(%run_scoped3A : memref<!tpu.dma_semaphore, #tpu.memory_space<semaphore_mem>>)
      %dma_wait3A_120 = arith.constant 0 : i32
      %dma_wait3A_121 = arith.constant 0 : i32
      %dma_wait3A_122 = tpu.memref_slice %arg10[%dma_wait3A_120, %dma_wait3A_121] : memref<79x128xi32, #tpu.memory_space<vmem>> -> memref<78x128xi32, #tpu.memory_space<vmem>>
      %dma_wait3A_123 = arith.constant 0 : i32
      %dma_wait3A_124 = tpu.memref_slice %arg3[%add3A_4, %dma_wait3A_123] : memref<2500x128xi32, #tpu.memory_space<hbm>> -> memref<78x128xi32, #tpu.memory_space<hbm>>
      %dma_wait3A_125 = arith.constant 0 : i32
      %dma_wait3A_126 = arith.constant 0 : i32
      %dma_wait3A_127 = tpu.memref_slice %arg10[%dma_wait3A_125, %dma_wait3A_126] : memref<79x128xi32, #tpu.memory_space<vmem>> -> memref<78x128xi32, #tpu.memory_space<vmem>>
      %dma_wait3A_128 = arith.constant 0 : i32
      %dma_wait3A_129 = tpu.memref_slice %arg3[%add3A_4, %dma_wait3A_128] : memref<2500x128xi32, #tpu.memory_space<hbm>> -> memref<78x128xi32, #tpu.memory_space<hbm>>
      tpu.wait_dma2 semaphore(%run_scoped3A : memref<!tpu.dma_semaphore, #tpu.memory_space<semaphore_mem>>) src(%dma_wait3A_129 : memref<78x128xi32, #tpu.memory_space<hbm>>) dst(%dma_wait3A_127 : memref<78x128xi32, #tpu.memory_space<vmem>>)
      tpu.yield
    }) : () -> ()
    %lt3A_19 = arith.constant 4 : i32
    %lt3A_20 = arith.cmpi slt, %add3A, %lt3A_19 : i32
    %convert_element_type3A_21 = arith.extui %lt3A_20 : i1 to i32
    %cond3A_22 = arith.constant 0 : i32
    %cond3A_23 = arith.cmpi ne, %convert_element_type3A_21, %cond3A_22 : i32
    scf.if %cond3A_23 {
      %add3A_110 = arith.constant 78 : i32
      %add3A_111 = arith.addi %add3A_4, %add3A_110 : i32
      "tpu.region"() ({
        %run_scoped3A = tpu.sem_alloc : memref<!tpu.dma_semaphore, #tpu.memory_space<semaphore_mem>>
        %dma_start3A_114 = arith.constant 78 : i32
        %dma_start3A_115 = arith.constant 0 : i32
        %dma_start3A_116 = tpu.memref_slice %arg9[%dma_start3A_114, %dma_start3A_115] : memref<79x128xi32, #tpu.memory_space<vmem>> -> memref<1x128xi32, #tpu.memory_space<vmem>>
        %dma_start3A_117 = arith.constant 0 : i32
        %dma_start3A_118 = tpu.memref_slice %arg2[%add3A_111, %dma_start3A_117] : memref<2500x128xi32, #tpu.memory_space<hbm>> -> memref<1x128xi32, #tpu.memory_space<hbm>>
        %dma_start3A_119 = arith.constant 78 : i32
        %dma_start3A_120 = arith.constant 0 : i32
        %dma_start3A_121 = tpu.memref_slice %arg9[%dma_start3A_119, %dma_start3A_120] : memref<79x128xi32, #tpu.memory_space<vmem>> -> memref<1x128xi32, #tpu.memory_space<vmem>>
        %dma_start3A_122 = arith.constant 0 : i32
        %dma_start3A_123 = tpu.memref_slice %arg2[%add3A_111, %dma_start3A_122] : memref<2500x128xi32, #tpu.memory_space<hbm>> -> memref<1x128xi32, #tpu.memory_space<hbm>>
        tpu.enqueue_dma source(%dma_start3A_123 : memref<1x128xi32, #tpu.memory_space<hbm>>) target(%dma_start3A_121 : memref<1x128xi32, #tpu.memory_space<vmem>>) target_semaphore(%run_scoped3A : memref<!tpu.dma_semaphore, #tpu.memory_space<semaphore_mem>>)
        %dma_wait3A_124 = arith.constant 78 : i32
        %dma_wait3A_125 = arith.constant 0 : i32
        %dma_wait3A_126 = tpu.memref_slice %arg9[%dma_wait3A_124, %dma_wait3A_125] : memref<79x128xi32, #tpu.memory_space<vmem>> -> memref<1x128xi32, #tpu.memory_space<vmem>>
        %dma_wait3A_127 = arith.constant 0 : i32
        %dma_wait3A_128 = tpu.memref_slice %arg2[%add3A_111, %dma_wait3A_127] : memref<2500x128xi32, #tpu.memory_space<hbm>> -> memref<1x128xi32, #tpu.memory_space<hbm>>
        %dma_wait3A_129 = arith.constant 78 : i32
        %dma_wait3A_130 = arith.constant 0 : i32
        %dma_wait3A_131 = tpu.memref_slice %arg9[%dma_wait3A_129, %dma_wait3A_130] : memref<79x128xi32, #tpu.memory_space<vmem>> -> memref<1x128xi32, #tpu.memory_space<vmem>>
        %dma_wait3A_132 = arith.constant 0 : i32
        %dma_wait3A_133 = tpu.memref_slice %arg2[%add3A_111, %dma_wait3A_132] : memref<2500x128xi32, #tpu.memory_space<hbm>> -> memref<1x128xi32, #tpu.memory_space<hbm>>
        tpu.wait_dma2 semaphore(%run_scoped3A : memref<!tpu.dma_semaphore, #tpu.memory_space<semaphore_mem>>) src(%dma_wait3A_133 : memref<1x128xi32, #tpu.memory_space<hbm>>) dst(%dma_wait3A_131 : memref<1x128xi32, #tpu.memory_space<vmem>>)
        tpu.yield
      }) : () -> ()
      %add3A_112 = arith.constant 78 : i32
      %add3A_113 = arith.addi %add3A_4, %add3A_112 : i32
      "tpu.region"() ({
        %run_scoped3A = tpu.sem_alloc : memref<!tpu.dma_semaphore, #tpu.memory_space<semaphore_mem>>
        %dma_start3A_114 = arith.constant 78 : i32
        %dma_start3A_115 = arith.constant 0 : i32
        %dma_start3A_116 = tpu.memref_slice %arg10[%dma_start3A_114, %dma_start3A_115] : memref<79x128xi32, #tpu.memory_space<vmem>> -> memref<1x128xi32, #tpu.memory_space<vmem>>
        %dma_start3A_117 = arith.constant 0 : i32
        %dma_start3A_118 = tpu.memref_slice %arg3[%add3A_113, %dma_start3A_117] : memref<2500x128xi32, #tpu.memory_space<hbm>> -> memref<1x128xi32, #tpu.memory_space<hbm>>
        %dma_start3A_119 = arith.constant 78 : i32
        %dma_start3A_120 = arith.constant 0 : i32
        %dma_start3A_121 = tpu.memref_slice %arg10[%dma_start3A_119, %dma_start3A_120] : memref<79x128xi32, #tpu.memory_space<vmem>> -> memref<1x128xi32, #tpu.memory_space<vmem>>
        %dma_start3A_122 = arith.constant 0 : i32
        %dma_start3A_123 = tpu.memref_slice %arg3[%add3A_113, %dma_start3A_122] : memref<2500x128xi32, #tpu.memory_space<hbm>> -> memref<1x128xi32, #tpu.memory_space<hbm>>
        tpu.enqueue_dma source(%dma_start3A_123 : memref<1x128xi32, #tpu.memory_space<hbm>>) target(%dma_start3A_121 : memref<1x128xi32, #tpu.memory_space<vmem>>) target_semaphore(%run_scoped3A : memref<!tpu.dma_semaphore, #tpu.memory_space<semaphore_mem>>)
        %dma_wait3A_124 = arith.constant 78 : i32
        %dma_wait3A_125 = arith.constant 0 : i32
        %dma_wait3A_126 = tpu.memref_slice %arg10[%dma_wait3A_124, %dma_wait3A_125] : memref<79x128xi32, #tpu.memory_space<vmem>> -> memref<1x128xi32, #tpu.memory_space<vmem>>
        %dma_wait3A_127 = arith.constant 0 : i32
        %dma_wait3A_128 = tpu.memref_slice %arg3[%add3A_113, %dma_wait3A_127] : memref<2500x128xi32, #tpu.memory_space<hbm>> -> memref<1x128xi32, #tpu.memory_space<hbm>>
        %dma_wait3A_129 = arith.constant 78 : i32
        %dma_wait3A_130 = arith.constant 0 : i32
        %dma_wait3A_131 = tpu.memref_slice %arg10[%dma_wait3A_129, %dma_wait3A_130] : memref<79x128xi32, #tpu.memory_space<vmem>> -> memref<1x128xi32, #tpu.memory_space<vmem>>
        %dma_wait3A_132 = arith.constant 0 : i32
        %dma_wait3A_133 = tpu.memref_slice %arg3[%add3A_113, %dma_wait3A_132] : memref<2500x128xi32, #tpu.memory_space<hbm>> -> memref<1x128xi32, #tpu.memory_space<hbm>>
        tpu.wait_dma2 semaphore(%run_scoped3A : memref<!tpu.dma_semaphore, #tpu.memory_space<semaphore_mem>>) src(%dma_wait3A_133 : memref<1x128xi32, #tpu.memory_space<hbm>>) dst(%dma_wait3A_131 : memref<1x128xi32, #tpu.memory_space<vmem>>)
        tpu.yield
      }) : () -> ()
    } else {
    }
    %barrier3A = arith.constant 0 : index
    tpu.barrier barrier_id(%barrier3A)
    %add3A_24 = arith.constant 0 : i32
    %add3A_25 = arith.addi %add3A_4, %add3A_24 : i32
    %mul3A_26 = arith.constant 128 : i32
    %mul3A_27 = arith.muli %add3A_25, %mul3A_26 : i32
    %dma_start3A = arith.constant 0 : i32
    %dma_start3A_28 = arith.constant 0 : i32
    %dma_start3A_29 = arith.constant 0 : i32
    %dma_start3A_30 = arith.constant 0 : i32
    %dma_start3A_31 = tpu.memref_slice %arg11[%dma_start3A_28, %dma_start3A_29, %dma_start3A_30] : memref<2x128x16xf32, #tpu.memory_space<vmem>> -> memref<1x128x16xf32, #tpu.memory_space<vmem>>
    %dma_start3A_32 = tpu.memref_squeeze %dma_start3A_31 : memref<1x128x16xf32, #tpu.memory_space<vmem>> -> memref<128x16xf32, #tpu.memory_space<vmem>>
    %dma_start3A_33 = arith.constant 0 : i32
    %dma_start3A_34 = tpu.memref_slice %arg9[%dma_start3A, %dma_start3A_33] : memref<79x128xi32, #tpu.memory_space<vmem>> -> memref<1x128xi32, #tpu.memory_space<vmem>>
    %dma_start3A_35 = tpu.memref_squeeze %dma_start3A_34 : memref<1x128xi32, #tpu.memory_space<vmem>> -> memref<128xi32, #tpu.memory_space<vmem>>
    %dma_start3A_36 = arith.constant 0 : i32
    %dma_start3A_37 = arith.constant 0 : i32
    %dma_start3A_38 = tpu.memref_slice %arg4[%dma_start3A_36, %dma_start3A_37] : memref<10000x16xf32, #tpu.memory_space<hbm>> -> memref<10000x16xf32, #tpu.memory_space<hbm>>
    tpu.enqueue_indirect_dma source(%dma_start3A_38 : memref<10000x16xf32, #tpu.memory_space<hbm>>) target(%dma_start3A_32 : memref<128x16xf32, #tpu.memory_space<vmem>>) offsets(%dma_start3A_35 : memref<128xi32, #tpu.memory_space<vmem>>) semaphore(%arg17 : memref<!tpu.dma_semaphore, #tpu.memory_space<semaphore_mem>>)
    %dma_start3A_39 = arith.constant 0 : i32
    %dma_start3A_40 = arith.constant 0 : i32
    %dma_start3A_41 = arith.constant 0 : i32
    %dma_start3A_42 = arith.constant 0 : i32
    %dma_start3A_43 = tpu.memref_slice %arg12[%dma_start3A_40, %dma_start3A_41, %dma_start3A_42] : memref<2x128x16xf32, #tpu.memory_space<vmem>> -> memref<1x128x16xf32, #tpu.memory_space<vmem>>
    %dma_start3A_44 = tpu.memref_squeeze %dma_start3A_43 : memref<1x128x16xf32, #tpu.memory_space<vmem>> -> memref<128x16xf32, #tpu.memory_space<vmem>>
    %dma_start3A_45 = arith.constant 0 : i32
    %dma_start3A_46 = tpu.memref_slice %arg10[%dma_start3A_39, %dma_start3A_45] : memref<79x128xi32, #tpu.memory_space<vmem>> -> memref<1x128xi32, #tpu.memory_space<vmem>>
    %dma_start3A_47 = tpu.memref_squeeze %dma_start3A_46 : memref<1x128xi32, #tpu.memory_space<vmem>> -> memref<128xi32, #tpu.memory_space<vmem>>
    %dma_start3A_48 = arith.constant 0 : i32
    %dma_start3A_49 = arith.constant 0 : i32
    %dma_start3A_50 = tpu.memref_slice %arg5[%dma_start3A_48, %dma_start3A_49] : memref<10000x16xf32, #tpu.memory_space<hbm>> -> memref<10000x16xf32, #tpu.memory_space<hbm>>
    tpu.enqueue_indirect_dma source(%dma_start3A_50 : memref<10000x16xf32, #tpu.memory_space<hbm>>) target(%dma_start3A_44 : memref<128x16xf32, #tpu.memory_space<vmem>>) offsets(%dma_start3A_47 : memref<128xi32, #tpu.memory_space<vmem>>) semaphore(%arg17 : memref<!tpu.dma_semaphore, #tpu.memory_space<semaphore_mem>>)
    %mul3A_51 = arith.constant 16 : i32
    %mul3A_52 = arith.muli %mul3A_27, %mul3A_51 : i32
    %dma_start3A_53 = arith.constant 0 : i32
    %dma_start3A_54 = arith.constant 0 : i32
    %dma_start3A_55 = tpu.memref_slice %arg13[%dma_start3A_53, %dma_start3A_54] : memref<2x2048xf32, #tpu.memory_space<vmem>> -> memref<1x2048xf32, #tpu.memory_space<vmem>>
    %dma_start3A_56 = tpu.memref_squeeze %dma_start3A_55 : memref<1x2048xf32, #tpu.memory_space<vmem>> -> memref<2048xf32, #tpu.memory_space<vmem>>
    %dma_start3A_57 = tpu.memref_slice %arg6[%mul3A_52] : memref<5120000xf32, #tpu.memory_space<hbm>> -> memref<2048xf32, #tpu.memory_space<hbm>>
    %dma_start3A_58 = arith.constant 0 : i32
    %dma_start3A_59 = tpu.memref_slice %arg13[%dma_start3A_53, %dma_start3A_58] : memref<2x2048xf32, #tpu.memory_space<vmem>> -> memref<1x2048xf32, #tpu.memory_space<vmem>>
    %dma_start3A_60 = tpu.memref_squeeze %dma_start3A_59 : memref<1x2048xf32, #tpu.memory_space<vmem>> -> memref<2048xf32, #tpu.memory_space<vmem>>
    %dma_start3A_61 = tpu.memref_slice %arg6[%mul3A_52] : memref<5120000xf32, #tpu.memory_space<hbm>> -> memref<2048xf32, #tpu.memory_space<hbm>>
    tpu.enqueue_dma source(%dma_start3A_61 : memref<2048xf32, #tpu.memory_space<hbm>>) target(%dma_start3A_60 : memref<2048xf32, #tpu.memory_space<vmem>>) target_semaphore(%arg17 : memref<!tpu.dma_semaphore, #tpu.memory_space<semaphore_mem>>)
    %scan3A_62 = arith.constant 0 : i32
    %scan3A_63 = arith.constant 0 : i32
    %scan3A_64 = arith.constant 41 : i32
    %scan3A_65 = arith.addi %scan3A_63, %scan3A_64 : i32
    %scan3A_66 = arith.constant 1 : i32
    %scan3A_67 = scf.for %scan3A_110 = %scan3A_63 to %scan3A_65 step %scan3A_66 iter_args(%scan3A_111 = %scan3A_62) -> (i32)  : i32 {
      %mul3A_112 = arith.constant 2 : i32
      %mul3A_113 = arith.muli %mul3A_112, %scan3A_110 : i32
      %add3A_114 = arith.constant 1 : i32
      %add3A_115 = arith.addi %mul3A_113, %add3A_114 : i32
      %lt3A_116 = arith.cmpi slt, %mul3A_113, %add3A_8 : i32
      %convert_element_type3A_117 = arith.extui %lt3A_116 : i1 to i32
      %cond3A_118 = arith.constant 0 : i32
      %cond3A_119 = arith.cmpi ne, %convert_element_type3A_117, %cond3A_118 : i32
      scf.if %cond3A_119 {
        %lt3A_125 = arith.cmpi slt, %add3A_115, %add3A_8 : i32
        %convert_element_type3A_126 = arith.extui %lt3A_125 : i1 to i32
        %cond3A_127 = arith.constant 0 : i32
        %cond3A_128 = arith.cmpi ne, %convert_element_type3A_126, %cond3A_127 : i32
        scf.if %cond3A_128 {
          %add3A_191 = arith.addi %add3A_4, %add3A_115 : i32
          %mul3A_192 = arith.constant 128 : i32
          %mul3A_193 = arith.muli %add3A_191, %mul3A_192 : i32
          %dma_start3A_194 = arith.constant 1 : i32
          %dma_start3A_195 = arith.constant 0 : i32
          %dma_start3A_196 = arith.constant 0 : i32
          %dma_start3A_197 = tpu.memref_slice %arg11[%dma_start3A_194, %dma_start3A_195, %dma_start3A_196] : memref<2x128x16xf32, #tpu.memory_space<vmem>> -> memref<1x128x16xf32, #tpu.memory_space<vmem>>
          %dma_start3A_198 = tpu.memref_squeeze %dma_start3A_197 : memref<1x128x16xf32, #tpu.memory_space<vmem>> -> memref<128x16xf32, #tpu.memory_space<vmem>>
          %dma_start3A_199 = arith.constant 0 : i32
          %dma_start3A_200 = tpu.memref_slice %arg9[%add3A_115, %dma_start3A_199] : memref<79x128xi32, #tpu.memory_space<vmem>> -> memref<1x128xi32, #tpu.memory_space<vmem>>
          %dma_start3A_201 = tpu.memref_squeeze %dma_start3A_200 : memref<1x128xi32, #tpu.memory_space<vmem>> -> memref<128xi32, #tpu.memory_space<vmem>>
          %dma_start3A_202 = arith.constant 0 : i32
          %dma_start3A_203 = arith.constant 0 : i32
          %dma_start3A_204 = tpu.memref_slice %arg4[%dma_start3A_202, %dma_start3A_203] : memref<10000x16xf32, #tpu.memory_space<hbm>> -> memref<10000x16xf32, #tpu.memory_space<hbm>>
          tpu.enqueue_indirect_dma source(%dma_start3A_204 : memref<10000x16xf32, #tpu.memory_space<hbm>>) target(%dma_start3A_198 : memref<128x16xf32, #tpu.memory_space<vmem>>) offsets(%dma_start3A_201 : memref<128xi32, #tpu.memory_space<vmem>>) semaphore(%arg18 : memref<!tpu.dma_semaphore, #tpu.memory_space<semaphore_mem>>)
          %dma_start3A_205 = arith.constant 1 : i32
          %dma_start3A_206 = arith.constant 0 : i32
          %dma_start3A_207 = arith.constant 0 : i32
          %dma_start3A_208 = tpu.memref_slice %arg12[%dma_start3A_205, %dma_start3A_206, %dma_start3A_207] : memref<2x128x16xf32, #tpu.memory_space<vmem>> -> memref<1x128x16xf32, #tpu.memory_space<vmem>>
          %dma_start3A_209 = tpu.memref_squeeze %dma_start3A_208 : memref<1x128x16xf32, #tpu.memory_space<vmem>> -> memref<128x16xf32, #tpu.memory_space<vmem>>
          %dma_start3A_210 = arith.constant 0 : i32
          %dma_start3A_211 = tpu.memref_slice %arg10[%add3A_115, %dma_start3A_210] : memref<79x128xi32, #tpu.memory_space<vmem>> -> memref<1x128xi32, #tpu.memory_space<vmem>>
          %dma_start3A_212 = tpu.memref_squeeze %dma_start3A_211 : memref<1x128xi32, #tpu.memory_space<vmem>> -> memref<128xi32, #tpu.memory_space<vmem>>
          %dma_start3A_213 = arith.constant 0 : i32
          %dma_start3A_214 = arith.constant 0 : i32
          %dma_start3A_215 = tpu.memref_slice %arg5[%dma_start3A_213, %dma_start3A_214] : memref<10000x16xf32, #tpu.memory_space<hbm>> -> memref<10000x16xf32, #tpu.memory_space<hbm>>
          tpu.enqueue_indirect_dma source(%dma_start3A_215 : memref<10000x16xf32, #tpu.memory_space<hbm>>) target(%dma_start3A_209 : memref<128x16xf32, #tpu.memory_space<vmem>>) offsets(%dma_start3A_212 : memref<128xi32, #tpu.memory_space<vmem>>) semaphore(%arg18 : memref<!tpu.dma_semaphore, #tpu.memory_space<semaphore_mem>>)
          %mul3A_216 = arith.constant 16 : i32
          %mul3A_217 = arith.muli %mul3A_193, %mul3A_216 : i32
          %dma_start3A_218 = arith.constant 1 : i32
          %dma_start3A_219 = arith.constant 0 : i32
          %dma_start3A_220 = tpu.memref_slice %arg13[%dma_start3A_218, %dma_start3A_219] : memref<2x2048xf32, #tpu.memory_space<vmem>> -> memref<1x2048xf32, #tpu.memory_space<vmem>>
          %dma_start3A_221 = tpu.memref_squeeze %dma_start3A_220 : memref<1x2048xf32, #tpu.memory_space<vmem>> -> memref<2048xf32, #tpu.memory_space<vmem>>
          %dma_start3A_222 = tpu.memref_slice %arg6[%mul3A_217] : memref<5120000xf32, #tpu.memory_space<hbm>> -> memref<2048xf32, #tpu.memory_space<hbm>>
          %dma_start3A_223 = arith.constant 0 : i32
          %dma_start3A_224 = tpu.memref_slice %arg13[%dma_start3A_218, %dma_start3A_223] : memref<2x2048xf32, #tpu.memory_space<vmem>> -> memref<1x2048xf32, #tpu.memory_space<vmem>>
          %dma_start3A_225 = tpu.memref_squeeze %dma_start3A_224 : memref<1x2048xf32, #tpu.memory_space<vmem>> -> memref<2048xf32, #tpu.memory_space<vmem>>
          %dma_start3A_226 = tpu.memref_slice %arg6[%mul3A_217] : memref<5120000xf32, #tpu.memory_space<hbm>> -> memref<2048xf32, #tpu.memory_space<hbm>>
          tpu.enqueue_dma source(%dma_start3A_226 : memref<2048xf32, #tpu.memory_space<hbm>>) target(%dma_start3A_225 : memref<2048xf32, #tpu.memory_space<vmem>>) target_semaphore(%arg18 : memref<!tpu.dma_semaphore, #tpu.memory_space<semaphore_mem>>)
        } else {
        }
        %dma_wait3A_129 = arith.constant 0 : i32
        %dma_wait3A_130 = arith.constant 0 : i32
        %dma_wait3A_131 = arith.constant 0 : i32
        %dma_wait3A_132 = arith.constant 0 : i32
        %dma_wait3A_133 = tpu.memref_slice %arg11[%dma_wait3A_130, %dma_wait3A_131, %dma_wait3A_132] : memref<2x128x16xf32, #tpu.memory_space<vmem>> -> memref<1x128x16xf32, #tpu.memory_space<vmem>>
        %dma_wait3A_134 = tpu.memref_squeeze %dma_wait3A_133 : memref<1x128x16xf32, #tpu.memory_space<vmem>> -> memref<128x16xf32, #tpu.memory_space<vmem>>
        %dma_wait3A_135 = arith.constant 0 : i32
        %dma_wait3A_136 = tpu.memref_slice %arg9[%dma_wait3A_129, %dma_wait3A_135] : memref<79x128xi32, #tpu.memory_space<vmem>> -> memref<1x128xi32, #tpu.memory_space<vmem>>
        %dma_wait3A_137 = tpu.memref_squeeze %dma_wait3A_136 : memref<1x128xi32, #tpu.memory_space<vmem>> -> memref<128xi32, #tpu.memory_space<vmem>>
        %dma_wait3A_138 = arith.constant 0 : i32
        %dma_wait3A_139 = arith.constant 0 : i32
        %dma_wait3A_140 = tpu.memref_slice %arg4[%dma_wait3A_138, %dma_wait3A_139] : memref<10000x16xf32, #tpu.memory_space<hbm>> -> memref<10000x16xf32, #tpu.memory_space<hbm>>
        tpu.wait_indirect_dma semaphore(%arg17 : memref<!tpu.dma_semaphore, #tpu.memory_space<semaphore_mem>>) src(%dma_wait3A_140 : memref<10000x16xf32, #tpu.memory_space<hbm>>) dst(%dma_wait3A_134 : memref<128x16xf32, #tpu.memory_space<vmem>>)
        %dma_wait3A_141 = arith.constant 0 : i32
        %dma_wait3A_142 = arith.constant 0 : i32
        %dma_wait3A_143 = arith.constant 0 : i32
        %dma_wait3A_144 = arith.constant 0 : i32
        %dma_wait3A_145 = tpu.memref_slice %arg12[%dma_wait3A_142, %dma_wait3A_143, %dma_wait3A_144] : memref<2x128x16xf32, #tpu.memory_space<vmem>> -> memref<1x128x16xf32, #tpu.memory_space<vmem>>
        %dma_wait3A_146 = tpu.memref_squeeze %dma_wait3A_145 : memref<1x128x16xf32, #tpu.memory_space<vmem>> -> memref<128x16xf32, #tpu.memory_space<vmem>>
        %dma_wait3A_147 = arith.constant 0 : i32
        %dma_wait3A_148 = tpu.memref_slice %arg10[%dma_wait3A_141, %dma_wait3A_147] : memref<79x128xi32, #tpu.memory_space<vmem>> -> memref<1x128xi32, #tpu.memory_space<vmem>>
        %dma_wait3A_149 = tpu.memref_squeeze %dma_wait3A_148 : memref<1x128xi32, #tpu.memory_space<vmem>> -> memref<128xi32, #tpu.memory_space<vmem>>
        %dma_wait3A_150 = arith.constant 0 : i32
        %dma_wait3A_151 = arith.constant 0 : i32
        %dma_wait3A_152 = tpu.memref_slice %arg5[%dma_wait3A_150, %dma_wait3A_151] : memref<10000x16xf32, #tpu.memory_space<hbm>> -> memref<10000x16xf32, #tpu.memory_space<hbm>>
        tpu.wait_indirect_dma semaphore(%arg17 : memref<!tpu.dma_semaphore, #tpu.memory_space<semaphore_mem>>) src(%dma_wait3A_152 : memref<10000x16xf32, #tpu.memory_space<hbm>>) dst(%dma_wait3A_146 : memref<128x16xf32, #tpu.memory_space<vmem>>)
        %dma_wait3A_153 = arith.constant 0 : i32
        %dma_wait3A_154 = arith.constant 0 : i32
        %dma_wait3A_155 = tpu.memref_slice %arg13[%dma_wait3A_153, %dma_wait3A_154] : memref<2x2048xf32, #tpu.memory_space<vmem>> -> memref<1x2048xf32, #tpu.memory_space<vmem>>
        %dma_wait3A_156 = tpu.memref_squeeze %dma_wait3A_155 : memref<1x2048xf32, #tpu.memory_space<vmem>> -> memref<2048xf32, #tpu.memory_space<vmem>>
        %dma_wait3A_157 = arith.constant 0 : i32
        %dma_wait3A_158 = tpu.memref_slice %arg6[%dma_wait3A_157] : memref<5120000xf32, #tpu.memory_space<hbm>> -> memref<2048xf32, #tpu.memory_space<hbm>>
        %dma_wait3A_159 = arith.constant 0 : i32
        %dma_wait3A_160 = tpu.memref_slice %arg13[%dma_wait3A_153, %dma_wait3A_159] : memref<2x2048xf32, #tpu.memory_space<vmem>> -> memref<1x2048xf32, #tpu.memory_space<vmem>>
        %dma_wait3A_161 = tpu.memref_squeeze %dma_wait3A_160 : memref<1x2048xf32, #tpu.memory_space<vmem>> -> memref<2048xf32, #tpu.memory_space<vmem>>
        %dma_wait3A_162 = arith.constant 0 : i32
        %dma_wait3A_163 = tpu.memref_slice %arg6[%dma_wait3A_162] : memref<5120000xf32, #tpu.memory_space<hbm>> -> memref<2048xf32, #tpu.memory_space<hbm>>
        tpu.wait_dma2 semaphore(%arg17 : memref<!tpu.dma_semaphore, #tpu.memory_space<semaphore_mem>>) src(%dma_wait3A_163 : memref<2048xf32, #tpu.memory_space<hbm>>) dst(%dma_wait3A_161 : memref<2048xf32, #tpu.memory_space<vmem>>)
        %ge3A = arith.constant 1 : i32
        %ge3A_164 = arith.cmpi sge, %scan3A_110, %ge3A : i32
        %convert_element_type3A_165 = arith.extui %ge3A_164 : i1 to i32
        %cond3A_166 = arith.constant 0 : i32
        %cond3A_167 = arith.cmpi ne, %convert_element_type3A_165, %cond3A_166 : i32
        scf.if %cond3A_167 {
          %dma_wait3A_191 = arith.constant 0 : i32
          %dma_wait3A_192 = arith.constant 0 : i32
          %dma_wait3A_193 = arith.constant 0 : i32
          %dma_wait3A_194 = tpu.memref_slice %arg14[%dma_wait3A_191, %dma_wait3A_192, %dma_wait3A_193] : memref<2x128x16xf32, #tpu.memory_space<vmem>> -> memref<1x128x16xf32, #tpu.memory_space<vmem>>
          %dma_wait3A_195 = tpu.memref_squeeze %dma_wait3A_194 : memref<1x128x16xf32, #tpu.memory_space<vmem>> -> memref<128x16xf32, #tpu.memory_space<vmem>>
          %dma_wait3A_196 = arith.constant 0 : i32
          %dma_wait3A_197 = arith.constant 0 : i32
          %dma_wait3A_198 = tpu.memref_slice %arg7[%dma_wait3A_196, %dma_wait3A_197] : memref<320000x16xf32, #tpu.memory_space<hbm>> -> memref<128x16xf32, #tpu.memory_space<hbm>>
          %dma_wait3A_199 = arith.constant 0 : i32
          %dma_wait3A_200 = arith.constant 0 : i32
          %dma_wait3A_201 = tpu.memref_slice %arg7[%dma_wait3A_199, %dma_wait3A_200] : memref<320000x16xf32, #tpu.memory_space<hbm>> -> memref<128x16xf32, #tpu.memory_space<hbm>>
          %dma_wait3A_202 = arith.constant 0 : i32
          %dma_wait3A_203 = arith.constant 0 : i32
          %dma_wait3A_204 = tpu.memref_slice %arg14[%dma_wait3A_191, %dma_wait3A_202, %dma_wait3A_203] : memref<2x128x16xf32, #tpu.memory_space<vmem>> -> memref<1x128x16xf32, #tpu.memory_space<vmem>>
          %dma_wait3A_205 = tpu.memref_squeeze %dma_wait3A_204 : memref<1x128x16xf32, #tpu.memory_space<vmem>> -> memref<128x16xf32, #tpu.memory_space<vmem>>
          tpu.wait_dma2 semaphore(%arg19 : memref<!tpu.dma_semaphore, #tpu.memory_space<semaphore_mem>>) src(%dma_wait3A_205 : memref<128x16xf32, #tpu.memory_space<vmem>>) dst(%dma_wait3A_201 : memref<128x16xf32, #tpu.memory_space<hbm>>)
        } else {
        }
        %scan3A_168 = arith.constant 0 : i32
        %scan3A_169 = arith.constant 0 : i32
        %scan3A_170 = arith.constant 128 : i32
        %scan3A_171 = arith.addi %scan3A_169, %scan3A_170 : i32
        %scan3A_172 = arith.constant 16 : i32
        %scan3A_173 = scf.for %scan3A_191 = %scan3A_169 to %scan3A_171 step %scan3A_172 iter_args(%scan3A_192 = %scan3A_168) -> (i32)  : i32 {
          %get3A = arith.constant 0 : i32
          %get3A_193 = arith.index_cast %get3A : i32 to index
          %get3A_194 = arith.index_cast %scan3A_191 : i32 to index
          %get3A_195 = arith.constant 0 : index
          %get3A_196 = tpu.vector_load %arg11[%get3A_193, %get3A_194, %get3A_195] {strides = array<i32>} : memref<2x128x16xf32, #tpu.memory_space<vmem>>, vector<16xf32>,
          %get3A_197 = arith.constant 0 : i32
          %get3A_198 = arith.index_cast %get3A_197 : i32 to index
          %get3A_199 = arith.index_cast %scan3A_191 : i32 to index
          %get3A_200 = arith.constant 0 : index
          %get3A_201 = tpu.vector_load %arg12[%get3A_198, %get3A_199, %get3A_200] {strides = array<i32>} : memref<2x128x16xf32, #tpu.memory_space<vmem>>, vector<16xf32>,
          %add3A_202 = arith.addf %get3A_196, %get3A_201 : vector<16xf32>
          %gt3A = arith.constant 0.000000e+00 : f32
          %gt3A_203 = vector.broadcast %gt3A : f32 to vector<16xf32>
          %gt3A_204 = arith.cmpf ogt, %add3A_202, %gt3A_203 : vector<16xf32>
          %mul3A_205 = arith.constant 2.000000e-01 : f32
          %mul3A_206 = vector.broadcast %mul3A_205 : f32 to vector<16xf32>
          %mul3A_207 = arith.mulf %mul3A_206, %add3A_202 : vector<16xf32>
          %select_n3A_208 = arith.select %gt3A_204, %add3A_202, %mul3A_207 : vector<16xi1>, vector<16xf32>
          %mul3A_209 = arith.constant 16 : i32
          %mul3A_210 = arith.muli %scan3A_191, %mul3A_209 : i32
          %get3A_211 = arith.constant 0 : i32
          %get3A_212 = arith.index_cast %get3A_211 : i32 to index
          %get3A_213 = arith.index_cast %mul3A_210 : i32 to index
          %get3A_214 = tpu.vector_load %arg13[%get3A_212, %get3A_213] {strides = array<i32>} : memref<2x2048xf32, #tpu.memory_space<vmem>>, vector<16xf32>,
          %mul3A_215 = arith.mulf %select_n3A_208, %get3A_214 : vector<16xf32>
          %exp3A = math.exp %mul3A_215 : vector<16xf32>
          %swap3A = arith.constant 0 : i32
          %swap3A_216 = arith.index_cast %swap3A : i32 to index
          %swap3A_217 = arith.index_cast %scan3A_191 : i32 to index
          %swap3A_218 = arith.constant 0 : index
          %swap3A_219 = tpu.vector_load %arg14[%swap3A_216, %swap3A_217, %swap3A_218] {strides = array<i32>} : memref<2x128x16xf32, #tpu.memory_space<vmem>>, vector<16xf32>,
          tpu.vector_store %arg14[%swap3A_216, %swap3A_217, %swap3A_218], %exp3A {strides = array<i32>} : memref<2x128x16xf32, #tpu.memory_space<vmem>>, vector<16xf32>,
          %scan3A_220 = arith.constant 0 : i32
          %scan3A_221 = arith.constant 1 : i32
          %scan3A_222 = arith.addi %scan3A_191, %scan3A_221 : i32
          %get3A_223 = arith.constant 0 : i32
          %get3A_224 = arith.index_cast %get3A_223 : i32 to index
          %get3A_225 = arith.index_cast %scan3A_222 : i32 to index
          %get3A_226 = arith.constant 0 : index
          %get3A_227 = tpu.vector_load %arg11[%get3A_224, %get3A_225, %get3A_226] {strides = array<i32>} : memref<2x128x16xf32, #tpu.memory_space<vmem>>, vector<16xf32>,
          %get3A_228 = arith.constant 0 : i32
          %get3A_229 = arith.index_cast %get3A_228 : i32 to index
          %get3A_230 = arith.index_cast %scan3A_222 : i32 to index
          %get3A_231 = arith.constant 0 : index
          %get3A_232 = tpu.vector_load %arg12[%get3A_229, %get3A_230, %get3A_231] {strides = array<i32>} : memref<2x128x16xf32, #tpu.memory_space<vmem>>, vector<16xf32>,
          %add3A_233 = arith.addf %get3A_227, %get3A_232 : vector<16xf32>
          %gt3A_234 = arith.constant 0.000000e+00 : f32
          %gt3A_235 = vector.broadcast %gt3A_234 : f32 to vector<16xf32>
          %gt3A_236 = arith.cmpf ogt, %add3A_233, %gt3A_235 : vector<16xf32>
          %mul3A_237 = arith.constant 2.000000e-01 : f32
          %mul3A_238 = vector.broadcast %mul3A_237 : f32 to vector<16xf32>
          %mul3A_239 = arith.mulf %mul3A_238, %add3A_233 : vector<16xf32>
          %select_n3A_240 = arith.select %gt3A_236, %add3A_233, %mul3A_239 : vector<16xi1>, vector<16xf32>
          %mul3A_241 = arith.constant 16 : i32
          %mul3A_242 = arith.muli %scan3A_222, %mul3A_241 : i32
          %get3A_243 = arith.constant 0 : i32
          %get3A_244 = arith.index_cast %get3A_243 : i32 to index
          %get3A_245 = arith.index_cast %mul3A_242 : i32 to index
          %get3A_246 = tpu.vector_load %arg13[%get3A_244, %get3A_245] {strides = array<i32>} : memref<2x2048xf32, #tpu.memory_space<vmem>>, vector<16xf32>,
          %mul3A_247 = arith.mulf %select_n3A_240, %get3A_246 : vector<16xf32>
          %exp3A_248 = math.exp %mul3A_247 : vector<16xf32>
          %swap3A_249 = arith.constant 0 : i32
          %swap3A_250 = arith.index_cast %swap3A_249 : i32 to index
          %swap3A_251 = arith.index_cast %scan3A_222 : i32 to index
          %swap3A_252 = arith.constant 0 : index
          %swap3A_253 = tpu.vector_load %arg14[%swap3A_250, %swap3A_251, %swap3A_252] {strides = array<i32>} : memref<2x128x16xf32, #tpu.memory_space<vmem>>, vector<16xf32>,
          tpu.vector_store %arg14[%swap3A_250, %swap3A_251, %swap3A_252], %exp3A_248 {strides = array<i32>} : memref<2x128x16xf32, #tpu.memory_space<vmem>>, vector<16xf32>,
          %scan3A_254 = arith.constant 0 : i32
          %scan3A_255 = arith.constant 2 : i32
          %scan3A_256 = arith.addi %scan3A_191, %scan3A_255 : i32
          %get3A_257 = arith.constant 0 : i32
          %get3A_258 = arith.index_cast %get3A_257 : i32 to index
          %get3A_259 = arith.index_cast %scan3A_256 : i32 to index
          %get3A_260 = arith.constant 0 : index
          %get3A_261 = tpu.vector_load %arg11[%get3A_258, %get3A_259, %get3A_260] {strides = array<i32>} : memref<2x128x16xf32, #tpu.memory_space<vmem>>, vector<16xf32>,
          %get3A_262 = arith.constant 0 : i32
          %get3A_263 = arith.index_cast %get3A_262 : i32 to index
          %get3A_264 = arith.index_cast %scan3A_256 : i32 to index
          %get3A_265 = arith.constant 0 : index
          %get3A_266 = tpu.vector_load %arg12[%get3A_263, %get3A_264, %get3A_265] {strides = array<i32>} : memref<2x128x16xf32, #tpu.memory_space<vmem>>, vector<16xf32>,
          %add3A_267 = arith.addf %get3A_261, %get3A_266 : vector<16xf32>
          %gt3A_268 = arith.constant 0.000000e+00 : f32
          %gt3A_269 = vector.broadcast %gt3A_268 : f32 to vector<16xf32>
          %gt3A_270 = arith.cmpf ogt, %add3A_267, %gt3A_269 : vector<16xf32>
          %mul3A_271 = arith.constant 2.000000e-01 : f32
          %mul3A_272 = vector.broadcast %mul3A_271 : f32 to vector<16xf32>
          %mul3A_273 = arith.mulf %mul3A_272, %add3A_267 : vector<16xf32>
          %select_n3A_274 = arith.select %gt3A_270, %add3A_267, %mul3A_273 : vector<16xi1>, vector<16xf32>
          %mul3A_275 = arith.constant 16 : i32
          %mul3A_276 = arith.muli %scan3A_256, %mul3A_275 : i32
          %get3A_277 = arith.constant 0 : i32
          %get3A_278 = arith.index_cast %get3A_277 : i32 to index
          %get3A_279 = arith.index_cast %mul3A_276 : i32 to index
          %get3A_280 = tpu.vector_load %arg13[%get3A_278, %get3A_279] {strides = array<i32>} : memref<2x2048xf32, #tpu.memory_space<vmem>>, vector<16xf32>,
          %mul3A_281 = arith.mulf %select_n3A_274, %get3A_280 : vector<16xf32>
          %exp3A_282 = math.exp %mul3A_281 : vector<16xf32>
          %swap3A_283 = arith.constant 0 : i32
          %swap3A_284 = arith.index_cast %swap3A_283 : i32 to index
          %swap3A_285 = arith.index_cast %scan3A_256 : i32 to index
          %swap3A_286 = arith.constant 0 : index
          %swap3A_287 = tpu.vector_load %arg14[%swap3A_284, %swap3A_285, %swap3A_286] {strides = array<i32>} : memref<2x128x16xf32, #tpu.memory_space<vmem>>, vector<16xf32>,
          tpu.vector_store %arg14[%swap3A_284, %swap3A_285, %swap3A_286], %exp3A_282 {strides = array<i32>} : memref<2x128x16xf32, #tpu.memory_space<vmem>>, vector<16xf32>,
          %scan3A_288 = arith.constant 0 : i32
          %scan3A_289 = arith.constant 3 : i32
          %scan3A_290 = arith.addi %scan3A_191, %scan3A_289 : i32
          %get3A_291 = arith.constant 0 : i32
          %get3A_292 = arith.index_cast %get3A_291 : i32 to index
          %get3A_293 = arith.index_cast %scan3A_290 : i32 to index
          %get3A_294 = arith.constant 0 : index
          %get3A_295 = tpu.vector_load %arg11[%get3A_292, %get3A_293, %get3A_294] {strides = array<i32>} : memref<2x128x16xf32, #tpu.memory_space<vmem>>, vector<16xf32>,
          %get3A_296 = arith.constant 0 : i32
          %get3A_297 = arith.index_cast %get3A_296 : i32 to index
          %get3A_298 = arith.index_cast %scan3A_290 : i32 to index
          %get3A_299 = arith.constant 0 : index
          %get3A_300 = tpu.vector_load %arg12[%get3A_297, %get3A_298, %get3A_299] {strides = array<i32>} : memref<2x128x16xf32, #tpu.memory_space<vmem>>, vector<16xf32>,
          %add3A_301 = arith.addf %get3A_295, %get3A_300 : vector<16xf32>
          %gt3A_302 = arith.constant 0.000000e+00 : f32
          %gt3A_303 = vector.broadcast %gt3A_302 : f32 to vector<16xf32>
          %gt3A_304 = arith.cmpf ogt, %add3A_301, %gt3A_303 : vector<16xf32>
          %mul3A_305 = arith.constant 2.000000e-01 : f32
          %mul3A_306 = vector.broadcast %mul3A_305 : f32 to vector<16xf32>
          %mul3A_307 = arith.mulf %mul3A_306, %add3A_301 : vector<16xf32>
          %select_n3A_308 = arith.select %gt3A_304, %add3A_301, %mul3A_307 : vector<16xi1>, vector<16xf32>
          %mul3A_309 = arith.constant 16 : i32
          %mul3A_310 = arith.muli %scan3A_290, %mul3A_309 : i32
          %get3A_311 = arith.constant 0 : i32
          %get3A_312 = arith.index_cast %get3A_311 : i32 to index
          %get3A_313 = arith.index_cast %mul3A_310 : i32 to index
          %get3A_314 = tpu.vector_load %arg13[%get3A_312, %get3A_313] {strides = array<i32>} : memref<2x2048xf32, #tpu.memory_space<vmem>>, vector<16xf32>,
          %mul3A_315 = arith.mulf %select_n3A_308, %get3A_314 : vector<16xf32>
          %exp3A_316 = math.exp %mul3A_315 : vector<16xf32>
          %swap3A_317 = arith.constant 0 : i32
          %swap3A_318 = arith.index_cast %swap3A_317 : i32 to index
          %swap3A_319 = arith.index_cast %scan3A_290 : i32 to index
          %swap3A_320 = arith.constant 0 : index
          %swap3A_321 = tpu.vector_load %arg14[%swap3A_318, %swap3A_319, %swap3A_320] {strides = array<i32>} : memref<2x128x16xf32, #tpu.memory_space<vmem>>, vector<16xf32>,
          tpu.vector_store %arg14[%swap3A_318, %swap3A_319, %swap3A_320], %exp3A_316 {strides = array<i32>} : memref<2x128x16xf32, #tpu.memory_space<vmem>>, vector<16xf32>,
          %scan3A_322 = arith.constant 0 : i32
          %scan3A_323 = arith.constant 4 : i32
          %scan3A_324 = arith.addi %scan3A_191, %scan3A_323 : i32
          %get3A_325 = arith.constant 0 : i32
          %get3A_326 = arith.index_cast %get3A_325 : i32 to index
          %get3A_327 = arith.index_cast %scan3A_324 : i32 to index
          %get3A_328 = arith.constant 0 : index
          %get3A_329 = tpu.vector_load %arg11[%get3A_326, %get3A_327, %get3A_328] {strides = array<i32>} : memref<2x128x16xf32, #tpu.memory_space<vmem>>, vector<16xf32>,
          %get3A_330 = arith.constant 0 : i32
          %get3A_331 = arith.index_cast %get3A_330 : i32 to index
          %get3A_332 = arith.index_cast %scan3A_324 : i32 to index
          %get3A_333 = arith.constant 0 : index
          %get3A_334 = tpu.vector_load %arg12[%get3A_331, %get3A_332, %get3A_333] {strides = array<i32>} : memref<2x128x16xf32, #tpu.memory_space<vmem>>, vector<16xf32>,
          %add3A_335 = arith.addf %get3A_329, %get3A_334 : vector<16xf32>
          %gt3A_336 = arith.constant 0.000000e+00 : f32
          %gt3A_337 = vector.broadcast %gt3A_336 : f32 to vector<16xf32>
          %gt3A_338 = arith.cmpf ogt, %add3A_335, %gt3A_337 : vector<16xf32>
          %mul3A_339 = arith.constant 2.000000e-01 : f32
          %mul3A_340 = vector.broadcast %mul3A_339 : f32 to vector<16xf32>
          %mul3A_341 = arith.mulf %mul3A_340, %add3A_335 : vector<16xf32>
          %select_n3A_342 = arith.select %gt3A_338, %add3A_335, %mul3A_341 : vector<16xi1>, vector<16xf32>
          %mul3A_343 = arith.constant 16 : i32
          %mul3A_344 = arith.muli %scan3A_324, %mul3A_343 : i32
          %get3A_345 = arith.constant 0 : i32
          %get3A_346 = arith.index_cast %get3A_345 : i32 to index
          %get3A_347 = arith.index_cast %mul3A_344 : i32 to index
          %get3A_348 = tpu.vector_load %arg13[%get3A_346, %get3A_347] {strides = array<i32>} : memref<2x2048xf32, #tpu.memory_space<vmem>>, vector<16xf32>,
          %mul3A_349 = arith.mulf %select_n3A_342, %get3A_348 : vector<16xf32>
          %exp3A_350 = math.exp %mul3A_349 : vector<16xf32>
          %swap3A_351 = arith.constant 0 : i32
          %swap3A_352 = arith.index_cast %swap3A_351 : i32 to index
          %swap3A_353 = arith.index_cast %scan3A_324 : i32 to index
          %swap3A_354 = arith.constant 0 : index
          %swap3A_355 = tpu.vector_load %arg14[%swap3A_352, %swap3A_353, %swap3A_354] {strides = array<i32>} : memref<2x128x16xf32, #tpu.memory_space<vmem>>, vector<16xf32>,
          tpu.vector_store %arg14[%swap3A_352, %swap3A_353, %swap3A_354], %exp3A_350 {strides = array<i32>} : memref<2x128x16xf32, #tpu.memory_space<vmem>>, vector<16xf32>,
          %scan3A_356 = arith.constant 0 : i32
          %scan3A_357 = arith.constant 5 : i32
          %scan3A_358 = arith.addi %scan3A_191, %scan3A_357 : i32
          %get3A_359 = arith.constant 0 : i32
          %get3A_360 = arith.index_cast %get3A_359 : i32 to index
          %get3A_361 = arith.index_cast %scan3A_358 : i32 to index
          %get3A_362 = arith.constant 0 : index
          %get3A_363 = tpu.vector_load %arg11[%get3A_360, %get3A_361, %get3A_362] {strides = array<i32>} : memref<2x128x16xf32, #tpu.memory_space<vmem>>, vector<16xf32>,
          %get3A_364 = arith.constant 0 : i32
          %get3A_365 = arith.index_cast %get3A_364 : i32 to index
          %get3A_366 = arith.index_cast %scan3A_358 : i32 to index
          %get3A_367 = arith.constant 0 : index
          %get3A_368 = tpu.vector_load %arg12[%get3A_365, %get3A_366, %get3A_367] {strides = array<i32>} : memref<2x128x16xf32, #tpu.memory_space<vmem>>, vector<16xf32>,
          %add3A_369 = arith.addf %get3A_363, %get3A_368 : vector<16xf32>
          %gt3A_370 = arith.constant 0.000000e+00 : f32
          %gt3A_371 = vector.broadcast %gt3A_370 : f32 to vector<16xf32>
          %gt3A_372 = arith.cmpf ogt, %add3A_369, %gt3A_371 : vector<16xf32>
          %mul3A_373 = arith.constant 2.000000e-01 : f32
          %mul3A_374 = vector.broadcast %mul3A_373 : f32 to vector<16xf32>
          %mul3A_375 = arith.mulf %mul3A_374, %add3A_369 : vector<16xf32>
          %select_n3A_376 = arith.select %gt3A_372, %add3A_369, %mul3A_375 : vector<16xi1>, vector<16xf32>
          %mul3A_377 = arith.constant 16 : i32
          %mul3A_378 = arith.muli %scan3A_358, %mul3A_377 : i32
          %get3A_379 = arith.constant 0 : i32
          %get3A_380 = arith.index_cast %get3A_379 : i32 to index
          %get3A_381 = arith.index_cast %mul3A_378 : i32 to index
          %get3A_382 = tpu.vector_load %arg13[%get3A_380, %get3A_381] {strides = array<i32>} : memref<2x2048xf32, #tpu.memory_space<vmem>>, vector<16xf32>,
          %mul3A_383 = arith.mulf %select_n3A_376, %get3A_382 : vector<16xf32>
          %exp3A_384 = math.exp %mul3A_383 : vector<16xf32>
          %swap3A_385 = arith.constant 0 : i32
          %swap3A_386 = arith.index_cast %swap3A_385 : i32 to index
          %swap3A_387 = arith.index_cast %scan3A_358 : i32 to index
          %swap3A_388 = arith.constant 0 : index
          %swap3A_389 = tpu.vector_load %arg14[%swap3A_386, %swap3A_387, %swap3A_388] {strides = array<i32>} : memref<2x128x16xf32, #tpu.memory_space<vmem>>, vector<16xf32>,
          tpu.vector_store %arg14[%swap3A_386, %swap3A_387, %swap3A_388], %exp3A_384 {strides = array<i32>} : memref<2x128x16xf32, #tpu.memory_space<vmem>>, vector<16xf32>,
          %scan3A_390 = arith.constant 0 : i32
          %scan3A_391 = arith.constant 6 : i32
          %scan3A_392 = arith.addi %scan3A_191, %scan3A_391 : i32
          %get3A_393 = arith.constant 0 : i32
          %get3A_394 = arith.index_cast %get3A_393 : i32 to index
          %get3A_395 = arith.index_cast %scan3A_392 : i32 to index
          %get3A_396 = arith.constant 0 : index
          %get3A_397 = tpu.vector_load %arg11[%get3A_394, %get3A_395, %get3A_396] {strides = array<i32>} : memref<2x128x16xf32, #tpu.memory_space<vmem>>, vector<16xf32>,
          %get3A_398 = arith.constant 0 : i32
          %get3A_399 = arith.index_cast %get3A_398 : i32 to index
          %get3A_400 = arith.index_cast %scan3A_392 : i32 to index
          %get3A_401 = arith.constant 0 : index
          %get3A_402 = tpu.vector_load %arg12[%get3A_399, %get3A_400, %get3A_401] {strides = array<i32>} : memref<2x128x16xf32, #tpu.memory_space<vmem>>, vector<16xf32>,
          %add3A_403 = arith.addf %get3A_397, %get3A_402 : vector<16xf32>
          %gt3A_404 = arith.constant 0.000000e+00 : f32
          %gt3A_405 = vector.broadcast %gt3A_404 : f32 to vector<16xf32>
          %gt3A_406 = arith.cmpf ogt, %add3A_403, %gt3A_405 : vector<16xf32>
          %mul3A_407 = arith.constant 2.000000e-01 : f32
          %mul3A_408 = vector.broadcast %mul3A_407 : f32 to vector<16xf32>
          %mul3A_409 = arith.mulf %mul3A_408, %add3A_403 : vector<16xf32>
          %select_n3A_410 = arith.select %gt3A_406, %add3A_403, %mul3A_409 : vector<16xi1>, vector<16xf32>
          %mul3A_411 = arith.constant 16 : i32
          %mul3A_412 = arith.muli %scan3A_392, %mul3A_411 : i32
          %get3A_413 = arith.constant 0 : i32
          %get3A_414 = arith.index_cast %get3A_413 : i32 to index
          %get3A_415 = arith.index_cast %mul3A_412 : i32 to index
          %get3A_416 = tpu.vector_load %arg13[%get3A_414, %get3A_415] {strides = array<i32>} : memref<2x2048xf32, #tpu.memory_space<vmem>>, vector<16xf32>,
          %mul3A_417 = arith.mulf %select_n3A_410, %get3A_416 : vector<16xf32>
          %exp3A_418 = math.exp %mul3A_417 : vector<16xf32>
          %swap3A_419 = arith.constant 0 : i32
          %swap3A_420 = arith.index_cast %swap3A_419 : i32 to index
          %swap3A_421 = arith.index_cast %scan3A_392 : i32 to index
          %swap3A_422 = arith.constant 0 : index
          %swap3A_423 = tpu.vector_load %arg14[%swap3A_420, %swap3A_421, %swap3A_422] {strides = array<i32>} : memref<2x128x16xf32, #tpu.memory_space<vmem>>, vector<16xf32>,
          tpu.vector_store %arg14[%swap3A_420, %swap3A_421, %swap3A_422], %exp3A_418 {strides = array<i32>} : memref<2x128x16xf32, #tpu.memory_space<vmem>>, vector<16xf32>,
          %scan3A_424 = arith.constant 0 : i32
          %scan3A_425 = arith.constant 7 : i32
          %scan3A_426 = arith.addi %scan3A_191, %scan3A_425 : i32
          %get3A_427 = arith.constant 0 : i32
          %get3A_428 = arith.index_cast %get3A_427 : i32 to index
          %get3A_429 = arith.index_cast %scan3A_426 : i32 to index
          %get3A_430 = arith.constant 0 : index
          %get3A_431 = tpu.vector_load %arg11[%get3A_428, %get3A_429, %get3A_430] {strides = array<i32>} : memref<2x128x16xf32, #tpu.memory_space<vmem>>, vector<16xf32>,
          %get3A_432 = arith.constant 0 : i32
          %get3A_433 = arith.index_cast %get3A_432 : i32 to index
          %get3A_434 = arith.index_cast %scan3A_426 : i32 to index
          %get3A_435 = arith.constant 0 : index
          %get3A_436 = tpu.vector_load %arg12[%get3A_433, %get3A_434, %get3A_435] {strides = array<i32>} : memref<2x128x16xf32, #tpu.memory_space<vmem>>, vector<16xf32>,
          %add3A_437 = arith.addf %get3A_431, %get3A_436 : vector<16xf32>
          %gt3A_438 = arith.constant 0.000000e+00 : f32
          %gt3A_439 = vector.broadcast %gt3A_438 : f32 to vector<16xf32>
          %gt3A_440 = arith.cmpf ogt, %add3A_437, %gt3A_439 : vector<16xf32>
          %mul3A_441 = arith.constant 2.000000e-01 : f32
          %mul3A_442 = vector.broadcast %mul3A_441 : f32 to vector<16xf32>
          %mul3A_443 = arith.mulf %mul3A_442, %add3A_437 : vector<16xf32>
          %select_n3A_444 = arith.select %gt3A_440, %add3A_437, %mul3A_443 : vector<16xi1>, vector<16xf32>
          %mul3A_445 = arith.constant 16 : i32
          %mul3A_446 = arith.muli %scan3A_426, %mul3A_445 : i32
          %get3A_447 = arith.constant 0 : i32
          %get3A_448 = arith.index_cast %get3A_447 : i32 to index
          %get3A_449 = arith.index_cast %mul3A_446 : i32 to index
          %get3A_450 = tpu.vector_load %arg13[%get3A_448, %get3A_449] {strides = array<i32>} : memref<2x2048xf32, #tpu.memory_space<vmem>>, vector<16xf32>,
          %mul3A_451 = arith.mulf %select_n3A_444, %get3A_450 : vector<16xf32>
          %exp3A_452 = math.exp %mul3A_451 : vector<16xf32>
          %swap3A_453 = arith.constant 0 : i32
          %swap3A_454 = arith.index_cast %swap3A_453 : i32 to index
          %swap3A_455 = arith.index_cast %scan3A_426 : i32 to index
          %swap3A_456 = arith.constant 0 : index
          %swap3A_457 = tpu.vector_load %arg14[%swap3A_454, %swap3A_455, %swap3A_456] {strides = array<i32>} : memref<2x128x16xf32, #tpu.memory_space<vmem>>, vector<16xf32>,
          tpu.vector_store %arg14[%swap3A_454, %swap3A_455, %swap3A_456], %exp3A_452 {strides = array<i32>} : memref<2x128x16xf32, #tpu.memory_space<vmem>>, vector<16xf32>,
          %scan3A_458 = arith.constant 0 : i32
          %scan3A_459 = arith.constant 8 : i32
          %scan3A_460 = arith.addi %scan3A_191, %scan3A_459 : i32
          %get3A_461 = arith.constant 0 : i32
          %get3A_462 = arith.index_cast %get3A_461 : i32 to index
          %get3A_463 = arith.index_cast %scan3A_460 : i32 to index
          %get3A_464 = arith.constant 0 : index
          %get3A_465 = tpu.vector_load %arg11[%get3A_462, %get3A_463, %get3A_464] {strides = array<i32>} : memref<2x128x16xf32, #tpu.memory_space<vmem>>, vector<16xf32>,
          %get3A_466 = arith.constant 0 : i32
          %get3A_467 = arith.index_cast %get3A_466 : i32 to index
          %get3A_468 = arith.index_cast %scan3A_460 : i32 to index
          %get3A_469 = arith.constant 0 : index
          %get3A_470 = tpu.vector_load %arg12[%get3A_467, %get3A_468, %get3A_469] {strides = array<i32>} : memref<2x128x16xf32, #tpu.memory_space<vmem>>, vector<16xf32>,
          %add3A_471 = arith.addf %get3A_465, %get3A_470 : vector<16xf32>
          %gt3A_472 = arith.constant 0.000000e+00 : f32
          %gt3A_473 = vector.broadcast %gt3A_472 : f32 to vector<16xf32>
          %gt3A_474 = arith.cmpf ogt, %add3A_471, %gt3A_473 : vector<16xf32>
          %mul3A_475 = arith.constant 2.000000e-01 : f32
          %mul3A_476 = vector.broadcast %mul3A_475 : f32 to vector<16xf32>
          %mul3A_477 = arith.mulf %mul3A_476, %add3A_471 : vector<16xf32>
          %select_n3A_478 = arith.select %gt3A_474, %add3A_471, %mul3A_477 : vector<16xi1>, vector<16xf32>
          %mul3A_479 = arith.constant 16 : i32
          %mul3A_480 = arith.muli %scan3A_460, %mul3A_479 : i32
          %get3A_481 = arith.constant 0 : i32
          %get3A_482 = arith.index_cast %get3A_481 : i32 to index
          %get3A_483 = arith.index_cast %mul3A_480 : i32 to index
          %get3A_484 = tpu.vector_load %arg13[%get3A_482, %get3A_483] {strides = array<i32>} : memref<2x2048xf32, #tpu.memory_space<vmem>>, vector<16xf32>,
          %mul3A_485 = arith.mulf %select_n3A_478, %get3A_484 : vector<16xf32>
          %exp3A_486 = math.exp %mul3A_485 : vector<16xf32>
          %swap3A_487 = arith.constant 0 : i32
          %swap3A_488 = arith.index_cast %swap3A_487 : i32 to index
          %swap3A_489 = arith.index_cast %scan3A_460 : i32 to index
          %swap3A_490 = arith.constant 0 : index
          %swap3A_491 = tpu.vector_load %arg14[%swap3A_488, %swap3A_489, %swap3A_490] {strides = array<i32>} : memref<2x128x16xf32, #tpu.memory_space<vmem>>, vector<16xf32>,
          tpu.vector_store %arg14[%swap3A_488, %swap3A_489, %swap3A_490], %exp3A_486 {strides = array<i32>} : memref<2x128x16xf32, #tpu.memory_space<vmem>>, vector<16xf32>,
          %scan3A_492 = arith.constant 0 : i32
          %scan3A_493 = arith.constant 9 : i32
          %scan3A_494 = arith.addi %scan3A_191, %scan3A_493 : i32
          %get3A_495 = arith.constant 0 : i32
          %get3A_496 = arith.index_cast %get3A_495 : i32 to index
          %get3A_497 = arith.index_cast %scan3A_494 : i32 to index
          %get3A_498 = arith.constant 0 : index
          %get3A_499 = tpu.vector_load %arg11[%get3A_496, %get3A_497, %get3A_498] {strides = array<i32>} : memref<2x128x16xf32, #tpu.memory_space<vmem>>, vector<16xf32>,
          %get3A_500 = arith.constant 0 : i32
          %get3A_501 = arith.index_cast %get3A_500 : i32 to index
          %get3A_502 = arith.index_cast %scan3A_494 : i32 to index
          %get3A_503 = arith.constant 0 : index
          %get3A_504 = tpu.vector_load %arg12[%get3A_501, %get3A_502, %get3A_503] {strides = array<i32>} : memref<2x128x16xf32, #tpu.memory_space<vmem>>, vector<16xf32>,
          %add3A_505 = arith.addf %get3A_499, %get3A_504 : vector<16xf32>
          %gt3A_506 = arith.constant 0.000000e+00 : f32
          %gt3A_507 = vector.broadcast %gt3A_506 : f32 to vector<16xf32>
          %gt3A_508 = arith.cmpf ogt, %add3A_505, %gt3A_507 : vector<16xf32>
          %mul3A_509 = arith.constant 2.000000e-01 : f32
          %mul3A_510 = vector.broadcast %mul3A_509 : f32 to vector<16xf32>
          %mul3A_511 = arith.mulf %mul3A_510, %add3A_505 : vector<16xf32>
          %select_n3A_512 = arith.select %gt3A_508, %add3A_505, %mul3A_511 : vector<16xi1>, vector<16xf32>
          %mul3A_513 = arith.constant 16 : i32
          %mul3A_514 = arith.muli %scan3A_494, %mul3A_513 : i32
          %get3A_515 = arith.constant 0 : i32
          %get3A_516 = arith.index_cast %get3A_515 : i32 to index
          %get3A_517 = arith.index_cast %mul3A_514 : i32 to index
          %get3A_518 = tpu.vector_load %arg13[%get3A_516, %get3A_517] {strides = array<i32>} : memref<2x2048xf32, #tpu.memory_space<vmem>>, vector<16xf32>,
          %mul3A_519 = arith.mulf %select_n3A_512, %get3A_518 : vector<16xf32>
          %exp3A_520 = math.exp %mul3A_519 : vector<16xf32>
          %swap3A_521 = arith.constant 0 : i32
          %swap3A_522 = arith.index_cast %swap3A_521 : i32 to index
          %swap3A_523 = arith.index_cast %scan3A_494 : i32 to index
          %swap3A_524 = arith.constant 0 : index
          %swap3A_525 = tpu.vector_load %arg14[%swap3A_522, %swap3A_523, %swap3A_524] {strides = array<i32>} : memref<2x128x16xf32, #tpu.memory_space<vmem>>, vector<16xf32>,
          tpu.vector_store %arg14[%swap3A_522, %swap3A_523, %swap3A_524], %exp3A_520 {strides = array<i32>} : memref<2x128x16xf32, #tpu.memory_space<vmem>>, vector<16xf32>,
          %scan3A_526 = arith.constant 0 : i32
          %scan3A_527 = arith.constant 10 : i32
          %scan3A_528 = arith.addi %scan3A_191, %scan3A_527 : i32
          %get3A_529 = arith.constant 0 : i32
          %get3A_530 = arith.index_cast %get3A_529 : i32 to index
          %get3A_531 = arith.index_cast %scan3A_528 : i32 to index
          %get3A_532 = arith.constant 0 : index
          %get3A_533 = tpu.vector_load %arg11[%get3A_530, %get3A_531, %get3A_532] {strides = array<i32>} : memref<2x128x16xf32, #tpu.memory_space<vmem>>, vector<16xf32>,
          %get3A_534 = arith.constant 0 : i32
          %get3A_535 = arith.index_cast %get3A_534 : i32 to index
          %get3A_536 = arith.index_cast %scan3A_528 : i32 to index
          %get3A_537 = arith.constant 0 : index
          %get3A_538 = tpu.vector_load %arg12[%get3A_535, %get3A_536, %get3A_537] {strides = array<i32>} : memref<2x128x16xf32, #tpu.memory_space<vmem>>, vector<16xf32>,
          %add3A_539 = arith.addf %get3A_533, %get3A_538 : vector<16xf32>
          %gt3A_540 = arith.constant 0.000000e+00 : f32
          %gt3A_541 = vector.broadcast %gt3A_540 : f32 to vector<16xf32>
          %gt3A_542 = arith.cmpf ogt, %add3A_539, %gt3A_541 : vector<16xf32>
          %mul3A_543 = arith.constant 2.000000e-01 : f32
          %mul3A_544 = vector.broadcast %mul3A_543 : f32 to vector<16xf32>
          %mul3A_545 = arith.mulf %mul3A_544, %add3A_539 : vector<16xf32>
          %select_n3A_546 = arith.select %gt3A_542, %add3A_539, %mul3A_545 : vector<16xi1>, vector<16xf32>
          %mul3A_547 = arith.constant 16 : i32
          %mul3A_548 = arith.muli %scan3A_528, %mul3A_547 : i32
          %get3A_549 = arith.constant 0 : i32
          %get3A_550 = arith.index_cast %get3A_549 : i32 to index
          %get3A_551 = arith.index_cast %mul3A_548 : i32 to index
          %get3A_552 = tpu.vector_load %arg13[%get3A_550, %get3A_551] {strides = array<i32>} : memref<2x2048xf32, #tpu.memory_space<vmem>>, vector<16xf32>,
          %mul3A_553 = arith.mulf %select_n3A_546, %get3A_552 : vector<16xf32>
          %exp3A_554 = math.exp %mul3A_553 : vector<16xf32>
          %swap3A_555 = arith.constant 0 : i32
          %swap3A_556 = arith.index_cast %swap3A_555 : i32 to index
          %swap3A_557 = arith.index_cast %scan3A_528 : i32 to index
          %swap3A_558 = arith.constant 0 : index
          %swap3A_559 = tpu.vector_load %arg14[%swap3A_556, %swap3A_557, %swap3A_558] {strides = array<i32>} : memref<2x128x16xf32, #tpu.memory_space<vmem>>, vector<16xf32>,
          tpu.vector_store %arg14[%swap3A_556, %swap3A_557, %swap3A_558], %exp3A_554 {strides = array<i32>} : memref<2x128x16xf32, #tpu.memory_space<vmem>>, vector<16xf32>,
          %scan3A_560 = arith.constant 0 : i32
          %scan3A_561 = arith.constant 11 : i32
          %scan3A_562 = arith.addi %scan3A_191, %scan3A_561 : i32
          %get3A_563 = arith.constant 0 : i32
          %get3A_564 = arith.index_cast %get3A_563 : i32 to index
          %get3A_565 = arith.index_cast %scan3A_562 : i32 to index
          %get3A_566 = arith.constant 0 : index
          %get3A_567 = tpu.vector_load %arg11[%get3A_564, %get3A_565, %get3A_566] {strides = array<i32>} : memref<2x128x16xf32, #tpu.memory_space<vmem>>, vector<16xf32>,
          %get3A_568 = arith.constant 0 : i32
          %get3A_569 = arith.index_cast %get3A_568 : i32 to index
          %get3A_570 = arith.index_cast %scan3A_562 : i32 to index
          %get3A_571 = arith.constant 0 : index
          %get3A_572 = tpu.vector_load %arg12[%get3A_569, %get3A_570, %get3A_571] {strides = array<i32>} : memref<2x128x16xf32, #tpu.memory_space<vmem>>, vector<16xf32>,
          %add3A_573 = arith.addf %get3A_567, %get3A_572 : vector<16xf32>
          %gt3A_574 = arith.constant 0.000000e+00 : f32
          %gt3A_575 = vector.broadcast %gt3A_574 : f32 to vector<16xf32>
          %gt3A_576 = arith.cmpf ogt, %add3A_573, %gt3A_575 : vector<16xf32>
          %mul3A_577 = arith.constant 2.000000e-01 : f32
          %mul3A_578 = vector.broadcast %mul3A_577 : f32 to vector<16xf32>
          %mul3A_579 = arith.mulf %mul3A_578, %add3A_573 : vector<16xf32>
          %select_n3A_580 = arith.select %gt3A_576, %add3A_573, %mul3A_579 : vector<16xi1>, vector<16xf32>
          %mul3A_581 = arith.constant 16 : i32
          %mul3A_582 = arith.muli %scan3A_562, %mul3A_581 : i32
          %get3A_583 = arith.constant 0 : i32
          %get3A_584 = arith.index_cast %get3A_583 : i32 to index
          %get3A_585 = arith.index_cast %mul3A_582 : i32 to index
          %get3A_586 = tpu.vector_load %arg13[%get3A_584, %get3A_585] {strides = array<i32>} : memref<2x2048xf32, #tpu.memory_space<vmem>>, vector<16xf32>,
          %mul3A_587 = arith.mulf %select_n3A_580, %get3A_586 : vector<16xf32>
          %exp3A_588 = math.exp %mul3A_587 : vector<16xf32>
          %swap3A_589 = arith.constant 0 : i32
          %swap3A_590 = arith.index_cast %swap3A_589 : i32 to index
          %swap3A_591 = arith.index_cast %scan3A_562 : i32 to index
          %swap3A_592 = arith.constant 0 : index
          %swap3A_593 = tpu.vector_load %arg14[%swap3A_590, %swap3A_591, %swap3A_592] {strides = array<i32>} : memref<2x128x16xf32, #tpu.memory_space<vmem>>, vector<16xf32>,
          tpu.vector_store %arg14[%swap3A_590, %swap3A_591, %swap3A_592], %exp3A_588 {strides = array<i32>} : memref<2x128x16xf32, #tpu.memory_space<vmem>>, vector<16xf32>,
          %scan3A_594 = arith.constant 0 : i32
          %scan3A_595 = arith.constant 12 : i32
          %scan3A_596 = arith.addi %scan3A_191, %scan3A_595 : i32
          %get3A_597 = arith.constant 0 : i32
          %get3A_598 = arith.index_cast %get3A_597 : i32 to index
          %get3A_599 = arith.index_cast %scan3A_596 : i32 to index
          %get3A_600 = arith.constant 0 : index
          %get3A_601 = tpu.vector_load %arg11[%get3A_598, %get3A_599, %get3A_600] {strides = array<i32>} : memref<2x128x16xf32, #tpu.memory_space<vmem>>, vector<16xf32>,
          %get3A_602 = arith.constant 0 : i32
          %get3A_603 = arith.index_cast %get3A_602 : i32 to index
          %get3A_604 = arith.index_cast %scan3A_596 : i32 to index
          %get3A_605 = arith.constant 0 : index
          %get3A_606 = tpu.vector_load %arg12[%get3A_603, %get3A_604, %get3A_605] {strides = array<i32>} : memref<2x128x16xf32, #tpu.memory_space<vmem>>, vector<16xf32>,
          %add3A_607 = arith.addf %get3A_601, %get3A_606 : vector<16xf32>
          %gt3A_608 = arith.constant 0.000000e+00 : f32
          %gt3A_609 = vector.broadcast %gt3A_608 : f32 to vector<16xf32>
          %gt3A_610 = arith.cmpf ogt, %add3A_607, %gt3A_609 : vector<16xf32>
          %mul3A_611 = arith.constant 2.000000e-01 : f32
          %mul3A_612 = vector.broadcast %mul3A_611 : f32 to vector<16xf32>
          %mul3A_613 = arith.mulf %mul3A_612, %add3A_607 : vector<16xf32>
          %select_n3A_614 = arith.select %gt3A_610, %add3A_607, %mul3A_613 : vector<16xi1>, vector<16xf32>
          %mul3A_615 = arith.constant 16 : i32
          %mul3A_616 = arith.muli %scan3A_596, %mul3A_615 : i32
          %get3A_617 = arith.constant 0 : i32
          %get3A_618 = arith.index_cast %get3A_617 : i32 to index
          %get3A_619 = arith.index_cast %mul3A_616 : i32 to index
          %get3A_620 = tpu.vector_load %arg13[%get3A_618, %get3A_619] {strides = array<i32>} : memref<2x2048xf32, #tpu.memory_space<vmem>>, vector<16xf32>,
          %mul3A_621 = arith.mulf %select_n3A_614, %get3A_620 : vector<16xf32>
          %exp3A_622 = math.exp %mul3A_621 : vector<16xf32>
          %swap3A_623 = arith.constant 0 : i32
          %swap3A_624 = arith.index_cast %swap3A_623 : i32 to index
          %swap3A_625 = arith.index_cast %scan3A_596 : i32 to index
          %swap3A_626 = arith.constant 0 : index
          %swap3A_627 = tpu.vector_load %arg14[%swap3A_624, %swap3A_625, %swap3A_626] {strides = array<i32>} : memref<2x128x16xf32, #tpu.memory_space<vmem>>, vector<16xf32>,
          tpu.vector_store %arg14[%swap3A_624, %swap3A_625, %swap3A_626], %exp3A_622 {strides = array<i32>} : memref<2x128x16xf32, #tpu.memory_space<vmem>>, vector<16xf32>,
          %scan3A_628 = arith.constant 0 : i32
          %scan3A_629 = arith.constant 13 : i32
          %scan3A_630 = arith.addi %scan3A_191, %scan3A_629 : i32
          %get3A_631 = arith.constant 0 : i32
          %get3A_632 = arith.index_cast %get3A_631 : i32 to index
          %get3A_633 = arith.index_cast %scan3A_630 : i32 to index
          %get3A_634 = arith.constant 0 : index
          %get3A_635 = tpu.vector_load %arg11[%get3A_632, %get3A_633, %get3A_634] {strides = array<i32>} : memref<2x128x16xf32, #tpu.memory_space<vmem>>, vector<16xf32>,
          %get3A_636 = arith.constant 0 : i32
          %get3A_637 = arith.index_cast %get3A_636 : i32 to index
          %get3A_638 = arith.index_cast %scan3A_630 : i32 to index
          %get3A_639 = arith.constant 0 : index
          %get3A_640 = tpu.vector_load %arg12[%get3A_637, %get3A_638, %get3A_639] {strides = array<i32>} : memref<2x128x16xf32, #tpu.memory_space<vmem>>, vector<16xf32>,
          %add3A_641 = arith.addf %get3A_635, %get3A_640 : vector<16xf32>
          %gt3A_642 = arith.constant 0.000000e+00 : f32
          %gt3A_643 = vector.broadcast %gt3A_642 : f32 to vector<16xf32>
          %gt3A_644 = arith.cmpf ogt, %add3A_641, %gt3A_643 : vector<16xf32>
          %mul3A_645 = arith.constant 2.000000e-01 : f32
          %mul3A_646 = vector.broadcast %mul3A_645 : f32 to vector<16xf32>
          %mul3A_647 = arith.mulf %mul3A_646, %add3A_641 : vector<16xf32>
          %select_n3A_648 = arith.select %gt3A_644, %add3A_641, %mul3A_647 : vector<16xi1>, vector<16xf32>
          %mul3A_649 = arith.constant 16 : i32
          %mul3A_650 = arith.muli %scan3A_630, %mul3A_649 : i32
          %get3A_651 = arith.constant 0 : i32
          %get3A_652 = arith.index_cast %get3A_651 : i32 to index
          %get3A_653 = arith.index_cast %mul3A_650 : i32 to index
          %get3A_654 = tpu.vector_load %arg13[%get3A_652, %get3A_653] {strides = array<i32>} : memref<2x2048xf32, #tpu.memory_space<vmem>>, vector<16xf32>,
          %mul3A_655 = arith.mulf %select_n3A_648, %get3A_654 : vector<16xf32>
          %exp3A_656 = math.exp %mul3A_655 : vector<16xf32>
          %swap3A_657 = arith.constant 0 : i32
          %swap3A_658 = arith.index_cast %swap3A_657 : i32 to index
          %swap3A_659 = arith.index_cast %scan3A_630 : i32 to index
          %swap3A_660 = arith.constant 0 : index
          %swap3A_661 = tpu.vector_load %arg14[%swap3A_658, %swap3A_659, %swap3A_660] {strides = array<i32>} : memref<2x128x16xf32, #tpu.memory_space<vmem>>, vector<16xf32>,
          tpu.vector_store %arg14[%swap3A_658, %swap3A_659, %swap3A_660], %exp3A_656 {strides = array<i32>} : memref<2x128x16xf32, #tpu.memory_space<vmem>>, vector<16xf32>,
          %scan3A_662 = arith.constant 0 : i32
          %scan3A_663 = arith.constant 14 : i32
          %scan3A_664 = arith.addi %scan3A_191, %scan3A_663 : i32
          %get3A_665 = arith.constant 0 : i32
          %get3A_666 = arith.index_cast %get3A_665 : i32 to index
          %get3A_667 = arith.index_cast %scan3A_664 : i32 to index
          %get3A_668 = arith.constant 0 : index
          %get3A_669 = tpu.vector_load %arg11[%get3A_666, %get3A_667, %get3A_668] {strides = array<i32>} : memref<2x128x16xf32, #tpu.memory_space<vmem>>, vector<16xf32>,
          %get3A_670 = arith.constant 0 : i32
          %get3A_671 = arith.index_cast %get3A_670 : i32 to index
          %get3A_672 = arith.index_cast %scan3A_664 : i32 to index
          %get3A_673 = arith.constant 0 : index
          %get3A_674 = tpu.vector_load %arg12[%get3A_671, %get3A_672, %get3A_673] {strides = array<i32>} : memref<2x128x16xf32, #tpu.memory_space<vmem>>, vector<16xf32>,
          %add3A_675 = arith.addf %get3A_669, %get3A_674 : vector<16xf32>
          %gt3A_676 = arith.constant 0.000000e+00 : f32
          %gt3A_677 = vector.broadcast %gt3A_676 : f32 to vector<16xf32>
          %gt3A_678 = arith.cmpf ogt, %add3A_675, %gt3A_677 : vector<16xf32>
          %mul3A_679 = arith.constant 2.000000e-01 : f32
          %mul3A_680 = vector.broadcast %mul3A_679 : f32 to vector<16xf32>
          %mul3A_681 = arith.mulf %mul3A_680, %add3A_675 : vector<16xf32>
          %select_n3A_682 = arith.select %gt3A_678, %add3A_675, %mul3A_681 : vector<16xi1>, vector<16xf32>
          %mul3A_683 = arith.constant 16 : i32
          %mul3A_684 = arith.muli %scan3A_664, %mul3A_683 : i32
          %get3A_685 = arith.constant 0 : i32
          %get3A_686 = arith.index_cast %get3A_685 : i32 to index
          %get3A_687 = arith.index_cast %mul3A_684 : i32 to index
          %get3A_688 = tpu.vector_load %arg13[%get3A_686, %get3A_687] {strides = array<i32>} : memref<2x2048xf32, #tpu.memory_space<vmem>>, vector<16xf32>,
          %mul3A_689 = arith.mulf %select_n3A_682, %get3A_688 : vector<16xf32>
          %exp3A_690 = math.exp %mul3A_689 : vector<16xf32>
          %swap3A_691 = arith.constant 0 : i32
          %swap3A_692 = arith.index_cast %swap3A_691 : i32 to index
          %swap3A_693 = arith.index_cast %scan3A_664 : i32 to index
          %swap3A_694 = arith.constant 0 : index
          %swap3A_695 = tpu.vector_load %arg14[%swap3A_692, %swap3A_693, %swap3A_694] {strides = array<i32>} : memref<2x128x16xf32, #tpu.memory_space<vmem>>, vector<16xf32>,
          tpu.vector_store %arg14[%swap3A_692, %swap3A_693, %swap3A_694], %exp3A_690 {strides = array<i32>} : memref<2x128x16xf32, #tpu.memory_space<vmem>>, vector<16xf32>,
          %scan3A_696 = arith.constant 0 : i32
          %scan3A_697 = arith.constant 15 : i32
          %scan3A_698 = arith.addi %scan3A_191, %scan3A_697 : i32
          %get3A_699 = arith.constant 0 : i32
          %get3A_700 = arith.index_cast %get3A_699 : i32 to index
          %get3A_701 = arith.index_cast %scan3A_698 : i32 to index
          %get3A_702 = arith.constant 0 : index
          %get3A_703 = tpu.vector_load %arg11[%get3A_700, %get3A_701, %get3A_702] {strides = array<i32>} : memref<2x128x16xf32, #tpu.memory_space<vmem>>, vector<16xf32>,
          %get3A_704 = arith.constant 0 : i32
          %get3A_705 = arith.index_cast %get3A_704 : i32 to index
          %get3A_706 = arith.index_cast %scan3A_698 : i32 to index
          %get3A_707 = arith.constant 0 : index
          %get3A_708 = tpu.vector_load %arg12[%get3A_705, %get3A_706, %get3A_707] {strides = array<i32>} : memref<2x128x16xf32, #tpu.memory_space<vmem>>, vector<16xf32>,
          %add3A_709 = arith.addf %get3A_703, %get3A_708 : vector<16xf32>
          %gt3A_710 = arith.constant 0.000000e+00 : f32
          %gt3A_711 = vector.broadcast %gt3A_710 : f32 to vector<16xf32>
          %gt3A_712 = arith.cmpf ogt, %add3A_709, %gt3A_711 : vector<16xf32>
          %mul3A_713 = arith.constant 2.000000e-01 : f32
          %mul3A_714 = vector.broadcast %mul3A_713 : f32 to vector<16xf32>
          %mul3A_715 = arith.mulf %mul3A_714, %add3A_709 : vector<16xf32>
          %select_n3A_716 = arith.select %gt3A_712, %add3A_709, %mul3A_715 : vector<16xi1>, vector<16xf32>
          %mul3A_717 = arith.constant 16 : i32
          %mul3A_718 = arith.muli %scan3A_698, %mul3A_717 : i32
          %get3A_719 = arith.constant 0 : i32
          %get3A_720 = arith.index_cast %get3A_719 : i32 to index
          %get3A_721 = arith.index_cast %mul3A_718 : i32 to index
          %get3A_722 = tpu.vector_load %arg13[%get3A_720, %get3A_721] {strides = array<i32>} : memref<2x2048xf32, #tpu.memory_space<vmem>>, vector<16xf32>,
          %mul3A_723 = arith.mulf %select_n3A_716, %get3A_722 : vector<16xf32>
          %exp3A_724 = math.exp %mul3A_723 : vector<16xf32>
          %swap3A_725 = arith.constant 0 : i32
          %swap3A_726 = arith.index_cast %swap3A_725 : i32 to index
          %swap3A_727 = arith.index_cast %scan3A_698 : i32 to index
          %swap3A_728 = arith.constant 0 : index
          %swap3A_729 = tpu.vector_load %arg14[%swap3A_726, %swap3A_727, %swap3A_728] {strides = array<i32>} : memref<2x128x16xf32, #tpu.memory_space<vmem>>, vector<16xf32>,
          tpu.vector_store %arg14[%swap3A_726, %swap3A_727, %swap3A_728], %exp3A_724 {strides = array<i32>} : memref<2x128x16xf32, #tpu.memory_space<vmem>>, vector<16xf32>,
          %scan3A_730 = arith.constant 0 : i32
          scf.yield %scan3A_730 : i32
        }
        %scan3A_174 = arith.constant 128 : i32
        %run_scoped3A = arith.constant 0 : i32
        "tpu.region"() ({
          %run_scoped3A_191 = tpu.sem_alloc : memref<!tpu.dma_semaphore, #tpu.memory_space<semaphore_mem>>
          %dma_start3A_192 = arith.constant 0 : i32
          %dma_start3A_193 = arith.constant 0 : i32
          %dma_start3A_194 = tpu.memref_slice %arg14[%run_scoped3A, %dma_start3A_192, %dma_start3A_193] : memref<2x128x16xf32, #tpu.memory_space<vmem>> -> memref<1x128x16xf32, #tpu.memory_space<vmem>>
          %dma_start3A_195 = tpu.memref_squeeze %dma_start3A_194 : memref<1x128x16xf32, #tpu.memory_space<vmem>> -> memref<128x16xf32, #tpu.memory_space<vmem>>
          %dma_start3A_196 = arith.constant 0 : i32
          %dma_start3A_197 = tpu.memref_slice %arg10[%mul3A_113, %dma_start3A_196] : memref<79x128xi32, #tpu.memory_space<vmem>> -> memref<1x128xi32, #tpu.memory_space<vmem>>
          %dma_start3A_198 = tpu.memref_squeeze %dma_start3A_197 : memref<1x128xi32, #tpu.memory_space<vmem>> -> memref<128xi32, #tpu.memory_space<vmem>>
          %dma_start3A_199 = arith.constant 0 : i32
          %dma_start3A_200 = arith.constant 0 : i32
          %dma_start3A_201 = tpu.memref_slice %arg16[%dma_start3A_199, %dma_start3A_200] : memref<10000x16xf32, #tpu.memory_space<vmem_shared>> -> memref<10000x16xf32, #tpu.memory_space<vmem_shared>>
          tpu.enqueue_indirect_dma source(%dma_start3A_195 : memref<128x16xf32, #tpu.memory_space<vmem>>) target(%dma_start3A_201 : memref<10000x16xf32, #tpu.memory_space<vmem_shared>>) offsets(%dma_start3A_198 : memref<128xi32, #tpu.memory_space<vmem>>) semaphore(%run_scoped3A_191 : memref<!tpu.dma_semaphore, #tpu.memory_space<semaphore_mem>>) {add = true}
          %dma_wait3A_202 = arith.constant 0 : i32
          %dma_wait3A_203 = arith.constant 0 : i32
          %dma_wait3A_204 = tpu.memref_slice %arg14[%run_scoped3A, %dma_wait3A_202, %dma_wait3A_203] : memref<2x128x16xf32, #tpu.memory_space<vmem>> -> memref<1x128x16xf32, #tpu.memory_space<vmem>>
          %dma_wait3A_205 = tpu.memref_squeeze %dma_wait3A_204 : memref<1x128x16xf32, #tpu.memory_space<vmem>> -> memref<128x16xf32, #tpu.memory_space<vmem>>
          %dma_wait3A_206 = arith.constant 0 : i32
          %dma_wait3A_207 = tpu.memref_slice %arg10[%mul3A_113, %dma_wait3A_206] : memref<79x128xi32, #tpu.memory_space<vmem>> -> memref<1x128xi32, #tpu.memory_space<vmem>>
          %dma_wait3A_208 = tpu.memref_squeeze %dma_wait3A_207 : memref<1x128xi32, #tpu.memory_space<vmem>> -> memref<128xi32, #tpu.memory_space<vmem>>
          %dma_wait3A_209 = arith.constant 0 : i32
          %dma_wait3A_210 = arith.constant 0 : i32
          %dma_wait3A_211 = tpu.memref_slice %arg16[%dma_wait3A_209, %dma_wait3A_210] : memref<10000x16xf32, #tpu.memory_space<vmem_shared>> -> memref<10000x16xf32, #tpu.memory_space<vmem_shared>>
          tpu.wait_indirect_dma semaphore(%run_scoped3A_191 : memref<!tpu.dma_semaphore, #tpu.memory_space<semaphore_mem>>) src(%dma_wait3A_205 : memref<128x16xf32, #tpu.memory_space<vmem>>) dst(%dma_wait3A_211 : memref<10000x16xf32, #tpu.memory_space<vmem_shared>>)
          tpu.yield
        }) : () -> ()
        %add3A_175 = arith.addi %add3A_4, %mul3A_113 : i32
        %mul3A_176 = arith.constant 128 : i32
        %mul3A_177 = arith.muli %add3A_175, %mul3A_176 : i32
        %dma_start3A_178 = arith.constant 0 : i32
        %dma_start3A_179 = arith.constant 0 : i32
        %dma_start3A_180 = arith.constant 0 : i32
        %dma_start3A_181 = tpu.memref_slice %arg14[%dma_start3A_178, %dma_start3A_179, %dma_start3A_180] : memref<2x128x16xf32, #tpu.memory_space<vmem>> -> memref<1x128x16xf32, #tpu.memory_space<vmem>>
        %dma_start3A_182 = tpu.memref_squeeze %dma_start3A_181 : memref<1x128x16xf32, #tpu.memory_space<vmem>> -> memref<128x16xf32, #tpu.memory_space<vmem>>
        %dma_start3A_183 = arith.constant 0 : i32
        %dma_start3A_184 = tpu.memref_slice %arg7[%mul3A_177, %dma_start3A_183] : memref<320000x16xf32, #tpu.memory_space<hbm>> -> memref<128x16xf32, #tpu.memory_space<hbm>>
        %dma_start3A_185 = arith.constant 0 : i32
        %dma_start3A_186 = tpu.memref_slice %arg7[%mul3A_177, %dma_start3A_185] : memref<320000x16xf32, #tpu.memory_space<hbm>> -> memref<128x16xf32, #tpu.memory_space<hbm>>
        %dma_start3A_187 = arith.constant 0 : i32
        %dma_start3A_188 = arith.constant 0 : i32
        %dma_start3A_189 = tpu.memref_slice %arg14[%dma_start3A_178, %dma_start3A_187, %dma_start3A_188] : memref<2x128x16xf32, #tpu.memory_space<vmem>> -> memref<1x128x16xf32, #tpu.memory_space<vmem>>
        %dma_start3A_190 = tpu.memref_squeeze %dma_start3A_189 : memref<1x128x16xf32, #tpu.memory_space<vmem>> -> memref<128x16xf32, #tpu.memory_space<vmem>>
        tpu.enqueue_dma source(%dma_start3A_190 : memref<128x16xf32, #tpu.memory_space<vmem>>) target(%dma_start3A_186 : memref<128x16xf32, #tpu.memory_space<hbm>>) target_semaphore(%arg19 : memref<!tpu.dma_semaphore, #tpu.memory_space<semaphore_mem>>)
      } else {
      }
      %lt3A_120 = arith.cmpi slt, %add3A_115, %add3A_8 : i32
      %convert_element_type3A_121 = arith.extui %lt3A_120 : i1 to i32
      %cond3A_122 = arith.constant 0 : i32
      %cond3A_123 = arith.cmpi ne, %convert_element_type3A_121, %cond3A_122 : i32
      scf.if %cond3A_123 {
        %add3A_125 = arith.constant 1 : i32
        %add3A_126 = arith.addi %add3A_115, %add3A_125 : i32
        %lt3A_127 = arith.cmpi slt, %add3A_126, %add3A_8 : i32
        %convert_element_type3A_128 = arith.extui %lt3A_127 : i1 to i32
        %cond3A_129 = arith.constant 0 : i32
        %cond3A_130 = arith.cmpi ne, %convert_element_type3A_128, %cond3A_129 : i32
        scf.if %cond3A_130 {
          %add3A_193 = arith.constant 1 : i32
          %add3A_194 = arith.addi %add3A_115, %add3A_193 : i32
          %add3A_195 = arith.addi %add3A_4, %add3A_194 : i32
          %mul3A_196 = arith.constant 128 : i32
          %mul3A_197 = arith.muli %add3A_195, %mul3A_196 : i32
          %dma_start3A_198 = arith.constant 0 : i32
          %dma_start3A_199 = arith.constant 0 : i32
          %dma_start3A_200 = arith.constant 0 : i32
          %dma_start3A_201 = tpu.memref_slice %arg11[%dma_start3A_198, %dma_start3A_199, %dma_start3A_200] : memref<2x128x16xf32, #tpu.memory_space<vmem>> -> memref<1x128x16xf32, #tpu.memory_space<vmem>>
          %dma_start3A_202 = tpu.memref_squeeze %dma_start3A_201 : memref<1x128x16xf32, #tpu.memory_space<vmem>> -> memref<128x16xf32, #tpu.memory_space<vmem>>
          %dma_start3A_203 = arith.constant 0 : i32
          %dma_start3A_204 = tpu.memref_slice %arg9[%add3A_194, %dma_start3A_203] : memref<79x128xi32, #tpu.memory_space<vmem>> -> memref<1x128xi32, #tpu.memory_space<vmem>>
          %dma_start3A_205 = tpu.memref_squeeze %dma_start3A_204 : memref<1x128xi32, #tpu.memory_space<vmem>> -> memref<128xi32, #tpu.memory_space<vmem>>
          %dma_start3A_206 = arith.constant 0 : i32
          %dma_start3A_207 = arith.constant 0 : i32
          %dma_start3A_208 = tpu.memref_slice %arg4[%dma_start3A_206, %dma_start3A_207] : memref<10000x16xf32, #tpu.memory_space<hbm>> -> memref<10000x16xf32, #tpu.memory_space<hbm>>
          tpu.enqueue_indirect_dma source(%dma_start3A_208 : memref<10000x16xf32, #tpu.memory_space<hbm>>) target(%dma_start3A_202 : memref<128x16xf32, #tpu.memory_space<vmem>>) offsets(%dma_start3A_205 : memref<128xi32, #tpu.memory_space<vmem>>) semaphore(%arg17 : memref<!tpu.dma_semaphore, #tpu.memory_space<semaphore_mem>>)
          %dma_start3A_209 = arith.constant 0 : i32
          %dma_start3A_210 = arith.constant 0 : i32
          %dma_start3A_211 = arith.constant 0 : i32
          %dma_start3A_212 = tpu.memref_slice %arg12[%dma_start3A_209, %dma_start3A_210, %dma_start3A_211] : memref<2x128x16xf32, #tpu.memory_space<vmem>> -> memref<1x128x16xf32, #tpu.memory_space<vmem>>
          %dma_start3A_213 = tpu.memref_squeeze %dma_start3A_212 : memref<1x128x16xf32, #tpu.memory_space<vmem>> -> memref<128x16xf32, #tpu.memory_space<vmem>>
          %dma_start3A_214 = arith.constant 0 : i32
          %dma_start3A_215 = tpu.memref_slice %arg10[%add3A_194, %dma_start3A_214] : memref<79x128xi32, #tpu.memory_space<vmem>> -> memref<1x128xi32, #tpu.memory_space<vmem>>
          %dma_start3A_216 = tpu.memref_squeeze %dma_start3A_215 : memref<1x128xi32, #tpu.memory_space<vmem>> -> memref<128xi32, #tpu.memory_space<vmem>>
          %dma_start3A_217 = arith.constant 0 : i32
          %dma_start3A_218 = arith.constant 0 : i32
          %dma_start3A_219 = tpu.memref_slice %arg5[%dma_start3A_217, %dma_start3A_218] : memref<10000x16xf32, #tpu.memory_space<hbm>> -> memref<10000x16xf32, #tpu.memory_space<hbm>>
          tpu.enqueue_indirect_dma source(%dma_start3A_219 : memref<10000x16xf32, #tpu.memory_space<hbm>>) target(%dma_start3A_213 : memref<128x16xf32, #tpu.memory_space<vmem>>) offsets(%dma_start3A_216 : memref<128xi32, #tpu.memory_space<vmem>>) semaphore(%arg17 : memref<!tpu.dma_semaphore, #tpu.memory_space<semaphore_mem>>)
          %mul3A_220 = arith.constant 16 : i32
          %mul3A_221 = arith.muli %mul3A_197, %mul3A_220 : i32
          %dma_start3A_222 = arith.constant 0 : i32
          %dma_start3A_223 = arith.constant 0 : i32
          %dma_start3A_224 = tpu.memref_slice %arg13[%dma_start3A_222, %dma_start3A_223] : memref<2x2048xf32, #tpu.memory_space<vmem>> -> memref<1x2048xf32, #tpu.memory_space<vmem>>
          %dma_start3A_225 = tpu.memref_squeeze %dma_start3A_224 : memref<1x2048xf32, #tpu.memory_space<vmem>> -> memref<2048xf32, #tpu.memory_space<vmem>>
          %dma_start3A_226 = tpu.memref_slice %arg6[%mul3A_221] : memref<5120000xf32, #tpu.memory_space<hbm>> -> memref<2048xf32, #tpu.memory_space<hbm>>
          %dma_start3A_227 = arith.constant 0 : i32
          %dma_start3A_228 = tpu.memref_slice %arg13[%dma_start3A_222, %dma_start3A_227] : memref<2x2048xf32, #tpu.memory_space<vmem>> -> memref<1x2048xf32, #tpu.memory_space<vmem>>
          %dma_start3A_229 = tpu.memref_squeeze %dma_start3A_228 : memref<1x2048xf32, #tpu.memory_space<vmem>> -> memref<2048xf32, #tpu.memory_space<vmem>>
          %dma_start3A_230 = tpu.memref_slice %arg6[%mul3A_221] : memref<5120000xf32, #tpu.memory_space<hbm>> -> memref<2048xf32, #tpu.memory_space<hbm>>
          tpu.enqueue_dma source(%dma_start3A_230 : memref<2048xf32, #tpu.memory_space<hbm>>) target(%dma_start3A_229 : memref<2048xf32, #tpu.memory_space<vmem>>) target_semaphore(%arg17 : memref<!tpu.dma_semaphore, #tpu.memory_space<semaphore_mem>>)
        } else {
        }
        %dma_wait3A_131 = arith.constant 0 : i32
        %dma_wait3A_132 = arith.constant 1 : i32
        %dma_wait3A_133 = arith.constant 0 : i32
        %dma_wait3A_134 = arith.constant 0 : i32
        %dma_wait3A_135 = tpu.memref_slice %arg11[%dma_wait3A_132, %dma_wait3A_133, %dma_wait3A_134] : memref<2x128x16xf32, #tpu.memory_space<vmem>> -> memref<1x128x16xf32, #tpu.memory_space<vmem>>
        %dma_wait3A_136 = tpu.memref_squeeze %dma_wait3A_135 : memref<1x128x16xf32, #tpu.memory_space<vmem>> -> memref<128x16xf32, #tpu.memory_space<vmem>>
        %dma_wait3A_137 = arith.constant 0 : i32
        %dma_wait3A_138 = tpu.memref_slice %arg9[%dma_wait3A_131, %dma_wait3A_137] : memref<79x128xi32, #tpu.memory_space<vmem>> -> memref<1x128xi32, #tpu.memory_space<vmem>>
        %dma_wait3A_139 = tpu.memref_squeeze %dma_wait3A_138 : memref<1x128xi32, #tpu.memory_space<vmem>> -> memref<128xi32, #tpu.memory_space<vmem>>
        %dma_wait3A_140 = arith.constant 0 : i32
        %dma_wait3A_141 = arith.constant 0 : i32
        %dma_wait3A_142 = tpu.memref_slice %arg4[%dma_wait3A_140, %dma_wait3A_141] : memref<10000x16xf32, #tpu.memory_space<hbm>> -> memref<10000x16xf32, #tpu.memory_space<hbm>>
        tpu.wait_indirect_dma semaphore(%arg18 : memref<!tpu.dma_semaphore, #tpu.memory_space<semaphore_mem>>) src(%dma_wait3A_142 : memref<10000x16xf32, #tpu.memory_space<hbm>>) dst(%dma_wait3A_136 : memref<128x16xf32, #tpu.memory_space<vmem>>)
        %dma_wait3A_143 = arith.constant 0 : i32
        %dma_wait3A_144 = arith.constant 1 : i32
        %dma_wait3A_145 = arith.constant 0 : i32
        %dma_wait3A_146 = arith.constant 0 : i32
        %dma_wait3A_147 = tpu.memref_slice %arg12[%dma_wait3A_144, %dma_wait3A_145, %dma_wait3A_146] : memref<2x128x16xf32, #tpu.memory_space<vmem>> -> memref<1x128x16xf32, #tpu.memory_space<vmem>>
        %dma_wait3A_148 = tpu.memref_squeeze %dma_wait3A_147 : memref<1x128x16xf32, #tpu.memory_space<vmem>> -> memref<128x16xf32, #tpu.memory_space<vmem>>
        %dma_wait3A_149 = arith.constant 0 : i32
        %dma_wait3A_150 = tpu.memref_slice %arg10[%dma_wait3A_143, %dma_wait3A_149] : memref<79x128xi32, #tpu.memory_space<vmem>> -> memref<1x128xi32, #tpu.memory_space<vmem>>
        %dma_wait3A_151 = tpu.memref_squeeze %dma_wait3A_150 : memref<1x128xi32, #tpu.memory_space<vmem>> -> memref<128xi32, #tpu.memory_space<vmem>>
        %dma_wait3A_152 = arith.constant 0 : i32
        %dma_wait3A_153 = arith.constant 0 : i32
        %dma_wait3A_154 = tpu.memref_slice %arg5[%dma_wait3A_152, %dma_wait3A_153] : memref<10000x16xf32, #tpu.memory_space<hbm>> -> memref<10000x16xf32, #tpu.memory_space<hbm>>
        tpu.wait_indirect_dma semaphore(%arg18 : memref<!tpu.dma_semaphore, #tpu.memory_space<semaphore_mem>>) src(%dma_wait3A_154 : memref<10000x16xf32, #tpu.memory_space<hbm>>) dst(%dma_wait3A_148 : memref<128x16xf32, #tpu.memory_space<vmem>>)
        %dma_wait3A_155 = arith.constant 1 : i32
        %dma_wait3A_156 = arith.constant 0 : i32
        %dma_wait3A_157 = tpu.memref_slice %arg13[%dma_wait3A_155, %dma_wait3A_156] : memref<2x2048xf32, #tpu.memory_space<vmem>> -> memref<1x2048xf32, #tpu.memory_space<vmem>>
        %dma_wait3A_158 = tpu.memref_squeeze %dma_wait3A_157 : memref<1x2048xf32, #tpu.memory_space<vmem>> -> memref<2048xf32, #tpu.memory_space<vmem>>
        %dma_wait3A_159 = arith.constant 0 : i32
        %dma_wait3A_160 = tpu.memref_slice %arg6[%dma_wait3A_159] : memref<5120000xf32, #tpu.memory_space<hbm>> -> memref<2048xf32, #tpu.memory_space<hbm>>
        %dma_wait3A_161 = arith.constant 0 : i32
        %dma_wait3A_162 = tpu.memref_slice %arg13[%dma_wait3A_155, %dma_wait3A_161] : memref<2x2048xf32, #tpu.memory_space<vmem>> -> memref<1x2048xf32, #tpu.memory_space<vmem>>
        %dma_wait3A_163 = tpu.memref_squeeze %dma_wait3A_162 : memref<1x2048xf32, #tpu.memory_space<vmem>> -> memref<2048xf32, #tpu.memory_space<vmem>>
        %dma_wait3A_164 = arith.constant 0 : i32
        %dma_wait3A_165 = tpu.memref_slice %arg6[%dma_wait3A_164] : memref<5120000xf32, #tpu.memory_space<hbm>> -> memref<2048xf32, #tpu.memory_space<hbm>>
        tpu.wait_dma2 semaphore(%arg18 : memref<!tpu.dma_semaphore, #tpu.memory_space<semaphore_mem>>) src(%dma_wait3A_165 : memref<2048xf32, #tpu.memory_space<hbm>>) dst(%dma_wait3A_163 : memref<2048xf32, #tpu.memory_space<vmem>>)
        %ge3A = arith.constant 1 : i32
        %ge3A_166 = arith.cmpi sge, %scan3A_110, %ge3A : i32
        %convert_element_type3A_167 = arith.extui %ge3A_166 : i1 to i32
        %cond3A_168 = arith.constant 0 : i32
        %cond3A_169 = arith.cmpi ne, %convert_element_type3A_167, %cond3A_168 : i32
        scf.if %cond3A_169 {
          %dma_wait3A_193 = arith.constant 1 : i32
          %dma_wait3A_194 = arith.constant 0 : i32
          %dma_wait3A_195 = arith.constant 0 : i32
          %dma_wait3A_196 = tpu.memref_slice %arg14[%dma_wait3A_193, %dma_wait3A_194, %dma_wait3A_195] : memref<2x128x16xf32, #tpu.memory_space<vmem>> -> memref<1x128x16xf32, #tpu.memory_space<vmem>>
          %dma_wait3A_197 = tpu.memref_squeeze %dma_wait3A_196 : memref<1x128x16xf32, #tpu.memory_space<vmem>> -> memref<128x16xf32, #tpu.memory_space<vmem>>
          %dma_wait3A_198 = arith.constant 0 : i32
          %dma_wait3A_199 = arith.constant 0 : i32
          %dma_wait3A_200 = tpu.memref_slice %arg7[%dma_wait3A_198, %dma_wait3A_199] : memref<320000x16xf32, #tpu.memory_space<hbm>> -> memref<128x16xf32, #tpu.memory_space<hbm>>
          %dma_wait3A_201 = arith.constant 0 : i32
          %dma_wait3A_202 = arith.constant 0 : i32
          %dma_wait3A_203 = tpu.memref_slice %arg7[%dma_wait3A_201, %dma_wait3A_202] : memref<320000x16xf32, #tpu.memory_space<hbm>> -> memref<128x16xf32, #tpu.memory_space<hbm>>
          %dma_wait3A_204 = arith.constant 0 : i32
          %dma_wait3A_205 = arith.constant 0 : i32
          %dma_wait3A_206 = tpu.memref_slice %arg14[%dma_wait3A_193, %dma_wait3A_204, %dma_wait3A_205] : memref<2x128x16xf32, #tpu.memory_space<vmem>> -> memref<1x128x16xf32, #tpu.memory_space<vmem>>
          %dma_wait3A_207 = tpu.memref_squeeze %dma_wait3A_206 : memref<1x128x16xf32, #tpu.memory_space<vmem>> -> memref<128x16xf32, #tpu.memory_space<vmem>>
          tpu.wait_dma2 semaphore(%arg20 : memref<!tpu.dma_semaphore, #tpu.memory_space<semaphore_mem>>) src(%dma_wait3A_207 : memref<128x16xf32, #tpu.memory_space<vmem>>) dst(%dma_wait3A_203 : memref<128x16xf32, #tpu.memory_space<hbm>>)
        } else {
        }
        %scan3A_170 = arith.constant 0 : i32
        %scan3A_171 = arith.constant 0 : i32
        %scan3A_172 = arith.constant 128 : i32
        %scan3A_173 = arith.addi %scan3A_171, %scan3A_172 : i32
        %scan3A_174 = arith.constant 16 : i32
        %scan3A_175 = scf.for %scan3A_193 = %scan3A_171 to %scan3A_173 step %scan3A_174 iter_args(%scan3A_194 = %scan3A_170) -> (i32)  : i32 {
          %get3A = arith.constant 1 : i32
          %get3A_195 = arith.index_cast %get3A : i32 to index
          %get3A_196 = arith.index_cast %scan3A_193 : i32 to index
          %get3A_197 = arith.constant 0 : index
          %get3A_198 = tpu.vector_load %arg11[%get3A_195, %get3A_196, %get3A_197] {strides = array<i32>} : memref<2x128x16xf32, #tpu.memory_space<vmem>>, vector<16xf32>,
          %get3A_199 = arith.constant 1 : i32
          %get3A_200 = arith.index_cast %get3A_199 : i32 to index
          %get3A_201 = arith.index_cast %scan3A_193 : i32 to index
          %get3A_202 = arith.constant 0 : index
          %get3A_203 = tpu.vector_load %arg12[%get3A_200, %get3A_201, %get3A_202] {strides = array<i32>} : memref<2x128x16xf32, #tpu.memory_space<vmem>>, vector<16xf32>,
          %add3A_204 = arith.addf %get3A_198, %get3A_203 : vector<16xf32>
          %gt3A = arith.constant 0.000000e+00 : f32
          %gt3A_205 = vector.broadcast %gt3A : f32 to vector<16xf32>
          %gt3A_206 = arith.cmpf ogt, %add3A_204, %gt3A_205 : vector<16xf32>
          %mul3A_207 = arith.constant 2.000000e-01 : f32
          %mul3A_208 = vector.broadcast %mul3A_207 : f32 to vector<16xf32>
          %mul3A_209 = arith.mulf %mul3A_208, %add3A_204 : vector<16xf32>
          %select_n3A_210 = arith.select %gt3A_206, %add3A_204, %mul3A_209 : vector<16xi1>, vector<16xf32>
          %mul3A_211 = arith.constant 16 : i32
          %mul3A_212 = arith.muli %scan3A_193, %mul3A_211 : i32
          %get3A_213 = arith.constant 1 : i32
          %get3A_214 = arith.index_cast %get3A_213 : i32 to index
          %get3A_215 = arith.index_cast %mul3A_212 : i32 to index
          %get3A_216 = tpu.vector_load %arg13[%get3A_214, %get3A_215] {strides = array<i32>} : memref<2x2048xf32, #tpu.memory_space<vmem>>, vector<16xf32>,
          %mul3A_217 = arith.mulf %select_n3A_210, %get3A_216 : vector<16xf32>
          %exp3A = math.exp %mul3A_217 : vector<16xf32>
          %swap3A = arith.constant 1 : i32
          %swap3A_218 = arith.index_cast %swap3A : i32 to index
          %swap3A_219 = arith.index_cast %scan3A_193 : i32 to index
          %swap3A_220 = arith.constant 0 : index
          %swap3A_221 = tpu.vector_load %arg14[%swap3A_218, %swap3A_219, %swap3A_220] {strides = array<i32>} : memref<2x128x16xf32, #tpu.memory_space<vmem>>, vector<16xf32>,
          tpu.vector_store %arg14[%swap3A_218, %swap3A_219, %swap3A_220], %exp3A {strides = array<i32>} : memref<2x128x16xf32, #tpu.memory_space<vmem>>, vector<16xf32>,
          %scan3A_222 = arith.constant 0 : i32
          %scan3A_223 = arith.constant 1 : i32
          %scan3A_224 = arith.addi %scan3A_193, %scan3A_223 : i32
          %get3A_225 = arith.constant 1 : i32
          %get3A_226 = arith.index_cast %get3A_225 : i32 to index
          %get3A_227 = arith.index_cast %scan3A_224 : i32 to index
          %get3A_228 = arith.constant 0 : index
          %get3A_229 = tpu.vector_load %arg11[%get3A_226, %get3A_227, %get3A_228] {strides = array<i32>} : memref<2x128x16xf32, #tpu.memory_space<vmem>>, vector<16xf32>,
          %get3A_230 = arith.constant 1 : i32
          %get3A_231 = arith.index_cast %get3A_230 : i32 to index
          %get3A_232 = arith.index_cast %scan3A_224 : i32 to index
          %get3A_233 = arith.constant 0 : index
          %get3A_234 = tpu.vector_load %arg12[%get3A_231, %get3A_232, %get3A_233] {strides = array<i32>} : memref<2x128x16xf32, #tpu.memory_space<vmem>>, vector<16xf32>,
          %add3A_235 = arith.addf %get3A_229, %get3A_234 : vector<16xf32>
          %gt3A_236 = arith.constant 0.000000e+00 : f32
          %gt3A_237 = vector.broadcast %gt3A_236 : f32 to vector<16xf32>
          %gt3A_238 = arith.cmpf ogt, %add3A_235, %gt3A_237 : vector<16xf32>
          %mul3A_239 = arith.constant 2.000000e-01 : f32
          %mul3A_240 = vector.broadcast %mul3A_239 : f32 to vector<16xf32>
          %mul3A_241 = arith.mulf %mul3A_240, %add3A_235 : vector<16xf32>
          %select_n3A_242 = arith.select %gt3A_238, %add3A_235, %mul3A_241 : vector<16xi1>, vector<16xf32>
          %mul3A_243 = arith.constant 16 : i32
          %mul3A_244 = arith.muli %scan3A_224, %mul3A_243 : i32
          %get3A_245 = arith.constant 1 : i32
          %get3A_246 = arith.index_cast %get3A_245 : i32 to index
          %get3A_247 = arith.index_cast %mul3A_244 : i32 to index
          %get3A_248 = tpu.vector_load %arg13[%get3A_246, %get3A_247] {strides = array<i32>} : memref<2x2048xf32, #tpu.memory_space<vmem>>, vector<16xf32>,
          %mul3A_249 = arith.mulf %select_n3A_242, %get3A_248 : vector<16xf32>
          %exp3A_250 = math.exp %mul3A_249 : vector<16xf32>
          %swap3A_251 = arith.constant 1 : i32
          %swap3A_252 = arith.index_cast %swap3A_251 : i32 to index
          %swap3A_253 = arith.index_cast %scan3A_224 : i32 to index
          %swap3A_254 = arith.constant 0 : index
          %swap3A_255 = tpu.vector_load %arg14[%swap3A_252, %swap3A_253, %swap3A_254] {strides = array<i32>} : memref<2x128x16xf32, #tpu.memory_space<vmem>>, vector<16xf32>,
          tpu.vector_store %arg14[%swap3A_252, %swap3A_253, %swap3A_254], %exp3A_250 {strides = array<i32>} : memref<2x128x16xf32, #tpu.memory_space<vmem>>, vector<16xf32>,
          %scan3A_256 = arith.constant 0 : i32
          %scan3A_257 = arith.constant 2 : i32
          %scan3A_258 = arith.addi %scan3A_193, %scan3A_257 : i32
          %get3A_259 = arith.constant 1 : i32
          %get3A_260 = arith.index_cast %get3A_259 : i32 to index
          %get3A_261 = arith.index_cast %scan3A_258 : i32 to index
          %get3A_262 = arith.constant 0 : index
          %get3A_263 = tpu.vector_load %arg11[%get3A_260, %get3A_261, %get3A_262] {strides = array<i32>} : memref<2x128x16xf32, #tpu.memory_space<vmem>>, vector<16xf32>,
          %get3A_264 = arith.constant 1 : i32
          %get3A_265 = arith.index_cast %get3A_264 : i32 to index
          %get3A_266 = arith.index_cast %scan3A_258 : i32 to index
          %get3A_267 = arith.constant 0 : index
          %get3A_268 = tpu.vector_load %arg12[%get3A_265, %get3A_266, %get3A_267] {strides = array<i32>} : memref<2x128x16xf32, #tpu.memory_space<vmem>>, vector<16xf32>,
          %add3A_269 = arith.addf %get3A_263, %get3A_268 : vector<16xf32>
          %gt3A_270 = arith.constant 0.000000e+00 : f32
          %gt3A_271 = vector.broadcast %gt3A_270 : f32 to vector<16xf32>
          %gt3A_272 = arith.cmpf ogt, %add3A_269, %gt3A_271 : vector<16xf32>
          %mul3A_273 = arith.constant 2.000000e-01 : f32
          %mul3A_274 = vector.broadcast %mul3A_273 : f32 to vector<16xf32>
          %mul3A_275 = arith.mulf %mul3A_274, %add3A_269 : vector<16xf32>
          %select_n3A_276 = arith.select %gt3A_272, %add3A_269, %mul3A_275 : vector<16xi1>, vector<16xf32>
          %mul3A_277 = arith.constant 16 : i32
          %mul3A_278 = arith.muli %scan3A_258, %mul3A_277 : i32
          %get3A_279 = arith.constant 1 : i32
          %get3A_280 = arith.index_cast %get3A_279 : i32 to index
          %get3A_281 = arith.index_cast %mul3A_278 : i32 to index
          %get3A_282 = tpu.vector_load %arg13[%get3A_280, %get3A_281] {strides = array<i32>} : memref<2x2048xf32, #tpu.memory_space<vmem>>, vector<16xf32>,
          %mul3A_283 = arith.mulf %select_n3A_276, %get3A_282 : vector<16xf32>
          %exp3A_284 = math.exp %mul3A_283 : vector<16xf32>
          %swap3A_285 = arith.constant 1 : i32
          %swap3A_286 = arith.index_cast %swap3A_285 : i32 to index
          %swap3A_287 = arith.index_cast %scan3A_258 : i32 to index
          %swap3A_288 = arith.constant 0 : index
          %swap3A_289 = tpu.vector_load %arg14[%swap3A_286, %swap3A_287, %swap3A_288] {strides = array<i32>} : memref<2x128x16xf32, #tpu.memory_space<vmem>>, vector<16xf32>,
          tpu.vector_store %arg14[%swap3A_286, %swap3A_287, %swap3A_288], %exp3A_284 {strides = array<i32>} : memref<2x128x16xf32, #tpu.memory_space<vmem>>, vector<16xf32>,
          %scan3A_290 = arith.constant 0 : i32
          %scan3A_291 = arith.constant 3 : i32
          %scan3A_292 = arith.addi %scan3A_193, %scan3A_291 : i32
          %get3A_293 = arith.constant 1 : i32
          %get3A_294 = arith.index_cast %get3A_293 : i32 to index
          %get3A_295 = arith.index_cast %scan3A_292 : i32 to index
          %get3A_296 = arith.constant 0 : index
          %get3A_297 = tpu.vector_load %arg11[%get3A_294, %get3A_295, %get3A_296] {strides = array<i32>} : memref<2x128x16xf32, #tpu.memory_space<vmem>>, vector<16xf32>,
          %get3A_298 = arith.constant 1 : i32
          %get3A_299 = arith.index_cast %get3A_298 : i32 to index
          %get3A_300 = arith.index_cast %scan3A_292 : i32 to index
          %get3A_301 = arith.constant 0 : index
          %get3A_302 = tpu.vector_load %arg12[%get3A_299, %get3A_300, %get3A_301] {strides = array<i32>} : memref<2x128x16xf32, #tpu.memory_space<vmem>>, vector<16xf32>,
          %add3A_303 = arith.addf %get3A_297, %get3A_302 : vector<16xf32>
          %gt3A_304 = arith.constant 0.000000e+00 : f32
          %gt3A_305 = vector.broadcast %gt3A_304 : f32 to vector<16xf32>
          %gt3A_306 = arith.cmpf ogt, %add3A_303, %gt3A_305 : vector<16xf32>
          %mul3A_307 = arith.constant 2.000000e-01 : f32
          %mul3A_308 = vector.broadcast %mul3A_307 : f32 to vector<16xf32>
          %mul3A_309 = arith.mulf %mul3A_308, %add3A_303 : vector<16xf32>
          %select_n3A_310 = arith.select %gt3A_306, %add3A_303, %mul3A_309 : vector<16xi1>, vector<16xf32>
          %mul3A_311 = arith.constant 16 : i32
          %mul3A_312 = arith.muli %scan3A_292, %mul3A_311 : i32
          %get3A_313 = arith.constant 1 : i32
          %get3A_314 = arith.index_cast %get3A_313 : i32 to index
          %get3A_315 = arith.index_cast %mul3A_312 : i32 to index
          %get3A_316 = tpu.vector_load %arg13[%get3A_314, %get3A_315] {strides = array<i32>} : memref<2x2048xf32, #tpu.memory_space<vmem>>, vector<16xf32>,
          %mul3A_317 = arith.mulf %select_n3A_310, %get3A_316 : vector<16xf32>
          %exp3A_318 = math.exp %mul3A_317 : vector<16xf32>
          %swap3A_319 = arith.constant 1 : i32
          %swap3A_320 = arith.index_cast %swap3A_319 : i32 to index
          %swap3A_321 = arith.index_cast %scan3A_292 : i32 to index
          %swap3A_322 = arith.constant 0 : index
          %swap3A_323 = tpu.vector_load %arg14[%swap3A_320, %swap3A_321, %swap3A_322] {strides = array<i32>} : memref<2x128x16xf32, #tpu.memory_space<vmem>>, vector<16xf32>,
          tpu.vector_store %arg14[%swap3A_320, %swap3A_321, %swap3A_322], %exp3A_318 {strides = array<i32>} : memref<2x128x16xf32, #tpu.memory_space<vmem>>, vector<16xf32>,
          %scan3A_324 = arith.constant 0 : i32
          %scan3A_325 = arith.constant 4 : i32
          %scan3A_326 = arith.addi %scan3A_193, %scan3A_325 : i32
          %get3A_327 = arith.constant 1 : i32
          %get3A_328 = arith.index_cast %get3A_327 : i32 to index
          %get3A_329 = arith.index_cast %scan3A_326 : i32 to index
          %get3A_330 = arith.constant 0 : index
          %get3A_331 = tpu.vector_load %arg11[%get3A_328, %get3A_329, %get3A_330] {strides = array<i32>} : memref<2x128x16xf32, #tpu.memory_space<vmem>>, vector<16xf32>,
          %get3A_332 = arith.constant 1 : i32
          %get3A_333 = arith.index_cast %get3A_332 : i32 to index
          %get3A_334 = arith.index_cast %scan3A_326 : i32 to index
          %get3A_335 = arith.constant 0 : index
          %get3A_336 = tpu.vector_load %arg12[%get3A_333, %get3A_334, %get3A_335] {strides = array<i32>} : memref<2x128x16xf32, #tpu.memory_space<vmem>>, vector<16xf32>,
          %add3A_337 = arith.addf %get3A_331, %get3A_336 : vector<16xf32>
          %gt3A_338 = arith.constant 0.000000e+00 : f32
          %gt3A_339 = vector.broadcast %gt3A_338 : f32 to vector<16xf32>
          %gt3A_340 = arith.cmpf ogt, %add3A_337, %gt3A_339 : vector<16xf32>
          %mul3A_341 = arith.constant 2.000000e-01 : f32
          %mul3A_342 = vector.broadcast %mul3A_341 : f32 to vector<16xf32>
          %mul3A_343 = arith.mulf %mul3A_342, %add3A_337 : vector<16xf32>
          %select_n3A_344 = arith.select %gt3A_340, %add3A_337, %mul3A_343 : vector<16xi1>, vector<16xf32>
          %mul3A_345 = arith.constant 16 : i32
          %mul3A_346 = arith.muli %scan3A_326, %mul3A_345 : i32
          %get3A_347 = arith.constant 1 : i32
          %get3A_348 = arith.index_cast %get3A_347 : i32 to index
          %get3A_349 = arith.index_cast %mul3A_346 : i32 to index
          %get3A_350 = tpu.vector_load %arg13[%get3A_348, %get3A_349] {strides = array<i32>} : memref<2x2048xf32, #tpu.memory_space<vmem>>, vector<16xf32>,
          %mul3A_351 = arith.mulf %select_n3A_344, %get3A_350 : vector<16xf32>
          %exp3A_352 = math.exp %mul3A_351 : vector<16xf32>
          %swap3A_353 = arith.constant 1 : i32
          %swap3A_354 = arith.index_cast %swap3A_353 : i32 to index
          %swap3A_355 = arith.index_cast %scan3A_326 : i32 to index
          %swap3A_356 = arith.constant 0 : index
          %swap3A_357 = tpu.vector_load %arg14[%swap3A_354, %swap3A_355, %swap3A_356] {strides = array<i32>} : memref<2x128x16xf32, #tpu.memory_space<vmem>>, vector<16xf32>,
          tpu.vector_store %arg14[%swap3A_354, %swap3A_355, %swap3A_356], %exp3A_352 {strides = array<i32>} : memref<2x128x16xf32, #tpu.memory_space<vmem>>, vector<16xf32>,
          %scan3A_358 = arith.constant 0 : i32
          %scan3A_359 = arith.constant 5 : i32
          %scan3A_360 = arith.addi %scan3A_193, %scan3A_359 : i32
          %get3A_361 = arith.constant 1 : i32
          %get3A_362 = arith.index_cast %get3A_361 : i32 to index
          %get3A_363 = arith.index_cast %scan3A_360 : i32 to index
          %get3A_364 = arith.constant 0 : index
          %get3A_365 = tpu.vector_load %arg11[%get3A_362, %get3A_363, %get3A_364] {strides = array<i32>} : memref<2x128x16xf32, #tpu.memory_space<vmem>>, vector<16xf32>,
          %get3A_366 = arith.constant 1 : i32
          %get3A_367 = arith.index_cast %get3A_366 : i32 to index
          %get3A_368 = arith.index_cast %scan3A_360 : i32 to index
          %get3A_369 = arith.constant 0 : index
          %get3A_370 = tpu.vector_load %arg12[%get3A_367, %get3A_368, %get3A_369] {strides = array<i32>} : memref<2x128x16xf32, #tpu.memory_space<vmem>>, vector<16xf32>,
          %add3A_371 = arith.addf %get3A_365, %get3A_370 : vector<16xf32>
          %gt3A_372 = arith.constant 0.000000e+00 : f32
          %gt3A_373 = vector.broadcast %gt3A_372 : f32 to vector<16xf32>
          %gt3A_374 = arith.cmpf ogt, %add3A_371, %gt3A_373 : vector<16xf32>
          %mul3A_375 = arith.constant 2.000000e-01 : f32
          %mul3A_376 = vector.broadcast %mul3A_375 : f32 to vector<16xf32>
          %mul3A_377 = arith.mulf %mul3A_376, %add3A_371 : vector<16xf32>
          %select_n3A_378 = arith.select %gt3A_374, %add3A_371, %mul3A_377 : vector<16xi1>, vector<16xf32>
          %mul3A_379 = arith.constant 16 : i32
          %mul3A_380 = arith.muli %scan3A_360, %mul3A_379 : i32
          %get3A_381 = arith.constant 1 : i32
          %get3A_382 = arith.index_cast %get3A_381 : i32 to index
          %get3A_383 = arith.index_cast %mul3A_380 : i32 to index
          %get3A_384 = tpu.vector_load %arg13[%get3A_382, %get3A_383] {strides = array<i32>} : memref<2x2048xf32, #tpu.memory_space<vmem>>, vector<16xf32>,
          %mul3A_385 = arith.mulf %select_n3A_378, %get3A_384 : vector<16xf32>
          %exp3A_386 = math.exp %mul3A_385 : vector<16xf32>
          %swap3A_387 = arith.constant 1 : i32
          %swap3A_388 = arith.index_cast %swap3A_387 : i32 to index
          %swap3A_389 = arith.index_cast %scan3A_360 : i32 to index
          %swap3A_390 = arith.constant 0 : index
          %swap3A_391 = tpu.vector_load %arg14[%swap3A_388, %swap3A_389, %swap3A_390] {strides = array<i32>} : memref<2x128x16xf32, #tpu.memory_space<vmem>>, vector<16xf32>,
          tpu.vector_store %arg14[%swap3A_388, %swap3A_389, %swap3A_390], %exp3A_386 {strides = array<i32>} : memref<2x128x16xf32, #tpu.memory_space<vmem>>, vector<16xf32>,
          %scan3A_392 = arith.constant 0 : i32
          %scan3A_393 = arith.constant 6 : i32
          %scan3A_394 = arith.addi %scan3A_193, %scan3A_393 : i32
          %get3A_395 = arith.constant 1 : i32
          %get3A_396 = arith.index_cast %get3A_395 : i32 to index
          %get3A_397 = arith.index_cast %scan3A_394 : i32 to index
          %get3A_398 = arith.constant 0 : index
          %get3A_399 = tpu.vector_load %arg11[%get3A_396, %get3A_397, %get3A_398] {strides = array<i32>} : memref<2x128x16xf32, #tpu.memory_space<vmem>>, vector<16xf32>,
          %get3A_400 = arith.constant 1 : i32
          %get3A_401 = arith.index_cast %get3A_400 : i32 to index
          %get3A_402 = arith.index_cast %scan3A_394 : i32 to index
          %get3A_403 = arith.constant 0 : index
          %get3A_404 = tpu.vector_load %arg12[%get3A_401, %get3A_402, %get3A_403] {strides = array<i32>} : memref<2x128x16xf32, #tpu.memory_space<vmem>>, vector<16xf32>,
          %add3A_405 = arith.addf %get3A_399, %get3A_404 : vector<16xf32>
          %gt3A_406 = arith.constant 0.000000e+00 : f32
          %gt3A_407 = vector.broadcast %gt3A_406 : f32 to vector<16xf32>
          %gt3A_408 = arith.cmpf ogt, %add3A_405, %gt3A_407 : vector<16xf32>
          %mul3A_409 = arith.constant 2.000000e-01 : f32
          %mul3A_410 = vector.broadcast %mul3A_409 : f32 to vector<16xf32>
          %mul3A_411 = arith.mulf %mul3A_410, %add3A_405 : vector<16xf32>
          %select_n3A_412 = arith.select %gt3A_408, %add3A_405, %mul3A_411 : vector<16xi1>, vector<16xf32>
          %mul3A_413 = arith.constant 16 : i32
          %mul3A_414 = arith.muli %scan3A_394, %mul3A_413 : i32
          %get3A_415 = arith.constant 1 : i32
          %get3A_416 = arith.index_cast %get3A_415 : i32 to index
          %get3A_417 = arith.index_cast %mul3A_414 : i32 to index
          %get3A_418 = tpu.vector_load %arg13[%get3A_416, %get3A_417] {strides = array<i32>} : memref<2x2048xf32, #tpu.memory_space<vmem>>, vector<16xf32>,
          %mul3A_419 = arith.mulf %select_n3A_412, %get3A_418 : vector<16xf32>
          %exp3A_420 = math.exp %mul3A_419 : vector<16xf32>
          %swap3A_421 = arith.constant 1 : i32
          %swap3A_422 = arith.index_cast %swap3A_421 : i32 to index
          %swap3A_423 = arith.index_cast %scan3A_394 : i32 to index
          %swap3A_424 = arith.constant 0 : index
          %swap3A_425 = tpu.vector_load %arg14[%swap3A_422, %swap3A_423, %swap3A_424] {strides = array<i32>} : memref<2x128x16xf32, #tpu.memory_space<vmem>>, vector<16xf32>,
          tpu.vector_store %arg14[%swap3A_422, %swap3A_423, %swap3A_424], %exp3A_420 {strides = array<i32>} : memref<2x128x16xf32, #tpu.memory_space<vmem>>, vector<16xf32>,
          %scan3A_426 = arith.constant 0 : i32
          %scan3A_427 = arith.constant 7 : i32
          %scan3A_428 = arith.addi %scan3A_193, %scan3A_427 : i32
          %get3A_429 = arith.constant 1 : i32
          %get3A_430 = arith.index_cast %get3A_429 : i32 to index
          %get3A_431 = arith.index_cast %scan3A_428 : i32 to index
          %get3A_432 = arith.constant 0 : index
          %get3A_433 = tpu.vector_load %arg11[%get3A_430, %get3A_431, %get3A_432] {strides = array<i32>} : memref<2x128x16xf32, #tpu.memory_space<vmem>>, vector<16xf32>,
          %get3A_434 = arith.constant 1 : i32
          %get3A_435 = arith.index_cast %get3A_434 : i32 to index
          %get3A_436 = arith.index_cast %scan3A_428 : i32 to index
          %get3A_437 = arith.constant 0 : index
          %get3A_438 = tpu.vector_load %arg12[%get3A_435, %get3A_436, %get3A_437] {strides = array<i32>} : memref<2x128x16xf32, #tpu.memory_space<vmem>>, vector<16xf32>,
          %add3A_439 = arith.addf %get3A_433, %get3A_438 : vector<16xf32>
          %gt3A_440 = arith.constant 0.000000e+00 : f32
          %gt3A_441 = vector.broadcast %gt3A_440 : f32 to vector<16xf32>
          %gt3A_442 = arith.cmpf ogt, %add3A_439, %gt3A_441 : vector<16xf32>
          %mul3A_443 = arith.constant 2.000000e-01 : f32
          %mul3A_444 = vector.broadcast %mul3A_443 : f32 to vector<16xf32>
          %mul3A_445 = arith.mulf %mul3A_444, %add3A_439 : vector<16xf32>
          %select_n3A_446 = arith.select %gt3A_442, %add3A_439, %mul3A_445 : vector<16xi1>, vector<16xf32>
          %mul3A_447 = arith.constant 16 : i32
          %mul3A_448 = arith.muli %scan3A_428, %mul3A_447 : i32
          %get3A_449 = arith.constant 1 : i32
          %get3A_450 = arith.index_cast %get3A_449 : i32 to index
          %get3A_451 = arith.index_cast %mul3A_448 : i32 to index
          %get3A_452 = tpu.vector_load %arg13[%get3A_450, %get3A_451] {strides = array<i32>} : memref<2x2048xf32, #tpu.memory_space<vmem>>, vector<16xf32>,
          %mul3A_453 = arith.mulf %select_n3A_446, %get3A_452 : vector<16xf32>
          %exp3A_454 = math.exp %mul3A_453 : vector<16xf32>
          %swap3A_455 = arith.constant 1 : i32
          %swap3A_456 = arith.index_cast %swap3A_455 : i32 to index
          %swap3A_457 = arith.index_cast %scan3A_428 : i32 to index
          %swap3A_458 = arith.constant 0 : index
          %swap3A_459 = tpu.vector_load %arg14[%swap3A_456, %swap3A_457, %swap3A_458] {strides = array<i32>} : memref<2x128x16xf32, #tpu.memory_space<vmem>>, vector<16xf32>,
          tpu.vector_store %arg14[%swap3A_456, %swap3A_457, %swap3A_458], %exp3A_454 {strides = array<i32>} : memref<2x128x16xf32, #tpu.memory_space<vmem>>, vector<16xf32>,
          %scan3A_460 = arith.constant 0 : i32
          %scan3A_461 = arith.constant 8 : i32
          %scan3A_462 = arith.addi %scan3A_193, %scan3A_461 : i32
          %get3A_463 = arith.constant 1 : i32
          %get3A_464 = arith.index_cast %get3A_463 : i32 to index
          %get3A_465 = arith.index_cast %scan3A_462 : i32 to index
          %get3A_466 = arith.constant 0 : index
          %get3A_467 = tpu.vector_load %arg11[%get3A_464, %get3A_465, %get3A_466] {strides = array<i32>} : memref<2x128x16xf32, #tpu.memory_space<vmem>>, vector<16xf32>,
          %get3A_468 = arith.constant 1 : i32
          %get3A_469 = arith.index_cast %get3A_468 : i32 to index
          %get3A_470 = arith.index_cast %scan3A_462 : i32 to index
          %get3A_471 = arith.constant 0 : index
          %get3A_472 = tpu.vector_load %arg12[%get3A_469, %get3A_470, %get3A_471] {strides = array<i32>} : memref<2x128x16xf32, #tpu.memory_space<vmem>>, vector<16xf32>,
          %add3A_473 = arith.addf %get3A_467, %get3A_472 : vector<16xf32>
          %gt3A_474 = arith.constant 0.000000e+00 : f32
          %gt3A_475 = vector.broadcast %gt3A_474 : f32 to vector<16xf32>
          %gt3A_476 = arith.cmpf ogt, %add3A_473, %gt3A_475 : vector<16xf32>
          %mul3A_477 = arith.constant 2.000000e-01 : f32
          %mul3A_478 = vector.broadcast %mul3A_477 : f32 to vector<16xf32>
          %mul3A_479 = arith.mulf %mul3A_478, %add3A_473 : vector<16xf32>
          %select_n3A_480 = arith.select %gt3A_476, %add3A_473, %mul3A_479 : vector<16xi1>, vector<16xf32>
          %mul3A_481 = arith.constant 16 : i32
          %mul3A_482 = arith.muli %scan3A_462, %mul3A_481 : i32
          %get3A_483 = arith.constant 1 : i32
          %get3A_484 = arith.index_cast %get3A_483 : i32 to index
          %get3A_485 = arith.index_cast %mul3A_482 : i32 to index
          %get3A_486 = tpu.vector_load %arg13[%get3A_484, %get3A_485] {strides = array<i32>} : memref<2x2048xf32, #tpu.memory_space<vmem>>, vector<16xf32>,
          %mul3A_487 = arith.mulf %select_n3A_480, %get3A_486 : vector<16xf32>
          %exp3A_488 = math.exp %mul3A_487 : vector<16xf32>
          %swap3A_489 = arith.constant 1 : i32
          %swap3A_490 = arith.index_cast %swap3A_489 : i32 to index
          %swap3A_491 = arith.index_cast %scan3A_462 : i32 to index
          %swap3A_492 = arith.constant 0 : index
          %swap3A_493 = tpu.vector_load %arg14[%swap3A_490, %swap3A_491, %swap3A_492] {strides = array<i32>} : memref<2x128x16xf32, #tpu.memory_space<vmem>>, vector<16xf32>,
          tpu.vector_store %arg14[%swap3A_490, %swap3A_491, %swap3A_492], %exp3A_488 {strides = array<i32>} : memref<2x128x16xf32, #tpu.memory_space<vmem>>, vector<16xf32>,
          %scan3A_494 = arith.constant 0 : i32
          %scan3A_495 = arith.constant 9 : i32
          %scan3A_496 = arith.addi %scan3A_193, %scan3A_495 : i32
          %get3A_497 = arith.constant 1 : i32
          %get3A_498 = arith.index_cast %get3A_497 : i32 to index
          %get3A_499 = arith.index_cast %scan3A_496 : i32 to index
          %get3A_500 = arith.constant 0 : index
          %get3A_501 = tpu.vector_load %arg11[%get3A_498, %get3A_499, %get3A_500] {strides = array<i32>} : memref<2x128x16xf32, #tpu.memory_space<vmem>>, vector<16xf32>,
          %get3A_502 = arith.constant 1 : i32
          %get3A_503 = arith.index_cast %get3A_502 : i32 to index
          %get3A_504 = arith.index_cast %scan3A_496 : i32 to index
          %get3A_505 = arith.constant 0 : index
          %get3A_506 = tpu.vector_load %arg12[%get3A_503, %get3A_504, %get3A_505] {strides = array<i32>} : memref<2x128x16xf32, #tpu.memory_space<vmem>>, vector<16xf32>,
          %add3A_507 = arith.addf %get3A_501, %get3A_506 : vector<16xf32>
          %gt3A_508 = arith.constant 0.000000e+00 : f32
          %gt3A_509 = vector.broadcast %gt3A_508 : f32 to vector<16xf32>
          %gt3A_510 = arith.cmpf ogt, %add3A_507, %gt3A_509 : vector<16xf32>
          %mul3A_511 = arith.constant 2.000000e-01 : f32
          %mul3A_512 = vector.broadcast %mul3A_511 : f32 to vector<16xf32>
          %mul3A_513 = arith.mulf %mul3A_512, %add3A_507 : vector<16xf32>
          %select_n3A_514 = arith.select %gt3A_510, %add3A_507, %mul3A_513 : vector<16xi1>, vector<16xf32>
          %mul3A_515 = arith.constant 16 : i32
          %mul3A_516 = arith.muli %scan3A_496, %mul3A_515 : i32
          %get3A_517 = arith.constant 1 : i32
          %get3A_518 = arith.index_cast %get3A_517 : i32 to index
          %get3A_519 = arith.index_cast %mul3A_516 : i32 to index
          %get3A_520 = tpu.vector_load %arg13[%get3A_518, %get3A_519] {strides = array<i32>} : memref<2x2048xf32, #tpu.memory_space<vmem>>, vector<16xf32>,
          %mul3A_521 = arith.mulf %select_n3A_514, %get3A_520 : vector<16xf32>
          %exp3A_522 = math.exp %mul3A_521 : vector<16xf32>
          %swap3A_523 = arith.constant 1 : i32
          %swap3A_524 = arith.index_cast %swap3A_523 : i32 to index
          %swap3A_525 = arith.index_cast %scan3A_496 : i32 to index
          %swap3A_526 = arith.constant 0 : index
          %swap3A_527 = tpu.vector_load %arg14[%swap3A_524, %swap3A_525, %swap3A_526] {strides = array<i32>} : memref<2x128x16xf32, #tpu.memory_space<vmem>>, vector<16xf32>,
          tpu.vector_store %arg14[%swap3A_524, %swap3A_525, %swap3A_526], %exp3A_522 {strides = array<i32>} : memref<2x128x16xf32, #tpu.memory_space<vmem>>, vector<16xf32>,
          %scan3A_528 = arith.constant 0 : i32
          %scan3A_529 = arith.constant 10 : i32
          %scan3A_530 = arith.addi %scan3A_193, %scan3A_529 : i32
          %get3A_531 = arith.constant 1 : i32
          %get3A_532 = arith.index_cast %get3A_531 : i32 to index
          %get3A_533 = arith.index_cast %scan3A_530 : i32 to index
          %get3A_534 = arith.constant 0 : index
          %get3A_535 = tpu.vector_load %arg11[%get3A_532, %get3A_533, %get3A_534] {strides = array<i32>} : memref<2x128x16xf32, #tpu.memory_space<vmem>>, vector<16xf32>,
          %get3A_536 = arith.constant 1 : i32
          %get3A_537 = arith.index_cast %get3A_536 : i32 to index
          %get3A_538 = arith.index_cast %scan3A_530 : i32 to index
          %get3A_539 = arith.constant 0 : index
          %get3A_540 = tpu.vector_load %arg12[%get3A_537, %get3A_538, %get3A_539] {strides = array<i32>} : memref<2x128x16xf32, #tpu.memory_space<vmem>>, vector<16xf32>,
          %add3A_541 = arith.addf %get3A_535, %get3A_540 : vector<16xf32>
          %gt3A_542 = arith.constant 0.000000e+00 : f32
          %gt3A_543 = vector.broadcast %gt3A_542 : f32 to vector<16xf32>
          %gt3A_544 = arith.cmpf ogt, %add3A_541, %gt3A_543 : vector<16xf32>
          %mul3A_545 = arith.constant 2.000000e-01 : f32
          %mul3A_546 = vector.broadcast %mul3A_545 : f32 to vector<16xf32>
          %mul3A_547 = arith.mulf %mul3A_546, %add3A_541 : vector<16xf32>
          %select_n3A_548 = arith.select %gt3A_544, %add3A_541, %mul3A_547 : vector<16xi1>, vector<16xf32>
          %mul3A_549 = arith.constant 16 : i32
          %mul3A_550 = arith.muli %scan3A_530, %mul3A_549 : i32
          %get3A_551 = arith.constant 1 : i32
          %get3A_552 = arith.index_cast %get3A_551 : i32 to index
          %get3A_553 = arith.index_cast %mul3A_550 : i32 to index
          %get3A_554 = tpu.vector_load %arg13[%get3A_552, %get3A_553] {strides = array<i32>} : memref<2x2048xf32, #tpu.memory_space<vmem>>, vector<16xf32>,
          %mul3A_555 = arith.mulf %select_n3A_548, %get3A_554 : vector<16xf32>
          %exp3A_556 = math.exp %mul3A_555 : vector<16xf32>
          %swap3A_557 = arith.constant 1 : i32
          %swap3A_558 = arith.index_cast %swap3A_557 : i32 to index
          %swap3A_559 = arith.index_cast %scan3A_530 : i32 to index
          %swap3A_560 = arith.constant 0 : index
          %swap3A_561 = tpu.vector_load %arg14[%swap3A_558, %swap3A_559, %swap3A_560] {strides = array<i32>} : memref<2x128x16xf32, #tpu.memory_space<vmem>>, vector<16xf32>,
          tpu.vector_store %arg14[%swap3A_558, %swap3A_559, %swap3A_560], %exp3A_556 {strides = array<i32>} : memref<2x128x16xf32, #tpu.memory_space<vmem>>, vector<16xf32>,
          %scan3A_562 = arith.constant 0 : i32
          %scan3A_563 = arith.constant 11 : i32
          %scan3A_564 = arith.addi %scan3A_193, %scan3A_563 : i32
          %get3A_565 = arith.constant 1 : i32
          %get3A_566 = arith.index_cast %get3A_565 : i32 to index
          %get3A_567 = arith.index_cast %scan3A_564 : i32 to index
          %get3A_568 = arith.constant 0 : index
          %get3A_569 = tpu.vector_load %arg11[%get3A_566, %get3A_567, %get3A_568] {strides = array<i32>} : memref<2x128x16xf32, #tpu.memory_space<vmem>>, vector<16xf32>,
          %get3A_570 = arith.constant 1 : i32
          %get3A_571 = arith.index_cast %get3A_570 : i32 to index
          %get3A_572 = arith.index_cast %scan3A_564 : i32 to index
          %get3A_573 = arith.constant 0 : index
          %get3A_574 = tpu.vector_load %arg12[%get3A_571, %get3A_572, %get3A_573] {strides = array<i32>} : memref<2x128x16xf32, #tpu.memory_space<vmem>>, vector<16xf32>,
          %add3A_575 = arith.addf %get3A_569, %get3A_574 : vector<16xf32>
          %gt3A_576 = arith.constant 0.000000e+00 : f32
          %gt3A_577 = vector.broadcast %gt3A_576 : f32 to vector<16xf32>
          %gt3A_578 = arith.cmpf ogt, %add3A_575, %gt3A_577 : vector<16xf32>
          %mul3A_579 = arith.constant 2.000000e-01 : f32
          %mul3A_580 = vector.broadcast %mul3A_579 : f32 to vector<16xf32>
          %mul3A_581 = arith.mulf %mul3A_580, %add3A_575 : vector<16xf32>
          %select_n3A_582 = arith.select %gt3A_578, %add3A_575, %mul3A_581 : vector<16xi1>, vector<16xf32>
          %mul3A_583 = arith.constant 16 : i32
          %mul3A_584 = arith.muli %scan3A_564, %mul3A_583 : i32
          %get3A_585 = arith.constant 1 : i32
          %get3A_586 = arith.index_cast %get3A_585 : i32 to index
          %get3A_587 = arith.index_cast %mul3A_584 : i32 to index
          %get3A_588 = tpu.vector_load %arg13[%get3A_586, %get3A_587] {strides = array<i32>} : memref<2x2048xf32, #tpu.memory_space<vmem>>, vector<16xf32>,
          %mul3A_589 = arith.mulf %select_n3A_582, %get3A_588 : vector<16xf32>
          %exp3A_590 = math.exp %mul3A_589 : vector<16xf32>
          %swap3A_591 = arith.constant 1 : i32
          %swap3A_592 = arith.index_cast %swap3A_591 : i32 to index
          %swap3A_593 = arith.index_cast %scan3A_564 : i32 to index
          %swap3A_594 = arith.constant 0 : index
          %swap3A_595 = tpu.vector_load %arg14[%swap3A_592, %swap3A_593, %swap3A_594] {strides = array<i32>} : memref<2x128x16xf32, #tpu.memory_space<vmem>>, vector<16xf32>,
          tpu.vector_store %arg14[%swap3A_592, %swap3A_593, %swap3A_594], %exp3A_590 {strides = array<i32>} : memref<2x128x16xf32, #tpu.memory_space<vmem>>, vector<16xf32>,
          %scan3A_596 = arith.constant 0 : i32
          %scan3A_597 = arith.constant 12 : i32
          %scan3A_598 = arith.addi %scan3A_193, %scan3A_597 : i32
          %get3A_599 = arith.constant 1 : i32
          %get3A_600 = arith.index_cast %get3A_599 : i32 to index
          %get3A_601 = arith.index_cast %scan3A_598 : i32 to index
          %get3A_602 = arith.constant 0 : index
          %get3A_603 = tpu.vector_load %arg11[%get3A_600, %get3A_601, %get3A_602] {strides = array<i32>} : memref<2x128x16xf32, #tpu.memory_space<vmem>>, vector<16xf32>,
          %get3A_604 = arith.constant 1 : i32
          %get3A_605 = arith.index_cast %get3A_604 : i32 to index
          %get3A_606 = arith.index_cast %scan3A_598 : i32 to index
          %get3A_607 = arith.constant 0 : index
          %get3A_608 = tpu.vector_load %arg12[%get3A_605, %get3A_606, %get3A_607] {strides = array<i32>} : memref<2x128x16xf32, #tpu.memory_space<vmem>>, vector<16xf32>,
          %add3A_609 = arith.addf %get3A_603, %get3A_608 : vector<16xf32>
          %gt3A_610 = arith.constant 0.000000e+00 : f32
          %gt3A_611 = vector.broadcast %gt3A_610 : f32 to vector<16xf32>
          %gt3A_612 = arith.cmpf ogt, %add3A_609, %gt3A_611 : vector<16xf32>
          %mul3A_613 = arith.constant 2.000000e-01 : f32
          %mul3A_614 = vector.broadcast %mul3A_613 : f32 to vector<16xf32>
          %mul3A_615 = arith.mulf %mul3A_614, %add3A_609 : vector<16xf32>
          %select_n3A_616 = arith.select %gt3A_612, %add3A_609, %mul3A_615 : vector<16xi1>, vector<16xf32>
          %mul3A_617 = arith.constant 16 : i32
          %mul3A_618 = arith.muli %scan3A_598, %mul3A_617 : i32
          %get3A_619 = arith.constant 1 : i32
          %get3A_620 = arith.index_cast %get3A_619 : i32 to index
          %get3A_621 = arith.index_cast %mul3A_618 : i32 to index
          %get3A_622 = tpu.vector_load %arg13[%get3A_620, %get3A_621] {strides = array<i32>} : memref<2x2048xf32, #tpu.memory_space<vmem>>, vector<16xf32>,
          %mul3A_623 = arith.mulf %select_n3A_616, %get3A_622 : vector<16xf32>
          %exp3A_624 = math.exp %mul3A_623 : vector<16xf32>
          %swap3A_625 = arith.constant 1 : i32
          %swap3A_626 = arith.index_cast %swap3A_625 : i32 to index
          %swap3A_627 = arith.index_cast %scan3A_598 : i32 to index
          %swap3A_628 = arith.constant 0 : index
          %swap3A_629 = tpu.vector_load %arg14[%swap3A_626, %swap3A_627, %swap3A_628] {strides = array<i32>} : memref<2x128x16xf32, #tpu.memory_space<vmem>>, vector<16xf32>,
          tpu.vector_store %arg14[%swap3A_626, %swap3A_627, %swap3A_628], %exp3A_624 {strides = array<i32>} : memref<2x128x16xf32, #tpu.memory_space<vmem>>, vector<16xf32>,
          %scan3A_630 = arith.constant 0 : i32
          %scan3A_631 = arith.constant 13 : i32
          %scan3A_632 = arith.addi %scan3A_193, %scan3A_631 : i32
          %get3A_633 = arith.constant 1 : i32
          %get3A_634 = arith.index_cast %get3A_633 : i32 to index
          %get3A_635 = arith.index_cast %scan3A_632 : i32 to index
          %get3A_636 = arith.constant 0 : index
          %get3A_637 = tpu.vector_load %arg11[%get3A_634, %get3A_635, %get3A_636] {strides = array<i32>} : memref<2x128x16xf32, #tpu.memory_space<vmem>>, vector<16xf32>,
          %get3A_638 = arith.constant 1 : i32
          %get3A_639 = arith.index_cast %get3A_638 : i32 to index
          %get3A_640 = arith.index_cast %scan3A_632 : i32 to index
          %get3A_641 = arith.constant 0 : index
          %get3A_642 = tpu.vector_load %arg12[%get3A_639, %get3A_640, %get3A_641] {strides = array<i32>} : memref<2x128x16xf32, #tpu.memory_space<vmem>>, vector<16xf32>,
          %add3A_643 = arith.addf %get3A_637, %get3A_642 : vector<16xf32>
          %gt3A_644 = arith.constant 0.000000e+00 : f32
          %gt3A_645 = vector.broadcast %gt3A_644 : f32 to vector<16xf32>
          %gt3A_646 = arith.cmpf ogt, %add3A_643, %gt3A_645 : vector<16xf32>
          %mul3A_647 = arith.constant 2.000000e-01 : f32
          %mul3A_648 = vector.broadcast %mul3A_647 : f32 to vector<16xf32>
          %mul3A_649 = arith.mulf %mul3A_648, %add3A_643 : vector<16xf32>
          %select_n3A_650 = arith.select %gt3A_646, %add3A_643, %mul3A_649 : vector<16xi1>, vector<16xf32>
          %mul3A_651 = arith.constant 16 : i32
          %mul3A_652 = arith.muli %scan3A_632, %mul3A_651 : i32
          %get3A_653 = arith.constant 1 : i32
          %get3A_654 = arith.index_cast %get3A_653 : i32 to index
          %get3A_655 = arith.index_cast %mul3A_652 : i32 to index
          %get3A_656 = tpu.vector_load %arg13[%get3A_654, %get3A_655] {strides = array<i32>} : memref<2x2048xf32, #tpu.memory_space<vmem>>, vector<16xf32>,
          %mul3A_657 = arith.mulf %select_n3A_650, %get3A_656 : vector<16xf32>
          %exp3A_658 = math.exp %mul3A_657 : vector<16xf32>
          %swap3A_659 = arith.constant 1 : i32
          %swap3A_660 = arith.index_cast %swap3A_659 : i32 to index
          %swap3A_661 = arith.index_cast %scan3A_632 : i32 to index
          %swap3A_662 = arith.constant 0 : index
          %swap3A_663 = tpu.vector_load %arg14[%swap3A_660, %swap3A_661, %swap3A_662] {strides = array<i32>} : memref<2x128x16xf32, #tpu.memory_space<vmem>>, vector<16xf32>,
          tpu.vector_store %arg14[%swap3A_660, %swap3A_661, %swap3A_662], %exp3A_658 {strides = array<i32>} : memref<2x128x16xf32, #tpu.memory_space<vmem>>, vector<16xf32>,
          %scan3A_664 = arith.constant 0 : i32
          %scan3A_665 = arith.constant 14 : i32
          %scan3A_666 = arith.addi %scan3A_193, %scan3A_665 : i32
          %get3A_667 = arith.constant 1 : i32
          %get3A_668 = arith.index_cast %get3A_667 : i32 to index
          %get3A_669 = arith.index_cast %scan3A_666 : i32 to index
          %get3A_670 = arith.constant 0 : index
          %get3A_671 = tpu.vector_load %arg11[%get3A_668, %get3A_669, %get3A_670] {strides = array<i32>} : memref<2x128x16xf32, #tpu.memory_space<vmem>>, vector<16xf32>,
          %get3A_672 = arith.constant 1 : i32
          %get3A_673 = arith.index_cast %get3A_672 : i32 to index
          %get3A_674 = arith.index_cast %scan3A_666 : i32 to index
          %get3A_675 = arith.constant 0 : index
          %get3A_676 = tpu.vector_load %arg12[%get3A_673, %get3A_674, %get3A_675] {strides = array<i32>} : memref<2x128x16xf32, #tpu.memory_space<vmem>>, vector<16xf32>,
          %add3A_677 = arith.addf %get3A_671, %get3A_676 : vector<16xf32>
          %gt3A_678 = arith.constant 0.000000e+00 : f32
          %gt3A_679 = vector.broadcast %gt3A_678 : f32 to vector<16xf32>
          %gt3A_680 = arith.cmpf ogt, %add3A_677, %gt3A_679 : vector<16xf32>
          %mul3A_681 = arith.constant 2.000000e-01 : f32
          %mul3A_682 = vector.broadcast %mul3A_681 : f32 to vector<16xf32>
          %mul3A_683 = arith.mulf %mul3A_682, %add3A_677 : vector<16xf32>
          %select_n3A_684 = arith.select %gt3A_680, %add3A_677, %mul3A_683 : vector<16xi1>, vector<16xf32>
          %mul3A_685 = arith.constant 16 : i32
          %mul3A_686 = arith.muli %scan3A_666, %mul3A_685 : i32
          %get3A_687 = arith.constant 1 : i32
          %get3A_688 = arith.index_cast %get3A_687 : i32 to index
          %get3A_689 = arith.index_cast %mul3A_686 : i32 to index
          %get3A_690 = tpu.vector_load %arg13[%get3A_688, %get3A_689] {strides = array<i32>} : memref<2x2048xf32, #tpu.memory_space<vmem>>, vector<16xf32>,
          %mul3A_691 = arith.mulf %select_n3A_684, %get3A_690 : vector<16xf32>
          %exp3A_692 = math.exp %mul3A_691 : vector<16xf32>
          %swap3A_693 = arith.constant 1 : i32
          %swap3A_694 = arith.index_cast %swap3A_693 : i32 to index
          %swap3A_695 = arith.index_cast %scan3A_666 : i32 to index
          %swap3A_696 = arith.constant 0 : index
          %swap3A_697 = tpu.vector_load %arg14[%swap3A_694, %swap3A_695, %swap3A_696] {strides = array<i32>} : memref<2x128x16xf32, #tpu.memory_space<vmem>>, vector<16xf32>,
          tpu.vector_store %arg14[%swap3A_694, %swap3A_695, %swap3A_696], %exp3A_692 {strides = array<i32>} : memref<2x128x16xf32, #tpu.memory_space<vmem>>, vector<16xf32>,
          %scan3A_698 = arith.constant 0 : i32
          %scan3A_699 = arith.constant 15 : i32
          %scan3A_700 = arith.addi %scan3A_193, %scan3A_699 : i32
          %get3A_701 = arith.constant 1 : i32
          %get3A_702 = arith.index_cast %get3A_701 : i32 to index
          %get3A_703 = arith.index_cast %scan3A_700 : i32 to index
          %get3A_704 = arith.constant 0 : index
          %get3A_705 = tpu.vector_load %arg11[%get3A_702, %get3A_703, %get3A_704] {strides = array<i32>} : memref<2x128x16xf32, #tpu.memory_space<vmem>>, vector<16xf32>,
          %get3A_706 = arith.constant 1 : i32
          %get3A_707 = arith.index_cast %get3A_706 : i32 to index
          %get3A_708 = arith.index_cast %scan3A_700 : i32 to index
          %get3A_709 = arith.constant 0 : index
          %get3A_710 = tpu.vector_load %arg12[%get3A_707, %get3A_708, %get3A_709] {strides = array<i32>} : memref<2x128x16xf32, #tpu.memory_space<vmem>>, vector<16xf32>,
          %add3A_711 = arith.addf %get3A_705, %get3A_710 : vector<16xf32>
          %gt3A_712 = arith.constant 0.000000e+00 : f32
          %gt3A_713 = vector.broadcast %gt3A_712 : f32 to vector<16xf32>
          %gt3A_714 = arith.cmpf ogt, %add3A_711, %gt3A_713 : vector<16xf32>
          %mul3A_715 = arith.constant 2.000000e-01 : f32
          %mul3A_716 = vector.broadcast %mul3A_715 : f32 to vector<16xf32>
          %mul3A_717 = arith.mulf %mul3A_716, %add3A_711 : vector<16xf32>
          %select_n3A_718 = arith.select %gt3A_714, %add3A_711, %mul3A_717 : vector<16xi1>, vector<16xf32>
          %mul3A_719 = arith.constant 16 : i32
          %mul3A_720 = arith.muli %scan3A_700, %mul3A_719 : i32
          %get3A_721 = arith.constant 1 : i32
          %get3A_722 = arith.index_cast %get3A_721 : i32 to index
          %get3A_723 = arith.index_cast %mul3A_720 : i32 to index
          %get3A_724 = tpu.vector_load %arg13[%get3A_722, %get3A_723] {strides = array<i32>} : memref<2x2048xf32, #tpu.memory_space<vmem>>, vector<16xf32>,
          %mul3A_725 = arith.mulf %select_n3A_718, %get3A_724 : vector<16xf32>
          %exp3A_726 = math.exp %mul3A_725 : vector<16xf32>
          %swap3A_727 = arith.constant 1 : i32
          %swap3A_728 = arith.index_cast %swap3A_727 : i32 to index
          %swap3A_729 = arith.index_cast %scan3A_700 : i32 to index
          %swap3A_730 = arith.constant 0 : index
          %swap3A_731 = tpu.vector_load %arg14[%swap3A_728, %swap3A_729, %swap3A_730] {strides = array<i32>} : memref<2x128x16xf32, #tpu.memory_space<vmem>>, vector<16xf32>,
          tpu.vector_store %arg14[%swap3A_728, %swap3A_729, %swap3A_730], %exp3A_726 {strides = array<i32>} : memref<2x128x16xf32, #tpu.memory_space<vmem>>, vector<16xf32>,
          %scan3A_732 = arith.constant 0 : i32
          scf.yield %scan3A_732 : i32
        }
        %scan3A_176 = arith.constant 128 : i32
        %run_scoped3A = arith.constant 1 : i32
        "tpu.region"() ({
          %run_scoped3A_193 = tpu.sem_alloc : memref<!tpu.dma_semaphore, #tpu.memory_space<semaphore_mem>>
          %dma_start3A_194 = arith.constant 0 : i32
          %dma_start3A_195 = arith.constant 0 : i32
          %dma_start3A_196 = tpu.memref_slice %arg14[%run_scoped3A, %dma_start3A_194, %dma_start3A_195] : memref<2x128x16xf32, #tpu.memory_space<vmem>> -> memref<1x128x16xf32, #tpu.memory_space<vmem>>
          %dma_start3A_197 = tpu.memref_squeeze %dma_start3A_196 : memref<1x128x16xf32, #tpu.memory_space<vmem>> -> memref<128x16xf32, #tpu.memory_space<vmem>>
          %dma_start3A_198 = arith.constant 0 : i32
          %dma_start3A_199 = tpu.memref_slice %arg10[%add3A_115, %dma_start3A_198] : memref<79x128xi32, #tpu.memory_space<vmem>> -> memref<1x128xi32, #tpu.memory_space<vmem>>
          %dma_start3A_200 = tpu.memref_squeeze %dma_start3A_199 : memref<1x128xi32, #tpu.memory_space<vmem>> -> memref<128xi32, #tpu.memory_space<vmem>>
          %dma_start3A_201 = arith.constant 0 : i32
          %dma_start3A_202 = arith.constant 0 : i32
          %dma_start3A_203 = tpu.memref_slice %arg16[%dma_start3A_201, %dma_start3A_202] : memref<10000x16xf32, #tpu.memory_space<vmem_shared>> -> memref<10000x16xf32, #tpu.memory_space<vmem_shared>>
          tpu.enqueue_indirect_dma source(%dma_start3A_197 : memref<128x16xf32, #tpu.memory_space<vmem>>) target(%dma_start3A_203 : memref<10000x16xf32, #tpu.memory_space<vmem_shared>>) offsets(%dma_start3A_200 : memref<128xi32, #tpu.memory_space<vmem>>) semaphore(%run_scoped3A_193 : memref<!tpu.dma_semaphore, #tpu.memory_space<semaphore_mem>>) {add = true}
          %dma_wait3A_204 = arith.constant 0 : i32
          %dma_wait3A_205 = arith.constant 0 : i32
          %dma_wait3A_206 = tpu.memref_slice %arg14[%run_scoped3A, %dma_wait3A_204, %dma_wait3A_205] : memref<2x128x16xf32, #tpu.memory_space<vmem>> -> memref<1x128x16xf32, #tpu.memory_space<vmem>>
          %dma_wait3A_207 = tpu.memref_squeeze %dma_wait3A_206 : memref<1x128x16xf32, #tpu.memory_space<vmem>> -> memref<128x16xf32, #tpu.memory_space<vmem>>
          %dma_wait3A_208 = arith.constant 0 : i32
          %dma_wait3A_209 = tpu.memref_slice %arg10[%add3A_115, %dma_wait3A_208] : memref<79x128xi32, #tpu.memory_space<vmem>> -> memref<1x128xi32, #tpu.memory_space<vmem>>
          %dma_wait3A_210 = tpu.memref_squeeze %dma_wait3A_209 : memref<1x128xi32, #tpu.memory_space<vmem>> -> memref<128xi32, #tpu.memory_space<vmem>>
          %dma_wait3A_211 = arith.constant 0 : i32
          %dma_wait3A_212 = arith.constant 0 : i32
          %dma_wait3A_213 = tpu.memref_slice %arg16[%dma_wait3A_211, %dma_wait3A_212] : memref<10000x16xf32, #tpu.memory_space<vmem_shared>> -> memref<10000x16xf32, #tpu.memory_space<vmem_shared>>
          tpu.wait_indirect_dma semaphore(%run_scoped3A_193 : memref<!tpu.dma_semaphore, #tpu.memory_space<semaphore_mem>>) src(%dma_wait3A_207 : memref<128x16xf32, #tpu.memory_space<vmem>>) dst(%dma_wait3A_213 : memref<10000x16xf32, #tpu.memory_space<vmem_shared>>)
          tpu.yield
        }) : () -> ()
        %add3A_177 = arith.addi %add3A_4, %add3A_115 : i32
        %mul3A_178 = arith.constant 128 : i32
        %mul3A_179 = arith.muli %add3A_177, %mul3A_178 : i32
        %dma_start3A_180 = arith.constant 1 : i32
        %dma_start3A_181 = arith.constant 0 : i32
        %dma_start3A_182 = arith.constant 0 : i32
        %dma_start3A_183 = tpu.memref_slice %arg14[%dma_start3A_180, %dma_start3A_181, %dma_start3A_182] : memref<2x128x16xf32, #tpu.memory_space<vmem>> -> memref<1x128x16xf32, #tpu.memory_space<vmem>>
        %dma_start3A_184 = tpu.memref_squeeze %dma_start3A_183 : memref<1x128x16xf32, #tpu.memory_space<vmem>> -> memref<128x16xf32, #tpu.memory_space<vmem>>
        %dma_start3A_185 = arith.constant 0 : i32
        %dma_start3A_186 = tpu.memref_slice %arg7[%mul3A_179, %dma_start3A_185] : memref<320000x16xf32, #tpu.memory_space<hbm>> -> memref<128x16xf32, #tpu.memory_space<hbm>>
        %dma_start3A_187 = arith.constant 0 : i32
        %dma_start3A_188 = tpu.memref_slice %arg7[%mul3A_179, %dma_start3A_187] : memref<320000x16xf32, #tpu.memory_space<hbm>> -> memref<128x16xf32, #tpu.memory_space<hbm>>
        %dma_start3A_189 = arith.constant 0 : i32
        %dma_start3A_190 = arith.constant 0 : i32
        %dma_start3A_191 = tpu.memref_slice %arg14[%dma_start3A_180, %dma_start3A_189, %dma_start3A_190] : memref<2x128x16xf32, #tpu.memory_space<vmem>> -> memref<1x128x16xf32, #tpu.memory_space<vmem>>
        %dma_start3A_192 = tpu.memref_squeeze %dma_start3A_191 : memref<1x128x16xf32, #tpu.memory_space<vmem>> -> memref<128x16xf32, #tpu.memory_space<vmem>>
        tpu.enqueue_dma source(%dma_start3A_192 : memref<128x16xf32, #tpu.memory_space<vmem>>) target(%dma_start3A_188 : memref<128x16xf32, #tpu.memory_space<hbm>>) target_semaphore(%arg20 : memref<!tpu.dma_semaphore, #tpu.memory_space<semaphore_mem>>)
      } else {
      }
      %scan3A_124 = arith.constant 0 : i32
      scf.yield %scan3A_124 : i32
    }
    %scan3A_68 = arith.constant 41 : i32
    %dma_wait3A = arith.constant 0 : i32
    %dma_wait3A_69 = arith.constant 0 : i32
    %dma_wait3A_70 = arith.constant 0 : i32
    %dma_wait3A_71 = tpu.memref_slice %arg14[%dma_wait3A, %dma_wait3A_69, %dma_wait3A_70] : memref<2x128x16xf32, #tpu.memory_space<vmem>> -> memref<1x128x16xf32, #tpu.memory_space<vmem>>
    %dma_wait3A_72 = tpu.memref_squeeze %dma_wait3A_71 : memref<1x128x16xf32, #tpu.memory_space<vmem>> -> memref<128x16xf32, #tpu.memory_space<vmem>>
    %dma_wait3A_73 = arith.constant 0 : i32
    %dma_wait3A_74 = arith.constant 0 : i32
    %dma_wait3A_75 = tpu.memref_slice %arg7[%dma_wait3A_73, %dma_wait3A_74] : memref<320000x16xf32, #tpu.memory_space<hbm>> -> memref<128x16xf32, #tpu.memory_space<hbm>>
    %dma_wait3A_76 = arith.constant 0 : i32
    %dma_wait3A_77 = arith.constant 0 : i32
    %dma_wait3A_78 = tpu.memref_slice %arg7[%dma_wait3A_76, %dma_wait3A_77] : memref<320000x16xf32, #tpu.memory_space<hbm>> -> memref<128x16xf32, #tpu.memory_space<hbm>>
    %dma_wait3A_79 = arith.constant 0 : i32
    %dma_wait3A_80 = arith.constant 0 : i32
    %dma_wait3A_81 = tpu.memref_slice %arg14[%dma_wait3A, %dma_wait3A_79, %dma_wait3A_80] : memref<2x128x16xf32, #tpu.memory_space<vmem>> -> memref<1x128x16xf32, #tpu.memory_space<vmem>>
    %dma_wait3A_82 = tpu.memref_squeeze %dma_wait3A_81 : memref<1x128x16xf32, #tpu.memory_space<vmem>> -> memref<128x16xf32, #tpu.memory_space<vmem>>
    tpu.wait_dma2 semaphore(%arg19 : memref<!tpu.dma_semaphore, #tpu.memory_space<semaphore_mem>>) src(%dma_wait3A_82 : memref<128x16xf32, #tpu.memory_space<vmem>>) dst(%dma_wait3A_78 : memref<128x16xf32, #tpu.memory_space<hbm>>)
    %dma_wait3A_83 = arith.constant 1 : i32
    %dma_wait3A_84 = arith.constant 0 : i32
    %dma_wait3A_85 = arith.constant 0 : i32
    %dma_wait3A_86 = tpu.memref_slice %arg14[%dma_wait3A_83, %dma_wait3A_84, %dma_wait3A_85] : memref<2x128x16xf32, #tpu.memory_space<vmem>> -> memref<1x128x16xf32, #tpu.memory_space<vmem>>
    %dma_wait3A_87 = tpu.memref_squeeze %dma_wait3A_86 : memref<1x128x16xf32, #tpu.memory_space<vmem>> -> memref<128x16xf32, #tpu.memory_space<vmem>>
    %dma_wait3A_88 = arith.constant 0 : i32
    %dma_wait3A_89 = arith.constant 0 : i32
    %dma_wait3A_90 = tpu.memref_slice %arg7[%dma_wait3A_88, %dma_wait3A_89] : memref<320000x16xf32, #tpu.memory_space<hbm>> -> memref<128x16xf32, #tpu.memory_space<hbm>>
    %dma_wait3A_91 = arith.constant 0 : i32
    %dma_wait3A_92 = arith.constant 0 : i32
    %dma_wait3A_93 = tpu.memref_slice %arg7[%dma_wait3A_91, %dma_wait3A_92] : memref<320000x16xf32, #tpu.memory_space<hbm>> -> memref<128x16xf32, #tpu.memory_space<hbm>>
    %dma_wait3A_94 = arith.constant 0 : i32
    %dma_wait3A_95 = arith.constant 0 : i32
    %dma_wait3A_96 = tpu.memref_slice %arg14[%dma_wait3A_83, %dma_wait3A_94, %dma_wait3A_95] : memref<2x128x16xf32, #tpu.memory_space<vmem>> -> memref<1x128x16xf32, #tpu.memory_space<vmem>>
    %dma_wait3A_97 = tpu.memref_squeeze %dma_wait3A_96 : memref<1x128x16xf32, #tpu.memory_space<vmem>> -> memref<128x16xf32, #tpu.memory_space<vmem>>
    tpu.wait_dma2 semaphore(%arg20 : memref<!tpu.dma_semaphore, #tpu.memory_space<semaphore_mem>>) src(%dma_wait3A_97 : memref<128x16xf32, #tpu.memory_space<vmem>>) dst(%dma_wait3A_93 : memref<128x16xf32, #tpu.memory_space<hbm>>)
    %barrier3A_98 = arith.constant 0 : index
    tpu.barrier barrier_id(%barrier3A_98)
    %mul3A_99 = arith.constant 624 : i32
    %mul3A_100 = arith.muli %arg1, %mul3A_99 : i32
    "tpu.region"() ({
      %run_scoped3A = tpu.sem_alloc : memref<!tpu.dma_semaphore, #tpu.memory_space<semaphore_mem>>
      %dma_start3A_110 = arith.constant 0 : i32
      %dma_start3A_111 = tpu.memref_slice %arg16[%mul3A_100, %dma_start3A_110] : memref<10000x16xf32, #tpu.memory_space<vmem_shared>> -> memref<624x16xf32, #tpu.memory_space<vmem_shared>>
      %dma_start3A_112 = arith.constant 0 : i32
      %dma_start3A_113 = tpu.memref_slice %arg16[%mul3A_100, %dma_start3A_112] : memref<10000x16xf32, #tpu.memory_space<vmem_shared>> -> memref<624x16xf32, #tpu.memory_space<vmem_shared>>
      tpu.enqueue_dma source(%dma_start3A_113 : memref<624x16xf32, #tpu.memory_space<vmem_shared>>) target(%arg15 : memref<624x16xf32, #tpu.memory_space<vmem>>) target_semaphore(%run_scoped3A : memref<!tpu.dma_semaphore, #tpu.memory_space<semaphore_mem>>)
      %dma_wait3A_114 = arith.constant 0 : i32
      %dma_wait3A_115 = tpu.memref_slice %arg16[%mul3A_100, %dma_wait3A_114] : memref<10000x16xf32, #tpu.memory_space<vmem_shared>> -> memref<624x16xf32, #tpu.memory_space<vmem_shared>>
      %dma_wait3A_116 = arith.constant 0 : i32
      %dma_wait3A_117 = tpu.memref_slice %arg16[%mul3A_100, %dma_wait3A_116] : memref<10000x16xf32, #tpu.memory_space<vmem_shared>> -> memref<624x16xf32, #tpu.memory_space<vmem_shared>>
      tpu.wait_dma2 semaphore(%run_scoped3A : memref<!tpu.dma_semaphore, #tpu.memory_space<semaphore_mem>>) src(%dma_wait3A_117 : memref<624x16xf32, #tpu.memory_space<vmem_shared>>) dst(%arg15 : memref<624x16xf32, #tpu.memory_space<vmem>>)
      tpu.yield
    }) : () -> ()
    %mul3A_101 = arith.constant 624 : i32
    %mul3A_102 = arith.muli %arg1, %mul3A_101 : i32
    %mul3A_103 = arith.constant 16 : i32
    %mul3A_104 = arith.muli %arg0, %mul3A_103 : i32
    "tpu.region"() ({
      %run_scoped3A = tpu.sem_alloc : memref<!tpu.dma_semaphore, #tpu.memory_space<semaphore_mem>>
      %dma_start3A_110 = tpu.memref_slice %arg8[%mul3A_102, %mul3A_104] : memref<10000x32xf32, #tpu.memory_space<hbm>> -> memref<624x16xf32, #tpu.memory_space<hbm>>
      %dma_start3A_111 = tpu.memref_slice %arg8[%mul3A_102, %mul3A_104] : memref<10000x32xf32, #tpu.memory_space<hbm>> -> memref<624x16xf32, #tpu.memory_space<hbm>>
      tpu.enqueue_dma source(%arg15 : memref<624x16xf32, #tpu.memory_space<vmem>>) target(%dma_start3A_111 : memref<624x16xf32, #tpu.memory_space<hbm>>) target_semaphore(%run_scoped3A : memref<!tpu.dma_semaphore, #tpu.memory_space<semaphore_mem>>)
      %dma_wait3A_112 = tpu.memref_slice %arg8[%mul3A_102, %mul3A_104] : memref<10000x32xf32, #tpu.memory_space<hbm>> -> memref<624x16xf32, #tpu.memory_space<hbm>>
      %dma_wait3A_113 = tpu.memref_slice %arg8[%mul3A_102, %mul3A_104] : memref<10000x32xf32, #tpu.memory_space<hbm>> -> memref<624x16xf32, #tpu.memory_space<hbm>>
      tpu.wait_dma2 semaphore(%run_scoped3A : memref<!tpu.dma_semaphore, #tpu.memory_space<semaphore_mem>>) src(%arg15 : memref<624x16xf32, #tpu.memory_space<vmem>>) dst(%dma_wait3A_113 : memref<624x16xf32, #tpu.memory_space<hbm>>)
      tpu.yield
    }) : () -> ()
    %eq3A_105 = arith.constant 0 : i32
    %eq3A_106 = arith.cmpi eq, %arg1, %eq3A_105 : i32
    %convert_element_type3A_107 = arith.extui %eq3A_106 : i1 to i32
    %cond3A_108 = arith.constant 0 : i32
    %cond3A_109 = arith.cmpi ne, %convert_element_type3A_107, %cond3A_108 : i32
    scf.if %cond3A_109 {
      "tpu.region"() ({
        %run_scoped3A = tpu.sem_alloc : memref<!tpu.dma_semaphore, #tpu.memory_space<semaphore_mem>>
        %dma_start3A_112 = arith.constant 0 : i32
        %dma_start3A_113 = arith.constant 0 : i32
        %dma_start3A_114 = tpu.memref_slice %arg15[%dma_start3A_112, %dma_start3A_113] : memref<624x16xf32, #tpu.memory_space<vmem>> -> memref<16x16xf32, #tpu.memory_space<vmem>>
        %dma_start3A_115 = arith.constant 9984 : i32
        %dma_start3A_116 = arith.constant 0 : i32
        %dma_start3A_117 = tpu.memref_slice %arg16[%dma_start3A_115, %dma_start3A_116] : memref<10000x16xf32, #tpu.memory_space<vmem_shared>> -> memref<16x16xf32, #tpu.memory_space<vmem_shared>>
        %dma_start3A_118 = arith.constant 0 : i32
        %dma_start3A_119 = arith.constant 0 : i32
        %dma_start3A_120 = tpu.memref_slice %arg15[%dma_start3A_118, %dma_start3A_119] : memref<624x16xf32, #tpu.memory_space<vmem>> -> memref<16x16xf32, #tpu.memory_space<vmem>>
        %dma_start3A_121 = arith.constant 9984 : i32
        %dma_start3A_122 = arith.constant 0 : i32
        %dma_start3A_123 = tpu.memref_slice %arg16[%dma_start3A_121, %dma_start3A_122] : memref<10000x16xf32, #tpu.memory_space<vmem_shared>> -> memref<16x16xf32, #tpu.memory_space<vmem_shared>>
        tpu.enqueue_dma source(%dma_start3A_123 : memref<16x16xf32, #tpu.memory_space<vmem_shared>>) target(%dma_start3A_120 : memref<16x16xf32, #tpu.memory_space<vmem>>) target_semaphore(%run_scoped3A : memref<!tpu.dma_semaphore, #tpu.memory_space<semaphore_mem>>)
        %dma_wait3A_124 = arith.constant 0 : i32
        %dma_wait3A_125 = arith.constant 0 : i32
        %dma_wait3A_126 = tpu.memref_slice %arg15[%dma_wait3A_124, %dma_wait3A_125] : memref<624x16xf32, #tpu.memory_space<vmem>> -> memref<16x16xf32, #tpu.memory_space<vmem>>
        %dma_wait3A_127 = arith.constant 9984 : i32
        %dma_wait3A_128 = arith.constant 0 : i32
        %dma_wait3A_129 = tpu.memref_slice %arg16[%dma_wait3A_127, %dma_wait3A_128] : memref<10000x16xf32, #tpu.memory_space<vmem_shared>> -> memref<16x16xf32, #tpu.memory_space<vmem_shared>>
        %dma_wait3A_130 = arith.constant 0 : i32
        %dma_wait3A_131 = arith.constant 0 : i32
        %dma_wait3A_132 = tpu.memref_slice %arg15[%dma_wait3A_130, %dma_wait3A_131] : memref<624x16xf32, #tpu.memory_space<vmem>> -> memref<16x16xf32, #tpu.memory_space<vmem>>
        %dma_wait3A_133 = arith.constant 9984 : i32
        %dma_wait3A_134 = arith.constant 0 : i32
        %dma_wait3A_135 = tpu.memref_slice %arg16[%dma_wait3A_133, %dma_wait3A_134] : memref<10000x16xf32, #tpu.memory_space<vmem_shared>> -> memref<16x16xf32, #tpu.memory_space<vmem_shared>>
        tpu.wait_dma2 semaphore(%run_scoped3A : memref<!tpu.dma_semaphore, #tpu.memory_space<semaphore_mem>>) src(%dma_wait3A_135 : memref<16x16xf32, #tpu.memory_space<vmem_shared>>) dst(%dma_wait3A_132 : memref<16x16xf32, #tpu.memory_space<vmem>>)
        tpu.yield
      }) : () -> ()
      %mul3A_110 = arith.constant 16 : i32
      %mul3A_111 = arith.muli %arg0, %mul3A_110 : i32
      "tpu.region"() ({
        %run_scoped3A = tpu.sem_alloc : memref<!tpu.dma_semaphore, #tpu.memory_space<semaphore_mem>>
        %dma_start3A_112 = arith.constant 0 : i32
        %dma_start3A_113 = arith.constant 0 : i32
        %dma_start3A_114 = tpu.memref_slice %arg15[%dma_start3A_112, %dma_start3A_113] : memref<624x16xf32, #tpu.memory_space<vmem>> -> memref<16x16xf32, #tpu.memory_space<vmem>>
        %dma_start3A_115 = arith.constant 9984 : i32
        %dma_start3A_116 = tpu.memref_slice %arg8[%dma_start3A_115, %mul3A_111] : memref<10000x32xf32, #tpu.memory_space<hbm>> -> memref<16x16xf32, #tpu.memory_space<hbm>>
        %dma_start3A_117 = arith.constant 9984 : i32
        %dma_start3A_118 = tpu.memref_slice %arg8[%dma_start3A_117, %mul3A_111] : memref<10000x32xf32, #tpu.memory_space<hbm>> -> memref<16x16xf32, #tpu.memory_space<hbm>>
        %dma_start3A_119 = arith.constant 0 : i32
        %dma_start3A_120 = arith.constant 0 : i32
        %dma_start3A_121 = tpu.memref_slice %arg15[%dma_start3A_119, %dma_start3A_120] : memref<624x16xf32, #tpu.memory_space<vmem>> -> memref<16x16xf32, #tpu.memory_space<vmem>>
        tpu.enqueue_dma source(%dma_start3A_121 : memref<16x16xf32, #tpu.memory_space<vmem>>) target(%dma_start3A_118 : memref<16x16xf32, #tpu.memory_space<hbm>>) target_semaphore(%run_scoped3A : memref<!tpu.dma_semaphore, #tpu.memory_space<semaphore_mem>>)
        %dma_wait3A_122 = arith.constant 0 : i32
        %dma_wait3A_123 = arith.constant 0 : i32
        %dma_wait3A_124 = tpu.memref_slice %arg15[%dma_wait3A_122, %dma_wait3A_123] : memref<624x16xf32, #tpu.memory_space<vmem>> -> memref<16x16xf32, #tpu.memory_space<vmem>>
        %dma_wait3A_125 = arith.constant 9984 : i32
        %dma_wait3A_126 = tpu.memref_slice %arg8[%dma_wait3A_125, %mul3A_111] : memref<10000x32xf32, #tpu.memory_space<hbm>> -> memref<16x16xf32, #tpu.memory_space<hbm>>
        %dma_wait3A_127 = arith.constant 9984 : i32
        %dma_wait3A_128 = tpu.memref_slice %arg8[%dma_wait3A_127, %mul3A_111] : memref<10000x32xf32, #tpu.memory_space<hbm>> -> memref<16x16xf32, #tpu.memory_space<hbm>>
        %dma_wait3A_129 = arith.constant 0 : i32
        %dma_wait3A_130 = arith.constant 0 : i32
        %dma_wait3A_131 = tpu.memref_slice %arg15[%dma_wait3A_129, %dma_wait3A_130] : memref<624x16xf32, #tpu.memory_space<vmem>> -> memref<16x16xf32, #tpu.memory_space<vmem>>
        tpu.wait_dma2 semaphore(%run_scoped3A : memref<!tpu.dma_semaphore, #tpu.memory_space<semaphore_mem>>) src(%dma_wait3A_131 : memref<16x16xf32, #tpu.memory_space<vmem>>) dst(%dma_wait3A_128 : memref<16x16xf32, #tpu.memory_space<hbm>>)
        tpu.yield
      }) : () -> ()
    } else {
    }
    return
  }
}

#map = affine_map<(d0, d1) -> (0, 0)>
#map1 = affine_map<(d0, d1) -> (0)>
module attributes {stable_mosaic.version = 14 : i64} {
  func.func @_sc_pass2(%arg0: i32, %arg1: i32, %arg2: memref<2500x128xi32, #tpu.memory_space<hbm>>, %arg3: memref<5120000xf32, #tpu.memory_space<hbm>>, %arg4: memref<10000x32xf32, #tpu.memory_space<hbm>>, %arg5: memref<16x320000xf32, #tpu.memory_space<hbm>>, %arg6: memref<79x128xi32, #tpu.memory_space<vmem>>, %arg7: memref<2x2048xf32, #tpu.memory_space<vmem>>, %arg8: memref<2x128x32xf32, #tpu.memory_space<vmem>>, %arg9: memref<2x16x128xf32, #tpu.memory_space<vmem>>, %arg10: memref<!tpu.dma_semaphore, #tpu.memory_space<semaphore_mem>>, %arg11: memref<!tpu.dma_semaphore, #tpu.memory_space<semaphore_mem>>, %arg12: memref<!tpu.dma_semaphore, #tpu.memory_space<semaphore_mem>>, %arg13: memref<!tpu.dma_semaphore, #tpu.memory_space<semaphore_mem>>) attributes {dimension_semantics = [#tpu.dimension_semantics<core_parallel>, #tpu.dimension_semantics<subcore_parallel>], iteration_bounds = array<i64: 2, 16>, scalar_prefetch = 0 : i64, scratch_operands = 8 : i64, tpu.core_type = #tpu.core_type<sc_vector_subcore>, window_params = [{transform_indices = #map}, {transform_indices = #map1}, {transform_indices = #map}, {transform_indices = #map}]} {
    %mul3A = arith.constant 2 : i32
    %mul3A_0 = arith.muli %arg1, %mul3A : i32
    %add3A = arith.addi %mul3A_0, %arg0 : i32
    %mul3A_1 = arith.constant 78 : i32
    %mul3A_2 = arith.muli %mul3A_1, %add3A : i32
    %min3A = arith.constant 4 : i32
    %min3A_3 = arith.minsi %add3A, %min3A : i32
    %add3A_4 = arith.addi %mul3A_2, %min3A_3 : i32
    %lt3A = arith.constant 4 : i32
    %lt3A_5 = arith.cmpi slt, %add3A, %lt3A : i32
    %jit3A = arith.constant 1 : i32
    %jit3A_6 = arith.constant 0 : i32
    %select_n3A = arith.select %lt3A_5, %jit3A, %jit3A_6 : i32
    %add3A_7 = arith.constant 78 : i32
    %add3A_8 = arith.addi %add3A_7, %select_n3A : i32
    "tpu.region"() ({
      %run_scoped3A = tpu.sem_alloc : memref<!tpu.dma_semaphore, #tpu.memory_space<semaphore_mem>>
      %dma_start3A_73 = arith.constant 0 : i32
      %dma_start3A_74 = arith.constant 0 : i32
      %dma_start3A_75 = tpu.memref_slice %arg6[%dma_start3A_73, %dma_start3A_74] : memref<79x128xi32, #tpu.memory_space<vmem>> -> memref<78x128xi32, #tpu.memory_space<vmem>>
      %dma_start3A_76 = arith.constant 0 : i32
      %dma_start3A_77 = tpu.memref_slice %arg2[%add3A_4, %dma_start3A_76] : memref<2500x128xi32, #tpu.memory_space<hbm>> -> memref<78x128xi32, #tpu.memory_space<hbm>>
      %dma_start3A_78 = arith.constant 0 : i32
      %dma_start3A_79 = arith.constant 0 : i32
      %dma_start3A_80 = tpu.memref_slice %arg6[%dma_start3A_78, %dma_start3A_79] : memref<79x128xi32, #tpu.memory_space<vmem>> -> memref<78x128xi32, #tpu.memory_space<vmem>>
      %dma_start3A_81 = arith.constant 0 : i32
      %dma_start3A_82 = tpu.memref_slice %arg2[%add3A_4, %dma_start3A_81] : memref<2500x128xi32, #tpu.memory_space<hbm>> -> memref<78x128xi32, #tpu.memory_space<hbm>>
      tpu.enqueue_dma source(%dma_start3A_82 : memref<78x128xi32, #tpu.memory_space<hbm>>) target(%dma_start3A_80 : memref<78x128xi32, #tpu.memory_space<vmem>>) target_semaphore(%run_scoped3A : memref<!tpu.dma_semaphore, #tpu.memory_space<semaphore_mem>>)
      %dma_wait3A_83 = arith.constant 0 : i32
      %dma_wait3A_84 = arith.constant 0 : i32
      %dma_wait3A_85 = tpu.memref_slice %arg6[%dma_wait3A_83, %dma_wait3A_84] : memref<79x128xi32, #tpu.memory_space<vmem>> -> memref<78x128xi32, #tpu.memory_space<vmem>>
      %dma_wait3A_86 = arith.constant 0 : i32
      %dma_wait3A_87 = tpu.memref_slice %arg2[%add3A_4, %dma_wait3A_86] : memref<2500x128xi32, #tpu.memory_space<hbm>> -> memref<78x128xi32, #tpu.memory_space<hbm>>
      %dma_wait3A_88 = arith.constant 0 : i32
      %dma_wait3A_89 = arith.constant 0 : i32
      %dma_wait3A_90 = tpu.memref_slice %arg6[%dma_wait3A_88, %dma_wait3A_89] : memref<79x128xi32, #tpu.memory_space<vmem>> -> memref<78x128xi32, #tpu.memory_space<vmem>>
      %dma_wait3A_91 = arith.constant 0 : i32
      %dma_wait3A_92 = tpu.memref_slice %arg2[%add3A_4, %dma_wait3A_91] : memref<2500x128xi32, #tpu.memory_space<hbm>> -> memref<78x128xi32, #tpu.memory_space<hbm>>
      tpu.wait_dma2 semaphore(%run_scoped3A : memref<!tpu.dma_semaphore, #tpu.memory_space<semaphore_mem>>) src(%dma_wait3A_92 : memref<78x128xi32, #tpu.memory_space<hbm>>) dst(%dma_wait3A_90 : memref<78x128xi32, #tpu.memory_space<vmem>>)
      tpu.yield
    }) : () -> ()
    %lt3A_9 = arith.constant 4 : i32
    %lt3A_10 = arith.cmpi slt, %add3A, %lt3A_9 : i32
    %convert_element_type3A = arith.extui %lt3A_10 : i1 to i32
    %cond3A = arith.constant 0 : i32
    %cond3A_11 = arith.cmpi ne, %convert_element_type3A, %cond3A : i32
    scf.if %cond3A_11 {
      %add3A_73 = arith.constant 78 : i32
      %add3A_74 = arith.addi %add3A_4, %add3A_73 : i32
      "tpu.region"() ({
        %run_scoped3A = tpu.sem_alloc : memref<!tpu.dma_semaphore, #tpu.memory_space<semaphore_mem>>
        %dma_start3A_75 = arith.constant 78 : i32
        %dma_start3A_76 = arith.constant 0 : i32
        %dma_start3A_77 = tpu.memref_slice %arg6[%dma_start3A_75, %dma_start3A_76] : memref<79x128xi32, #tpu.memory_space<vmem>> -> memref<1x128xi32, #tpu.memory_space<vmem>>
        %dma_start3A_78 = arith.constant 0 : i32
        %dma_start3A_79 = tpu.memref_slice %arg2[%add3A_74, %dma_start3A_78] : memref<2500x128xi32, #tpu.memory_space<hbm>> -> memref<1x128xi32, #tpu.memory_space<hbm>>
        %dma_start3A_80 = arith.constant 78 : i32
        %dma_start3A_81 = arith.constant 0 : i32
        %dma_start3A_82 = tpu.memref_slice %arg6[%dma_start3A_80, %dma_start3A_81] : memref<79x128xi32, #tpu.memory_space<vmem>> -> memref<1x128xi32, #tpu.memory_space<vmem>>
        %dma_start3A_83 = arith.constant 0 : i32
        %dma_start3A_84 = tpu.memref_slice %arg2[%add3A_74, %dma_start3A_83] : memref<2500x128xi32, #tpu.memory_space<hbm>> -> memref<1x128xi32, #tpu.memory_space<hbm>>
        tpu.enqueue_dma source(%dma_start3A_84 : memref<1x128xi32, #tpu.memory_space<hbm>>) target(%dma_start3A_82 : memref<1x128xi32, #tpu.memory_space<vmem>>) target_semaphore(%run_scoped3A : memref<!tpu.dma_semaphore, #tpu.memory_space<semaphore_mem>>)
        %dma_wait3A_85 = arith.constant 78 : i32
        %dma_wait3A_86 = arith.constant 0 : i32
        %dma_wait3A_87 = tpu.memref_slice %arg6[%dma_wait3A_85, %dma_wait3A_86] : memref<79x128xi32, #tpu.memory_space<vmem>> -> memref<1x128xi32, #tpu.memory_space<vmem>>
        %dma_wait3A_88 = arith.constant 0 : i32
        %dma_wait3A_89 = tpu.memref_slice %arg2[%add3A_74, %dma_wait3A_88] : memref<2500x128xi32, #tpu.memory_space<hbm>> -> memref<1x128xi32, #tpu.memory_space<hbm>>
        %dma_wait3A_90 = arith.constant 78 : i32
        %dma_wait3A_91 = arith.constant 0 : i32
        %dma_wait3A_92 = tpu.memref_slice %arg6[%dma_wait3A_90, %dma_wait3A_91] : memref<79x128xi32, #tpu.memory_space<vmem>> -> memref<1x128xi32, #tpu.memory_space<vmem>>
        %dma_wait3A_93 = arith.constant 0 : i32
        %dma_wait3A_94 = tpu.memref_slice %arg2[%add3A_74, %dma_wait3A_93] : memref<2500x128xi32, #tpu.memory_space<hbm>> -> memref<1x128xi32, #tpu.memory_space<hbm>>
        tpu.wait_dma2 semaphore(%run_scoped3A : memref<!tpu.dma_semaphore, #tpu.memory_space<semaphore_mem>>) src(%dma_wait3A_94 : memref<1x128xi32, #tpu.memory_space<hbm>>) dst(%dma_wait3A_92 : memref<1x128xi32, #tpu.memory_space<vmem>>)
        tpu.yield
      }) : () -> ()
    } else {
    }
    %iota3A = tpu.iota {dimensions = array<i32: 0>} : vector<16xi32>
    %add3A_12 = arith.constant 0 : i32
    %add3A_13 = arith.addi %add3A_4, %add3A_12 : i32
    %mul3A_14 = arith.constant 128 : i32
    %mul3A_15 = arith.muli %add3A_13, %mul3A_14 : i32
    %dma_start3A = arith.constant 0 : i32
    %dma_start3A_16 = arith.constant 0 : i32
    %dma_start3A_17 = arith.constant 0 : i32
    %dma_start3A_18 = arith.constant 0 : i32
    %dma_start3A_19 = tpu.memref_slice %arg8[%dma_start3A_16, %dma_start3A_17, %dma_start3A_18] : memref<2x128x32xf32, #tpu.memory_space<vmem>> -> memref<1x128x32xf32, #tpu.memory_space<vmem>>
    %dma_start3A_20 = tpu.memref_squeeze %dma_start3A_19 : memref<1x128x32xf32, #tpu.memory_space<vmem>> -> memref<128x32xf32, #tpu.memory_space<vmem>>
    %dma_start3A_21 = arith.constant 0 : i32
    %dma_start3A_22 = tpu.memref_slice %arg6[%dma_start3A, %dma_start3A_21] : memref<79x128xi32, #tpu.memory_space<vmem>> -> memref<1x128xi32, #tpu.memory_space<vmem>>
    %dma_start3A_23 = tpu.memref_squeeze %dma_start3A_22 : memref<1x128xi32, #tpu.memory_space<vmem>> -> memref<128xi32, #tpu.memory_space<vmem>>
    %dma_start3A_24 = arith.constant 0 : i32
    %dma_start3A_25 = arith.constant 0 : i32
    %dma_start3A_26 = tpu.memref_slice %arg4[%dma_start3A_24, %dma_start3A_25] : memref<10000x32xf32, #tpu.memory_space<hbm>> -> memref<10000x32xf32, #tpu.memory_space<hbm>>
    tpu.enqueue_indirect_dma source(%dma_start3A_26 : memref<10000x32xf32, #tpu.memory_space<hbm>>) target(%dma_start3A_20 : memref<128x32xf32, #tpu.memory_space<vmem>>) offsets(%dma_start3A_23 : memref<128xi32, #tpu.memory_space<vmem>>) semaphore(%arg10 : memref<!tpu.dma_semaphore, #tpu.memory_space<semaphore_mem>>)
    %mul3A_27 = arith.constant 16 : i32
    %mul3A_28 = arith.muli %mul3A_15, %mul3A_27 : i32
    %dma_start3A_29 = arith.constant 0 : i32
    %dma_start3A_30 = arith.constant 0 : i32
    %dma_start3A_31 = tpu.memref_slice %arg7[%dma_start3A_29, %dma_start3A_30] : memref<2x2048xf32, #tpu.memory_space<vmem>> -> memref<1x2048xf32, #tpu.memory_space<vmem>>
    %dma_start3A_32 = tpu.memref_squeeze %dma_start3A_31 : memref<1x2048xf32, #tpu.memory_space<vmem>> -> memref<2048xf32, #tpu.memory_space<vmem>>
    %dma_start3A_33 = tpu.memref_slice %arg3[%mul3A_28] : memref<5120000xf32, #tpu.memory_space<hbm>> -> memref<2048xf32, #tpu.memory_space<hbm>>
    %dma_start3A_34 = arith.constant 0 : i32
    %dma_start3A_35 = tpu.memref_slice %arg7[%dma_start3A_29, %dma_start3A_34] : memref<2x2048xf32, #tpu.memory_space<vmem>> -> memref<1x2048xf32, #tpu.memory_space<vmem>>
    %dma_start3A_36 = tpu.memref_squeeze %dma_start3A_35 : memref<1x2048xf32, #tpu.memory_space<vmem>> -> memref<2048xf32, #tpu.memory_space<vmem>>
    %dma_start3A_37 = tpu.memref_slice %arg3[%mul3A_28] : memref<5120000xf32, #tpu.memory_space<hbm>> -> memref<2048xf32, #tpu.memory_space<hbm>>
    tpu.enqueue_dma source(%dma_start3A_37 : memref<2048xf32, #tpu.memory_space<hbm>>) target(%dma_start3A_36 : memref<2048xf32, #tpu.memory_space<vmem>>) target_semaphore(%arg10 : memref<!tpu.dma_semaphore, #tpu.memory_space<semaphore_mem>>)
    %scan3A = arith.constant 0 : i32
    %scan3A_38 = arith.constant 0 : i32
    %scan3A_39 = arith.constant 41 : i32
    %scan3A_40 = arith.addi %scan3A_38, %scan3A_39 : i32
    %scan3A_41 = arith.constant 1 : i32
    %scan3A_42 = scf.for %scan3A_73 = %scan3A_38 to %scan3A_40 step %scan3A_41 iter_args(%scan3A_74 = %scan3A) -> (i32)  : i32 {
      %mul3A_75 = arith.constant 2 : i32
      %mul3A_76 = arith.muli %mul3A_75, %scan3A_73 : i32
      %add3A_77 = arith.constant 1 : i32
      %add3A_78 = arith.addi %mul3A_76, %add3A_77 : i32
      %lt3A_79 = arith.cmpi slt, %mul3A_76, %add3A_8 : i32
      %convert_element_type3A_80 = arith.extui %lt3A_79 : i1 to i32
      %cond3A_81 = arith.constant 0 : i32
      %cond3A_82 = arith.cmpi ne, %convert_element_type3A_80, %cond3A_81 : i32
      scf.if %cond3A_82 {
        %lt3A_88 = arith.cmpi slt, %add3A_78, %add3A_8 : i32
        %convert_element_type3A_89 = arith.extui %lt3A_88 : i1 to i32
        %cond3A_90 = arith.constant 0 : i32
        %cond3A_91 = arith.cmpi ne, %convert_element_type3A_89, %cond3A_90 : i32
        scf.if %cond3A_91 {
          %add3A_142 = arith.addi %add3A_4, %add3A_78 : i32
          %mul3A_143 = arith.constant 128 : i32
          %mul3A_144 = arith.muli %add3A_142, %mul3A_143 : i32
          %dma_start3A_145 = arith.constant 1 : i32
          %dma_start3A_146 = arith.constant 0 : i32
          %dma_start3A_147 = arith.constant 0 : i32
          %dma_start3A_148 = tpu.memref_slice %arg8[%dma_start3A_145, %dma_start3A_146, %dma_start3A_147] : memref<2x128x32xf32, #tpu.memory_space<vmem>> -> memref<1x128x32xf32, #tpu.memory_space<vmem>>
          %dma_start3A_149 = tpu.memref_squeeze %dma_start3A_148 : memref<1x128x32xf32, #tpu.memory_space<vmem>> -> memref<128x32xf32, #tpu.memory_space<vmem>>
          %dma_start3A_150 = arith.constant 0 : i32
          %dma_start3A_151 = tpu.memref_slice %arg6[%add3A_78, %dma_start3A_150] : memref<79x128xi32, #tpu.memory_space<vmem>> -> memref<1x128xi32, #tpu.memory_space<vmem>>
          %dma_start3A_152 = tpu.memref_squeeze %dma_start3A_151 : memref<1x128xi32, #tpu.memory_space<vmem>> -> memref<128xi32, #tpu.memory_space<vmem>>
          %dma_start3A_153 = arith.constant 0 : i32
          %dma_start3A_154 = arith.constant 0 : i32
          %dma_start3A_155 = tpu.memref_slice %arg4[%dma_start3A_153, %dma_start3A_154] : memref<10000x32xf32, #tpu.memory_space<hbm>> -> memref<10000x32xf32, #tpu.memory_space<hbm>>
          tpu.enqueue_indirect_dma source(%dma_start3A_155 : memref<10000x32xf32, #tpu.memory_space<hbm>>) target(%dma_start3A_149 : memref<128x32xf32, #tpu.memory_space<vmem>>) offsets(%dma_start3A_152 : memref<128xi32, #tpu.memory_space<vmem>>) semaphore(%arg11 : memref<!tpu.dma_semaphore, #tpu.memory_space<semaphore_mem>>)
          %mul3A_156 = arith.constant 16 : i32
          %mul3A_157 = arith.muli %mul3A_144, %mul3A_156 : i32
          %dma_start3A_158 = arith.constant 1 : i32
          %dma_start3A_159 = arith.constant 0 : i32
          %dma_start3A_160 = tpu.memref_slice %arg7[%dma_start3A_158, %dma_start3A_159] : memref<2x2048xf32, #tpu.memory_space<vmem>> -> memref<1x2048xf32, #tpu.memory_space<vmem>>
          %dma_start3A_161 = tpu.memref_squeeze %dma_start3A_160 : memref<1x2048xf32, #tpu.memory_space<vmem>> -> memref<2048xf32, #tpu.memory_space<vmem>>
          %dma_start3A_162 = tpu.memref_slice %arg3[%mul3A_157] : memref<5120000xf32, #tpu.memory_space<hbm>> -> memref<2048xf32, #tpu.memory_space<hbm>>
          %dma_start3A_163 = arith.constant 0 : i32
          %dma_start3A_164 = tpu.memref_slice %arg7[%dma_start3A_158, %dma_start3A_163] : memref<2x2048xf32, #tpu.memory_space<vmem>> -> memref<1x2048xf32, #tpu.memory_space<vmem>>
          %dma_start3A_165 = tpu.memref_squeeze %dma_start3A_164 : memref<1x2048xf32, #tpu.memory_space<vmem>> -> memref<2048xf32, #tpu.memory_space<vmem>>
          %dma_start3A_166 = tpu.memref_slice %arg3[%mul3A_157] : memref<5120000xf32, #tpu.memory_space<hbm>> -> memref<2048xf32, #tpu.memory_space<hbm>>
          tpu.enqueue_dma source(%dma_start3A_166 : memref<2048xf32, #tpu.memory_space<hbm>>) target(%dma_start3A_165 : memref<2048xf32, #tpu.memory_space<vmem>>) target_semaphore(%arg11 : memref<!tpu.dma_semaphore, #tpu.memory_space<semaphore_mem>>)
        } else {
        }
        %dma_wait3A_92 = arith.constant 0 : i32
        %dma_wait3A_93 = arith.constant 0 : i32
        %dma_wait3A_94 = arith.constant 0 : i32
        %dma_wait3A_95 = arith.constant 0 : i32
        %dma_wait3A_96 = tpu.memref_slice %arg8[%dma_wait3A_93, %dma_wait3A_94, %dma_wait3A_95] : memref<2x128x32xf32, #tpu.memory_space<vmem>> -> memref<1x128x32xf32, #tpu.memory_space<vmem>>
        %dma_wait3A_97 = tpu.memref_squeeze %dma_wait3A_96 : memref<1x128x32xf32, #tpu.memory_space<vmem>> -> memref<128x32xf32, #tpu.memory_space<vmem>>
        %dma_wait3A_98 = arith.constant 0 : i32
        %dma_wait3A_99 = tpu.memref_slice %arg6[%dma_wait3A_92, %dma_wait3A_98] : memref<79x128xi32, #tpu.memory_space<vmem>> -> memref<1x128xi32, #tpu.memory_space<vmem>>
        %dma_wait3A_100 = tpu.memref_squeeze %dma_wait3A_99 : memref<1x128xi32, #tpu.memory_space<vmem>> -> memref<128xi32, #tpu.memory_space<vmem>>
        %dma_wait3A_101 = arith.constant 0 : i32
        %dma_wait3A_102 = arith.constant 0 : i32
        %dma_wait3A_103 = tpu.memref_slice %arg4[%dma_wait3A_101, %dma_wait3A_102] : memref<10000x32xf32, #tpu.memory_space<hbm>> -> memref<10000x32xf32, #tpu.memory_space<hbm>>
        tpu.wait_indirect_dma semaphore(%arg10 : memref<!tpu.dma_semaphore, #tpu.memory_space<semaphore_mem>>) src(%dma_wait3A_103 : memref<10000x32xf32, #tpu.memory_space<hbm>>) dst(%dma_wait3A_97 : memref<128x32xf32, #tpu.memory_space<vmem>>)
        %dma_wait3A_104 = arith.constant 0 : i32
        %dma_wait3A_105 = arith.constant 0 : i32
        %dma_wait3A_106 = tpu.memref_slice %arg7[%dma_wait3A_104, %dma_wait3A_105] : memref<2x2048xf32, #tpu.memory_space<vmem>> -> memref<1x2048xf32, #tpu.memory_space<vmem>>
        %dma_wait3A_107 = tpu.memref_squeeze %dma_wait3A_106 : memref<1x2048xf32, #tpu.memory_space<vmem>> -> memref<2048xf32, #tpu.memory_space<vmem>>
        %dma_wait3A_108 = arith.constant 0 : i32
        %dma_wait3A_109 = tpu.memref_slice %arg3[%dma_wait3A_108] : memref<5120000xf32, #tpu.memory_space<hbm>> -> memref<2048xf32, #tpu.memory_space<hbm>>
        %dma_wait3A_110 = arith.constant 0 : i32
        %dma_wait3A_111 = tpu.memref_slice %arg7[%dma_wait3A_104, %dma_wait3A_110] : memref<2x2048xf32, #tpu.memory_space<vmem>> -> memref<1x2048xf32, #tpu.memory_space<vmem>>
        %dma_wait3A_112 = tpu.memref_squeeze %dma_wait3A_111 : memref<1x2048xf32, #tpu.memory_space<vmem>> -> memref<2048xf32, #tpu.memory_space<vmem>>
        %dma_wait3A_113 = arith.constant 0 : i32
        %dma_wait3A_114 = tpu.memref_slice %arg3[%dma_wait3A_113] : memref<5120000xf32, #tpu.memory_space<hbm>> -> memref<2048xf32, #tpu.memory_space<hbm>>
        tpu.wait_dma2 semaphore(%arg10 : memref<!tpu.dma_semaphore, #tpu.memory_space<semaphore_mem>>) src(%dma_wait3A_114 : memref<2048xf32, #tpu.memory_space<hbm>>) dst(%dma_wait3A_112 : memref<2048xf32, #tpu.memory_space<vmem>>)
        %ge3A = arith.constant 1 : i32
        %ge3A_115 = arith.cmpi sge, %scan3A_73, %ge3A : i32
        %convert_element_type3A_116 = arith.extui %ge3A_115 : i1 to i32
        %cond3A_117 = arith.constant 0 : i32
        %cond3A_118 = arith.cmpi ne, %convert_element_type3A_116, %cond3A_117 : i32
        scf.if %cond3A_118 {
          %dma_wait3A_142 = arith.constant 0 : i32
          %dma_wait3A_143 = arith.constant 0 : i32
          %dma_wait3A_144 = arith.constant 0 : i32
          %dma_wait3A_145 = tpu.memref_slice %arg9[%dma_wait3A_142, %dma_wait3A_143, %dma_wait3A_144] : memref<2x16x128xf32, #tpu.memory_space<vmem>> -> memref<1x16x128xf32, #tpu.memory_space<vmem>>
          %dma_wait3A_146 = tpu.memref_squeeze %dma_wait3A_145 : memref<1x16x128xf32, #tpu.memory_space<vmem>> -> memref<16x128xf32, #tpu.memory_space<vmem>>
          %dma_wait3A_147 = arith.constant 0 : i32
          %dma_wait3A_148 = arith.constant 0 : i32
          %dma_wait3A_149 = tpu.memref_slice %arg5[%dma_wait3A_147, %dma_wait3A_148] : memref<16x320000xf32, #tpu.memory_space<hbm>> -> memref<16x128xf32, #tpu.memory_space<hbm>>
          %dma_wait3A_150 = arith.constant 0 : i32
          %dma_wait3A_151 = arith.constant 0 : i32
          %dma_wait3A_152 = tpu.memref_slice %arg5[%dma_wait3A_150, %dma_wait3A_151] : memref<16x320000xf32, #tpu.memory_space<hbm>> -> memref<16x128xf32, #tpu.memory_space<hbm>>
          %dma_wait3A_153 = arith.constant 0 : i32
          %dma_wait3A_154 = arith.constant 0 : i32
          %dma_wait3A_155 = tpu.memref_slice %arg9[%dma_wait3A_142, %dma_wait3A_153, %dma_wait3A_154] : memref<2x16x128xf32, #tpu.memory_space<vmem>> -> memref<1x16x128xf32, #tpu.memory_space<vmem>>
          %dma_wait3A_156 = tpu.memref_squeeze %dma_wait3A_155 : memref<1x16x128xf32, #tpu.memory_space<vmem>> -> memref<16x128xf32, #tpu.memory_space<vmem>>
          tpu.wait_dma2 semaphore(%arg12 : memref<!tpu.dma_semaphore, #tpu.memory_space<semaphore_mem>>) src(%dma_wait3A_156 : memref<16x128xf32, #tpu.memory_space<vmem>>) dst(%dma_wait3A_152 : memref<16x128xf32, #tpu.memory_space<hbm>>)
        } else {
        }
        %scan3A_119 = arith.constant 0 : i32
        %scan3A_120 = arith.constant 0 : i32
        %scan3A_121 = arith.constant 128 : i32
        %scan3A_122 = arith.addi %scan3A_120, %scan3A_121 : i32
        %scan3A_123 = arith.constant 16 : i32
        %scan3A_124 = scf.for %scan3A_142 = %scan3A_120 to %scan3A_122 step %scan3A_123 iter_args(%scan3A_143 = %scan3A_119) -> (i32)  : i32 {
          %get3A = arith.constant 0 : i32
          %get3A_144 = arith.index_cast %get3A : i32 to index
          %get3A_145 = arith.index_cast %scan3A_142 : i32 to index
          %get3A_146 = arith.constant 0 : index
          %get3A_147 = tpu.vector_load %arg8[%get3A_144, %get3A_145, %get3A_146] {strides = array<i32>} : memref<2x128x32xf32, #tpu.memory_space<vmem>>, vector<16xf32>,
          %get3A_148 = arith.constant 0 : i32
          %get3A_149 = arith.index_cast %get3A_148 : i32 to index
          %get3A_150 = arith.index_cast %scan3A_142 : i32 to index
          %get3A_151 = arith.constant 16 : index
          %get3A_152 = tpu.vector_load %arg8[%get3A_149, %get3A_150, %get3A_151] {strides = array<i32>} : memref<2x128x32xf32, #tpu.memory_space<vmem>>, vector<16xf32>,
          %add3A_153 = arith.addf %get3A_147, %get3A_152 : vector<16xf32>
          %mul3A_154 = arith.constant 16 : i32
          %mul3A_155 = arith.muli %scan3A_142, %mul3A_154 : i32
          %get3A_156 = arith.constant 0 : i32
          %get3A_157 = arith.index_cast %get3A_156 : i32 to index
          %get3A_158 = arith.index_cast %mul3A_155 : i32 to index
          %get3A_159 = tpu.vector_load %arg7[%get3A_157, %get3A_158] {strides = array<i32>} : memref<2x2048xf32, #tpu.memory_space<vmem>>, vector<16xf32>,
          %div3A = arith.divf %get3A_159, %add3A_153 : vector<16xf32>
          %broadcast_in_dim3A = vector.broadcast %scan3A_142 : i32 to vector<16xi32>
          %scatter3A = arith.constant 0 : i32
          %scatter3A_160 = arith.constant 0 : i32
          %scatter3A_161 = arith.constant 0 : i32
          %scatter3A_162 = tpu.memref_slice %arg9[%scatter3A, %scatter3A_160, %scatter3A_161] : memref<2x16x128xf32, #tpu.memory_space<vmem>> -> memref<1x16x128xf32, #tpu.memory_space<vmem>>
          %scatter3A_163 = tpu.memref_squeeze %scatter3A_162 : memref<1x16x128xf32, #tpu.memory_space<vmem>> -> memref<16x128xf32, #tpu.memory_space<vmem>>
          tpu.vector_store_idx %scatter3A_163[%iota3A, %broadcast_in_dim3A], %div3A : memref<16x128xf32, #tpu.memory_space<vmem>>[vector<16xi32>, vector<16xi32>], vector<16xf32>,
          %scan3A_164 = arith.constant 0 : i32
          %scan3A_165 = arith.constant 1 : i32
          %scan3A_166 = arith.addi %scan3A_142, %scan3A_165 : i32
          %get3A_167 = arith.constant 0 : i32
          %get3A_168 = arith.index_cast %get3A_167 : i32 to index
          %get3A_169 = arith.index_cast %scan3A_166 : i32 to index
          %get3A_170 = arith.constant 0 : index
          %get3A_171 = tpu.vector_load %arg8[%get3A_168, %get3A_169, %get3A_170] {strides = array<i32>} : memref<2x128x32xf32, #tpu.memory_space<vmem>>, vector<16xf32>,
          %get3A_172 = arith.constant 0 : i32
          %get3A_173 = arith.index_cast %get3A_172 : i32 to index
          %get3A_174 = arith.index_cast %scan3A_166 : i32 to index
          %get3A_175 = arith.constant 16 : index
          %get3A_176 = tpu.vector_load %arg8[%get3A_173, %get3A_174, %get3A_175] {strides = array<i32>} : memref<2x128x32xf32, #tpu.memory_space<vmem>>, vector<16xf32>,
          %add3A_177 = arith.addf %get3A_171, %get3A_176 : vector<16xf32>
          %mul3A_178 = arith.constant 16 : i32
          %mul3A_179 = arith.muli %scan3A_166, %mul3A_178 : i32
          %get3A_180 = arith.constant 0 : i32
          %get3A_181 = arith.index_cast %get3A_180 : i32 to index
          %get3A_182 = arith.index_cast %mul3A_179 : i32 to index
          %get3A_183 = tpu.vector_load %arg7[%get3A_181, %get3A_182] {strides = array<i32>} : memref<2x2048xf32, #tpu.memory_space<vmem>>, vector<16xf32>,
          %div3A_184 = arith.divf %get3A_183, %add3A_177 : vector<16xf32>
          %broadcast_in_dim3A_185 = vector.broadcast %scan3A_166 : i32 to vector<16xi32>
          %scatter3A_186 = arith.constant 0 : i32
          %scatter3A_187 = arith.constant 0 : i32
          %scatter3A_188 = arith.constant 0 : i32
          %scatter3A_189 = tpu.memref_slice %arg9[%scatter3A_186, %scatter3A_187, %scatter3A_188] : memref<2x16x128xf32, #tpu.memory_space<vmem>> -> memref<1x16x128xf32, #tpu.memory_space<vmem>>
          %scatter3A_190 = tpu.memref_squeeze %scatter3A_189 : memref<1x16x128xf32, #tpu.memory_space<vmem>> -> memref<16x128xf32, #tpu.memory_space<vmem>>
          tpu.vector_store_idx %scatter3A_190[%iota3A, %broadcast_in_dim3A_185], %div3A_184 : memref<16x128xf32, #tpu.memory_space<vmem>>[vector<16xi32>, vector<16xi32>], vector<16xf32>,
          %scan3A_191 = arith.constant 0 : i32
          %scan3A_192 = arith.constant 2 : i32
          %scan3A_193 = arith.addi %scan3A_142, %scan3A_192 : i32
          %get3A_194 = arith.constant 0 : i32
          %get3A_195 = arith.index_cast %get3A_194 : i32 to index
          %get3A_196 = arith.index_cast %scan3A_193 : i32 to index
          %get3A_197 = arith.constant 0 : index
          %get3A_198 = tpu.vector_load %arg8[%get3A_195, %get3A_196, %get3A_197] {strides = array<i32>} : memref<2x128x32xf32, #tpu.memory_space<vmem>>, vector<16xf32>,
          %get3A_199 = arith.constant 0 : i32
          %get3A_200 = arith.index_cast %get3A_199 : i32 to index
          %get3A_201 = arith.index_cast %scan3A_193 : i32 to index
          %get3A_202 = arith.constant 16 : index
          %get3A_203 = tpu.vector_load %arg8[%get3A_200, %get3A_201, %get3A_202] {strides = array<i32>} : memref<2x128x32xf32, #tpu.memory_space<vmem>>, vector<16xf32>,
          %add3A_204 = arith.addf %get3A_198, %get3A_203 : vector<16xf32>
          %mul3A_205 = arith.constant 16 : i32
          %mul3A_206 = arith.muli %scan3A_193, %mul3A_205 : i32
          %get3A_207 = arith.constant 0 : i32
          %get3A_208 = arith.index_cast %get3A_207 : i32 to index
          %get3A_209 = arith.index_cast %mul3A_206 : i32 to index
          %get3A_210 = tpu.vector_load %arg7[%get3A_208, %get3A_209] {strides = array<i32>} : memref<2x2048xf32, #tpu.memory_space<vmem>>, vector<16xf32>,
          %div3A_211 = arith.divf %get3A_210, %add3A_204 : vector<16xf32>
          %broadcast_in_dim3A_212 = vector.broadcast %scan3A_193 : i32 to vector<16xi32>
          %scatter3A_213 = arith.constant 0 : i32
          %scatter3A_214 = arith.constant 0 : i32
          %scatter3A_215 = arith.constant 0 : i32
          %scatter3A_216 = tpu.memref_slice %arg9[%scatter3A_213, %scatter3A_214, %scatter3A_215] : memref<2x16x128xf32, #tpu.memory_space<vmem>> -> memref<1x16x128xf32, #tpu.memory_space<vmem>>
          %scatter3A_217 = tpu.memref_squeeze %scatter3A_216 : memref<1x16x128xf32, #tpu.memory_space<vmem>> -> memref<16x128xf32, #tpu.memory_space<vmem>>
          tpu.vector_store_idx %scatter3A_217[%iota3A, %broadcast_in_dim3A_212], %div3A_211 : memref<16x128xf32, #tpu.memory_space<vmem>>[vector<16xi32>, vector<16xi32>], vector<16xf32>,
          %scan3A_218 = arith.constant 0 : i32
          %scan3A_219 = arith.constant 3 : i32
          %scan3A_220 = arith.addi %scan3A_142, %scan3A_219 : i32
          %get3A_221 = arith.constant 0 : i32
          %get3A_222 = arith.index_cast %get3A_221 : i32 to index
          %get3A_223 = arith.index_cast %scan3A_220 : i32 to index
          %get3A_224 = arith.constant 0 : index
          %get3A_225 = tpu.vector_load %arg8[%get3A_222, %get3A_223, %get3A_224] {strides = array<i32>} : memref<2x128x32xf32, #tpu.memory_space<vmem>>, vector<16xf32>,
          %get3A_226 = arith.constant 0 : i32
          %get3A_227 = arith.index_cast %get3A_226 : i32 to index
          %get3A_228 = arith.index_cast %scan3A_220 : i32 to index
          %get3A_229 = arith.constant 16 : index
          %get3A_230 = tpu.vector_load %arg8[%get3A_227, %get3A_228, %get3A_229] {strides = array<i32>} : memref<2x128x32xf32, #tpu.memory_space<vmem>>, vector<16xf32>,
          %add3A_231 = arith.addf %get3A_225, %get3A_230 : vector<16xf32>
          %mul3A_232 = arith.constant 16 : i32
          %mul3A_233 = arith.muli %scan3A_220, %mul3A_232 : i32
          %get3A_234 = arith.constant 0 : i32
          %get3A_235 = arith.index_cast %get3A_234 : i32 to index
          %get3A_236 = arith.index_cast %mul3A_233 : i32 to index
          %get3A_237 = tpu.vector_load %arg7[%get3A_235, %get3A_236] {strides = array<i32>} : memref<2x2048xf32, #tpu.memory_space<vmem>>, vector<16xf32>,
          %div3A_238 = arith.divf %get3A_237, %add3A_231 : vector<16xf32>
          %broadcast_in_dim3A_239 = vector.broadcast %scan3A_220 : i32 to vector<16xi32>
          %scatter3A_240 = arith.constant 0 : i32
          %scatter3A_241 = arith.constant 0 : i32
          %scatter3A_242 = arith.constant 0 : i32
          %scatter3A_243 = tpu.memref_slice %arg9[%scatter3A_240, %scatter3A_241, %scatter3A_242] : memref<2x16x128xf32, #tpu.memory_space<vmem>> -> memref<1x16x128xf32, #tpu.memory_space<vmem>>
          %scatter3A_244 = tpu.memref_squeeze %scatter3A_243 : memref<1x16x128xf32, #tpu.memory_space<vmem>> -> memref<16x128xf32, #tpu.memory_space<vmem>>
          tpu.vector_store_idx %scatter3A_244[%iota3A, %broadcast_in_dim3A_239], %div3A_238 : memref<16x128xf32, #tpu.memory_space<vmem>>[vector<16xi32>, vector<16xi32>], vector<16xf32>,
          %scan3A_245 = arith.constant 0 : i32
          %scan3A_246 = arith.constant 4 : i32
          %scan3A_247 = arith.addi %scan3A_142, %scan3A_246 : i32
          %get3A_248 = arith.constant 0 : i32
          %get3A_249 = arith.index_cast %get3A_248 : i32 to index
          %get3A_250 = arith.index_cast %scan3A_247 : i32 to index
          %get3A_251 = arith.constant 0 : index
          %get3A_252 = tpu.vector_load %arg8[%get3A_249, %get3A_250, %get3A_251] {strides = array<i32>} : memref<2x128x32xf32, #tpu.memory_space<vmem>>, vector<16xf32>,
          %get3A_253 = arith.constant 0 : i32
          %get3A_254 = arith.index_cast %get3A_253 : i32 to index
          %get3A_255 = arith.index_cast %scan3A_247 : i32 to index
          %get3A_256 = arith.constant 16 : index
          %get3A_257 = tpu.vector_load %arg8[%get3A_254, %get3A_255, %get3A_256] {strides = array<i32>} : memref<2x128x32xf32, #tpu.memory_space<vmem>>, vector<16xf32>,
          %add3A_258 = arith.addf %get3A_252, %get3A_257 : vector<16xf32>
          %mul3A_259 = arith.constant 16 : i32
          %mul3A_260 = arith.muli %scan3A_247, %mul3A_259 : i32
          %get3A_261 = arith.constant 0 : i32
          %get3A_262 = arith.index_cast %get3A_261 : i32 to index
          %get3A_263 = arith.index_cast %mul3A_260 : i32 to index
          %get3A_264 = tpu.vector_load %arg7[%get3A_262, %get3A_263] {strides = array<i32>} : memref<2x2048xf32, #tpu.memory_space<vmem>>, vector<16xf32>,
          %div3A_265 = arith.divf %get3A_264, %add3A_258 : vector<16xf32>
          %broadcast_in_dim3A_266 = vector.broadcast %scan3A_247 : i32 to vector<16xi32>
          %scatter3A_267 = arith.constant 0 : i32
          %scatter3A_268 = arith.constant 0 : i32
          %scatter3A_269 = arith.constant 0 : i32
          %scatter3A_270 = tpu.memref_slice %arg9[%scatter3A_267, %scatter3A_268, %scatter3A_269] : memref<2x16x128xf32, #tpu.memory_space<vmem>> -> memref<1x16x128xf32, #tpu.memory_space<vmem>>
          %scatter3A_271 = tpu.memref_squeeze %scatter3A_270 : memref<1x16x128xf32, #tpu.memory_space<vmem>> -> memref<16x128xf32, #tpu.memory_space<vmem>>
          tpu.vector_store_idx %scatter3A_271[%iota3A, %broadcast_in_dim3A_266], %div3A_265 : memref<16x128xf32, #tpu.memory_space<vmem>>[vector<16xi32>, vector<16xi32>], vector<16xf32>,
          %scan3A_272 = arith.constant 0 : i32
          %scan3A_273 = arith.constant 5 : i32
          %scan3A_274 = arith.addi %scan3A_142, %scan3A_273 : i32
          %get3A_275 = arith.constant 0 : i32
          %get3A_276 = arith.index_cast %get3A_275 : i32 to index
          %get3A_277 = arith.index_cast %scan3A_274 : i32 to index
          %get3A_278 = arith.constant 0 : index
          %get3A_279 = tpu.vector_load %arg8[%get3A_276, %get3A_277, %get3A_278] {strides = array<i32>} : memref<2x128x32xf32, #tpu.memory_space<vmem>>, vector<16xf32>,
          %get3A_280 = arith.constant 0 : i32
          %get3A_281 = arith.index_cast %get3A_280 : i32 to index
          %get3A_282 = arith.index_cast %scan3A_274 : i32 to index
          %get3A_283 = arith.constant 16 : index
          %get3A_284 = tpu.vector_load %arg8[%get3A_281, %get3A_282, %get3A_283] {strides = array<i32>} : memref<2x128x32xf32, #tpu.memory_space<vmem>>, vector<16xf32>,
          %add3A_285 = arith.addf %get3A_279, %get3A_284 : vector<16xf32>
          %mul3A_286 = arith.constant 16 : i32
          %mul3A_287 = arith.muli %scan3A_274, %mul3A_286 : i32
          %get3A_288 = arith.constant 0 : i32
          %get3A_289 = arith.index_cast %get3A_288 : i32 to index
          %get3A_290 = arith.index_cast %mul3A_287 : i32 to index
          %get3A_291 = tpu.vector_load %arg7[%get3A_289, %get3A_290] {strides = array<i32>} : memref<2x2048xf32, #tpu.memory_space<vmem>>, vector<16xf32>,
          %div3A_292 = arith.divf %get3A_291, %add3A_285 : vector<16xf32>
          %broadcast_in_dim3A_293 = vector.broadcast %scan3A_274 : i32 to vector<16xi32>
          %scatter3A_294 = arith.constant 0 : i32
          %scatter3A_295 = arith.constant 0 : i32
          %scatter3A_296 = arith.constant 0 : i32
          %scatter3A_297 = tpu.memref_slice %arg9[%scatter3A_294, %scatter3A_295, %scatter3A_296] : memref<2x16x128xf32, #tpu.memory_space<vmem>> -> memref<1x16x128xf32, #tpu.memory_space<vmem>>
          %scatter3A_298 = tpu.memref_squeeze %scatter3A_297 : memref<1x16x128xf32, #tpu.memory_space<vmem>> -> memref<16x128xf32, #tpu.memory_space<vmem>>
          tpu.vector_store_idx %scatter3A_298[%iota3A, %broadcast_in_dim3A_293], %div3A_292 : memref<16x128xf32, #tpu.memory_space<vmem>>[vector<16xi32>, vector<16xi32>], vector<16xf32>,
          %scan3A_299 = arith.constant 0 : i32
          %scan3A_300 = arith.constant 6 : i32
          %scan3A_301 = arith.addi %scan3A_142, %scan3A_300 : i32
          %get3A_302 = arith.constant 0 : i32
          %get3A_303 = arith.index_cast %get3A_302 : i32 to index
          %get3A_304 = arith.index_cast %scan3A_301 : i32 to index
          %get3A_305 = arith.constant 0 : index
          %get3A_306 = tpu.vector_load %arg8[%get3A_303, %get3A_304, %get3A_305] {strides = array<i32>} : memref<2x128x32xf32, #tpu.memory_space<vmem>>, vector<16xf32>,
          %get3A_307 = arith.constant 0 : i32
          %get3A_308 = arith.index_cast %get3A_307 : i32 to index
          %get3A_309 = arith.index_cast %scan3A_301 : i32 to index
          %get3A_310 = arith.constant 16 : index
          %get3A_311 = tpu.vector_load %arg8[%get3A_308, %get3A_309, %get3A_310] {strides = array<i32>} : memref<2x128x32xf32, #tpu.memory_space<vmem>>, vector<16xf32>,
          %add3A_312 = arith.addf %get3A_306, %get3A_311 : vector<16xf32>
          %mul3A_313 = arith.constant 16 : i32
          %mul3A_314 = arith.muli %scan3A_301, %mul3A_313 : i32
          %get3A_315 = arith.constant 0 : i32
          %get3A_316 = arith.index_cast %get3A_315 : i32 to index
          %get3A_317 = arith.index_cast %mul3A_314 : i32 to index
          %get3A_318 = tpu.vector_load %arg7[%get3A_316, %get3A_317] {strides = array<i32>} : memref<2x2048xf32, #tpu.memory_space<vmem>>, vector<16xf32>,
          %div3A_319 = arith.divf %get3A_318, %add3A_312 : vector<16xf32>
          %broadcast_in_dim3A_320 = vector.broadcast %scan3A_301 : i32 to vector<16xi32>
          %scatter3A_321 = arith.constant 0 : i32
          %scatter3A_322 = arith.constant 0 : i32
          %scatter3A_323 = arith.constant 0 : i32
          %scatter3A_324 = tpu.memref_slice %arg9[%scatter3A_321, %scatter3A_322, %scatter3A_323] : memref<2x16x128xf32, #tpu.memory_space<vmem>> -> memref<1x16x128xf32, #tpu.memory_space<vmem>>
          %scatter3A_325 = tpu.memref_squeeze %scatter3A_324 : memref<1x16x128xf32, #tpu.memory_space<vmem>> -> memref<16x128xf32, #tpu.memory_space<vmem>>
          tpu.vector_store_idx %scatter3A_325[%iota3A, %broadcast_in_dim3A_320], %div3A_319 : memref<16x128xf32, #tpu.memory_space<vmem>>[vector<16xi32>, vector<16xi32>], vector<16xf32>,
          %scan3A_326 = arith.constant 0 : i32
          %scan3A_327 = arith.constant 7 : i32
          %scan3A_328 = arith.addi %scan3A_142, %scan3A_327 : i32
          %get3A_329 = arith.constant 0 : i32
          %get3A_330 = arith.index_cast %get3A_329 : i32 to index
          %get3A_331 = arith.index_cast %scan3A_328 : i32 to index
          %get3A_332 = arith.constant 0 : index
          %get3A_333 = tpu.vector_load %arg8[%get3A_330, %get3A_331, %get3A_332] {strides = array<i32>} : memref<2x128x32xf32, #tpu.memory_space<vmem>>, vector<16xf32>,
          %get3A_334 = arith.constant 0 : i32
          %get3A_335 = arith.index_cast %get3A_334 : i32 to index
          %get3A_336 = arith.index_cast %scan3A_328 : i32 to index
          %get3A_337 = arith.constant 16 : index
          %get3A_338 = tpu.vector_load %arg8[%get3A_335, %get3A_336, %get3A_337] {strides = array<i32>} : memref<2x128x32xf32, #tpu.memory_space<vmem>>, vector<16xf32>,
          %add3A_339 = arith.addf %get3A_333, %get3A_338 : vector<16xf32>
          %mul3A_340 = arith.constant 16 : i32
          %mul3A_341 = arith.muli %scan3A_328, %mul3A_340 : i32
          %get3A_342 = arith.constant 0 : i32
          %get3A_343 = arith.index_cast %get3A_342 : i32 to index
          %get3A_344 = arith.index_cast %mul3A_341 : i32 to index
          %get3A_345 = tpu.vector_load %arg7[%get3A_343, %get3A_344] {strides = array<i32>} : memref<2x2048xf32, #tpu.memory_space<vmem>>, vector<16xf32>,
          %div3A_346 = arith.divf %get3A_345, %add3A_339 : vector<16xf32>
          %broadcast_in_dim3A_347 = vector.broadcast %scan3A_328 : i32 to vector<16xi32>
          %scatter3A_348 = arith.constant 0 : i32
          %scatter3A_349 = arith.constant 0 : i32
          %scatter3A_350 = arith.constant 0 : i32
          %scatter3A_351 = tpu.memref_slice %arg9[%scatter3A_348, %scatter3A_349, %scatter3A_350] : memref<2x16x128xf32, #tpu.memory_space<vmem>> -> memref<1x16x128xf32, #tpu.memory_space<vmem>>
          %scatter3A_352 = tpu.memref_squeeze %scatter3A_351 : memref<1x16x128xf32, #tpu.memory_space<vmem>> -> memref<16x128xf32, #tpu.memory_space<vmem>>
          tpu.vector_store_idx %scatter3A_352[%iota3A, %broadcast_in_dim3A_347], %div3A_346 : memref<16x128xf32, #tpu.memory_space<vmem>>[vector<16xi32>, vector<16xi32>], vector<16xf32>,
          %scan3A_353 = arith.constant 0 : i32
          %scan3A_354 = arith.constant 8 : i32
          %scan3A_355 = arith.addi %scan3A_142, %scan3A_354 : i32
          %get3A_356 = arith.constant 0 : i32
          %get3A_357 = arith.index_cast %get3A_356 : i32 to index
          %get3A_358 = arith.index_cast %scan3A_355 : i32 to index
          %get3A_359 = arith.constant 0 : index
          %get3A_360 = tpu.vector_load %arg8[%get3A_357, %get3A_358, %get3A_359] {strides = array<i32>} : memref<2x128x32xf32, #tpu.memory_space<vmem>>, vector<16xf32>,
          %get3A_361 = arith.constant 0 : i32
          %get3A_362 = arith.index_cast %get3A_361 : i32 to index
          %get3A_363 = arith.index_cast %scan3A_355 : i32 to index
          %get3A_364 = arith.constant 16 : index
          %get3A_365 = tpu.vector_load %arg8[%get3A_362, %get3A_363, %get3A_364] {strides = array<i32>} : memref<2x128x32xf32, #tpu.memory_space<vmem>>, vector<16xf32>,
          %add3A_366 = arith.addf %get3A_360, %get3A_365 : vector<16xf32>
          %mul3A_367 = arith.constant 16 : i32
          %mul3A_368 = arith.muli %scan3A_355, %mul3A_367 : i32
          %get3A_369 = arith.constant 0 : i32
          %get3A_370 = arith.index_cast %get3A_369 : i32 to index
          %get3A_371 = arith.index_cast %mul3A_368 : i32 to index
          %get3A_372 = tpu.vector_load %arg7[%get3A_370, %get3A_371] {strides = array<i32>} : memref<2x2048xf32, #tpu.memory_space<vmem>>, vector<16xf32>,
          %div3A_373 = arith.divf %get3A_372, %add3A_366 : vector<16xf32>
          %broadcast_in_dim3A_374 = vector.broadcast %scan3A_355 : i32 to vector<16xi32>
          %scatter3A_375 = arith.constant 0 : i32
          %scatter3A_376 = arith.constant 0 : i32
          %scatter3A_377 = arith.constant 0 : i32
          %scatter3A_378 = tpu.memref_slice %arg9[%scatter3A_375, %scatter3A_376, %scatter3A_377] : memref<2x16x128xf32, #tpu.memory_space<vmem>> -> memref<1x16x128xf32, #tpu.memory_space<vmem>>
          %scatter3A_379 = tpu.memref_squeeze %scatter3A_378 : memref<1x16x128xf32, #tpu.memory_space<vmem>> -> memref<16x128xf32, #tpu.memory_space<vmem>>
          tpu.vector_store_idx %scatter3A_379[%iota3A, %broadcast_in_dim3A_374], %div3A_373 : memref<16x128xf32, #tpu.memory_space<vmem>>[vector<16xi32>, vector<16xi32>], vector<16xf32>,
          %scan3A_380 = arith.constant 0 : i32
          %scan3A_381 = arith.constant 9 : i32
          %scan3A_382 = arith.addi %scan3A_142, %scan3A_381 : i32
          %get3A_383 = arith.constant 0 : i32
          %get3A_384 = arith.index_cast %get3A_383 : i32 to index
          %get3A_385 = arith.index_cast %scan3A_382 : i32 to index
          %get3A_386 = arith.constant 0 : index
          %get3A_387 = tpu.vector_load %arg8[%get3A_384, %get3A_385, %get3A_386] {strides = array<i32>} : memref<2x128x32xf32, #tpu.memory_space<vmem>>, vector<16xf32>,
          %get3A_388 = arith.constant 0 : i32
          %get3A_389 = arith.index_cast %get3A_388 : i32 to index
          %get3A_390 = arith.index_cast %scan3A_382 : i32 to index
          %get3A_391 = arith.constant 16 : index
          %get3A_392 = tpu.vector_load %arg8[%get3A_389, %get3A_390, %get3A_391] {strides = array<i32>} : memref<2x128x32xf32, #tpu.memory_space<vmem>>, vector<16xf32>,
          %add3A_393 = arith.addf %get3A_387, %get3A_392 : vector<16xf32>
          %mul3A_394 = arith.constant 16 : i32
          %mul3A_395 = arith.muli %scan3A_382, %mul3A_394 : i32
          %get3A_396 = arith.constant 0 : i32
          %get3A_397 = arith.index_cast %get3A_396 : i32 to index
          %get3A_398 = arith.index_cast %mul3A_395 : i32 to index
          %get3A_399 = tpu.vector_load %arg7[%get3A_397, %get3A_398] {strides = array<i32>} : memref<2x2048xf32, #tpu.memory_space<vmem>>, vector<16xf32>,
          %div3A_400 = arith.divf %get3A_399, %add3A_393 : vector<16xf32>
          %broadcast_in_dim3A_401 = vector.broadcast %scan3A_382 : i32 to vector<16xi32>
          %scatter3A_402 = arith.constant 0 : i32
          %scatter3A_403 = arith.constant 0 : i32
          %scatter3A_404 = arith.constant 0 : i32
          %scatter3A_405 = tpu.memref_slice %arg9[%scatter3A_402, %scatter3A_403, %scatter3A_404] : memref<2x16x128xf32, #tpu.memory_space<vmem>> -> memref<1x16x128xf32, #tpu.memory_space<vmem>>
          %scatter3A_406 = tpu.memref_squeeze %scatter3A_405 : memref<1x16x128xf32, #tpu.memory_space<vmem>> -> memref<16x128xf32, #tpu.memory_space<vmem>>
          tpu.vector_store_idx %scatter3A_406[%iota3A, %broadcast_in_dim3A_401], %div3A_400 : memref<16x128xf32, #tpu.memory_space<vmem>>[vector<16xi32>, vector<16xi32>], vector<16xf32>,
          %scan3A_407 = arith.constant 0 : i32
          %scan3A_408 = arith.constant 10 : i32
          %scan3A_409 = arith.addi %scan3A_142, %scan3A_408 : i32
          %get3A_410 = arith.constant 0 : i32
          %get3A_411 = arith.index_cast %get3A_410 : i32 to index
          %get3A_412 = arith.index_cast %scan3A_409 : i32 to index
          %get3A_413 = arith.constant 0 : index
          %get3A_414 = tpu.vector_load %arg8[%get3A_411, %get3A_412, %get3A_413] {strides = array<i32>} : memref<2x128x32xf32, #tpu.memory_space<vmem>>, vector<16xf32>,
          %get3A_415 = arith.constant 0 : i32
          %get3A_416 = arith.index_cast %get3A_415 : i32 to index
          %get3A_417 = arith.index_cast %scan3A_409 : i32 to index
          %get3A_418 = arith.constant 16 : index
          %get3A_419 = tpu.vector_load %arg8[%get3A_416, %get3A_417, %get3A_418] {strides = array<i32>} : memref<2x128x32xf32, #tpu.memory_space<vmem>>, vector<16xf32>,
          %add3A_420 = arith.addf %get3A_414, %get3A_419 : vector<16xf32>
          %mul3A_421 = arith.constant 16 : i32
          %mul3A_422 = arith.muli %scan3A_409, %mul3A_421 : i32
          %get3A_423 = arith.constant 0 : i32
          %get3A_424 = arith.index_cast %get3A_423 : i32 to index
          %get3A_425 = arith.index_cast %mul3A_422 : i32 to index
          %get3A_426 = tpu.vector_load %arg7[%get3A_424, %get3A_425] {strides = array<i32>} : memref<2x2048xf32, #tpu.memory_space<vmem>>, vector<16xf32>,
          %div3A_427 = arith.divf %get3A_426, %add3A_420 : vector<16xf32>
          %broadcast_in_dim3A_428 = vector.broadcast %scan3A_409 : i32 to vector<16xi32>
          %scatter3A_429 = arith.constant 0 : i32
          %scatter3A_430 = arith.constant 0 : i32
          %scatter3A_431 = arith.constant 0 : i32
          %scatter3A_432 = tpu.memref_slice %arg9[%scatter3A_429, %scatter3A_430, %scatter3A_431] : memref<2x16x128xf32, #tpu.memory_space<vmem>> -> memref<1x16x128xf32, #tpu.memory_space<vmem>>
          %scatter3A_433 = tpu.memref_squeeze %scatter3A_432 : memref<1x16x128xf32, #tpu.memory_space<vmem>> -> memref<16x128xf32, #tpu.memory_space<vmem>>
          tpu.vector_store_idx %scatter3A_433[%iota3A, %broadcast_in_dim3A_428], %div3A_427 : memref<16x128xf32, #tpu.memory_space<vmem>>[vector<16xi32>, vector<16xi32>], vector<16xf32>,
          %scan3A_434 = arith.constant 0 : i32
          %scan3A_435 = arith.constant 11 : i32
          %scan3A_436 = arith.addi %scan3A_142, %scan3A_435 : i32
          %get3A_437 = arith.constant 0 : i32
          %get3A_438 = arith.index_cast %get3A_437 : i32 to index
          %get3A_439 = arith.index_cast %scan3A_436 : i32 to index
          %get3A_440 = arith.constant 0 : index
          %get3A_441 = tpu.vector_load %arg8[%get3A_438, %get3A_439, %get3A_440] {strides = array<i32>} : memref<2x128x32xf32, #tpu.memory_space<vmem>>, vector<16xf32>,
          %get3A_442 = arith.constant 0 : i32
          %get3A_443 = arith.index_cast %get3A_442 : i32 to index
          %get3A_444 = arith.index_cast %scan3A_436 : i32 to index
          %get3A_445 = arith.constant 16 : index
          %get3A_446 = tpu.vector_load %arg8[%get3A_443, %get3A_444, %get3A_445] {strides = array<i32>} : memref<2x128x32xf32, #tpu.memory_space<vmem>>, vector<16xf32>,
          %add3A_447 = arith.addf %get3A_441, %get3A_446 : vector<16xf32>
          %mul3A_448 = arith.constant 16 : i32
          %mul3A_449 = arith.muli %scan3A_436, %mul3A_448 : i32
          %get3A_450 = arith.constant 0 : i32
          %get3A_451 = arith.index_cast %get3A_450 : i32 to index
          %get3A_452 = arith.index_cast %mul3A_449 : i32 to index
          %get3A_453 = tpu.vector_load %arg7[%get3A_451, %get3A_452] {strides = array<i32>} : memref<2x2048xf32, #tpu.memory_space<vmem>>, vector<16xf32>,
          %div3A_454 = arith.divf %get3A_453, %add3A_447 : vector<16xf32>
          %broadcast_in_dim3A_455 = vector.broadcast %scan3A_436 : i32 to vector<16xi32>
          %scatter3A_456 = arith.constant 0 : i32
          %scatter3A_457 = arith.constant 0 : i32
          %scatter3A_458 = arith.constant 0 : i32
          %scatter3A_459 = tpu.memref_slice %arg9[%scatter3A_456, %scatter3A_457, %scatter3A_458] : memref<2x16x128xf32, #tpu.memory_space<vmem>> -> memref<1x16x128xf32, #tpu.memory_space<vmem>>
          %scatter3A_460 = tpu.memref_squeeze %scatter3A_459 : memref<1x16x128xf32, #tpu.memory_space<vmem>> -> memref<16x128xf32, #tpu.memory_space<vmem>>
          tpu.vector_store_idx %scatter3A_460[%iota3A, %broadcast_in_dim3A_455], %div3A_454 : memref<16x128xf32, #tpu.memory_space<vmem>>[vector<16xi32>, vector<16xi32>], vector<16xf32>,
          %scan3A_461 = arith.constant 0 : i32
          %scan3A_462 = arith.constant 12 : i32
          %scan3A_463 = arith.addi %scan3A_142, %scan3A_462 : i32
          %get3A_464 = arith.constant 0 : i32
          %get3A_465 = arith.index_cast %get3A_464 : i32 to index
          %get3A_466 = arith.index_cast %scan3A_463 : i32 to index
          %get3A_467 = arith.constant 0 : index
          %get3A_468 = tpu.vector_load %arg8[%get3A_465, %get3A_466, %get3A_467] {strides = array<i32>} : memref<2x128x32xf32, #tpu.memory_space<vmem>>, vector<16xf32>,
          %get3A_469 = arith.constant 0 : i32
          %get3A_470 = arith.index_cast %get3A_469 : i32 to index
          %get3A_471 = arith.index_cast %scan3A_463 : i32 to index
          %get3A_472 = arith.constant 16 : index
          %get3A_473 = tpu.vector_load %arg8[%get3A_470, %get3A_471, %get3A_472] {strides = array<i32>} : memref<2x128x32xf32, #tpu.memory_space<vmem>>, vector<16xf32>,
          %add3A_474 = arith.addf %get3A_468, %get3A_473 : vector<16xf32>
          %mul3A_475 = arith.constant 16 : i32
          %mul3A_476 = arith.muli %scan3A_463, %mul3A_475 : i32
          %get3A_477 = arith.constant 0 : i32
          %get3A_478 = arith.index_cast %get3A_477 : i32 to index
          %get3A_479 = arith.index_cast %mul3A_476 : i32 to index
          %get3A_480 = tpu.vector_load %arg7[%get3A_478, %get3A_479] {strides = array<i32>} : memref<2x2048xf32, #tpu.memory_space<vmem>>, vector<16xf32>,
          %div3A_481 = arith.divf %get3A_480, %add3A_474 : vector<16xf32>
          %broadcast_in_dim3A_482 = vector.broadcast %scan3A_463 : i32 to vector<16xi32>
          %scatter3A_483 = arith.constant 0 : i32
          %scatter3A_484 = arith.constant 0 : i32
          %scatter3A_485 = arith.constant 0 : i32
          %scatter3A_486 = tpu.memref_slice %arg9[%scatter3A_483, %scatter3A_484, %scatter3A_485] : memref<2x16x128xf32, #tpu.memory_space<vmem>> -> memref<1x16x128xf32, #tpu.memory_space<vmem>>
          %scatter3A_487 = tpu.memref_squeeze %scatter3A_486 : memref<1x16x128xf32, #tpu.memory_space<vmem>> -> memref<16x128xf32, #tpu.memory_space<vmem>>
          tpu.vector_store_idx %scatter3A_487[%iota3A, %broadcast_in_dim3A_482], %div3A_481 : memref<16x128xf32, #tpu.memory_space<vmem>>[vector<16xi32>, vector<16xi32>], vector<16xf32>,
          %scan3A_488 = arith.constant 0 : i32
          %scan3A_489 = arith.constant 13 : i32
          %scan3A_490 = arith.addi %scan3A_142, %scan3A_489 : i32
          %get3A_491 = arith.constant 0 : i32
          %get3A_492 = arith.index_cast %get3A_491 : i32 to index
          %get3A_493 = arith.index_cast %scan3A_490 : i32 to index
          %get3A_494 = arith.constant 0 : index
          %get3A_495 = tpu.vector_load %arg8[%get3A_492, %get3A_493, %get3A_494] {strides = array<i32>} : memref<2x128x32xf32, #tpu.memory_space<vmem>>, vector<16xf32>,
          %get3A_496 = arith.constant 0 : i32
          %get3A_497 = arith.index_cast %get3A_496 : i32 to index
          %get3A_498 = arith.index_cast %scan3A_490 : i32 to index
          %get3A_499 = arith.constant 16 : index
          %get3A_500 = tpu.vector_load %arg8[%get3A_497, %get3A_498, %get3A_499] {strides = array<i32>} : memref<2x128x32xf32, #tpu.memory_space<vmem>>, vector<16xf32>,
          %add3A_501 = arith.addf %get3A_495, %get3A_500 : vector<16xf32>
          %mul3A_502 = arith.constant 16 : i32
          %mul3A_503 = arith.muli %scan3A_490, %mul3A_502 : i32
          %get3A_504 = arith.constant 0 : i32
          %get3A_505 = arith.index_cast %get3A_504 : i32 to index
          %get3A_506 = arith.index_cast %mul3A_503 : i32 to index
          %get3A_507 = tpu.vector_load %arg7[%get3A_505, %get3A_506] {strides = array<i32>} : memref<2x2048xf32, #tpu.memory_space<vmem>>, vector<16xf32>,
          %div3A_508 = arith.divf %get3A_507, %add3A_501 : vector<16xf32>
          %broadcast_in_dim3A_509 = vector.broadcast %scan3A_490 : i32 to vector<16xi32>
          %scatter3A_510 = arith.constant 0 : i32
          %scatter3A_511 = arith.constant 0 : i32
          %scatter3A_512 = arith.constant 0 : i32
          %scatter3A_513 = tpu.memref_slice %arg9[%scatter3A_510, %scatter3A_511, %scatter3A_512] : memref<2x16x128xf32, #tpu.memory_space<vmem>> -> memref<1x16x128xf32, #tpu.memory_space<vmem>>
          %scatter3A_514 = tpu.memref_squeeze %scatter3A_513 : memref<1x16x128xf32, #tpu.memory_space<vmem>> -> memref<16x128xf32, #tpu.memory_space<vmem>>
          tpu.vector_store_idx %scatter3A_514[%iota3A, %broadcast_in_dim3A_509], %div3A_508 : memref<16x128xf32, #tpu.memory_space<vmem>>[vector<16xi32>, vector<16xi32>], vector<16xf32>,
          %scan3A_515 = arith.constant 0 : i32
          %scan3A_516 = arith.constant 14 : i32
          %scan3A_517 = arith.addi %scan3A_142, %scan3A_516 : i32
          %get3A_518 = arith.constant 0 : i32
          %get3A_519 = arith.index_cast %get3A_518 : i32 to index
          %get3A_520 = arith.index_cast %scan3A_517 : i32 to index
          %get3A_521 = arith.constant 0 : index
          %get3A_522 = tpu.vector_load %arg8[%get3A_519, %get3A_520, %get3A_521] {strides = array<i32>} : memref<2x128x32xf32, #tpu.memory_space<vmem>>, vector<16xf32>,
          %get3A_523 = arith.constant 0 : i32
          %get3A_524 = arith.index_cast %get3A_523 : i32 to index
          %get3A_525 = arith.index_cast %scan3A_517 : i32 to index
          %get3A_526 = arith.constant 16 : index
          %get3A_527 = tpu.vector_load %arg8[%get3A_524, %get3A_525, %get3A_526] {strides = array<i32>} : memref<2x128x32xf32, #tpu.memory_space<vmem>>, vector<16xf32>,
          %add3A_528 = arith.addf %get3A_522, %get3A_527 : vector<16xf32>
          %mul3A_529 = arith.constant 16 : i32
          %mul3A_530 = arith.muli %scan3A_517, %mul3A_529 : i32
          %get3A_531 = arith.constant 0 : i32
          %get3A_532 = arith.index_cast %get3A_531 : i32 to index
          %get3A_533 = arith.index_cast %mul3A_530 : i32 to index
          %get3A_534 = tpu.vector_load %arg7[%get3A_532, %get3A_533] {strides = array<i32>} : memref<2x2048xf32, #tpu.memory_space<vmem>>, vector<16xf32>,
          %div3A_535 = arith.divf %get3A_534, %add3A_528 : vector<16xf32>
          %broadcast_in_dim3A_536 = vector.broadcast %scan3A_517 : i32 to vector<16xi32>
          %scatter3A_537 = arith.constant 0 : i32
          %scatter3A_538 = arith.constant 0 : i32
          %scatter3A_539 = arith.constant 0 : i32
          %scatter3A_540 = tpu.memref_slice %arg9[%scatter3A_537, %scatter3A_538, %scatter3A_539] : memref<2x16x128xf32, #tpu.memory_space<vmem>> -> memref<1x16x128xf32, #tpu.memory_space<vmem>>
          %scatter3A_541 = tpu.memref_squeeze %scatter3A_540 : memref<1x16x128xf32, #tpu.memory_space<vmem>> -> memref<16x128xf32, #tpu.memory_space<vmem>>
          tpu.vector_store_idx %scatter3A_541[%iota3A, %broadcast_in_dim3A_536], %div3A_535 : memref<16x128xf32, #tpu.memory_space<vmem>>[vector<16xi32>, vector<16xi32>], vector<16xf32>,
          %scan3A_542 = arith.constant 0 : i32
          %scan3A_543 = arith.constant 15 : i32
          %scan3A_544 = arith.addi %scan3A_142, %scan3A_543 : i32
          %get3A_545 = arith.constant 0 : i32
          %get3A_546 = arith.index_cast %get3A_545 : i32 to index
          %get3A_547 = arith.index_cast %scan3A_544 : i32 to index
          %get3A_548 = arith.constant 0 : index
          %get3A_549 = tpu.vector_load %arg8[%get3A_546, %get3A_547, %get3A_548] {strides = array<i32>} : memref<2x128x32xf32, #tpu.memory_space<vmem>>, vector<16xf32>,
          %get3A_550 = arith.constant 0 : i32
          %get3A_551 = arith.index_cast %get3A_550 : i32 to index
          %get3A_552 = arith.index_cast %scan3A_544 : i32 to index
          %get3A_553 = arith.constant 16 : index
          %get3A_554 = tpu.vector_load %arg8[%get3A_551, %get3A_552, %get3A_553] {strides = array<i32>} : memref<2x128x32xf32, #tpu.memory_space<vmem>>, vector<16xf32>,
          %add3A_555 = arith.addf %get3A_549, %get3A_554 : vector<16xf32>
          %mul3A_556 = arith.constant 16 : i32
          %mul3A_557 = arith.muli %scan3A_544, %mul3A_556 : i32
          %get3A_558 = arith.constant 0 : i32
          %get3A_559 = arith.index_cast %get3A_558 : i32 to index
          %get3A_560 = arith.index_cast %mul3A_557 : i32 to index
          %get3A_561 = tpu.vector_load %arg7[%get3A_559, %get3A_560] {strides = array<i32>} : memref<2x2048xf32, #tpu.memory_space<vmem>>, vector<16xf32>,
          %div3A_562 = arith.divf %get3A_561, %add3A_555 : vector<16xf32>
          %broadcast_in_dim3A_563 = vector.broadcast %scan3A_544 : i32 to vector<16xi32>
          %scatter3A_564 = arith.constant 0 : i32
          %scatter3A_565 = arith.constant 0 : i32
          %scatter3A_566 = arith.constant 0 : i32
          %scatter3A_567 = tpu.memref_slice %arg9[%scatter3A_564, %scatter3A_565, %scatter3A_566] : memref<2x16x128xf32, #tpu.memory_space<vmem>> -> memref<1x16x128xf32, #tpu.memory_space<vmem>>
          %scatter3A_568 = tpu.memref_squeeze %scatter3A_567 : memref<1x16x128xf32, #tpu.memory_space<vmem>> -> memref<16x128xf32, #tpu.memory_space<vmem>>
          tpu.vector_store_idx %scatter3A_568[%iota3A, %broadcast_in_dim3A_563], %div3A_562 : memref<16x128xf32, #tpu.memory_space<vmem>>[vector<16xi32>, vector<16xi32>], vector<16xf32>,
          %scan3A_569 = arith.constant 0 : i32
          scf.yield %scan3A_569 : i32
        }
        %scan3A_125 = arith.constant 128 : i32
        %add3A_126 = arith.addi %add3A_4, %mul3A_76 : i32
        %mul3A_127 = arith.constant 128 : i32
        %mul3A_128 = arith.muli %add3A_126, %mul3A_127 : i32
        %dma_start3A_129 = arith.constant 0 : i32
        %dma_start3A_130 = arith.constant 0 : i32
        %dma_start3A_131 = arith.constant 0 : i32
        %dma_start3A_132 = tpu.memref_slice %arg9[%dma_start3A_129, %dma_start3A_130, %dma_start3A_131] : memref<2x16x128xf32, #tpu.memory_space<vmem>> -> memref<1x16x128xf32, #tpu.memory_space<vmem>>
        %dma_start3A_133 = tpu.memref_squeeze %dma_start3A_132 : memref<1x16x128xf32, #tpu.memory_space<vmem>> -> memref<16x128xf32, #tpu.memory_space<vmem>>
        %dma_start3A_134 = arith.constant 0 : i32
        %dma_start3A_135 = tpu.memref_slice %arg5[%dma_start3A_134, %mul3A_128] : memref<16x320000xf32, #tpu.memory_space<hbm>> -> memref<16x128xf32, #tpu.memory_space<hbm>>
        %dma_start3A_136 = arith.constant 0 : i32
        %dma_start3A_137 = tpu.memref_slice %arg5[%dma_start3A_136, %mul3A_128] : memref<16x320000xf32, #tpu.memory_space<hbm>> -> memref<16x128xf32, #tpu.memory_space<hbm>>
        %dma_start3A_138 = arith.constant 0 : i32
        %dma_start3A_139 = arith.constant 0 : i32
        %dma_start3A_140 = tpu.memref_slice %arg9[%dma_start3A_129, %dma_start3A_138, %dma_start3A_139] : memref<2x16x128xf32, #tpu.memory_space<vmem>> -> memref<1x16x128xf32, #tpu.memory_space<vmem>>
        %dma_start3A_141 = tpu.memref_squeeze %dma_start3A_140 : memref<1x16x128xf32, #tpu.memory_space<vmem>> -> memref<16x128xf32, #tpu.memory_space<vmem>>
        tpu.enqueue_dma source(%dma_start3A_141 : memref<16x128xf32, #tpu.memory_space<vmem>>) target(%dma_start3A_137 : memref<16x128xf32, #tpu.memory_space<hbm>>) target_semaphore(%arg12 : memref<!tpu.dma_semaphore, #tpu.memory_space<semaphore_mem>>)
      } else {
      }
      %lt3A_83 = arith.cmpi slt, %add3A_78, %add3A_8 : i32
      %convert_element_type3A_84 = arith.extui %lt3A_83 : i1 to i32
      %cond3A_85 = arith.constant 0 : i32
      %cond3A_86 = arith.cmpi ne, %convert_element_type3A_84, %cond3A_85 : i32
      scf.if %cond3A_86 {
        %add3A_88 = arith.constant 1 : i32
        %add3A_89 = arith.addi %add3A_78, %add3A_88 : i32
        %lt3A_90 = arith.cmpi slt, %add3A_89, %add3A_8 : i32
        %convert_element_type3A_91 = arith.extui %lt3A_90 : i1 to i32
        %cond3A_92 = arith.constant 0 : i32
        %cond3A_93 = arith.cmpi ne, %convert_element_type3A_91, %cond3A_92 : i32
        scf.if %cond3A_93 {
          %add3A_144 = arith.constant 1 : i32
          %add3A_145 = arith.addi %add3A_78, %add3A_144 : i32
          %add3A_146 = arith.addi %add3A_4, %add3A_145 : i32
          %mul3A_147 = arith.constant 128 : i32
          %mul3A_148 = arith.muli %add3A_146, %mul3A_147 : i32
          %dma_start3A_149 = arith.constant 0 : i32
          %dma_start3A_150 = arith.constant 0 : i32
          %dma_start3A_151 = arith.constant 0 : i32
          %dma_start3A_152 = tpu.memref_slice %arg8[%dma_start3A_149, %dma_start3A_150, %dma_start3A_151] : memref<2x128x32xf32, #tpu.memory_space<vmem>> -> memref<1x128x32xf32, #tpu.memory_space<vmem>>
          %dma_start3A_153 = tpu.memref_squeeze %dma_start3A_152 : memref<1x128x32xf32, #tpu.memory_space<vmem>> -> memref<128x32xf32, #tpu.memory_space<vmem>>
          %dma_start3A_154 = arith.constant 0 : i32
          %dma_start3A_155 = tpu.memref_slice %arg6[%add3A_145, %dma_start3A_154] : memref<79x128xi32, #tpu.memory_space<vmem>> -> memref<1x128xi32, #tpu.memory_space<vmem>>
          %dma_start3A_156 = tpu.memref_squeeze %dma_start3A_155 : memref<1x128xi32, #tpu.memory_space<vmem>> -> memref<128xi32, #tpu.memory_space<vmem>>
          %dma_start3A_157 = arith.constant 0 : i32
          %dma_start3A_158 = arith.constant 0 : i32
          %dma_start3A_159 = tpu.memref_slice %arg4[%dma_start3A_157, %dma_start3A_158] : memref<10000x32xf32, #tpu.memory_space<hbm>> -> memref<10000x32xf32, #tpu.memory_space<hbm>>
          tpu.enqueue_indirect_dma source(%dma_start3A_159 : memref<10000x32xf32, #tpu.memory_space<hbm>>) target(%dma_start3A_153 : memref<128x32xf32, #tpu.memory_space<vmem>>) offsets(%dma_start3A_156 : memref<128xi32, #tpu.memory_space<vmem>>) semaphore(%arg10 : memref<!tpu.dma_semaphore, #tpu.memory_space<semaphore_mem>>)
          %mul3A_160 = arith.constant 16 : i32
          %mul3A_161 = arith.muli %mul3A_148, %mul3A_160 : i32
          %dma_start3A_162 = arith.constant 0 : i32
          %dma_start3A_163 = arith.constant 0 : i32
          %dma_start3A_164 = tpu.memref_slice %arg7[%dma_start3A_162, %dma_start3A_163] : memref<2x2048xf32, #tpu.memory_space<vmem>> -> memref<1x2048xf32, #tpu.memory_space<vmem>>
          %dma_start3A_165 = tpu.memref_squeeze %dma_start3A_164 : memref<1x2048xf32, #tpu.memory_space<vmem>> -> memref<2048xf32, #tpu.memory_space<vmem>>
          %dma_start3A_166 = tpu.memref_slice %arg3[%mul3A_161] : memref<5120000xf32, #tpu.memory_space<hbm>> -> memref<2048xf32, #tpu.memory_space<hbm>>
          %dma_start3A_167 = arith.constant 0 : i32
          %dma_start3A_168 = tpu.memref_slice %arg7[%dma_start3A_162, %dma_start3A_167] : memref<2x2048xf32, #tpu.memory_space<vmem>> -> memref<1x2048xf32, #tpu.memory_space<vmem>>
          %dma_start3A_169 = tpu.memref_squeeze %dma_start3A_168 : memref<1x2048xf32, #tpu.memory_space<vmem>> -> memref<2048xf32, #tpu.memory_space<vmem>>
          %dma_start3A_170 = tpu.memref_slice %arg3[%mul3A_161] : memref<5120000xf32, #tpu.memory_space<hbm>> -> memref<2048xf32, #tpu.memory_space<hbm>>
          tpu.enqueue_dma source(%dma_start3A_170 : memref<2048xf32, #tpu.memory_space<hbm>>) target(%dma_start3A_169 : memref<2048xf32, #tpu.memory_space<vmem>>) target_semaphore(%arg10 : memref<!tpu.dma_semaphore, #tpu.memory_space<semaphore_mem>>)
        } else {
        }
        %dma_wait3A_94 = arith.constant 0 : i32
        %dma_wait3A_95 = arith.constant 1 : i32
        %dma_wait3A_96 = arith.constant 0 : i32
        %dma_wait3A_97 = arith.constant 0 : i32
        %dma_wait3A_98 = tpu.memref_slice %arg8[%dma_wait3A_95, %dma_wait3A_96, %dma_wait3A_97] : memref<2x128x32xf32, #tpu.memory_space<vmem>> -> memref<1x128x32xf32, #tpu.memory_space<vmem>>
        %dma_wait3A_99 = tpu.memref_squeeze %dma_wait3A_98 : memref<1x128x32xf32, #tpu.memory_space<vmem>> -> memref<128x32xf32, #tpu.memory_space<vmem>>
        %dma_wait3A_100 = arith.constant 0 : i32
        %dma_wait3A_101 = tpu.memref_slice %arg6[%dma_wait3A_94, %dma_wait3A_100] : memref<79x128xi32, #tpu.memory_space<vmem>> -> memref<1x128xi32, #tpu.memory_space<vmem>>
        %dma_wait3A_102 = tpu.memref_squeeze %dma_wait3A_101 : memref<1x128xi32, #tpu.memory_space<vmem>> -> memref<128xi32, #tpu.memory_space<vmem>>
        %dma_wait3A_103 = arith.constant 0 : i32
        %dma_wait3A_104 = arith.constant 0 : i32
        %dma_wait3A_105 = tpu.memref_slice %arg4[%dma_wait3A_103, %dma_wait3A_104] : memref<10000x32xf32, #tpu.memory_space<hbm>> -> memref<10000x32xf32, #tpu.memory_space<hbm>>
        tpu.wait_indirect_dma semaphore(%arg11 : memref<!tpu.dma_semaphore, #tpu.memory_space<semaphore_mem>>) src(%dma_wait3A_105 : memref<10000x32xf32, #tpu.memory_space<hbm>>) dst(%dma_wait3A_99 : memref<128x32xf32, #tpu.memory_space<vmem>>)
        %dma_wait3A_106 = arith.constant 1 : i32
        %dma_wait3A_107 = arith.constant 0 : i32
        %dma_wait3A_108 = tpu.memref_slice %arg7[%dma_wait3A_106, %dma_wait3A_107] : memref<2x2048xf32, #tpu.memory_space<vmem>> -> memref<1x2048xf32, #tpu.memory_space<vmem>>
        %dma_wait3A_109 = tpu.memref_squeeze %dma_wait3A_108 : memref<1x2048xf32, #tpu.memory_space<vmem>> -> memref<2048xf32, #tpu.memory_space<vmem>>
        %dma_wait3A_110 = arith.constant 0 : i32
        %dma_wait3A_111 = tpu.memref_slice %arg3[%dma_wait3A_110] : memref<5120000xf32, #tpu.memory_space<hbm>> -> memref<2048xf32, #tpu.memory_space<hbm>>
        %dma_wait3A_112 = arith.constant 0 : i32
        %dma_wait3A_113 = tpu.memref_slice %arg7[%dma_wait3A_106, %dma_wait3A_112] : memref<2x2048xf32, #tpu.memory_space<vmem>> -> memref<1x2048xf32, #tpu.memory_space<vmem>>
        %dma_wait3A_114 = tpu.memref_squeeze %dma_wait3A_113 : memref<1x2048xf32, #tpu.memory_space<vmem>> -> memref<2048xf32, #tpu.memory_space<vmem>>
        %dma_wait3A_115 = arith.constant 0 : i32
        %dma_wait3A_116 = tpu.memref_slice %arg3[%dma_wait3A_115] : memref<5120000xf32, #tpu.memory_space<hbm>> -> memref<2048xf32, #tpu.memory_space<hbm>>
        tpu.wait_dma2 semaphore(%arg11 : memref<!tpu.dma_semaphore, #tpu.memory_space<semaphore_mem>>) src(%dma_wait3A_116 : memref<2048xf32, #tpu.memory_space<hbm>>) dst(%dma_wait3A_114 : memref<2048xf32, #tpu.memory_space<vmem>>)
        %ge3A = arith.constant 1 : i32
        %ge3A_117 = arith.cmpi sge, %scan3A_73, %ge3A : i32
        %convert_element_type3A_118 = arith.extui %ge3A_117 : i1 to i32
        %cond3A_119 = arith.constant 0 : i32
        %cond3A_120 = arith.cmpi ne, %convert_element_type3A_118, %cond3A_119 : i32
        scf.if %cond3A_120 {
          %dma_wait3A_144 = arith.constant 1 : i32
          %dma_wait3A_145 = arith.constant 0 : i32
          %dma_wait3A_146 = arith.constant 0 : i32
          %dma_wait3A_147 = tpu.memref_slice %arg9[%dma_wait3A_144, %dma_wait3A_145, %dma_wait3A_146] : memref<2x16x128xf32, #tpu.memory_space<vmem>> -> memref<1x16x128xf32, #tpu.memory_space<vmem>>
          %dma_wait3A_148 = tpu.memref_squeeze %dma_wait3A_147 : memref<1x16x128xf32, #tpu.memory_space<vmem>> -> memref<16x128xf32, #tpu.memory_space<vmem>>
          %dma_wait3A_149 = arith.constant 0 : i32
          %dma_wait3A_150 = arith.constant 0 : i32
          %dma_wait3A_151 = tpu.memref_slice %arg5[%dma_wait3A_149, %dma_wait3A_150] : memref<16x320000xf32, #tpu.memory_space<hbm>> -> memref<16x128xf32, #tpu.memory_space<hbm>>
          %dma_wait3A_152 = arith.constant 0 : i32
          %dma_wait3A_153 = arith.constant 0 : i32
          %dma_wait3A_154 = tpu.memref_slice %arg5[%dma_wait3A_152, %dma_wait3A_153] : memref<16x320000xf32, #tpu.memory_space<hbm>> -> memref<16x128xf32, #tpu.memory_space<hbm>>
          %dma_wait3A_155 = arith.constant 0 : i32
          %dma_wait3A_156 = arith.constant 0 : i32
          %dma_wait3A_157 = tpu.memref_slice %arg9[%dma_wait3A_144, %dma_wait3A_155, %dma_wait3A_156] : memref<2x16x128xf32, #tpu.memory_space<vmem>> -> memref<1x16x128xf32, #tpu.memory_space<vmem>>
          %dma_wait3A_158 = tpu.memref_squeeze %dma_wait3A_157 : memref<1x16x128xf32, #tpu.memory_space<vmem>> -> memref<16x128xf32, #tpu.memory_space<vmem>>
          tpu.wait_dma2 semaphore(%arg13 : memref<!tpu.dma_semaphore, #tpu.memory_space<semaphore_mem>>) src(%dma_wait3A_158 : memref<16x128xf32, #tpu.memory_space<vmem>>) dst(%dma_wait3A_154 : memref<16x128xf32, #tpu.memory_space<hbm>>)
        } else {
        }
        %scan3A_121 = arith.constant 0 : i32
        %scan3A_122 = arith.constant 0 : i32
        %scan3A_123 = arith.constant 128 : i32
        %scan3A_124 = arith.addi %scan3A_122, %scan3A_123 : i32
        %scan3A_125 = arith.constant 16 : i32
        %scan3A_126 = scf.for %scan3A_144 = %scan3A_122 to %scan3A_124 step %scan3A_125 iter_args(%scan3A_145 = %scan3A_121) -> (i32)  : i32 {
          %get3A = arith.constant 1 : i32
          %get3A_146 = arith.index_cast %get3A : i32 to index
          %get3A_147 = arith.index_cast %scan3A_144 : i32 to index
          %get3A_148 = arith.constant 0 : index
          %get3A_149 = tpu.vector_load %arg8[%get3A_146, %get3A_147, %get3A_148] {strides = array<i32>} : memref<2x128x32xf32, #tpu.memory_space<vmem>>, vector<16xf32>,
          %get3A_150 = arith.constant 1 : i32
          %get3A_151 = arith.index_cast %get3A_150 : i32 to index
          %get3A_152 = arith.index_cast %scan3A_144 : i32 to index
          %get3A_153 = arith.constant 16 : index
          %get3A_154 = tpu.vector_load %arg8[%get3A_151, %get3A_152, %get3A_153] {strides = array<i32>} : memref<2x128x32xf32, #tpu.memory_space<vmem>>, vector<16xf32>,
          %add3A_155 = arith.addf %get3A_149, %get3A_154 : vector<16xf32>
          %mul3A_156 = arith.constant 16 : i32
          %mul3A_157 = arith.muli %scan3A_144, %mul3A_156 : i32
          %get3A_158 = arith.constant 1 : i32
          %get3A_159 = arith.index_cast %get3A_158 : i32 to index
          %get3A_160 = arith.index_cast %mul3A_157 : i32 to index
          %get3A_161 = tpu.vector_load %arg7[%get3A_159, %get3A_160] {strides = array<i32>} : memref<2x2048xf32, #tpu.memory_space<vmem>>, vector<16xf32>,
          %div3A = arith.divf %get3A_161, %add3A_155 : vector<16xf32>
          %broadcast_in_dim3A = vector.broadcast %scan3A_144 : i32 to vector<16xi32>
          %scatter3A = arith.constant 1 : i32
          %scatter3A_162 = arith.constant 0 : i32
          %scatter3A_163 = arith.constant 0 : i32
          %scatter3A_164 = tpu.memref_slice %arg9[%scatter3A, %scatter3A_162, %scatter3A_163] : memref<2x16x128xf32, #tpu.memory_space<vmem>> -> memref<1x16x128xf32, #tpu.memory_space<vmem>>
          %scatter3A_165 = tpu.memref_squeeze %scatter3A_164 : memref<1x16x128xf32, #tpu.memory_space<vmem>> -> memref<16x128xf32, #tpu.memory_space<vmem>>
          tpu.vector_store_idx %scatter3A_165[%iota3A, %broadcast_in_dim3A], %div3A : memref<16x128xf32, #tpu.memory_space<vmem>>[vector<16xi32>, vector<16xi32>], vector<16xf32>,
          %scan3A_166 = arith.constant 0 : i32
          %scan3A_167 = arith.constant 1 : i32
          %scan3A_168 = arith.addi %scan3A_144, %scan3A_167 : i32
          %get3A_169 = arith.constant 1 : i32
          %get3A_170 = arith.index_cast %get3A_169 : i32 to index
          %get3A_171 = arith.index_cast %scan3A_168 : i32 to index
          %get3A_172 = arith.constant 0 : index
          %get3A_173 = tpu.vector_load %arg8[%get3A_170, %get3A_171, %get3A_172] {strides = array<i32>} : memref<2x128x32xf32, #tpu.memory_space<vmem>>, vector<16xf32>,
          %get3A_174 = arith.constant 1 : i32
          %get3A_175 = arith.index_cast %get3A_174 : i32 to index
          %get3A_176 = arith.index_cast %scan3A_168 : i32 to index
          %get3A_177 = arith.constant 16 : index
          %get3A_178 = tpu.vector_load %arg8[%get3A_175, %get3A_176, %get3A_177] {strides = array<i32>} : memref<2x128x32xf32, #tpu.memory_space<vmem>>, vector<16xf32>,
          %add3A_179 = arith.addf %get3A_173, %get3A_178 : vector<16xf32>
          %mul3A_180 = arith.constant 16 : i32
          %mul3A_181 = arith.muli %scan3A_168, %mul3A_180 : i32
          %get3A_182 = arith.constant 1 : i32
          %get3A_183 = arith.index_cast %get3A_182 : i32 to index
          %get3A_184 = arith.index_cast %mul3A_181 : i32 to index
          %get3A_185 = tpu.vector_load %arg7[%get3A_183, %get3A_184] {strides = array<i32>} : memref<2x2048xf32, #tpu.memory_space<vmem>>, vector<16xf32>,
          %div3A_186 = arith.divf %get3A_185, %add3A_179 : vector<16xf32>
          %broadcast_in_dim3A_187 = vector.broadcast %scan3A_168 : i32 to vector<16xi32>
          %scatter3A_188 = arith.constant 1 : i32
          %scatter3A_189 = arith.constant 0 : i32
          %scatter3A_190 = arith.constant 0 : i32
          %scatter3A_191 = tpu.memref_slice %arg9[%scatter3A_188, %scatter3A_189, %scatter3A_190] : memref<2x16x128xf32, #tpu.memory_space<vmem>> -> memref<1x16x128xf32, #tpu.memory_space<vmem>>
          %scatter3A_192 = tpu.memref_squeeze %scatter3A_191 : memref<1x16x128xf32, #tpu.memory_space<vmem>> -> memref<16x128xf32, #tpu.memory_space<vmem>>
          tpu.vector_store_idx %scatter3A_192[%iota3A, %broadcast_in_dim3A_187], %div3A_186 : memref<16x128xf32, #tpu.memory_space<vmem>>[vector<16xi32>, vector<16xi32>], vector<16xf32>,
          %scan3A_193 = arith.constant 0 : i32
          %scan3A_194 = arith.constant 2 : i32
          %scan3A_195 = arith.addi %scan3A_144, %scan3A_194 : i32
          %get3A_196 = arith.constant 1 : i32
          %get3A_197 = arith.index_cast %get3A_196 : i32 to index
          %get3A_198 = arith.index_cast %scan3A_195 : i32 to index
          %get3A_199 = arith.constant 0 : index
          %get3A_200 = tpu.vector_load %arg8[%get3A_197, %get3A_198, %get3A_199] {strides = array<i32>} : memref<2x128x32xf32, #tpu.memory_space<vmem>>, vector<16xf32>,
          %get3A_201 = arith.constant 1 : i32
          %get3A_202 = arith.index_cast %get3A_201 : i32 to index
          %get3A_203 = arith.index_cast %scan3A_195 : i32 to index
          %get3A_204 = arith.constant 16 : index
          %get3A_205 = tpu.vector_load %arg8[%get3A_202, %get3A_203, %get3A_204] {strides = array<i32>} : memref<2x128x32xf32, #tpu.memory_space<vmem>>, vector<16xf32>,
          %add3A_206 = arith.addf %get3A_200, %get3A_205 : vector<16xf32>
          %mul3A_207 = arith.constant 16 : i32
          %mul3A_208 = arith.muli %scan3A_195, %mul3A_207 : i32
          %get3A_209 = arith.constant 1 : i32
          %get3A_210 = arith.index_cast %get3A_209 : i32 to index
          %get3A_211 = arith.index_cast %mul3A_208 : i32 to index
          %get3A_212 = tpu.vector_load %arg7[%get3A_210, %get3A_211] {strides = array<i32>} : memref<2x2048xf32, #tpu.memory_space<vmem>>, vector<16xf32>,
          %div3A_213 = arith.divf %get3A_212, %add3A_206 : vector<16xf32>
          %broadcast_in_dim3A_214 = vector.broadcast %scan3A_195 : i32 to vector<16xi32>
          %scatter3A_215 = arith.constant 1 : i32
          %scatter3A_216 = arith.constant 0 : i32
          %scatter3A_217 = arith.constant 0 : i32
          %scatter3A_218 = tpu.memref_slice %arg9[%scatter3A_215, %scatter3A_216, %scatter3A_217] : memref<2x16x128xf32, #tpu.memory_space<vmem>> -> memref<1x16x128xf32, #tpu.memory_space<vmem>>
          %scatter3A_219 = tpu.memref_squeeze %scatter3A_218 : memref<1x16x128xf32, #tpu.memory_space<vmem>> -> memref<16x128xf32, #tpu.memory_space<vmem>>
          tpu.vector_store_idx %scatter3A_219[%iota3A, %broadcast_in_dim3A_214], %div3A_213 : memref<16x128xf32, #tpu.memory_space<vmem>>[vector<16xi32>, vector<16xi32>], vector<16xf32>,
          %scan3A_220 = arith.constant 0 : i32
          %scan3A_221 = arith.constant 3 : i32
          %scan3A_222 = arith.addi %scan3A_144, %scan3A_221 : i32
          %get3A_223 = arith.constant 1 : i32
          %get3A_224 = arith.index_cast %get3A_223 : i32 to index
          %get3A_225 = arith.index_cast %scan3A_222 : i32 to index
          %get3A_226 = arith.constant 0 : index
          %get3A_227 = tpu.vector_load %arg8[%get3A_224, %get3A_225, %get3A_226] {strides = array<i32>} : memref<2x128x32xf32, #tpu.memory_space<vmem>>, vector<16xf32>,
          %get3A_228 = arith.constant 1 : i32
          %get3A_229 = arith.index_cast %get3A_228 : i32 to index
          %get3A_230 = arith.index_cast %scan3A_222 : i32 to index
          %get3A_231 = arith.constant 16 : index
          %get3A_232 = tpu.vector_load %arg8[%get3A_229, %get3A_230, %get3A_231] {strides = array<i32>} : memref<2x128x32xf32, #tpu.memory_space<vmem>>, vector<16xf32>,
          %add3A_233 = arith.addf %get3A_227, %get3A_232 : vector<16xf32>
          %mul3A_234 = arith.constant 16 : i32
          %mul3A_235 = arith.muli %scan3A_222, %mul3A_234 : i32
          %get3A_236 = arith.constant 1 : i32
          %get3A_237 = arith.index_cast %get3A_236 : i32 to index
          %get3A_238 = arith.index_cast %mul3A_235 : i32 to index
          %get3A_239 = tpu.vector_load %arg7[%get3A_237, %get3A_238] {strides = array<i32>} : memref<2x2048xf32, #tpu.memory_space<vmem>>, vector<16xf32>,
          %div3A_240 = arith.divf %get3A_239, %add3A_233 : vector<16xf32>
          %broadcast_in_dim3A_241 = vector.broadcast %scan3A_222 : i32 to vector<16xi32>
          %scatter3A_242 = arith.constant 1 : i32
          %scatter3A_243 = arith.constant 0 : i32
          %scatter3A_244 = arith.constant 0 : i32
          %scatter3A_245 = tpu.memref_slice %arg9[%scatter3A_242, %scatter3A_243, %scatter3A_244] : memref<2x16x128xf32, #tpu.memory_space<vmem>> -> memref<1x16x128xf32, #tpu.memory_space<vmem>>
          %scatter3A_246 = tpu.memref_squeeze %scatter3A_245 : memref<1x16x128xf32, #tpu.memory_space<vmem>> -> memref<16x128xf32, #tpu.memory_space<vmem>>
          tpu.vector_store_idx %scatter3A_246[%iota3A, %broadcast_in_dim3A_241], %div3A_240 : memref<16x128xf32, #tpu.memory_space<vmem>>[vector<16xi32>, vector<16xi32>], vector<16xf32>,
          %scan3A_247 = arith.constant 0 : i32
          %scan3A_248 = arith.constant 4 : i32
          %scan3A_249 = arith.addi %scan3A_144, %scan3A_248 : i32
          %get3A_250 = arith.constant 1 : i32
          %get3A_251 = arith.index_cast %get3A_250 : i32 to index
          %get3A_252 = arith.index_cast %scan3A_249 : i32 to index
          %get3A_253 = arith.constant 0 : index
          %get3A_254 = tpu.vector_load %arg8[%get3A_251, %get3A_252, %get3A_253] {strides = array<i32>} : memref<2x128x32xf32, #tpu.memory_space<vmem>>, vector<16xf32>,
          %get3A_255 = arith.constant 1 : i32
          %get3A_256 = arith.index_cast %get3A_255 : i32 to index
          %get3A_257 = arith.index_cast %scan3A_249 : i32 to index
          %get3A_258 = arith.constant 16 : index
          %get3A_259 = tpu.vector_load %arg8[%get3A_256, %get3A_257, %get3A_258] {strides = array<i32>} : memref<2x128x32xf32, #tpu.memory_space<vmem>>, vector<16xf32>,
          %add3A_260 = arith.addf %get3A_254, %get3A_259 : vector<16xf32>
          %mul3A_261 = arith.constant 16 : i32
          %mul3A_262 = arith.muli %scan3A_249, %mul3A_261 : i32
          %get3A_263 = arith.constant 1 : i32
          %get3A_264 = arith.index_cast %get3A_263 : i32 to index
          %get3A_265 = arith.index_cast %mul3A_262 : i32 to index
          %get3A_266 = tpu.vector_load %arg7[%get3A_264, %get3A_265] {strides = array<i32>} : memref<2x2048xf32, #tpu.memory_space<vmem>>, vector<16xf32>,
          %div3A_267 = arith.divf %get3A_266, %add3A_260 : vector<16xf32>
          %broadcast_in_dim3A_268 = vector.broadcast %scan3A_249 : i32 to vector<16xi32>
          %scatter3A_269 = arith.constant 1 : i32
          %scatter3A_270 = arith.constant 0 : i32
          %scatter3A_271 = arith.constant 0 : i32
          %scatter3A_272 = tpu.memref_slice %arg9[%scatter3A_269, %scatter3A_270, %scatter3A_271] : memref<2x16x128xf32, #tpu.memory_space<vmem>> -> memref<1x16x128xf32, #tpu.memory_space<vmem>>
          %scatter3A_273 = tpu.memref_squeeze %scatter3A_272 : memref<1x16x128xf32, #tpu.memory_space<vmem>> -> memref<16x128xf32, #tpu.memory_space<vmem>>
          tpu.vector_store_idx %scatter3A_273[%iota3A, %broadcast_in_dim3A_268], %div3A_267 : memref<16x128xf32, #tpu.memory_space<vmem>>[vector<16xi32>, vector<16xi32>], vector<16xf32>,
          %scan3A_274 = arith.constant 0 : i32
          %scan3A_275 = arith.constant 5 : i32
          %scan3A_276 = arith.addi %scan3A_144, %scan3A_275 : i32
          %get3A_277 = arith.constant 1 : i32
          %get3A_278 = arith.index_cast %get3A_277 : i32 to index
          %get3A_279 = arith.index_cast %scan3A_276 : i32 to index
          %get3A_280 = arith.constant 0 : index
          %get3A_281 = tpu.vector_load %arg8[%get3A_278, %get3A_279, %get3A_280] {strides = array<i32>} : memref<2x128x32xf32, #tpu.memory_space<vmem>>, vector<16xf32>,
          %get3A_282 = arith.constant 1 : i32
          %get3A_283 = arith.index_cast %get3A_282 : i32 to index
          %get3A_284 = arith.index_cast %scan3A_276 : i32 to index
          %get3A_285 = arith.constant 16 : index
          %get3A_286 = tpu.vector_load %arg8[%get3A_283, %get3A_284, %get3A_285] {strides = array<i32>} : memref<2x128x32xf32, #tpu.memory_space<vmem>>, vector<16xf32>,
          %add3A_287 = arith.addf %get3A_281, %get3A_286 : vector<16xf32>
          %mul3A_288 = arith.constant 16 : i32
          %mul3A_289 = arith.muli %scan3A_276, %mul3A_288 : i32
          %get3A_290 = arith.constant 1 : i32
          %get3A_291 = arith.index_cast %get3A_290 : i32 to index
          %get3A_292 = arith.index_cast %mul3A_289 : i32 to index
          %get3A_293 = tpu.vector_load %arg7[%get3A_291, %get3A_292] {strides = array<i32>} : memref<2x2048xf32, #tpu.memory_space<vmem>>, vector<16xf32>,
          %div3A_294 = arith.divf %get3A_293, %add3A_287 : vector<16xf32>
          %broadcast_in_dim3A_295 = vector.broadcast %scan3A_276 : i32 to vector<16xi32>
          %scatter3A_296 = arith.constant 1 : i32
          %scatter3A_297 = arith.constant 0 : i32
          %scatter3A_298 = arith.constant 0 : i32
          %scatter3A_299 = tpu.memref_slice %arg9[%scatter3A_296, %scatter3A_297, %scatter3A_298] : memref<2x16x128xf32, #tpu.memory_space<vmem>> -> memref<1x16x128xf32, #tpu.memory_space<vmem>>
          %scatter3A_300 = tpu.memref_squeeze %scatter3A_299 : memref<1x16x128xf32, #tpu.memory_space<vmem>> -> memref<16x128xf32, #tpu.memory_space<vmem>>
          tpu.vector_store_idx %scatter3A_300[%iota3A, %broadcast_in_dim3A_295], %div3A_294 : memref<16x128xf32, #tpu.memory_space<vmem>>[vector<16xi32>, vector<16xi32>], vector<16xf32>,
          %scan3A_301 = arith.constant 0 : i32
          %scan3A_302 = arith.constant 6 : i32
          %scan3A_303 = arith.addi %scan3A_144, %scan3A_302 : i32
          %get3A_304 = arith.constant 1 : i32
          %get3A_305 = arith.index_cast %get3A_304 : i32 to index
          %get3A_306 = arith.index_cast %scan3A_303 : i32 to index
          %get3A_307 = arith.constant 0 : index
          %get3A_308 = tpu.vector_load %arg8[%get3A_305, %get3A_306, %get3A_307] {strides = array<i32>} : memref<2x128x32xf32, #tpu.memory_space<vmem>>, vector<16xf32>,
          %get3A_309 = arith.constant 1 : i32
          %get3A_310 = arith.index_cast %get3A_309 : i32 to index
          %get3A_311 = arith.index_cast %scan3A_303 : i32 to index
          %get3A_312 = arith.constant 16 : index
          %get3A_313 = tpu.vector_load %arg8[%get3A_310, %get3A_311, %get3A_312] {strides = array<i32>} : memref<2x128x32xf32, #tpu.memory_space<vmem>>, vector<16xf32>,
          %add3A_314 = arith.addf %get3A_308, %get3A_313 : vector<16xf32>
          %mul3A_315 = arith.constant 16 : i32
          %mul3A_316 = arith.muli %scan3A_303, %mul3A_315 : i32
          %get3A_317 = arith.constant 1 : i32
          %get3A_318 = arith.index_cast %get3A_317 : i32 to index
          %get3A_319 = arith.index_cast %mul3A_316 : i32 to index
          %get3A_320 = tpu.vector_load %arg7[%get3A_318, %get3A_319] {strides = array<i32>} : memref<2x2048xf32, #tpu.memory_space<vmem>>, vector<16xf32>,
          %div3A_321 = arith.divf %get3A_320, %add3A_314 : vector<16xf32>
          %broadcast_in_dim3A_322 = vector.broadcast %scan3A_303 : i32 to vector<16xi32>
          %scatter3A_323 = arith.constant 1 : i32
          %scatter3A_324 = arith.constant 0 : i32
          %scatter3A_325 = arith.constant 0 : i32
          %scatter3A_326 = tpu.memref_slice %arg9[%scatter3A_323, %scatter3A_324, %scatter3A_325] : memref<2x16x128xf32, #tpu.memory_space<vmem>> -> memref<1x16x128xf32, #tpu.memory_space<vmem>>
          %scatter3A_327 = tpu.memref_squeeze %scatter3A_326 : memref<1x16x128xf32, #tpu.memory_space<vmem>> -> memref<16x128xf32, #tpu.memory_space<vmem>>
          tpu.vector_store_idx %scatter3A_327[%iota3A, %broadcast_in_dim3A_322], %div3A_321 : memref<16x128xf32, #tpu.memory_space<vmem>>[vector<16xi32>, vector<16xi32>], vector<16xf32>,
          %scan3A_328 = arith.constant 0 : i32
          %scan3A_329 = arith.constant 7 : i32
          %scan3A_330 = arith.addi %scan3A_144, %scan3A_329 : i32
          %get3A_331 = arith.constant 1 : i32
          %get3A_332 = arith.index_cast %get3A_331 : i32 to index
          %get3A_333 = arith.index_cast %scan3A_330 : i32 to index
          %get3A_334 = arith.constant 0 : index
          %get3A_335 = tpu.vector_load %arg8[%get3A_332, %get3A_333, %get3A_334] {strides = array<i32>} : memref<2x128x32xf32, #tpu.memory_space<vmem>>, vector<16xf32>,
          %get3A_336 = arith.constant 1 : i32
          %get3A_337 = arith.index_cast %get3A_336 : i32 to index
          %get3A_338 = arith.index_cast %scan3A_330 : i32 to index
          %get3A_339 = arith.constant 16 : index
          %get3A_340 = tpu.vector_load %arg8[%get3A_337, %get3A_338, %get3A_339] {strides = array<i32>} : memref<2x128x32xf32, #tpu.memory_space<vmem>>, vector<16xf32>,
          %add3A_341 = arith.addf %get3A_335, %get3A_340 : vector<16xf32>
          %mul3A_342 = arith.constant 16 : i32
          %mul3A_343 = arith.muli %scan3A_330, %mul3A_342 : i32
          %get3A_344 = arith.constant 1 : i32
          %get3A_345 = arith.index_cast %get3A_344 : i32 to index
          %get3A_346 = arith.index_cast %mul3A_343 : i32 to index
          %get3A_347 = tpu.vector_load %arg7[%get3A_345, %get3A_346] {strides = array<i32>} : memref<2x2048xf32, #tpu.memory_space<vmem>>, vector<16xf32>,
          %div3A_348 = arith.divf %get3A_347, %add3A_341 : vector<16xf32>
          %broadcast_in_dim3A_349 = vector.broadcast %scan3A_330 : i32 to vector<16xi32>
          %scatter3A_350 = arith.constant 1 : i32
          %scatter3A_351 = arith.constant 0 : i32
          %scatter3A_352 = arith.constant 0 : i32
          %scatter3A_353 = tpu.memref_slice %arg9[%scatter3A_350, %scatter3A_351, %scatter3A_352] : memref<2x16x128xf32, #tpu.memory_space<vmem>> -> memref<1x16x128xf32, #tpu.memory_space<vmem>>
          %scatter3A_354 = tpu.memref_squeeze %scatter3A_353 : memref<1x16x128xf32, #tpu.memory_space<vmem>> -> memref<16x128xf32, #tpu.memory_space<vmem>>
          tpu.vector_store_idx %scatter3A_354[%iota3A, %broadcast_in_dim3A_349], %div3A_348 : memref<16x128xf32, #tpu.memory_space<vmem>>[vector<16xi32>, vector<16xi32>], vector<16xf32>,
          %scan3A_355 = arith.constant 0 : i32
          %scan3A_356 = arith.constant 8 : i32
          %scan3A_357 = arith.addi %scan3A_144, %scan3A_356 : i32
          %get3A_358 = arith.constant 1 : i32
          %get3A_359 = arith.index_cast %get3A_358 : i32 to index
          %get3A_360 = arith.index_cast %scan3A_357 : i32 to index
          %get3A_361 = arith.constant 0 : index
          %get3A_362 = tpu.vector_load %arg8[%get3A_359, %get3A_360, %get3A_361] {strides = array<i32>} : memref<2x128x32xf32, #tpu.memory_space<vmem>>, vector<16xf32>,
          %get3A_363 = arith.constant 1 : i32
          %get3A_364 = arith.index_cast %get3A_363 : i32 to index
          %get3A_365 = arith.index_cast %scan3A_357 : i32 to index
          %get3A_366 = arith.constant 16 : index
          %get3A_367 = tpu.vector_load %arg8[%get3A_364, %get3A_365, %get3A_366] {strides = array<i32>} : memref<2x128x32xf32, #tpu.memory_space<vmem>>, vector<16xf32>,
          %add3A_368 = arith.addf %get3A_362, %get3A_367 : vector<16xf32>
          %mul3A_369 = arith.constant 16 : i32
          %mul3A_370 = arith.muli %scan3A_357, %mul3A_369 : i32
          %get3A_371 = arith.constant 1 : i32
          %get3A_372 = arith.index_cast %get3A_371 : i32 to index
          %get3A_373 = arith.index_cast %mul3A_370 : i32 to index
          %get3A_374 = tpu.vector_load %arg7[%get3A_372, %get3A_373] {strides = array<i32>} : memref<2x2048xf32, #tpu.memory_space<vmem>>, vector<16xf32>,
          %div3A_375 = arith.divf %get3A_374, %add3A_368 : vector<16xf32>
          %broadcast_in_dim3A_376 = vector.broadcast %scan3A_357 : i32 to vector<16xi32>
          %scatter3A_377 = arith.constant 1 : i32
          %scatter3A_378 = arith.constant 0 : i32
          %scatter3A_379 = arith.constant 0 : i32
          %scatter3A_380 = tpu.memref_slice %arg9[%scatter3A_377, %scatter3A_378, %scatter3A_379] : memref<2x16x128xf32, #tpu.memory_space<vmem>> -> memref<1x16x128xf32, #tpu.memory_space<vmem>>
          %scatter3A_381 = tpu.memref_squeeze %scatter3A_380 : memref<1x16x128xf32, #tpu.memory_space<vmem>> -> memref<16x128xf32, #tpu.memory_space<vmem>>
          tpu.vector_store_idx %scatter3A_381[%iota3A, %broadcast_in_dim3A_376], %div3A_375 : memref<16x128xf32, #tpu.memory_space<vmem>>[vector<16xi32>, vector<16xi32>], vector<16xf32>,
          %scan3A_382 = arith.constant 0 : i32
          %scan3A_383 = arith.constant 9 : i32
          %scan3A_384 = arith.addi %scan3A_144, %scan3A_383 : i32
          %get3A_385 = arith.constant 1 : i32
          %get3A_386 = arith.index_cast %get3A_385 : i32 to index
          %get3A_387 = arith.index_cast %scan3A_384 : i32 to index
          %get3A_388 = arith.constant 0 : index
          %get3A_389 = tpu.vector_load %arg8[%get3A_386, %get3A_387, %get3A_388] {strides = array<i32>} : memref<2x128x32xf32, #tpu.memory_space<vmem>>, vector<16xf32>,
          %get3A_390 = arith.constant 1 : i32
          %get3A_391 = arith.index_cast %get3A_390 : i32 to index
          %get3A_392 = arith.index_cast %scan3A_384 : i32 to index
          %get3A_393 = arith.constant 16 : index
          %get3A_394 = tpu.vector_load %arg8[%get3A_391, %get3A_392, %get3A_393] {strides = array<i32>} : memref<2x128x32xf32, #tpu.memory_space<vmem>>, vector<16xf32>,
          %add3A_395 = arith.addf %get3A_389, %get3A_394 : vector<16xf32>
          %mul3A_396 = arith.constant 16 : i32
          %mul3A_397 = arith.muli %scan3A_384, %mul3A_396 : i32
          %get3A_398 = arith.constant 1 : i32
          %get3A_399 = arith.index_cast %get3A_398 : i32 to index
          %get3A_400 = arith.index_cast %mul3A_397 : i32 to index
          %get3A_401 = tpu.vector_load %arg7[%get3A_399, %get3A_400] {strides = array<i32>} : memref<2x2048xf32, #tpu.memory_space<vmem>>, vector<16xf32>,
          %div3A_402 = arith.divf %get3A_401, %add3A_395 : vector<16xf32>
          %broadcast_in_dim3A_403 = vector.broadcast %scan3A_384 : i32 to vector<16xi32>
          %scatter3A_404 = arith.constant 1 : i32
          %scatter3A_405 = arith.constant 0 : i32
          %scatter3A_406 = arith.constant 0 : i32
          %scatter3A_407 = tpu.memref_slice %arg9[%scatter3A_404, %scatter3A_405, %scatter3A_406] : memref<2x16x128xf32, #tpu.memory_space<vmem>> -> memref<1x16x128xf32, #tpu.memory_space<vmem>>
          %scatter3A_408 = tpu.memref_squeeze %scatter3A_407 : memref<1x16x128xf32, #tpu.memory_space<vmem>> -> memref<16x128xf32, #tpu.memory_space<vmem>>
          tpu.vector_store_idx %scatter3A_408[%iota3A, %broadcast_in_dim3A_403], %div3A_402 : memref<16x128xf32, #tpu.memory_space<vmem>>[vector<16xi32>, vector<16xi32>], vector<16xf32>,
          %scan3A_409 = arith.constant 0 : i32
          %scan3A_410 = arith.constant 10 : i32
          %scan3A_411 = arith.addi %scan3A_144, %scan3A_410 : i32
          %get3A_412 = arith.constant 1 : i32
          %get3A_413 = arith.index_cast %get3A_412 : i32 to index
          %get3A_414 = arith.index_cast %scan3A_411 : i32 to index
          %get3A_415 = arith.constant 0 : index
          %get3A_416 = tpu.vector_load %arg8[%get3A_413, %get3A_414, %get3A_415] {strides = array<i32>} : memref<2x128x32xf32, #tpu.memory_space<vmem>>, vector<16xf32>,
          %get3A_417 = arith.constant 1 : i32
          %get3A_418 = arith.index_cast %get3A_417 : i32 to index
          %get3A_419 = arith.index_cast %scan3A_411 : i32 to index
          %get3A_420 = arith.constant 16 : index
          %get3A_421 = tpu.vector_load %arg8[%get3A_418, %get3A_419, %get3A_420] {strides = array<i32>} : memref<2x128x32xf32, #tpu.memory_space<vmem>>, vector<16xf32>,
          %add3A_422 = arith.addf %get3A_416, %get3A_421 : vector<16xf32>
          %mul3A_423 = arith.constant 16 : i32
          %mul3A_424 = arith.muli %scan3A_411, %mul3A_423 : i32
          %get3A_425 = arith.constant 1 : i32
          %get3A_426 = arith.index_cast %get3A_425 : i32 to index
          %get3A_427 = arith.index_cast %mul3A_424 : i32 to index
          %get3A_428 = tpu.vector_load %arg7[%get3A_426, %get3A_427] {strides = array<i32>} : memref<2x2048xf32, #tpu.memory_space<vmem>>, vector<16xf32>,
          %div3A_429 = arith.divf %get3A_428, %add3A_422 : vector<16xf32>
          %broadcast_in_dim3A_430 = vector.broadcast %scan3A_411 : i32 to vector<16xi32>
          %scatter3A_431 = arith.constant 1 : i32
          %scatter3A_432 = arith.constant 0 : i32
          %scatter3A_433 = arith.constant 0 : i32
          %scatter3A_434 = tpu.memref_slice %arg9[%scatter3A_431, %scatter3A_432, %scatter3A_433] : memref<2x16x128xf32, #tpu.memory_space<vmem>> -> memref<1x16x128xf32, #tpu.memory_space<vmem>>
          %scatter3A_435 = tpu.memref_squeeze %scatter3A_434 : memref<1x16x128xf32, #tpu.memory_space<vmem>> -> memref<16x128xf32, #tpu.memory_space<vmem>>
          tpu.vector_store_idx %scatter3A_435[%iota3A, %broadcast_in_dim3A_430], %div3A_429 : memref<16x128xf32, #tpu.memory_space<vmem>>[vector<16xi32>, vector<16xi32>], vector<16xf32>,
          %scan3A_436 = arith.constant 0 : i32
          %scan3A_437 = arith.constant 11 : i32
          %scan3A_438 = arith.addi %scan3A_144, %scan3A_437 : i32
          %get3A_439 = arith.constant 1 : i32
          %get3A_440 = arith.index_cast %get3A_439 : i32 to index
          %get3A_441 = arith.index_cast %scan3A_438 : i32 to index
          %get3A_442 = arith.constant 0 : index
          %get3A_443 = tpu.vector_load %arg8[%get3A_440, %get3A_441, %get3A_442] {strides = array<i32>} : memref<2x128x32xf32, #tpu.memory_space<vmem>>, vector<16xf32>,
          %get3A_444 = arith.constant 1 : i32
          %get3A_445 = arith.index_cast %get3A_444 : i32 to index
          %get3A_446 = arith.index_cast %scan3A_438 : i32 to index
          %get3A_447 = arith.constant 16 : index
          %get3A_448 = tpu.vector_load %arg8[%get3A_445, %get3A_446, %get3A_447] {strides = array<i32>} : memref<2x128x32xf32, #tpu.memory_space<vmem>>, vector<16xf32>,
          %add3A_449 = arith.addf %get3A_443, %get3A_448 : vector<16xf32>
          %mul3A_450 = arith.constant 16 : i32
          %mul3A_451 = arith.muli %scan3A_438, %mul3A_450 : i32
          %get3A_452 = arith.constant 1 : i32
          %get3A_453 = arith.index_cast %get3A_452 : i32 to index
          %get3A_454 = arith.index_cast %mul3A_451 : i32 to index
          %get3A_455 = tpu.vector_load %arg7[%get3A_453, %get3A_454] {strides = array<i32>} : memref<2x2048xf32, #tpu.memory_space<vmem>>, vector<16xf32>,
          %div3A_456 = arith.divf %get3A_455, %add3A_449 : vector<16xf32>
          %broadcast_in_dim3A_457 = vector.broadcast %scan3A_438 : i32 to vector<16xi32>
          %scatter3A_458 = arith.constant 1 : i32
          %scatter3A_459 = arith.constant 0 : i32
          %scatter3A_460 = arith.constant 0 : i32
          %scatter3A_461 = tpu.memref_slice %arg9[%scatter3A_458, %scatter3A_459, %scatter3A_460] : memref<2x16x128xf32, #tpu.memory_space<vmem>> -> memref<1x16x128xf32, #tpu.memory_space<vmem>>
          %scatter3A_462 = tpu.memref_squeeze %scatter3A_461 : memref<1x16x128xf32, #tpu.memory_space<vmem>> -> memref<16x128xf32, #tpu.memory_space<vmem>>
          tpu.vector_store_idx %scatter3A_462[%iota3A, %broadcast_in_dim3A_457], %div3A_456 : memref<16x128xf32, #tpu.memory_space<vmem>>[vector<16xi32>, vector<16xi32>], vector<16xf32>,
          %scan3A_463 = arith.constant 0 : i32
          %scan3A_464 = arith.constant 12 : i32
          %scan3A_465 = arith.addi %scan3A_144, %scan3A_464 : i32
          %get3A_466 = arith.constant 1 : i32
          %get3A_467 = arith.index_cast %get3A_466 : i32 to index
          %get3A_468 = arith.index_cast %scan3A_465 : i32 to index
          %get3A_469 = arith.constant 0 : index
          %get3A_470 = tpu.vector_load %arg8[%get3A_467, %get3A_468, %get3A_469] {strides = array<i32>} : memref<2x128x32xf32, #tpu.memory_space<vmem>>, vector<16xf32>,
          %get3A_471 = arith.constant 1 : i32
          %get3A_472 = arith.index_cast %get3A_471 : i32 to index
          %get3A_473 = arith.index_cast %scan3A_465 : i32 to index
          %get3A_474 = arith.constant 16 : index
          %get3A_475 = tpu.vector_load %arg8[%get3A_472, %get3A_473, %get3A_474] {strides = array<i32>} : memref<2x128x32xf32, #tpu.memory_space<vmem>>, vector<16xf32>,
          %add3A_476 = arith.addf %get3A_470, %get3A_475 : vector<16xf32>
          %mul3A_477 = arith.constant 16 : i32
          %mul3A_478 = arith.muli %scan3A_465, %mul3A_477 : i32
          %get3A_479 = arith.constant 1 : i32
          %get3A_480 = arith.index_cast %get3A_479 : i32 to index
          %get3A_481 = arith.index_cast %mul3A_478 : i32 to index
          %get3A_482 = tpu.vector_load %arg7[%get3A_480, %get3A_481] {strides = array<i32>} : memref<2x2048xf32, #tpu.memory_space<vmem>>, vector<16xf32>,
          %div3A_483 = arith.divf %get3A_482, %add3A_476 : vector<16xf32>
          %broadcast_in_dim3A_484 = vector.broadcast %scan3A_465 : i32 to vector<16xi32>
          %scatter3A_485 = arith.constant 1 : i32
          %scatter3A_486 = arith.constant 0 : i32
          %scatter3A_487 = arith.constant 0 : i32
          %scatter3A_488 = tpu.memref_slice %arg9[%scatter3A_485, %scatter3A_486, %scatter3A_487] : memref<2x16x128xf32, #tpu.memory_space<vmem>> -> memref<1x16x128xf32, #tpu.memory_space<vmem>>
          %scatter3A_489 = tpu.memref_squeeze %scatter3A_488 : memref<1x16x128xf32, #tpu.memory_space<vmem>> -> memref<16x128xf32, #tpu.memory_space<vmem>>
          tpu.vector_store_idx %scatter3A_489[%iota3A, %broadcast_in_dim3A_484], %div3A_483 : memref<16x128xf32, #tpu.memory_space<vmem>>[vector<16xi32>, vector<16xi32>], vector<16xf32>,
          %scan3A_490 = arith.constant 0 : i32
          %scan3A_491 = arith.constant 13 : i32
          %scan3A_492 = arith.addi %scan3A_144, %scan3A_491 : i32
          %get3A_493 = arith.constant 1 : i32
          %get3A_494 = arith.index_cast %get3A_493 : i32 to index
          %get3A_495 = arith.index_cast %scan3A_492 : i32 to index
          %get3A_496 = arith.constant 0 : index
          %get3A_497 = tpu.vector_load %arg8[%get3A_494, %get3A_495, %get3A_496] {strides = array<i32>} : memref<2x128x32xf32, #tpu.memory_space<vmem>>, vector<16xf32>,
          %get3A_498 = arith.constant 1 : i32
          %get3A_499 = arith.index_cast %get3A_498 : i32 to index
          %get3A_500 = arith.index_cast %scan3A_492 : i32 to index
          %get3A_501 = arith.constant 16 : index
          %get3A_502 = tpu.vector_load %arg8[%get3A_499, %get3A_500, %get3A_501] {strides = array<i32>} : memref<2x128x32xf32, #tpu.memory_space<vmem>>, vector<16xf32>,
          %add3A_503 = arith.addf %get3A_497, %get3A_502 : vector<16xf32>
          %mul3A_504 = arith.constant 16 : i32
          %mul3A_505 = arith.muli %scan3A_492, %mul3A_504 : i32
          %get3A_506 = arith.constant 1 : i32
          %get3A_507 = arith.index_cast %get3A_506 : i32 to index
          %get3A_508 = arith.index_cast %mul3A_505 : i32 to index
          %get3A_509 = tpu.vector_load %arg7[%get3A_507, %get3A_508] {strides = array<i32>} : memref<2x2048xf32, #tpu.memory_space<vmem>>, vector<16xf32>,
          %div3A_510 = arith.divf %get3A_509, %add3A_503 : vector<16xf32>
          %broadcast_in_dim3A_511 = vector.broadcast %scan3A_492 : i32 to vector<16xi32>
          %scatter3A_512 = arith.constant 1 : i32
          %scatter3A_513 = arith.constant 0 : i32
          %scatter3A_514 = arith.constant 0 : i32
          %scatter3A_515 = tpu.memref_slice %arg9[%scatter3A_512, %scatter3A_513, %scatter3A_514] : memref<2x16x128xf32, #tpu.memory_space<vmem>> -> memref<1x16x128xf32, #tpu.memory_space<vmem>>
          %scatter3A_516 = tpu.memref_squeeze %scatter3A_515 : memref<1x16x128xf32, #tpu.memory_space<vmem>> -> memref<16x128xf32, #tpu.memory_space<vmem>>
          tpu.vector_store_idx %scatter3A_516[%iota3A, %broadcast_in_dim3A_511], %div3A_510 : memref<16x128xf32, #tpu.memory_space<vmem>>[vector<16xi32>, vector<16xi32>], vector<16xf32>,
          %scan3A_517 = arith.constant 0 : i32
          %scan3A_518 = arith.constant 14 : i32
          %scan3A_519 = arith.addi %scan3A_144, %scan3A_518 : i32
          %get3A_520 = arith.constant 1 : i32
          %get3A_521 = arith.index_cast %get3A_520 : i32 to index
          %get3A_522 = arith.index_cast %scan3A_519 : i32 to index
          %get3A_523 = arith.constant 0 : index
          %get3A_524 = tpu.vector_load %arg8[%get3A_521, %get3A_522, %get3A_523] {strides = array<i32>} : memref<2x128x32xf32, #tpu.memory_space<vmem>>, vector<16xf32>,
          %get3A_525 = arith.constant 1 : i32
          %get3A_526 = arith.index_cast %get3A_525 : i32 to index
          %get3A_527 = arith.index_cast %scan3A_519 : i32 to index
          %get3A_528 = arith.constant 16 : index
          %get3A_529 = tpu.vector_load %arg8[%get3A_526, %get3A_527, %get3A_528] {strides = array<i32>} : memref<2x128x32xf32, #tpu.memory_space<vmem>>, vector<16xf32>,
          %add3A_530 = arith.addf %get3A_524, %get3A_529 : vector<16xf32>
          %mul3A_531 = arith.constant 16 : i32
          %mul3A_532 = arith.muli %scan3A_519, %mul3A_531 : i32
          %get3A_533 = arith.constant 1 : i32
          %get3A_534 = arith.index_cast %get3A_533 : i32 to index
          %get3A_535 = arith.index_cast %mul3A_532 : i32 to index
          %get3A_536 = tpu.vector_load %arg7[%get3A_534, %get3A_535] {strides = array<i32>} : memref<2x2048xf32, #tpu.memory_space<vmem>>, vector<16xf32>,
          %div3A_537 = arith.divf %get3A_536, %add3A_530 : vector<16xf32>
          %broadcast_in_dim3A_538 = vector.broadcast %scan3A_519 : i32 to vector<16xi32>
          %scatter3A_539 = arith.constant 1 : i32
          %scatter3A_540 = arith.constant 0 : i32
          %scatter3A_541 = arith.constant 0 : i32
          %scatter3A_542 = tpu.memref_slice %arg9[%scatter3A_539, %scatter3A_540, %scatter3A_541] : memref<2x16x128xf32, #tpu.memory_space<vmem>> -> memref<1x16x128xf32, #tpu.memory_space<vmem>>
          %scatter3A_543 = tpu.memref_squeeze %scatter3A_542 : memref<1x16x128xf32, #tpu.memory_space<vmem>> -> memref<16x128xf32, #tpu.memory_space<vmem>>
          tpu.vector_store_idx %scatter3A_543[%iota3A, %broadcast_in_dim3A_538], %div3A_537 : memref<16x128xf32, #tpu.memory_space<vmem>>[vector<16xi32>, vector<16xi32>], vector<16xf32>,
          %scan3A_544 = arith.constant 0 : i32
          %scan3A_545 = arith.constant 15 : i32
          %scan3A_546 = arith.addi %scan3A_144, %scan3A_545 : i32
          %get3A_547 = arith.constant 1 : i32
          %get3A_548 = arith.index_cast %get3A_547 : i32 to index
          %get3A_549 = arith.index_cast %scan3A_546 : i32 to index
          %get3A_550 = arith.constant 0 : index
          %get3A_551 = tpu.vector_load %arg8[%get3A_548, %get3A_549, %get3A_550] {strides = array<i32>} : memref<2x128x32xf32, #tpu.memory_space<vmem>>, vector<16xf32>,
          %get3A_552 = arith.constant 1 : i32
          %get3A_553 = arith.index_cast %get3A_552 : i32 to index
          %get3A_554 = arith.index_cast %scan3A_546 : i32 to index
          %get3A_555 = arith.constant 16 : index
          %get3A_556 = tpu.vector_load %arg8[%get3A_553, %get3A_554, %get3A_555] {strides = array<i32>} : memref<2x128x32xf32, #tpu.memory_space<vmem>>, vector<16xf32>,
          %add3A_557 = arith.addf %get3A_551, %get3A_556 : vector<16xf32>
          %mul3A_558 = arith.constant 16 : i32
          %mul3A_559 = arith.muli %scan3A_546, %mul3A_558 : i32
          %get3A_560 = arith.constant 1 : i32
          %get3A_561 = arith.index_cast %get3A_560 : i32 to index
          %get3A_562 = arith.index_cast %mul3A_559 : i32 to index
          %get3A_563 = tpu.vector_load %arg7[%get3A_561, %get3A_562] {strides = array<i32>} : memref<2x2048xf32, #tpu.memory_space<vmem>>, vector<16xf32>,
          %div3A_564 = arith.divf %get3A_563, %add3A_557 : vector<16xf32>
          %broadcast_in_dim3A_565 = vector.broadcast %scan3A_546 : i32 to vector<16xi32>
          %scatter3A_566 = arith.constant 1 : i32
          %scatter3A_567 = arith.constant 0 : i32
          %scatter3A_568 = arith.constant 0 : i32
          %scatter3A_569 = tpu.memref_slice %arg9[%scatter3A_566, %scatter3A_567, %scatter3A_568] : memref<2x16x128xf32, #tpu.memory_space<vmem>> -> memref<1x16x128xf32, #tpu.memory_space<vmem>>
          %scatter3A_570 = tpu.memref_squeeze %scatter3A_569 : memref<1x16x128xf32, #tpu.memory_space<vmem>> -> memref<16x128xf32, #tpu.memory_space<vmem>>
          tpu.vector_store_idx %scatter3A_570[%iota3A, %broadcast_in_dim3A_565], %div3A_564 : memref<16x128xf32, #tpu.memory_space<vmem>>[vector<16xi32>, vector<16xi32>], vector<16xf32>,
          %scan3A_571 = arith.constant 0 : i32
          scf.yield %scan3A_571 : i32
        }
        %scan3A_127 = arith.constant 128 : i32
        %add3A_128 = arith.addi %add3A_4, %add3A_78 : i32
        %mul3A_129 = arith.constant 128 : i32
        %mul3A_130 = arith.muli %add3A_128, %mul3A_129 : i32
        %dma_start3A_131 = arith.constant 1 : i32
        %dma_start3A_132 = arith.constant 0 : i32
        %dma_start3A_133 = arith.constant 0 : i32
        %dma_start3A_134 = tpu.memref_slice %arg9[%dma_start3A_131, %dma_start3A_132, %dma_start3A_133] : memref<2x16x128xf32, #tpu.memory_space<vmem>> -> memref<1x16x128xf32, #tpu.memory_space<vmem>>
        %dma_start3A_135 = tpu.memref_squeeze %dma_start3A_134 : memref<1x16x128xf32, #tpu.memory_space<vmem>> -> memref<16x128xf32, #tpu.memory_space<vmem>>
        %dma_start3A_136 = arith.constant 0 : i32
        %dma_start3A_137 = tpu.memref_slice %arg5[%dma_start3A_136, %mul3A_130] : memref<16x320000xf32, #tpu.memory_space<hbm>> -> memref<16x128xf32, #tpu.memory_space<hbm>>
        %dma_start3A_138 = arith.constant 0 : i32
        %dma_start3A_139 = tpu.memref_slice %arg5[%dma_start3A_138, %mul3A_130] : memref<16x320000xf32, #tpu.memory_space<hbm>> -> memref<16x128xf32, #tpu.memory_space<hbm>>
        %dma_start3A_140 = arith.constant 0 : i32
        %dma_start3A_141 = arith.constant 0 : i32
        %dma_start3A_142 = tpu.memref_slice %arg9[%dma_start3A_131, %dma_start3A_140, %dma_start3A_141] : memref<2x16x128xf32, #tpu.memory_space<vmem>> -> memref<1x16x128xf32, #tpu.memory_space<vmem>>
        %dma_start3A_143 = tpu.memref_squeeze %dma_start3A_142 : memref<1x16x128xf32, #tpu.memory_space<vmem>> -> memref<16x128xf32, #tpu.memory_space<vmem>>
        tpu.enqueue_dma source(%dma_start3A_143 : memref<16x128xf32, #tpu.memory_space<vmem>>) target(%dma_start3A_139 : memref<16x128xf32, #tpu.memory_space<hbm>>) target_semaphore(%arg13 : memref<!tpu.dma_semaphore, #tpu.memory_space<semaphore_mem>>)
      } else {
      }
      %scan3A_87 = arith.constant 0 : i32
      scf.yield %scan3A_87 : i32
    }
    %scan3A_43 = arith.constant 41 : i32
    %dma_wait3A = arith.constant 0 : i32
    %dma_wait3A_44 = arith.constant 0 : i32
    %dma_wait3A_45 = arith.constant 0 : i32
    %dma_wait3A_46 = tpu.memref_slice %arg9[%dma_wait3A, %dma_wait3A_44, %dma_wait3A_45] : memref<2x16x128xf32, #tpu.memory_space<vmem>> -> memref<1x16x128xf32, #tpu.memory_space<vmem>>
    %dma_wait3A_47 = tpu.memref_squeeze %dma_wait3A_46 : memref<1x16x128xf32, #tpu.memory_space<vmem>> -> memref<16x128xf32, #tpu.memory_space<vmem>>
    %dma_wait3A_48 = arith.constant 0 : i32
    %dma_wait3A_49 = arith.constant 0 : i32
    %dma_wait3A_50 = tpu.memref_slice %arg5[%dma_wait3A_48, %dma_wait3A_49] : memref<16x320000xf32, #tpu.memory_space<hbm>> -> memref<16x128xf32, #tpu.memory_space<hbm>>
    %dma_wait3A_51 = arith.constant 0 : i32
    %dma_wait3A_52 = arith.constant 0 : i32
    %dma_wait3A_53 = tpu.memref_slice %arg5[%dma_wait3A_51, %dma_wait3A_52] : memref<16x320000xf32, #tpu.memory_space<hbm>> -> memref<16x128xf32, #tpu.memory_space<hbm>>
    %dma_wait3A_54 = arith.constant 0 : i32
    %dma_wait3A_55 = arith.constant 0 : i32
    %dma_wait3A_56 = tpu.memref_slice %arg9[%dma_wait3A, %dma_wait3A_54, %dma_wait3A_55] : memref<2x16x128xf32, #tpu.memory_space<vmem>> -> memref<1x16x128xf32, #tpu.memory_space<vmem>>
    %dma_wait3A_57 = tpu.memref_squeeze %dma_wait3A_56 : memref<1x16x128xf32, #tpu.memory_space<vmem>> -> memref<16x128xf32, #tpu.memory_space<vmem>>
    tpu.wait_dma2 semaphore(%arg12 : memref<!tpu.dma_semaphore, #tpu.memory_space<semaphore_mem>>) src(%dma_wait3A_57 : memref<16x128xf32, #tpu.memory_space<vmem>>) dst(%dma_wait3A_53 : memref<16x128xf32, #tpu.memory_space<hbm>>)
    %dma_wait3A_58 = arith.constant 1 : i32
    %dma_wait3A_59 = arith.constant 0 : i32
    %dma_wait3A_60 = arith.constant 0 : i32
    %dma_wait3A_61 = tpu.memref_slice %arg9[%dma_wait3A_58, %dma_wait3A_59, %dma_wait3A_60] : memref<2x16x128xf32, #tpu.memory_space<vmem>> -> memref<1x16x128xf32, #tpu.memory_space<vmem>>
    %dma_wait3A_62 = tpu.memref_squeeze %dma_wait3A_61 : memref<1x16x128xf32, #tpu.memory_space<vmem>> -> memref<16x128xf32, #tpu.memory_space<vmem>>
    %dma_wait3A_63 = arith.constant 0 : i32
    %dma_wait3A_64 = arith.constant 0 : i32
    %dma_wait3A_65 = tpu.memref_slice %arg5[%dma_wait3A_63, %dma_wait3A_64] : memref<16x320000xf32, #tpu.memory_space<hbm>> -> memref<16x128xf32, #tpu.memory_space<hbm>>
    %dma_wait3A_66 = arith.constant 0 : i32
    %dma_wait3A_67 = arith.constant 0 : i32
    %dma_wait3A_68 = tpu.memref_slice %arg5[%dma_wait3A_66, %dma_wait3A_67] : memref<16x320000xf32, #tpu.memory_space<hbm>> -> memref<16x128xf32, #tpu.memory_space<hbm>>
    %dma_wait3A_69 = arith.constant 0 : i32
    %dma_wait3A_70 = arith.constant 0 : i32
    %dma_wait3A_71 = tpu.memref_slice %arg9[%dma_wait3A_58, %dma_wait3A_69, %dma_wait3A_70] : memref<2x16x128xf32, #tpu.memory_space<vmem>> -> memref<1x16x128xf32, #tpu.memory_space<vmem>>
    %dma_wait3A_72 = tpu.memref_squeeze %dma_wait3A_71 : memref<1x16x128xf32, #tpu.memory_space<vmem>> -> memref<16x128xf32, #tpu.memory_space<vmem>>
    tpu.wait_dma2 semaphore(%arg13 : memref<!tpu.dma_semaphore, #tpu.memory_space<semaphore_mem>>) src(%dma_wait3A_72 : memref<16x128xf32, #tpu.memory_space<vmem>>) dst(%dma_wait3A_68 : memref<16x128xf32, #tpu.memory_space<hbm>>)
    return
  }
}

module attributes {stable_mosaic.version = 14 : i64} {
  func.func @_tc_prep_body(%arg0: i32, %arg1: memref<10000x128xf32, #tpu.memory_space<vmem>>, %arg2: memref<128x16x128xf32, #tpu.memory_space<vmem>>, %arg3: memref<16x128xf32, #tpu.memory_space<vmem>>, %arg4: memref<16x128xf32, #tpu.memory_space<vmem>>, %arg5: memref<4000x128xf32, #tpu.memory_space<vmem>>, %arg6: memref<128x128xf32, #tpu.memory_space<vmem>>, %arg7: memref<10000x16xf32, #tpu.memory_space<vmem>>, %arg8: memref<10000x16xf32, #tpu.memory_space<vmem>>, %arg9: memref<4000x128xf32, #tpu.memory_space<vmem>>) attributes {dimension_semantics = [#tpu.dimension_semantics<arbitrary>], iteration_bounds = array<i64: 10>, scalar_prefetch = 0 : i64, scratch_operands = 0 : i64, tpu.core_type = #tpu.core_type<tc>, window_params = [{pipeline_mode = #tpu.pipeline_mode<synchronous>, transform_indices = @transform_0, window_bounds = array<i64: 10000, 128>}, {pipeline_mode = #tpu.pipeline_mode<synchronous>, transform_indices = @transform_1, window_bounds = array<i64: 128, 16, 128>}, {pipeline_mode = #tpu.pipeline_mode<synchronous>, transform_indices = @transform_2, window_bounds = array<i64: 16, 128>}, {pipeline_mode = #tpu.pipeline_mode<synchronous>, transform_indices = @transform_3, window_bounds = array<i64: 16, 128>}, {transform_indices = @transform_4, window_bounds = array<i64: 4000, 128>}, {pipeline_mode = #tpu.pipeline_mode<synchronous>, transform_indices = @transform_5, window_bounds = array<i64: 128, 128>}, {pipeline_mode = #tpu.pipeline_mode<synchronous>, transform_indices = @transform_6, window_bounds = array<i64: 10000, 16>}, {pipeline_mode = #tpu.pipeline_mode<synchronous>, transform_indices = @transform_7, window_bounds = array<i64: 10000, 16>}, {transform_indices = @transform_8, window_bounds = array<i64: 4000, 128>}]} {
    %eq3A = arith.constant 0 : i32
    %eq3A_0 = arith.cmpi eq, %arg0, %eq3A : i32
    %convert_element_type3A = arith.extui %eq3A_0 : i1 to i32
    %cond3A = arith.constant 0 : i32
    %cond3A_1 = arith.cmpi ne, %convert_element_type3A, %cond3A : i32
    scf.if %cond3A_1 {
      %get3A_10 = arith.constant 0 : index
      %get3A_11 = arith.constant 0 : index
      %get3A_12 = arith.constant 0 : index
      %get3A_13 = vector.load %arg2[%get3A_10, %get3A_11, %get3A_12] : memref<128x16x128xf32, #tpu.memory_space<vmem>>, vector<128x16x128xf32>
      %get3A_14 = arith.constant 0 : index
      %get3A_15 = arith.constant 0 : index
      %get3A_16 = vector.load %arg3[%get3A_14, %get3A_15] : memref<16x128xf32, #tpu.memory_space<vmem>>, vector<16x128xf32>
      %broadcast_in_dim3A = vector.shape_cast %get3A_16 : vector<16x128xf32> to vector<1x16x128xf32>
      %mul3A = vector.broadcast %broadcast_in_dim3A : vector<1x16x128xf32> to vector<128x16x128xf32>
      %mul3A_17 = arith.mulf %get3A_13, %mul3A : vector<128x16x128xf32>
      %reduce_sum3A = arith.constant dense<0.000000e+00> : vector<128x16xf32>
      %reduce_sum3A_18 = vector.multi_reduction <add>, %mul3A_17, %reduce_sum3A [2] : vector<128x16x128xf32> to vector<128x16xf32>
      %get3A_19 = arith.constant 0 : index
      %get3A_20 = arith.constant 0 : index
      %get3A_21 = arith.constant 0 : index
      %get3A_22 = vector.load %arg2[%get3A_19, %get3A_20, %get3A_21] : memref<128x16x128xf32, #tpu.memory_space<vmem>>, vector<128x16x128xf32>
      %get3A_23 = arith.constant 0 : index
      %get3A_24 = arith.constant 0 : index
      %get3A_25 = vector.load %arg4[%get3A_23, %get3A_24] : memref<16x128xf32, #tpu.memory_space<vmem>>, vector<16x128xf32>
      %broadcast_in_dim3A_26 = vector.shape_cast %get3A_25 : vector<16x128xf32> to vector<1x16x128xf32>
      %mul3A_27 = vector.broadcast %broadcast_in_dim3A_26 : vector<1x16x128xf32> to vector<128x16x128xf32>
      %mul3A_28 = arith.mulf %get3A_22, %mul3A_27 : vector<128x16x128xf32>
      %reduce_sum3A_29 = arith.constant dense<0.000000e+00> : vector<128x16xf32>
      %reduce_sum3A_30 = vector.multi_reduction <add>, %mul3A_28, %reduce_sum3A_29 [2] : vector<128x16x128xf32> to vector<128x16xf32>
      %get3A_31 = arith.constant 0 : index
      %get3A_32 = arith.constant 0 : index
      %get3A_33 = vector.load %arg1[%get3A_31, %get3A_32] : memref<10000x128xf32, #tpu.memory_space<vmem>>, vector<10000x128xf32>
      %dot_general3A_34 = arith.constant dense<0.000000e+00> : vector<10000x16xf32>
      %dot_general3A_35 = tpu.matmul %get3A_33, %reduce_sum3A_18, %dot_general3A_34 {dimension_numbers = #tpu.dot_dimension_numbers<[1], [0], [0], [1], [0, 0, 1, 1], [], []>, transpose_lhs_hint = false} : vector<10000x128xf32>, vector<128x16xf32>, vector<10000x16xf32> -> vector<10000x16xf32>
      %swap3A_36 = arith.constant 0 : index
      %swap3A_37 = arith.constant 0 : index
      %swap3A_38 = vector.load %arg7[%swap3A_36, %swap3A_37] : memref<10000x16xf32, #tpu.memory_space<vmem>>, vector<10000x16xf32>
      tpu.vector_store %arg7[%swap3A_36, %swap3A_37], %dot_general3A_35 {strides = array<i32>} : memref<10000x16xf32, #tpu.memory_space<vmem>>, vector<10000x16xf32>,
      %dot_general3A_39 = arith.constant dense<0.000000e+00> : vector<10000x16xf32>
      %dot_general3A_40 = tpu.matmul %get3A_33, %reduce_sum3A_30, %dot_general3A_39 {dimension_numbers = #tpu.dot_dimension_numbers<[1], [0], [0], [1], [0, 0, 1, 1], [], []>, transpose_lhs_hint = false} : vector<10000x128xf32>, vector<128x16xf32>, vector<10000x16xf32> -> vector<10000x16xf32>
      %swap3A_41 = arith.constant 0 : index
      %swap3A_42 = arith.constant 0 : index
      %swap3A_43 = vector.load %arg8[%swap3A_41, %swap3A_42] : memref<10000x16xf32, #tpu.memory_space<vmem>>, vector<10000x16xf32>
      tpu.vector_store %arg8[%swap3A_41, %swap3A_42], %dot_general3A_40 {strides = array<i32>} : memref<10000x16xf32, #tpu.memory_space<vmem>>, vector<10000x16xf32>,
    } else {
    }
    %get3A = arith.constant 0 : index
    %get3A_2 = arith.constant 0 : index
    %get3A_3 = vector.load %arg5[%get3A, %get3A_2] : memref<4000x128xf32, #tpu.memory_space<vmem>>, vector<4000x128xf32>
    %get3A_4 = arith.constant 0 : index
    %get3A_5 = arith.constant 0 : index
    %get3A_6 = vector.load %arg6[%get3A_4, %get3A_5] : memref<128x128xf32, #tpu.memory_space<vmem>>, vector<128x128xf32>
    %dot_general3A = arith.constant dense<0.000000e+00> : vector<4000x128xf32>
    %dot_general3A_7 = tpu.matmul %get3A_3, %get3A_6, %dot_general3A {dimension_numbers = #tpu.dot_dimension_numbers<[1], [0], [0], [1], [0, 0, 1, 1], [], []>, transpose_lhs_hint = false} : vector<4000x128xf32>, vector<128x128xf32>, vector<4000x128xf32> -> vector<4000x128xf32>
    %swap3A = arith.constant 0 : index
    %swap3A_8 = arith.constant 0 : index
    %swap3A_9 = vector.load %arg9[%swap3A, %swap3A_8] : memref<4000x128xf32, #tpu.memory_space<vmem>>, vector<4000x128xf32>
    tpu.vector_store %arg9[%swap3A, %swap3A_8], %dot_general3A_7 {strides = array<i32>} : memref<4000x128xf32, #tpu.memory_space<vmem>>, vector<4000x128xf32>,
    return
  }
  func.func @transform_0(%arg0: i32) -> (i32, i32) {
    %c0_i32 = arith.constant 0 : i32
    %c0_i32_0 = arith.constant 0 : i32
    %c0_i32_1 = arith.constant 0 : i32
    return %c0_i32, %c0_i32_0 : i32, i32
  }
  func.func @transform_1(%arg0: i32) -> (i32, i32, i32) {
    %c0_i32 = arith.constant 0 : i32
    %c0_i32_0 = arith.constant 0 : i32
    %c0_i32_1 = arith.constant 0 : i32
    %c0_i32_2 = arith.constant 0 : i32
    return %c0_i32, %c0_i32_0, %c0_i32_1 : i32, i32, i32
  }
  func.func @transform_2(%arg0: i32) -> (i32, i32) {
    %c0_i32 = arith.constant 0 : i32
    %c0_i32_0 = arith.constant 0 : i32
    %c0_i32_1 = arith.constant 0 : i32
    return %c0_i32, %c0_i32_0 : i32, i32
  }
  func.func @transform_3(%arg0: i32) -> (i32, i32) {
    %c0_i32 = arith.constant 0 : i32
    %c0_i32_0 = arith.constant 0 : i32
    %c0_i32_1 = arith.constant 0 : i32
    return %c0_i32, %c0_i32_0 : i32, i32
  }
  func.func @transform_4(%arg0: i32) -> (i32, i32) {
    %c0_i32 = arith.constant 0 : i32
    %c0_i32_0 = arith.constant 0 : i32
    return %arg0, %c0_i32 : i32, i32
  }
  func.func @transform_5(%arg0: i32) -> (i32, i32) {
    %c0_i32 = arith.constant 0 : i32
    %c0_i32_0 = arith.constant 0 : i32
    %c0_i32_1 = arith.constant 0 : i32
    return %c0_i32, %c0_i32_0 : i32, i32
  }
  func.func @transform_6(%arg0: i32) -> (i32, i32) {
    %c0_i32 = arith.constant 0 : i32
    %c0_i32_0 = arith.constant 0 : i32
    %c0_i32_1 = arith.constant 0 : i32
    return %c0_i32, %c0_i32_0 : i32, i32
  }
  func.func @transform_7(%arg0: i32) -> (i32, i32) {
    %c0_i32 = arith.constant 0 : i32
    %c0_i32_0 = arith.constant 0 : i32
    %c0_i32_1 = arith.constant 0 : i32
    return %c0_i32, %c0_i32_0 : i32, i32
  }
  func.func @transform_8(%arg0: i32) -> (i32, i32) {
    %c0_i32 = arith.constant 0 : i32
    %c0_i32_0 = arith.constant 0 : i32
    return %arg0, %c0_i32 : i32, i32
  }
}

</mosaic_0001>

<sc_bundles>
// kernel: kernel.5.cloned.1.call-start
scs
__scs_entry_jumppad:
0x0: {  	(pc) =	sbr.rel $0x88, $3  }
0x1: {  	(tag) =	ssettag $0x0;
	lr =	simm.s32 $0x1  }
0x2: {  	[smem:$0x3F9A] =	sst lr;
	_ =	strace $0xD0000000  }
0x3: {  	_ = 	snop  }
0x4: {  	_ = 	snop  }
0x5: {  	_ = 	snop  }
0x6: {  	_ = 	snop  }
0x7: {  	_ = 	snop  }
__scs_overlays_trampoline_lowered:
0x8: {  	[smem:$0x3FA9] =	sst s0  }
0x9: {  	[smem:$0x3FAA] =	sst s1  }
0xa: {  	[smem:$0x3FAB] =	sst s2  }
0xb: {  	[smem:$0x3FAC] =	sst s3  }
0xc: {  	[smem:$0x3FAD] =	sst s4  }
0xd: {  	[smem:$0x3FAE] =	sst s5  }
0xe: {  	[smem:$0x3FAF] =	sst s6  }
0xf: {  	[smem:$0x3FB0] =	sst s7  }
0x10: {  	[smem:$0x3FB1] =	sst s8  }
0x11: {  	[smem:$0x3FB2] =	sst s9;
	s0 =	simm.s32 @!p0 $0x0  }
0x12: {  	s1 =	sld [smem:$0x3F98];
	s0 =	simm.s32 @p0 $0x1  }
0x13: {  	[smem:$0x3FB3] =	sst s0;
	s0 =	simm.s32 @!p1 $0x0  }
0x14: {  	s2 =	sld [smem:$0x3F97];
	s0 =	simm.s32 @p1 $0x1  }
0x15: {  	[smem:$0x3FB4] =	sst s0;
	s0 =	simm.s32 @!p2 $0x0  }
0x16: {  	s3 =	sld [smem:$0x3FDB];
	s0 =	simm.s32 @p2 $0x1  }
0x17: {  	s4 =	simm.s32 $0x1BF5;
	[smem:$0x3FB6] =	sst s0  }
0x18: {  	s0 =	sld [smem:$0x3F99];
	_ =	swait.ge [sflag:s4], $0x0  }
0x19: {  	s7 =	sld [smem:$0x3F9A]  }
0x1a: {  	s8 =	sadd.s32 $0xFFFFE003, lr  }
0x1b: {  	s9 =	sadd.s32 $0xFFFFFEF7, lr;
	s5 =	simm.s32 $0xFFFFFFFF;
	p2 =	slt.u32 s8, $0xFFFFF086  }
0x1c: {  	p1 =	slt.u32 s9, $0xF7A;
	s5 =	simm.s32 @!p2 $0x0  }
0x1d: {  	s5 =	simm.s32 @p1 $0x1;
	p0 =	seq.s32 s7, s2  }
0x1e: {  	s7 =	smul.u32 @!p0 $0xF7A, s2;
	p2 =	seq.s32 @!p0 s5, $0x0  }
0x1f: {  	s9 =	smul.u32 $0xF7A, s1;
	s8 =	simm.s32 @!p0 $0x1BF5;
	p2 =	por !p2, p0  }
0x20: {  	[sflag:s8] =	ssyncset.s32 @!p0 $0xFFFFF086;
	s6 =	sadd.s32 @!p0 s3, s7;
	s7 =	simm.s32 @!p0 $0x108  }
0x21: {  	s3 =	sadd.s32 s3, s9;
	s6 =	sadd.s32 @!p0 $0x88, s6;
	s7 =	simm.s32 @p2 $0x1082  }
0x22: {  	[simem:s7], [sflag:s8] =	dma.local @!p0 [hbm:s6], $0xF7A  }
0x23: {  	s9 =	sor.u32 $0xD0000000, s2;
	s6 =	simm.s32 $0x108;
	_ =	swait.ge @!p0 [sflag:s8], $0x0  }
0x24: {  	s3 =	sadd.s32 $0x88, s3;
	s6 =	simm.s32 @!p1 $0x1082;
	[sflag:s4] =	ssyncset.s32 $0xFFFFF086  }
0x25: {  	[simem:s6], [sflag:s4] =	dma.local [hbm:s3], $0xF7A  }
0x26: {  	[smem:$0x3F9A] =	sst s1;
	(tag) =	ssettag s2;
	_ =	strace s9  }
0x27: {  	s1 =	sld [smem:$0x3FAA]  }
0x28: {  	s2 =	sld [smem:$0x3FAB]  }
0x29: {  	s4 =	sld [smem:$0x3FAD]  }
0x2a: {  	p0 =	seq.s32 s5, $0x0;
	s5 =	sld [smem:$0x3FAE]  }
0x2b: {  	s6 =	sld [smem:$0x3FAF]  }
0x2c: {  	s7 =	sld [smem:$0x3FB0]  }
0x2d: {  	s3 =	simm.s32 $0x108;
	s8 =	sld [smem:$0x3FB1]  }
0x2e: {  	s3 =	simm.s32 @!p0 $0x1082;
	s9 =	sld [smem:$0x3FB2]  }
0x2f: {  	lr =	sadd.s32 s0, s3;
	s0 =	sld [smem:$0x3FA9]  }
0x30: {  	s3 =	sld [smem:$0x3FAC]  }
0x31: {  	[smem:$0x3FB5] =	sst s10  }
0x32: {  	s10 =	sld [smem:$0x3FB3];
	_ =	sdelay $0x3  }
0x33: {  	p0 =	seq.s32 s10, $0x1;
	s10 =	sld [smem:$0x3FB5];
	_ =	sdelay $0x3  }
0x34: {  	[smem:$0x3FB5] =	sst s10  }
0x35: {  	s10 =	sld [smem:$0x3FB4];
	_ =	sdelay $0x3  }
0x36: {  	p1 =	seq.s32 s10, $0x1;
	s10 =	sld [smem:$0x3FB5];
	_ =	sdelay $0x3  }
0x37: {  	[smem:$0x3FB5] =	sst s10  }
0x38: {  	s10 =	sld [smem:$0x3FB6]  }
0x39: {  	_ = 	snop;
	(pc) =	sbr.ind lr, $3  }
0x3a: {  	_ = 	snop  }
0x3b: {  	_ = 	snop  }
0x3c: {  	p2 =	seq.s32 s10, $0x1;
	s10 =	sld [smem:$0x3FB5]  }
0x3d: {  	_ =	shalt  }
0x3e: {  	_ =	shalt  }
0x3f: {  	_ =	shalt  }
0x40: {  	_ =	shalt  }
0x41: {  	_ =	shalt  }
0x42: {  	_ =	shalt  }
0x43: {  	_ =	shalt  }
0x44: {  	_ =	shalt  }
0x45: {  	_ =	shalt  }
0x46: {  	_ =	shalt  }
0x47: {  	_ =	shalt  }
0x48: {  	_ =	shalt  }
0x49: {  	_ =	shalt  }
0x4a: {  	_ =	shalt  }
0x4b: {  	_ =	shalt  }
0x4c: {  	_ =	shalt  }
0x4d: {  	_ =	shalt  }
0x4e: {  	_ =	shalt  }
0x4f: {  	_ =	shalt  }
0x50: {  	_ =	shalt  }
0x51: {  	_ =	shalt  }
0x52: {  	_ =	shalt  }
0x53: {  	_ =	shalt  }
0x54: {  	_ =	shalt  }
0x55: {  	_ =	shalt  }
0x56: {  	_ =	shalt  }
0x57: {  	_ =	shalt  }
0x58: {  	_ =	shalt  }
0x59: {  	_ =	shalt  }
0x5a: {  	_ =	shalt  }
0x5b: {  	_ =	shalt  }
0x5c: {  	_ =	shalt  }
0x5d: {  	_ =	shalt  }
0x5e: {  	_ =	shalt  }
0x5f: {  	_ =	shalt  }
0x60: {  	_ =	shalt  }
0x61: {  	_ =	shalt  }
0x62: {  	_ =	shalt  }
0x63: {  	_ =	shalt  }
0x64: {  	_ =	shalt  }
0x65: {  	_ =	shalt  }
0x66: {  	_ =	shalt  }
0x67: {  	_ =	shalt  }
0x68: {  	_ =	shalt  }
0x69: {  	_ =	shalt  }
0x6a: {  	_ =	shalt  }
0x6b: {  	_ =	shalt  }
0x6c: {  	_ =	shalt  }
0x6d: {  	_ =	shalt  }
0x6e: {  	_ =	shalt  }
0x6f: {  	_ =	shalt  }
0x70: {  	_ =	shalt  }
0x71: {  	_ =	shalt  }
0x72: {  	_ =	shalt  }
0x73: {  	_ =	shalt  }
0x74: {  	_ =	shalt  }
0x75: {  	_ =	shalt  }
0x76: {  	_ =	shalt  }
0x77: {  	_ =	shalt  }
0x78: {  	_ =	shalt  }
0x79: {  	_ =	shalt  }
0x7a: {  	_ =	shalt  }
0x7b: {  	_ =	shalt  }
0x7c: {  	_ =	shalt  }
0x7d: {  	_ =	shalt  }
0x7e: {  	_ =	shalt  }
0x7f: {  	_ =	shalt  }
0x80: {  	_ =	shalt  }
0x81: {  	_ =	shalt  }
0x82: {  	_ =	shalt  }
0x83: {  	_ =	shalt  }
0x84: {  	_ =	shalt  }
0x85: {  	_ =	shalt  }
0x86: {  	_ =	shalt  }
0x87: {  	_ =	shalt  }
.Lfunc_end0:
.L_simem_size_0:
called_computation_lowered:
.L_overlay_start_0:
0x88: {  	s2 =	sld [smem:$0x3FD9]  }
0x89: {  	s3 =	sld [smem:$0x3FFE];
	_ =	sdelay $0x1  }
0x8a: {  	s1 =	srdreg.scid  }
0x8b: {  	s0 =	sand.u32 $0x1, s1  }
0x8c: {  	s17 =	sshll.u32 s0, $0xA;
	s2 =	sadd.s32 s3, s2  }
0x8d: {  	s2 =	sadd.s32 s2, s17  }
0x8e: {  	[smem:$0x3FC1] =	sst s2  }
0x8f: {  	_ = 	snop  }
0x90: {  	s2 =	sld [smem:$0x3FD0];
	(tm) =	ssettm $0x1  }
0x91: {  	s18 =	sld [smem:$0x3FFB];
	_ =	sdelay $0x3  }
0x92: {  	_ =	strace s18  }
0x93: {  	s3 =	sld [smem:$0x3FFC];
	_ =	sdelay $0x3  }
0x94: {  	_ =	strace s3  }
0x95: {  	s3 =	sld [smem:$0x3FFD];
	_ =	sdelay $0x3  }
0x96: {  	_ =	strace s3  }
0x97: {  	_ =	strace $0x8FFFFFFF  }
0x98: {  	s19 =	sld [smem:$0x3FDB];
	_ =	sdelay $0x1  }
0x99: {  	s4 =	simm.s32 $_scs_section_size  }
0x9a: {  	s5 =	simm.s32 $_size__tile_overlayer_lowered;
	s6 =	simm.s32 $_tile_overlayer_lowered  }
0x9b: {  	s22 =	simm.s32 $0x1BFF;
	s21 =	sshll.u32 s6, $0x1;
	s3 =	sadd.s32 s4, s19  }
0x9c: {  	s7 =	simm.s32 $0x0;
	s20 =	sshll.u32 s5, $0x1;
	s5 =	sadd.s32 s21, s3  }
0x9d: {  	[timem:s7], [sflag:s22] =	dma.local [hbm:s5], s20  }
0x9e: {  	_ =	swait.ge [sflag:s22], s20  }
0x9f: {  	s4 =	ssub.s32 $0x0, s20;
	[sflag:s22] =	ssyncset.done $0x0  }
0xa0: {  	[sflag:s22] =	ssyncadd.s32 s4;
	_ =	sdelay $0x1  }
0xa1: {  	s23 =	simm.s32 $0x1B8B  }
0xa2: {  	_ =	swait.ge [sflag:s23], $0x1  }
0xa3: {  	[sflag:s23] =	ssyncset.done $0x0  }
0xa4: {  	s25 =	simm.s32 $0x1B8E;
	s24 =	sld [smem:$0x3FFE];
	[sflag:s23] =	ssyncadd.s32 $0xFFFFFFFF  }
0xa5: {  	s26 =	simm.s32 $execute0_lowered;
	[smem:$0x3FD2] =	sst s25  }
0xa6: {  	s5 =	sshll.u32 s26, $0x1;
	_ =	strace $0x80000046;
	[dreg:$0x1] =	wrdreg $0xFFFFFFFF  }
0xa7: {  	s28 =	simm.s32 $_size_execute0_lowered;
	s3 =	sadd.s32 s3, s5;
	[dreg:$0x0] =	wrdreg $0x0  }
0xa8: {  	s5 =	sshll.u32 s28, $0x1;
	[dreg:$0x2] =	wrdreg s3  }
0xa9: {  	[dreg:$0x3] =	wrdreg s5  }
0xaa: {  	[dreg:$0x4] =	wrdreg $0xC0  }
0xab: {  	_ =	task [dreg:s7], $0x5FFFF  }
0xac: {  	[dreg:$0x1] =	wrdreg $0xFFFFFFFF  }
0xad: {  	[dreg:$0x0] =	wrdreg $0x60  }
0xae: {  	[dreg:$0x2] =	wrdreg s2  }
0xaf: {  	[dreg:$0x3] =	wrdreg s24  }
0xb0: {  	[dreg:$0x4] =	wrdreg $0xB6000  }
0xb1: {  	[dreg:$0x5] =	wrdreg $0x9  }
0xb2: {  	_ =	task.clear_ibuf [dreg:s7], $0x6FFFF;
	_ =	strace $0x90000046  }
0xb3: {  	s29 =	simm.s32 $0x9;
	_ =	strace $0x80000048  }
0xb4: {  	_ =	swait.ge [sflag:s29], $0x1  }
0xb5: {  	[sflag:s29] =	ssyncadd.s32 $0xFFFFFFFF  }
0xb6: {  	_ =	strace $0x90000048  }
0xb7: {  	_ =	sfence  }
0xb8: {  	s30 =	sld [smem:$0x0];
	_ =	sdelay $0x2  }
0xb9: {  	s31 =	sshll.u32 s1, $0xD;
	s1 =	sshrl.u32 s1, $0x2  }
0xba: {  	s3 =	sand.u32 $0x4000, s31;
	s1 =	sadd.s32 s1, s30  }
0xbb: {  	s0 =	sor.u32 s3, s0;
	s1 =	sshll.u32 s1, $0x11  }
0xbc: {  	s0 =	sor.u32 s1, s0  }
0xbd: {  	s0 =	sadd.s32 $0x8F2B, s0  }
0xbe: {  	[sflag:s0] =	ssyncadd.remote.s32 $0x1  }
0xbf: {  	_ =	sfence.sel $0xFFFF  }
0xc0: {  	[dreg:$0x0] =	wrdreg $0xFFFFFFFF;
	(pc) =	sbr.abs _section_cstart, $3  }
0xc1: {  	[dreg:$0x1] =	wrdreg $0xFFFFFFFF  }
0xc2: {  	_ =	task.clear_ibuf [dreg:s7], $0x2FFFF;
	_ =	strace $0x9FFFFFFF  }
0xc3: {  	(tm) =	ssettm $0x7FFFFFFF  }
tec
execute0_lowered:
.L_overlay_start_1:
0x0: {  	(tag) =	ssettag $0x1  }
0x1: {  	s0 =	rddreg [dreg:$0x0]  }
0x2: {  	s7 =	rddreg [dreg:$0x1]  }
0x3: {  	s1 =	rddreg [dreg:$0x2];
	s2 =	simm.s32 $0x0;
	s6 =	srdreg.scid  }
0x4: {  	s12 =	stileid.u32;
	s28 =	simm.s32 $0x7F00;
	s29 =	simm.s32 $0x2  }
0x5: {  	s30 =	simm.s32 $0x8700;
	s31 =	simm.s32 $0x3;
	[smem:$0x7FF] =	sst s2  }
0x6: {  	s11 =	sadd.s32 $0xA7C00, s7;
	s3 =	sadd.s32 $0xA2C00, s7;
	s4 =	sadd.s32 $0x9DC00, s7  }
0x7: {  	s5 =	sadd.s32 $0x1800, s7;
	s13 =	sand.u32 $0x1, s6;
	s8 =	sshll.u32 s12, $0x1  }
0x8: {  	s6 =	sadd.s32 $0xB1A00, s7;
	s14 =	sadd.s32 $0x14DE00, s7;
	s20 =	smul.u32 $0x9C00, s12  }
0x9: {  	p0 =	slt.u32 s12, $0x2;
	s22 =	smul.u32 $0x4E00, s12;
	p1 =	sgt.u32 s12, $0x1  }
0xa: {  	_ =	strace $0x80000047;
	s9 =	ssub.s32 $0x2, s13;
	s8 =	sor.u32 s13, s8  }
0xb: {  	s24 =	sshll.u32 s13, $0x4;
	s13 =	sshll.u32 s13, $0x1;
	s18 =	sshrl.u32 s9, $0x1  }
0xc: {  	s10 =	smul.u32 $0x4E, s8;
	s19 =	smin.u32 s8, $0x4;
	s8 =	simm.s32 $0x4F  }
0xd: {  	s26 =	sadd.s32 s13, s14;
	s15 =	ssub.s32 s9, s18;
	s8 =	simm.s32 @!p0 $0x4E  }
0xe: {  	s9 =	sshrl.u32 s20, $0x2;
	p0 =	sne.s32 s12, $0x0;
	s7 =	sadd.s32 s19, s10  }
0xf: {  	s20 =	simm.s32 $0x5;
	s9 =	sadd.s32 s9, s1;
	s16 =	sshll.u32 s7, $0x4  }
0x10: {  	s10 =	sadd.s32 $0x27000, s1;
	s18 =	smax.u32 s15, $0x1;
	s17 =	sadd.s32 s0, s16  }
0x11: {  	s19 =	simm.s32 $0x8F00;
	s21 =	sadd.s32 s11, s16;
	[dreg:$0x4] =	wrdreg s17  }
0x12: {  	s25 =	sshll.u32 s7, $0x8;
	s16 =	sadd.s32 $0x4E0, s16;
	[dreg:$0x5] =	wrdreg s21  }
.Ltmp0:
0x13: {  	s0 =	sadd.s32 s0, s16;
	s23 =	sadd.s32 s11, s16;
	(pc) =	sbr.rel .LBB2_1-.Ltmp0, $4  }
0x14: {  	s11 =	sadd.s32 s5, s25;
	s17 =	sadd.s32 $0x9C00, s26;
	[dreg:$0x6] =	wrdreg s0  }
0x15: {  	s26 =	simm.s32 $0x1;
	[dreg:$0x7] =	wrdreg s23;
	s0 =	sor.u32 s24, s22  }
0x16: {  	s25 =	simm.s32 $0x0;
	[dreg:$0x8] =	wrdreg s11;
	s0 =	sshrl.u32 s0, $0x3  }
0x17: {  	v0 =	vimm.f32 $0.0e+00;
	s22 =	simm.s32 $0x80;
	s16 =	sadd.s32 s14, s0;
	s0 =	simm.s32 $0x4  }
.LBB2_13:
0x18: {  	_ =	swait.ge [sflag:s31], $0x800  }
0x19: {  	[sflag:s31] =	ssyncset.done $0x0  }
0x1a: {  	[sflag:s31] =	ssyncadd.s32 $0xFFFFF800  }
0x1b: {  	_ =	swait.ge [sflag:s0], $0x800  }
0x1c: {  	[sflag:s0] =	ssyncset.done $0x0  }
0x1d: {  	[sflag:s0] =	ssyncadd.s32 $0xFFFFF800  }
0x1e: {  	[bflag:$0x0] =	sbarrier.arrive $0xFFFF  }
0x1f: {  	[tilespmem:s19], [sflag:$0x5] =	stream.linear.gather [spmem:s9], $0x2700, $0x38;
	[tilespmem:$0xDD10] =	vst v63  }
0x20: {  	_ =	swait.ge [sflag:s20], $0x2700  }
0x21: {  	[sflag:s20] =	ssyncset.done $0x0  }
0x22: {  	s11 =	simm.s32 $0x10;
	s12 =	simm.s32 $0x20;
	[sflag:s20] =	ssyncadd.s32 $0xFFFFD900  }
0x23: {  	[hbm4b:s16+s11] =	stream.strided.scatter [tilespmem:s19], [sflag:$0x5], $0x2700, s12, s11, $0x38;
	[tilespmem:$0xDD10] =	vst v63  }
0x24: {  	_ =	swait.ge [sflag:s20], $0x2700  }
0x25: {  	[sflag:s20] =	ssyncset.done $0x0  }
0x26: {  	s11 =	simm.s32 @!p0 $0x8F00;
	s12 =	simm.s32 @!p0 $0x5;
	[sflag:s20] =	ssyncadd.s32 $0xFFFFD900  }
0x27: {  	[tilespmem:s11], [sflag:$0x5] =	stream.linear.gather @!p0 [spmem:s10], $0x100, $0x38;
	[tilespmem:$0xDD10] =	vst v63  }
0x28: {  	s25 =	sadd.s32 $0x1, s25;
	_ =	swait.ge @!p0 [sflag:s12], $0x100  }
0x29: {  	s13 =	simm.s32 @!p0 $0x10;
	p2 =	sne.s32 s25, s18;
	[sflag:s12] =	ssyncset.done @!p0 $0x0  }
.Ltmp1:
0x2a: {  	s14 =	simm.s32 @!p0 $0x20;
	[sflag:s12] =	ssyncadd.s32 @!p0 $0xFFFFFF00;
	(pc) =	sbr.rel @!p2 .LBB2_14-.Ltmp1, $4  }
0x2b: {  	[hbm4b:s17+s13] =	stream.strided.scatter @!p0 [tilespmem:s11], [sflag:$0x5], $0x100, s14, s13, $0x38;
	[tilespmem:$0xDD10] =	vst v63  }
0x2c: {  	_ =	swait.ge @!p0 [sflag:s12], $0x100  }
0x2d: {  	[sflag:s12] =	ssyncset.done @!p0 $0x0  }
0x2e: {  	[sflag:s12] =	ssyncadd.s32 @!p0 $0xFFFFFF00  }
.LBB2_1:
0x2f: {  	s11 =	simm.s32 $0x8F40  }
0x30: {  	[tilespmem:s11+$0xFFFFFFC0] =	vst v0  }
0x31: {  	[tilespmem:s11+$0x30] =	vst v0  }
0x32: {  	[tilespmem:s11+$0x20] =	vst v0  }
0x33: {  	[tilespmem:s11+$0x10] =	vst v0  }
0x34: {  	[tilespmem:s11+$0x0] =	vst v0  }
0x35: {  	[tilespmem:s11+$0xFFFFFFF0] =	vst v0  }
0x36: {  	s12 =	simm.s32 $0x0;
	[tilespmem:s11+$0xFFFFFFE0] =	vst v0  }
.LBB2_2:
0x37: {  	s12 =	sadd.s32 $0x8, s12;
	[tilespmem:s11+$0xFFFFFFD0] =	vst v0;
	s11 =	sadd.s32 $0x80, s11  }
0x38: {  	[tilespmem:s11+$0xFFFFFFC0] =	vst v0;
	p2 =	slt.u32 s12, $0x268  }
0x39: {  	[tilespmem:s11+$0x30] =	vst v0  }
.Ltmp2:
0x3a: {  	[tilespmem:s11+$0x20] =	vst v0;
	(pc) =	sbr.rel @p2 .LBB2_2-.Ltmp2, $4  }
0x3b: {  	[tilespmem:s11+$0x10] =	vst v0  }
0x3c: {  	[tilespmem:s11+$0x0] =	vst v0  }
0x3d: {  	[tilespmem:s11+$0xFFFFFFF0] =	vst v0  }
0x3e: {  	[tilespmem:s11+$0xFFFFFFE0] =	vst v0  }
0x3f: {  	[tilespmem:s11+$0xFFFFFFD0] =	vst v0  }
0x40: {  	[spmem:s9] =	stream.linear.scatter [tilespmem:s19], [sflag:$0x5], $0x2700, $0x38;
	[tilespmem:$0xDD10] =	vst v63  }
0x41: {  	_ =	swait.ge [sflag:s20], $0x2700  }
0x42: {  	[sflag:s20] =	ssyncset.done $0x0  }
0x43: {  	s11 =	simm.s32 @!p0 $0x8F00;
	[sflag:s20] =	ssyncadd.s32 $0xFFFFD900  }
0x44: {  	[spmem:s10] =	stream.linear.scatter @!p0 [tilespmem:s11], [sflag:$0x5], $0x100, $0x38;
	[tilespmem:$0xDD10] =	vst v63  }
0x45: {  	s11 =	simm.s32 @!p0 $0x5  }
0x46: {  	_ =	swait.ge @!p0 [sflag:s11], $0x100  }
0x47: {  	[sflag:s11] =	ssyncset.done @!p0 $0x0  }
0x48: {  	s24 =	rddreg [dreg:$0x4];
	[sflag:s11] =	ssyncadd.s32 @!p0 $0xFFFFFF00  }
0x49: {  	[tilespmem:s2], [sflag:$0x5] =	stream.linear.gather [hbm4b:s24+s2], $0x2700, $0x38;
	[tilespmem:$0xDD10] =	vst v63  }
0x4a: {  	_ =	swait.ge [sflag:s20], $0x2700  }
0x4b: {  	[sflag:s20] =	ssyncset.done $0x0  }
0x4c: {  	s15 =	simm.s32 $0x2780;
	s12 =	rddreg [dreg:$0x5];
	[sflag:s20] =	ssyncadd.s32 $0xFFFFD900  }
0x4d: {  	[tilespmem:s15], [sflag:$0x5] =	stream.linear.gather [hbm4b:s12+s2], $0x2700, $0x38;
	[tilespmem:$0xDD10] =	vst v63  }
0x4e: {  	_ =	swait.ge [sflag:s20], $0x2700  }
0x4f: {  	s11 =	simm.s32 @!p1 $0x0;
	[sflag:s20] =	ssyncset.done $0x0  }
0x50: {  	s12 =	simm.s32 @!p1 $0x2700;
	s13 =	rddreg [dreg:$0x6];
	[sflag:s20] =	ssyncadd.s32 $0xFFFFD900  }
0x51: {  	[tilespmem:s12], [sflag:$0x5] =	stream.linear.gather @!p1 [hbm4b:s13+s11], $0x80, $0x38;
	[tilespmem:$0xDD10] =	vst v63  }
0x52: {  	s12 =	simm.s32 @!p1 $0x5  }
0x53: {  	_ =	swait.ge @!p1 [sflag:s12], $0x80  }
0x54: {  	[sflag:s12] =	ssyncset.done @!p1 $0x0  }
0x55: {  	s13 =	simm.s32 @!p1 $0x4E80;
	s14 =	rddreg [dreg:$0x7];
	[sflag:s12] =	ssyncadd.s32 @!p1 $0xFFFFFF80  }
0x56: {  	[tilespmem:s13], [sflag:$0x5] =	stream.linear.gather @!p1 [hbm4b:s14+s11], $0x80, $0x38;
	[tilespmem:$0xDD10] =	vst v63  }
0x57: {  	_ =	swait.ge @!p1 [sflag:s12], $0x80  }
0x58: {  	[sflag:s12] =	ssyncset.done @!p1 $0x0  }
0x59: {  	[sflag:s12] =	ssyncadd.s32 @!p1 $0xFFFFFF80  }
0x5a: {  	s23 =	simm.s32 $0x0;
	s13 =	simm.s32 $0x4F00;
	[bflag:$0x0] =	sbarrier.arrive $0xFFFF  }
0x5b: {  	[tilespmem:s13], [sflag:$0x1] =	stream.indirect.gather [hbm4b:s3+s22], $0x10, s23, s22, $0xb8;
	[tilespmem:$0xDD10] =	vst v63  }
.Ltmp3:
0x5c: {  	_ = 	snop;
	(pc) =	sbr.rel .LBB2_4-.Ltmp3, $4  }
0x5d: {  	s14 =	simm.s32 $0x5F00  }
0x5e: {  	[tilespmem:s14], [sflag:$0x1] =	stream.indirect.gather [hbm4b:s4+s22], $0x10, s15, s22, $0xb8;
	[tilespmem:$0xDD10] =	vst v63  }
0x5f: {  	s24 =	simm.s32 $0x6F00;
	s21 =	rddreg [dreg:$0x8]  }
0x60: {  	[tilespmem:s24], [sflag:$0x1] =	stream.linear.gather [hbm4b:s21+s23], $0x800, $0x38;
	[tilespmem:$0xDD10] =	vst v63  }
.LBB2_12:
0x61: {  	s23 =	sadd.s32 $0x1, s23  }
0x62: {  	p2 =	sne.s32 s23, $0x29  }
.Ltmp4:
0x63: {  	_ = 	snop;
	(pc) =	sbr.rel @!p2 .LBB2_13-.Ltmp4, $1  }
0x64: {  	_ =	sdelay $0x3  }
.LBB2_4:
0x65: {  	s11 =	sshll.u32 s23, $0x1  }
0x66: {  	p3 =	sge.u32 s11, s8  }
.Ltmp5:
0x67: {  	_ = 	snop;
	(pc) =	sbr.rel @p3 .LBB2_8-.Ltmp5, $3  }
0x68: {  	_ =	sdelay $0x1  }
0x69: {  	s24 =	sshllo.u32 s23, $0x1  }
0x6a: {  	p2 =	sge.u32 s24, s8  }
0x6b: {  	s12 =	sshll.u32 @!p2 s24, $0x7;
	s13 =	simm.s32 @!p2 $0x80;
	s14 =	simm.s32 @!p2 $0x5700  }
0x6c: {  	[tilespmem:s14], [sflag:$0x2] =	stream.indirect.gather @!p2 [hbm4b:s3+s13], $0x10, s12, s13, $0xb8;
	[tilespmem:$0xDD10] =	vst v63  }
0x6d: {  	s12 =	sadd.s32 @!p2 $0x2780, s12;
	s14 =	simm.s32 @!p2 $0x6700  }
0x6e: {  	[tilespmem:s14], [sflag:$0x2] =	stream.indirect.gather @!p2 [hbm4b:s4+s13], $0x10, s12, s13, $0xb8;
	[tilespmem:$0xDD10] =	vst v63  }
0x6f: {  	s12 =	sadd.s32 @!p2 s7, s24  }
0x70: {  	s12 =	sshll.u32 @!p2 s12, $0x8  }
0x71: {  	s12 =	sand.u32 @!p2 $0x1FFFFF00, s12  }
0x72: {  	s13 =	simm.s32 @!p2 $0x0;
	s14 =	simm.s32 @!p2 $0x7700;
	s12 =	sadd.s32 @!p2 s5, s12  }
0x73: {  	[tilespmem:s14], [sflag:$0x2] =	stream.linear.gather @!p2 [hbm4b:s12+s13], $0x800, $0x38;
	[tilespmem:$0xDD10] =	vst v63  }
0x74: {  	_ =	swait.ge [sflag:s26], $0x800  }
0x75: {  	[sflag:s26] =	ssyncset.done $0x0  }
0x76: {  	[sflag:s26] =	ssyncadd.s32 $0xFFFFF800  }
0x77: {  	_ =	swait.ge [sflag:s26], $0x800  }
0x78: {  	[sflag:s26] =	ssyncset.done $0x0  }
0x79: {  	[sflag:s26] =	ssyncadd.s32 $0xFFFFF800  }
0x7a: {  	_ =	swait.ge [sflag:s26], $0x800  }
0x7b: {  	p3 =	seq.s32 s23, $0x0;
	[sflag:s26] =	ssyncset.done $0x0  }
0x7c: {  	s12 =	simm.s32 @!p3 $0x3;
	[sflag:s26] =	ssyncadd.s32 $0xFFFFF800  }
0x7d: {  	s21 =	simm.s32 $0x5F80;
	_ =	swait.ge @!p3 [sflag:s12], $0x800  }
0x7e: {  	s15 =	simm.s32 $0x4F80;
	s13 =	simm.s32 $0x6F80;
	[sflag:s12] =	ssyncset.done @!p3 $0x0  }
0x7f: {  	s14 =	simm.s32 $0x7F80;
	[sflag:s12] =	ssyncadd.s32 @!p3 $0xFFFFF800;
	s12 =	simm.s32 $0xFFFFFFF0  }
.LBB2_6:
0x80: {  	v1 =	vld [tilespmem:s15+$0xFFFFFF80]  }
0x81: {  	v2 =	vld [tilespmem:s21+$0xFFFFFF80];
	_ =	sdelay $0x4  }
0x82: {  	v1 =	vadd.f32 v2, v1;
	v2 =	vld [tilespmem:s13+$0xFFFFFF80];
	_ =	sdelay $0x1  }
0x83: {  	v3 =	vmul.f32 $2.000000030e-01, v1  }
0x84: {  	vm0 =	vgt.f32 v1, $0.0e+00  }
0x85: {  	v1 =	vsel vm0, v1, v3  }
0x86: {  	v1 =	vmul.f32 v1, v2;
	_ =	sdelay $0x1  }
0x87: {  	v1 =	vmul.f32 $1.442695020e+00, v1;
	_ =	sdelay $0x1  }
0x88: {  	(erf) = vpow2.f32 v1;
	_ =	sdelay $0x8  }
0x89: {  	v1 =	vpop (erf)  }
0x8a: {  	[tilespmem:s14+$0xFFFFFF80] =	vst v1  }
0x8b: {  	v1 =	vld [tilespmem:s15+$0xFFFFFF90]  }
0x8c: {  	v2 =	vld [tilespmem:s21+$0xFFFFFF90];
	_ =	sdelay $0x4  }
0x8d: {  	v1 =	vadd.f32 v2, v1;
	v2 =	vld [tilespmem:s13+$0xFFFFFF90];
	_ =	sdelay $0x1  }
0x8e: {  	v3 =	vmul.f32 $2.000000030e-01, v1  }
0x8f: {  	vm13 =	vgt.f32 v1, $0.0e+00  }
0x90: {  	v1 =	vsel vm13, v1, v3  }
0x91: {  	v1 =	vmul.f32 v1, v2;
	_ =	sdelay $0x1  }
0x92: {  	v1 =	vmul.f32 $1.442695020e+00, v1;
	_ =	sdelay $0x1  }
0x93: {  	(erf) = vpow2.f32 v1;
	_ =	sdelay $0x8  }
0x94: {  	v1 =	vpop (erf)  }
0x95: {  	[tilespmem:s14+$0xFFFFFF90] =	vst v1  }
0x96: {  	v1 =	vld [tilespmem:s15+$0xFFFFFFA0]  }
0x97: {  	v2 =	vld [tilespmem:s21+$0xFFFFFFA0];
	_ =	sdelay $0x4  }
0x98: {  	v1 =	vadd.f32 v2, v1;
	v2 =	vld [tilespmem:s13+$0xFFFFFFA0];
	_ =	sdelay $0x1  }
0x99: {  	v3 =	vmul.f32 $2.000000030e-01, v1  }
0x9a: {  	vm14 =	vgt.f32 v1, $0.0e+00  }
0x9b: {  	v1 =	vsel vm14, v1, v3  }
0x9c: {  	v1 =	vmul.f32 v1, v2;
	_ =	sdelay $0x1  }
0x9d: {  	v1 =	vmul.f32 $1.442695020e+00, v1;
	_ =	sdelay $0x1  }
0x9e: {  	(erf) = vpow2.f32 v1;
	_ =	sdelay $0x8  }
0x9f: {  	v1 =	vpop (erf)  }
0xa0: {  	[tilespmem:s14+$0xFFFFFFA0] =	vst v1  }
0xa1: {  	v1 =	vld [tilespmem:s15+$0xFFFFFFB0]  }
0xa2: {  	v2 =	vld [tilespmem:s21+$0xFFFFFFB0];
	_ =	sdelay $0x4  }
0xa3: {  	v1 =	vadd.f32 v2, v1;
	v2 =	vld [tilespmem:s13+$0xFFFFFFB0];
	_ =	sdelay $0x1  }
0xa4: {  	v3 =	vmul.f32 $2.000000030e-01, v1  }
0xa5: {  	vm15 =	vgt.f32 v1, $0.0e+00  }
0xa6: {  	v1 =	vsel vm15, v1, v3  }
0xa7: {  	v1 =	vmul.f32 v1, v2;
	_ =	sdelay $0x1  }
0xa8: {  	v1 =	vmul.f32 $1.442695020e+00, v1;
	_ =	sdelay $0x1  }
0xa9: {  	(erf) = vpow2.f32 v1;
	_ =	sdelay $0x8  }
0xaa: {  	v1 =	vpop (erf)  }
0xab: {  	[tilespmem:s14+$0xFFFFFFB0] =	vst v1  }
0xac: {  	v1 =	vld [tilespmem:s15+$0xFFFFFFC0]  }
0xad: {  	v2 =	vld [tilespmem:s21+$0xFFFFFFC0];
	_ =	sdelay $0x4  }
0xae: {  	v1 =	vadd.f32 v2, v1;
	v2 =	vld [tilespmem:s13+$0xFFFFFFC0];
	_ =	sdelay $0x1  }
0xaf: {  	v3 =	vmul.f32 $2.000000030e-01, v1  }
0xb0: {  	vm4 =	vgt.f32 v1, $0.0e+00  }
0xb1: {  	v1 =	vsel vm4, v1, v3  }
0xb2: {  	v1 =	vmul.f32 v1, v2;
	_ =	sdelay $0x1  }
0xb3: {  	v1 =	vmul.f32 $1.442695020e+00, v1;
	_ =	sdelay $0x1  }
0xb4: {  	(erf) = vpow2.f32 v1;
	_ =	sdelay $0x8  }
0xb5: {  	v1 =	vpop (erf)  }
0xb6: {  	[tilespmem:s14+$0xFFFFFFC0] =	vst v1  }
0xb7: {  	v1 =	vld [tilespmem:s15+$0xFFFFFFD0]  }
0xb8: {  	v2 =	vld [tilespmem:s21+$0xFFFFFFD0];
	_ =	sdelay $0x4  }
0xb9: {  	v1 =	vadd.f32 v2, v1;
	v2 =	vld [tilespmem:s13+$0xFFFFFFD0];
	_ =	sdelay $0x1  }
0xba: {  	v3 =	vmul.f32 $2.000000030e-01, v1  }
0xbb: {  	vm5 =	vgt.f32 v1, $0.0e+00  }
0xbc: {  	v1 =	vsel vm5, v1, v3  }
0xbd: {  	v1 =	vmul.f32 v1, v2;
	_ =	sdelay $0x1  }
0xbe: {  	v1 =	vmul.f32 $1.442695020e+00, v1;
	_ =	sdelay $0x1  }
0xbf: {  	(erf) = vpow2.f32 v1;
	_ =	sdelay $0x8  }
0xc0: {  	v1 =	vpop (erf)  }
0xc1: {  	[tilespmem:s14+$0xFFFFFFD0] =	vst v1  }
0xc2: {  	v1 =	vld [tilespmem:s15+$0xFFFFFFE0]  }
0xc3: {  	v2 =	vld [tilespmem:s21+$0xFFFFFFE0];
	_ =	sdelay $0x4  }
0xc4: {  	v1 =	vadd.f32 v2, v1;
	v2 =	vld [tilespmem:s13+$0xFFFFFFE0];
	_ =	sdelay $0x1  }
0xc5: {  	v3 =	vmul.f32 $2.000000030e-01, v1  }
0xc6: {  	vm6 =	vgt.f32 v1, $0.0e+00  }
0xc7: {  	v1 =	vsel vm6, v1, v3  }
0xc8: {  	v1 =	vmul.f32 v1, v2;
	_ =	sdelay $0x1  }
0xc9: {  	v1 =	vmul.f32 $1.442695020e+00, v1;
	_ =	sdelay $0x1  }
0xca: {  	(erf) = vpow2.f32 v1;
	_ =	sdelay $0x8  }
0xcb: {  	v1 =	vpop (erf)  }
0xcc: {  	[tilespmem:s14+$0xFFFFFFE0] =	vst v1  }
0xcd: {  	v1 =	vld [tilespmem:s15+$0xFFFFFFF0]  }
0xce: {  	v2 =	vld [tilespmem:s21+$0xFFFFFFF0];
	_ =	sdelay $0x4  }
0xcf: {  	v1 =	vadd.f32 v2, v1;
	v2 =	vld [tilespmem:s13+$0xFFFFFFF0];
	_ =	sdelay $0x1  }
0xd0: {  	v3 =	vmul.f32 $2.000000030e-01, v1  }
0xd1: {  	vm7 =	vgt.f32 v1, $0.0e+00  }
0xd2: {  	v1 =	vsel vm7, v1, v3  }
0xd3: {  	v1 =	vmul.f32 v1, v2;
	_ =	sdelay $0x1  }
0xd4: {  	v1 =	vmul.f32 $1.442695020e+00, v1;
	_ =	sdelay $0x1  }
0xd5: {  	(erf) = vpow2.f32 v1;
	_ =	sdelay $0x8  }
0xd6: {  	v1 =	vpop (erf)  }
0xd7: {  	[tilespmem:s14+$0xFFFFFFF0] =	vst v1  }
0xd8: {  	v1 =	vld [tilespmem:s15+$0x0]  }
0xd9: {  	v2 =	vld [tilespmem:s21+$0x0];
	_ =	sdelay $0x4  }
0xda: {  	v1 =	vadd.f32 v2, v1;
	v2 =	vld [tilespmem:s13+$0x0];
	_ =	sdelay $0x1  }
0xdb: {  	v3 =	vmul.f32 $2.000000030e-01, v1  }
0xdc: {  	vm8 =	vgt.f32 v1, $0.0e+00  }
0xdd: {  	v1 =	vsel vm8, v1, v3  }
0xde: {  	v1 =	vmul.f32 v1, v2;
	_ =	sdelay $0x1  }
0xdf: {  	v1 =	vmul.f32 $1.442695020e+00, v1;
	_ =	sdelay $0x1  }
0xe0: {  	(erf) = vpow2.f32 v1;
	_ =	sdelay $0x8  }
0xe1: {  	v1 =	vpop (erf)  }
0xe2: {  	[tilespmem:s14+$0x0] =	vst v1  }
0xe3: {  	v1 =	vld [tilespmem:s15+$0x10]  }
0xe4: {  	v2 =	vld [tilespmem:s21+$0x10];
	_ =	sdelay $0x4  }
0xe5: {  	v1 =	vadd.f32 v2, v1;
	v2 =	vld [tilespmem:s13+$0x10];
	_ =	sdelay $0x1  }
0xe6: {  	v3 =	vmul.f32 $2.000000030e-01, v1  }
0xe7: {  	vm9 =	vgt.f32 v1, $0.0e+00  }
0xe8: {  	v1 =	vsel vm9, v1, v3  }
0xe9: {  	v1 =	vmul.f32 v1, v2;
	_ =	sdelay $0x1  }
0xea: {  	v1 =	vmul.f32 $1.442695020e+00, v1;
	_ =	sdelay $0x1  }
0xeb: {  	(erf) = vpow2.f32 v1;
	_ =	sdelay $0x8  }
0xec: {  	v1 =	vpop (erf)  }
0xed: {  	[tilespmem:s14+$0x10] =	vst v1  }
0xee: {  	v1 =	vld [tilespmem:s15+$0x20]  }
0xef: {  	v2 =	vld [tilespmem:s21+$0x20];
	_ =	sdelay $0x4  }
0xf0: {  	v1 =	vadd.f32 v2, v1;
	v2 =	vld [tilespmem:s13+$0x20];
	_ =	sdelay $0x1  }
0xf1: {  	v3 =	vmul.f32 $2.000000030e-01, v1  }
0xf2: {  	vm10 =	vgt.f32 v1, $0.0e+00  }
0xf3: {  	v1 =	vsel vm10, v1, v3  }
0xf4: {  	v1 =	vmul.f32 v1, v2;
	_ =	sdelay $0x1  }
0xf5: {  	v1 =	vmul.f32 $1.442695020e+00, v1;
	_ =	sdelay $0x1  }
0xf6: {  	(erf) = vpow2.f32 v1;
	_ =	sdelay $0x8  }
0xf7: {  	v1 =	vpop (erf)  }
0xf8: {  	[tilespmem:s14+$0x20] =	vst v1  }
0xf9: {  	v1 =	vld [tilespmem:s15+$0x30]  }
0xfa: {  	v2 =	vld [tilespmem:s21+$0x30];
	_ =	sdelay $0x4  }
0xfb: {  	v1 =	vadd.f32 v2, v1;
	v2 =	vld [tilespmem:s13+$0x30];
	_ =	sdelay $0x1  }
0xfc: {  	v3 =	vmul.f32 $2.000000030e-01, v1  }
0xfd: {  	vm11 =	vgt.f32 v1, $0.0e+00  }
0xfe: {  	v1 =	vsel vm11, v1, v3  }
0xff: {  	v1 =	vmul.f32 v1, v2;
	_ =	sdelay $0x1  }
0x100: {  	v1 =	vmul.f32 $1.442695020e+00, v1;
	_ =	sdelay $0x1  }
0x101: {  	(erf) = vpow2.f32 v1;
	_ =	sdelay $0x8  }
0x102: {  	v1 =	vpop (erf)  }
0x103: {  	[tilespmem:s14+$0x30] =	vst v1  }
0x104: {  	v1 =	vld [tilespmem:s15+$0x40]  }
0x105: {  	v2 =	vld [tilespmem:s21+$0x40];
	_ =	sdelay $0x4  }
0x106: {  	v1 =	vadd.f32 v2, v1;
	v2 =	vld [tilespmem:s13+$0x40];
	_ =	sdelay $0x1  }
0x107: {  	v3 =	vmul.f32 $2.000000030e-01, v1  }
0x108: {  	vm12 =	vgt.f32 v1, $0.0e+00  }
0x109: {  	v1 =	vsel vm12, v1, v3  }
0x10a: {  	v1 =	vmul.f32 v1, v2;
	_ =	sdelay $0x1  }
0x10b: {  	v1 =	vmul.f32 $1.442695020e+00, v1;
	_ =	sdelay $0x1  }
0x10c: {  	(erf) = vpow2.f32 v1;
	_ =	sdelay $0x8  }
0x10d: {  	v1 =	vpop (erf)  }
0x10e: {  	[tilespmem:s14+$0x40] =	vst v1  }
0x10f: {  	v1 =	vld [tilespmem:s15+$0x50]  }
0x110: {  	v2 =	vld [tilespmem:s21+$0x50];
	_ =	sdelay $0x4  }
0x111: {  	v1 =	vadd.f32 v2, v1;
	v2 =	vld [tilespmem:s13+$0x50];
	_ =	sdelay $0x1  }
0x112: {  	v3 =	vmul.f32 $2.000000030e-01, v1  }
0x113: {  	vm13 =	vgt.f32 v1, $0.0e+00  }
0x114: {  	v1 =	vsel vm13, v1, v3  }
0x115: {  	v1 =	vmul.f32 v1, v2;
	_ =	sdelay $0x1  }
0x116: {  	v1 =	vmul.f32 $1.442695020e+00, v1;
	_ =	sdelay $0x1  }
0x117: {  	(erf) = vpow2.f32 v1;
	_ =	sdelay $0x8  }
0x118: {  	v1 =	vpop (erf)  }
0x119: {  	[tilespmem:s14+$0x50] =	vst v1  }
0x11a: {  	v1 =	vld [tilespmem:s15+$0x60]  }
0x11b: {  	v2 =	vld [tilespmem:s21+$0x60];
	_ =	sdelay $0x4  }
0x11c: {  	v1 =	vadd.f32 v2, v1;
	v2 =	vld [tilespmem:s13+$0x60];
	_ =	sdelay $0x1  }
0x11d: {  	v3 =	vmul.f32 $2.000000030e-01, v1  }
0x11e: {  	vm14 =	vgt.f32 v1, $0.0e+00  }
0x11f: {  	v1 =	vsel vm14, v1, v3  }
0x120: {  	v1 =	vmul.f32 v1, v2;
	_ =	sdelay $0x1  }
0x121: {  	v1 =	vmul.f32 $1.442695020e+00, v1;
	_ =	sdelay $0x1  }
0x122: {  	(erf) = vpow2.f32 v1;
	_ =	sdelay $0x8  }
0x123: {  	v1 =	vpop (erf)  }
0x124: {  	[tilespmem:s14+$0x60] =	vst v1  }
0x125: {  	v1 =	vld [tilespmem:s15+$0x70]  }
0x126: {  	v2 =	vld [tilespmem:s21+$0x70];
	_ =	sdelay $0x4  }
0x127: {  	v1 =	vadd.f32 v2, v1;
	v2 =	vld [tilespmem:s13+$0x70];
	_ =	sdelay $0x1  }
0x128: {  	v3 =	vmul.f32 $2.000000030e-01, v1  }
0x129: {  	vm15 =	vgt.f32 v1, $0.0e+00  }
0x12a: {  	v1 =	vsel vm15, v1, v3  }
0x12b: {  	v1 =	vmul.f32 v1, v2;
	_ =	sdelay $0x1  }
0x12c: {  	v1 =	vmul.f32 $1.442695020e+00, v1;
	_ =	sdelay $0x1  }
0x12d: {  	(erf) = vpow2.f32 v1;
	_ =	sdelay $0x3  }
0x12e: {  	s12 =	sadd.s32 $0x10, s12  }
0x12f: {  	p3 =	slt.u32 s12, $0x70  }
.Ltmp6:
0x130: {  	_ = 	snop;
	(pc) =	sbr.rel @p3 .LBB2_6-.Ltmp6, $3  }
0x131: {  	_ =	sdelay $0x1  }
0x132: {  	s21 =	sadd.s32 $0x100, s21;
	v1 =	vpop (erf)  }
0x133: {  	s15 =	sadd.s32 $0x100, s15;
	s13 =	sadd.s32 $0x100, s13;
	[tilespmem:s14+$0x70] =	vst v1;
	s14 =	sadd.s32 $0x100, s14  }
0x134: {  	s12 =	sshll.u32 s23, $0x8  }
0x135: {  	s12 =	sand.u32 $0x3FFFFF00, s12  }
0x136: {  	s21 =	sadd.s32 s7, s11;
	s12 =	sadd.s32 $0x2780, s12  }
0x137: {  	[spmem:s1] =	stream.indirect.scatter.add.f32 [tilespmem:s28], [sflag:$0x5], $0x10, s12, s22, $0xb8;
	[tilespmem:$0xDD10] =	vst v63  }
0x138: {  	s12 =	sshll.u32 s21, $0x8;
	_ =	swait.ge [sflag:s20], $0x800  }
0x139: {  	s12 =	sand.u32 $0x1FFFFF00, s12;
	[sflag:s20] =	ssyncset.done $0x0  }
0x13a: {  	s12 =	sadd.s32 s6, s12;
	[sflag:s20] =	ssyncadd.s32 $0xFFFFF800  }
0x13b: {  	[hbm4b:s12+s2] =	stream.linear.scatter [tilespmem:s28], [sflag:$0x3], $0x800, $0x38;
	[tilespmem:$0xDD10] =	vst v63  }
.LBB2_8:
.Ltmp7:
0x13c: {  	(pc) =	sbr.rel @p2 .LBB2_12-.Ltmp7, $1  }
0x13d: {  	_ =	sdelay $0x3  }
0x13e: {  	s11 =	sadd.s32 $0x2, s11  }
0x13f: {  	p2 =	sge.u32 s11, s8  }
0x140: {  	s12 =	sshll.u32 @!p2 s11, $0x7  }
0x141: {  	s13 =	simm.s32 @!p2 $0x80;
	s14 =	simm.s32 @!p2 $0x4F00;
	s11 =	sadd.s32 @!p2 s7, s11  }
0x142: {  	[tilespmem:s14], [sflag:$0x1] =	stream.indirect.gather @!p2 [hbm4b:s3+s13], $0x10, s12, s13, $0xb8;
	[tilespmem:$0xDD10] =	vst v63  }
0x143: {  	s11 =	sshll.u32 @!p2 s11, $0x8  }
0x144: {  	s12 =	sadd.s32 @!p2 $0x2780, s12;
	s14 =	simm.s32 @!p2 $0x5F00;
	s11 =	sand.u32 @!p2 $0x1FFFFF00, s11  }
0x145: {  	[tilespmem:s14], [sflag:$0x1] =	stream.indirect.gather @!p2 [hbm4b:s4+s13], $0x10, s12, s13, $0xb8;
	[tilespmem:$0xDD10] =	vst v63  }
0x146: {  	s11 =	sadd.s32 @!p2 s5, s11;
	s12 =	simm.s32 @!p2 $0x0;
	s13 =	simm.s32 @!p2 $0x6F00  }
0x147: {  	[tilespmem:s13], [sflag:$0x1] =	stream.linear.gather @!p2 [hbm4b:s11+s12], $0x800, $0x38;
	[tilespmem:$0xDD10] =	vst v63  }
0x148: {  	_ =	swait.ge [sflag:s29], $0x800  }
0x149: {  	[sflag:s29] =	ssyncset.done $0x0  }
0x14a: {  	[sflag:s29] =	ssyncadd.s32 $0xFFFFF800  }
0x14b: {  	_ =	swait.ge [sflag:s29], $0x800  }
0x14c: {  	[sflag:s29] =	ssyncset.done $0x0  }
0x14d: {  	[sflag:s29] =	ssyncadd.s32 $0xFFFFF800  }
0x14e: {  	_ =	swait.ge [sflag:s29], $0x800  }
0x14f: {  	p2 =	seq.s32 s23, $0x0;
	[sflag:s29] =	ssyncset.done $0x0  }
0x150: {  	s11 =	simm.s32 @!p2 $0x4;
	[sflag:s29] =	ssyncadd.s32 $0xFFFFF800  }
0x151: {  	s15 =	simm.s32 $0x57F0;
	_ =	swait.ge @!p2 [sflag:s11], $0x800  }
0x152: {  	s14 =	simm.s32 $0x67F0;
	s12 =	simm.s32 $0x77F0;
	[sflag:s11] =	ssyncset.done @!p2 $0x0  }
0x153: {  	s13 =	simm.s32 $0x87F0;
	[sflag:s11] =	ssyncadd.s32 @!p2 $0xFFFFF800;
	s11 =	simm.s32 $0xFFFFFFF0  }
.LBB2_10:
0x154: {  	v1 =	vld [tilespmem:s15+$0xFFFFFF10]  }
0x155: {  	v2 =	vld [tilespmem:s14+$0xFFFFFF10];
	_ =	sdelay $0x4  }
0x156: {  	v1 =	vadd.f32 v2, v1;
	v2 =	vld [tilespmem:s12+$0xFFFFFF10];
	_ =	sdelay $0x1  }
0x157: {  	v3 =	vmul.f32 $2.000000030e-01, v1  }
0x158: {  	vm0 =	vgt.f32 v1, $0.0e+00  }
0x159: {  	v1 =	vsel vm0, v1, v3  }
0x15a: {  	v1 =	vmul.f32 v1, v2;
	_ =	sdelay $0x1  }
0x15b: {  	v1 =	vmul.f32 $1.442695020e+00, v1;
	_ =	sdelay $0x1  }
0x15c: {  	(erf) = vpow2.f32 v1;
	_ =	sdelay $0x8  }
0x15d: {  	v1 =	vpop (erf)  }
0x15e: {  	[tilespmem:s13+$0xFFFFFF10] =	vst v1  }
0x15f: {  	v1 =	vld [tilespmem:s15+$0xFFFFFF20]  }
0x160: {  	v2 =	vld [tilespmem:s14+$0xFFFFFF20];
	_ =	sdelay $0x4  }
0x161: {  	v1 =	vadd.f32 v2, v1;
	v2 =	vld [tilespmem:s12+$0xFFFFFF20];
	_ =	sdelay $0x1  }
0x162: {  	v3 =	vmul.f32 $2.000000030e-01, v1  }
0x163: {  	vm13 =	vgt.f32 v1, $0.0e+00  }
0x164: {  	v1 =	vsel vm13, v1, v3  }
0x165: {  	v1 =	vmul.f32 v1, v2;
	_ =	sdelay $0x1  }
0x166: {  	v1 =	vmul.f32 $1.442695020e+00, v1;
	_ =	sdelay $0x1  }
0x167: {  	(erf) = vpow2.f32 v1;
	_ =	sdelay $0x8  }
0x168: {  	v1 =	vpop (erf)  }
0x169: {  	[tilespmem:s13+$0xFFFFFF20] =	vst v1  }
0x16a: {  	v1 =	vld [tilespmem:s15+$0xFFFFFF30]  }
0x16b: {  	v2 =	vld [tilespmem:s14+$0xFFFFFF30];
	_ =	sdelay $0x4  }
0x16c: {  	v1 =	vadd.f32 v2, v1;
	v2 =	vld [tilespmem:s12+$0xFFFFFF30];
	_ =	sdelay $0x1  }
0x16d: {  	v3 =	vmul.f32 $2.000000030e-01, v1  }
0x16e: {  	vm14 =	vgt.f32 v1, $0.0e+00  }
0x16f: {  	v1 =	vsel vm14, v1, v3  }
0x170: {  	v1 =	vmul.f32 v1, v2;
	_ =	sdelay $0x1  }
0x171: {  	v1 =	vmul.f32 $1.442695020e+00, v1;
	_ =	sdelay $0x1  }
0x172: {  	(erf) = vpow2.f32 v1;
	_ =	sdelay $0x8  }
0x173: {  	v1 =	vpop (erf)  }
0x174: {  	[tilespmem:s13+$0xFFFFFF30] =	vst v1  }
0x175: {  	v1 =	vld [tilespmem:s15+$0xFFFFFF40]  }
0x176: {  	v2 =	vld [tilespmem:s14+$0xFFFFFF40];
	_ =	sdelay $0x4  }
0x177: {  	v1 =	vadd.f32 v2, v1;
	v2 =	vld [tilespmem:s12+$0xFFFFFF40];
	_ =	sdelay $0x1  }
0x178: {  	v3 =	vmul.f32 $2.000000030e-01, v1  }
0x179: {  	vm15 =	vgt.f32 v1, $0.0e+00  }
0x17a: {  	v1 =	vsel vm15, v1, v3  }
0x17b: {  	v1 =	vmul.f32 v1, v2;
	_ =	sdelay $0x1  }
0x17c: {  	v1 =	vmul.f32 $1.442695020e+00, v1;
	_ =	sdelay $0x1  }
0x17d: {  	(erf) = vpow2.f32 v1;
	_ =	sdelay $0x8  }
0x17e: {  	v1 =	vpop (erf)  }
0x17f: {  	[tilespmem:s13+$0xFFFFFF40] =	vst v1  }
0x180: {  	v1 =	vld [tilespmem:s15+$0xFFFFFF50]  }
0x181: {  	v2 =	vld [tilespmem:s14+$0xFFFFFF50];
	_ =	sdelay $0x4  }
0x182: {  	v1 =	vadd.f32 v2, v1;
	v2 =	vld [tilespmem:s12+$0xFFFFFF50];
	_ =	sdelay $0x1  }
0x183: {  	v3 =	vmul.f32 $2.000000030e-01, v1  }
0x184: {  	vm4 =	vgt.f32 v1, $0.0e+00  }
0x185: {  	v1 =	vsel vm4, v1, v3  }
0x186: {  	v1 =	vmul.f32 v1, v2;
	_ =	sdelay $0x1  }
0x187: {  	v1 =	vmul.f32 $1.442695020e+00, v1;
	_ =	sdelay $0x1  }
0x188: {  	(erf) = vpow2.f32 v1;
	_ =	sdelay $0x8  }
0x189: {  	v1 =	vpop (erf)  }
0x18a: {  	[tilespmem:s13+$0xFFFFFF50] =	vst v1  }
0x18b: {  	v1 =	vld [tilespmem:s15+$0xFFFFFF60]  }
0x18c: {  	v2 =	vld [tilespmem:s14+$0xFFFFFF60];
	_ =	sdelay $0x4  }
0x18d: {  	v1 =	vadd.f32 v2, v1;
	v2 =	vld [tilespmem:s12+$0xFFFFFF60];
	_ =	sdelay $0x1  }
0x18e: {  	v3 =	vmul.f32 $2.000000030e-01, v1  }
0x18f: {  	vm5 =	vgt.f32 v1, $0.0e+00  }
0x190: {  	v1 =	vsel vm5, v1, v3  }
0x191: {  	v1 =	vmul.f32 v1, v2;
	_ =	sdelay $0x1  }
0x192: {  	v1 =	vmul.f32 $1.442695020e+00, v1;
	_ =	sdelay $0x1  }
0x193: {  	(erf) = vpow2.f32 v1;
	_ =	sdelay $0x8  }
0x194: {  	v1 =	vpop (erf)  }
0x195: {  	[tilespmem:s13+$0xFFFFFF60] =	vst v1  }
0x196: {  	v1 =	vld [tilespmem:s15+$0xFFFFFF70]  }
0x197: {  	v2 =	vld [tilespmem:s14+$0xFFFFFF70];
	_ =	sdelay $0x4  }
0x198: {  	v1 =	vadd.f32 v2, v1;
	v2 =	vld [tilespmem:s12+$0xFFFFFF70];
	_ =	sdelay $0x1  }
0x199: {  	v3 =	vmul.f32 $2.000000030e-01, v1  }
0x19a: {  	vm6 =	vgt.f32 v1, $0.0e+00  }
0x19b: {  	v1 =	vsel vm6, v1, v3  }
0x19c: {  	v1 =	vmul.f32 v1, v2;
	_ =	sdelay $0x1  }
0x19d: {  	v1 =	vmul.f32 $1.442695020e+00, v1;
	_ =	sdelay $0x1  }
0x19e: {  	(erf) = vpow2.f32 v1;
	_ =	sdelay $0x8  }
0x19f: {  	v1 =	vpop (erf)  }
0x1a0: {  	[tilespmem:s13+$0xFFFFFF70] =	vst v1  }
0x1a1: {  	v1 =	vld [tilespmem:s15+$0xFFFFFF80]  }
0x1a2: {  	v2 =	vld [tilespmem:s14+$0xFFFFFF80];
	_ =	sdelay $0x4  }
0x1a3: {  	v1 =	vadd.f32 v2, v1;
	v2 =	vld [tilespmem:s12+$0xFFFFFF80];
	_ =	sdelay $0x1  }
0x1a4: {  	v3 =	vmul.f32 $2.000000030e-01, v1  }
0x1a5: {  	vm7 =	vgt.f32 v1, $0.0e+00  }
0x1a6: {  	v1 =	vsel vm7, v1, v3  }
0x1a7: {  	v1 =	vmul.f32 v1, v2;
	_ =	sdelay $0x1  }
0x1a8: {  	v1 =	vmul.f32 $1.442695020e+00, v1;
	_ =	sdelay $0x1  }
0x1a9: {  	(erf) = vpow2.f32 v1;
	_ =	sdelay $0x8  }
0x1aa: {  	v1 =	vpop (erf)  }
0x1ab: {  	[tilespmem:s13+$0xFFFFFF80] =	vst v1  }
0x1ac: {  	v1 =	vld [tilespmem:s15+$0xFFFFFF90]  }
0x1ad: {  	v2 =	vld [tilespmem:s14+$0xFFFFFF90];
	_ =	sdelay $0x4  }
0x1ae: {  	v1 =	vadd.f32 v2, v1;
	v2 =	vld [tilespmem:s12+$0xFFFFFF90];
	_ =	sdelay $0x1  }
0x1af: {  	v3 =	vmul.f32 $2.000000030e-01, v1  }
0x1b0: {  	vm8 =	vgt.f32 v1, $0.0e+00  }
0x1b1: {  	v1 =	vsel vm8, v1, v3  }
0x1b2: {  	v1 =	vmul.f32 v1, v2;
	_ =	sdelay $0x1  }
0x1b3: {  	v1 =	vmul.f32 $1.442695020e+00, v1;
	_ =	sdelay $0x1  }
0x1b4: {  	(erf) = vpow2.f32 v1;
	_ =	sdelay $0x8  }
0x1b5: {  	v1 =	vpop (erf)  }
0x1b6: {  	[tilespmem:s13+$0xFFFFFF90] =	vst v1  }
0x1b7: {  	v1 =	vld [tilespmem:s15+$0xFFFFFFA0]  }
0x1b8: {  	v2 =	vld [tilespmem:s14+$0xFFFFFFA0];
	_ =	sdelay $0x4  }
0x1b9: {  	v1 =	vadd.f32 v2, v1;
	v2 =	vld [tilespmem:s12+$0xFFFFFFA0];
	_ =	sdelay $0x1  }
0x1ba: {  	v3 =	vmul.f32 $2.000000030e-01, v1  }
0x1bb: {  	vm9 =	vgt.f32 v1, $0.0e+00  }
0x1bc: {  	v1 =	vsel vm9, v1, v3  }
0x1bd: {  	v1 =	vmul.f32 v1, v2;
	_ =	sdelay $0x1  }
0x1be: {  	v1 =	vmul.f32 $1.442695020e+00, v1;
	_ =	sdelay $0x1  }
0x1bf: {  	(erf) = vpow2.f32 v1;
	_ =	sdelay $0x8  }
0x1c0: {  	v1 =	vpop (erf)  }
0x1c1: {  	[tilespmem:s13+$0xFFFFFFA0] =	vst v1  }
0x1c2: {  	v1 =	vld [tilespmem:s15+$0xFFFFFFB0]  }
0x1c3: {  	v2 =	vld [tilespmem:s14+$0xFFFFFFB0];
	_ =	sdelay $0x4  }
0x1c4: {  	v1 =	vadd.f32 v2, v1;
	v2 =	vld [tilespmem:s12+$0xFFFFFFB0];
	_ =	sdelay $0x1  }
0x1c5: {  	v3 =	vmul.f32 $2.000000030e-01, v1  }
0x1c6: {  	vm10 =	vgt.f32 v1, $0.0e+00  }
0x1c7: {  	v1 =	vsel vm10, v1, v3  }
0x1c8: {  	v1 =	vmul.f32 v1, v2;
	_ =	sdelay $0x1  }
0x1c9: {  	v1 =	vmul.f32 $1.442695020e+00, v1;
	_ =	sdelay $0x1  }
0x1ca: {  	(erf) = vpow2.f32 v1;
	_ =	sdelay $0x8  }
0x1cb: {  	v1 =	vpop (erf)  }
0x1cc: {  	[tilespmem:s13+$0xFFFFFFB0] =	vst v1  }
0x1cd: {  	v1 =	vld [tilespmem:s15+$0xFFFFFFC0]  }
0x1ce: {  	v2 =	vld [tilespmem:s14+$0xFFFFFFC0];
	_ =	sdelay $0x4  }
0x1cf: {  	v1 =	vadd.f32 v2, v1;
	v2 =	vld [tilespmem:s12+$0xFFFFFFC0];
	_ =	sdelay $0x1  }
0x1d0: {  	v3 =	vmul.f32 $2.000000030e-01, v1  }
0x1d1: {  	vm11 =	vgt.f32 v1, $0.0e+00  }
0x1d2: {  	v1 =	vsel vm11, v1, v3  }
0x1d3: {  	v1 =	vmul.f32 v1, v2;
	_ =	sdelay $0x1  }
0x1d4: {  	v1 =	vmul.f32 $1.442695020e+00, v1;
	_ =	sdelay $0x1  }
0x1d5: {  	(erf) = vpow2.f32 v1;
	_ =	sdelay $0x8  }
0x1d6: {  	v1 =	vpop (erf)  }
0x1d7: {  	[tilespmem:s13+$0xFFFFFFC0] =	vst v1  }
0x1d8: {  	v1 =	vld [tilespmem:s15+$0xFFFFFFD0]  }
0x1d9: {  	v2 =	vld [tilespmem:s14+$0xFFFFFFD0];
	_ =	sdelay $0x4  }
0x1da: {  	v1 =	vadd.f32 v2, v1;
	v2 =	vld [tilespmem:s12+$0xFFFFFFD0];
	_ =	sdelay $0x1  }
0x1db: {  	v3 =	vmul.f32 $2.000000030e-01, v1  }
0x1dc: {  	vm12 =	vgt.f32 v1, $0.0e+00  }
0x1dd: {  	v1 =	vsel vm12, v1, v3  }
0x1de: {  	v1 =	vmul.f32 v1, v2;
	_ =	sdelay $0x1  }
0x1df: {  	v1 =	vmul.f32 $1.442695020e+00, v1;
	_ =	sdelay $0x1  }
0x1e0: {  	(erf) = vpow2.f32 v1;
	_ =	sdelay $0x8  }
0x1e1: {  	v1 =	vpop (erf)  }
0x1e2: {  	[tilespmem:s13+$0xFFFFFFD0] =	vst v1  }
0x1e3: {  	v1 =	vld [tilespmem:s15+$0xFFFFFFE0]  }
0x1e4: {  	v2 =	vld [tilespmem:s14+$0xFFFFFFE0];
	_ =	sdelay $0x4  }
0x1e5: {  	v1 =	vadd.f32 v2, v1;
	v2 =	vld [tilespmem:s12+$0xFFFFFFE0];
	_ =	sdelay $0x1  }
0x1e6: {  	v3 =	vmul.f32 $2.000000030e-01, v1  }
0x1e7: {  	vm13 =	vgt.f32 v1, $0.0e+00  }
0x1e8: {  	v1 =	vsel vm13, v1, v3  }
0x1e9: {  	v1 =	vmul.f32 v1, v2;
	_ =	sdelay $0x1  }
0x1ea: {  	v1 =	vmul.f32 $1.442695020e+00, v1;
	_ =	sdelay $0x1  }
0x1eb: {  	(erf) = vpow2.f32 v1;
	_ =	sdelay $0x8  }
0x1ec: {  	v1 =	vpop (erf)  }
0x1ed: {  	[tilespmem:s13+$0xFFFFFFE0] =	vst v1  }
0x1ee: {  	v1 =	vld [tilespmem:s15+$0xFFFFFFF0]  }
0x1ef: {  	v2 =	vld [tilespmem:s14+$0xFFFFFFF0];
	_ =	sdelay $0x4  }
0x1f0: {  	v1 =	vadd.f32 v2, v1;
	v2 =	vld [tilespmem:s12+$0xFFFFFFF0];
	_ =	sdelay $0x1  }
0x1f1: {  	v3 =	vmul.f32 $2.000000030e-01, v1  }
0x1f2: {  	vm14 =	vgt.f32 v1, $0.0e+00  }
0x1f3: {  	v1 =	vsel vm14, v1, v3  }
0x1f4: {  	v1 =	vmul.f32 v1, v2;
	_ =	sdelay $0x1  }
0x1f5: {  	v1 =	vmul.f32 $1.442695020e+00, v1;
	_ =	sdelay $0x1  }
0x1f6: {  	(erf) = vpow2.f32 v1;
	_ =	sdelay $0x8  }
0x1f7: {  	v1 =	vpop (erf)  }
0x1f8: {  	[tilespmem:s13+$0xFFFFFFF0] =	vst v1  }
0x1f9: {  	v1 =	vld [tilespmem:s15+$0x0]  }
0x1fa: {  	v2 =	vld [tilespmem:s14+$0x0];
	_ =	sdelay $0x4  }
0x1fb: {  	v1 =	vadd.f32 v2, v1;
	v2 =	vld [tilespmem:s12+$0x0];
	_ =	sdelay $0x1  }
0x1fc: {  	v3 =	vmul.f32 $2.000000030e-01, v1  }
0x1fd: {  	vm15 =	vgt.f32 v1, $0.0e+00  }
0x1fe: {  	v1 =	vsel vm15, v1, v3  }
0x1ff: {  	v1 =	vmul.f32 v1, v2;
	_ =	sdelay $0x1  }
0x200: {  	v1 =	vmul.f32 $1.442695020e+00, v1;
	_ =	sdelay $0x1  }
0x201: {  	(erf) = vpow2.f32 v1;
	_ =	sdelay $0x3  }
0x202: {  	s11 =	sadd.s32 $0x10, s11  }
0x203: {  	p2 =	slt.u32 s11, $0x70  }
.Ltmp8:
0x204: {  	_ = 	snop;
	(pc) =	sbr.rel @p2 .LBB2_10-.Ltmp8, $3  }
0x205: {  	_ =	sdelay $0x1  }
0x206: {  	s14 =	sadd.s32 $0x100, s14;
	v1 =	vpop (erf)  }
0x207: {  	s15 =	sadd.s32 $0x100, s15;
	s12 =	sadd.s32 $0x100, s12;
	[tilespmem:s13+$0x0] =	vst v1;
	s13 =	sadd.s32 $0x100, s13  }
0x208: {  	s11 =	sshll.u32 s24, $0x7  }
0x209: {  	s11 =	sand.u32 $0x3FFFFF80, s11  }
0x20a: {  	s11 =	sadd.s32 $0x2780, s11  }
0x20b: {  	[spmem:s1] =	stream.indirect.scatter.add.f32 [tilespmem:s30], [sflag:$0x5], $0x10, s11, s22, $0xb8;
	[tilespmem:$0xDD10] =	vst v63  }
.Ltmp9:
0x20c: {  	s24 =	sadd.s32 s7, s24;
	(pc) =	sbr.rel .LBB2_12-.Ltmp9, $4  }
0x20d: {  	s11 =	sshll.u32 s24, $0x8;
	_ =	swait.ge [sflag:s20], $0x800  }
0x20e: {  	s11 =	sand.u32 $0x1FFFFF00, s11;
	[sflag:s20] =	ssyncset.done $0x0  }
0x20f: {  	s11 =	sadd.s32 s6, s11;
	[sflag:s20] =	ssyncadd.s32 $0xFFFFF800  }
0x210: {  	[hbm4b:s11+s2] =	stream.linear.scatter [tilespmem:s30], [sflag:$0x4], $0x800, $0x38;
	[tilespmem:$0xDD10] =	vst v63  }
.LBB2_14:
0x211: {  	_ =	sfence.sel $0x180000  }
0x212: {  	[bflag:$0x0] =	sbarrier.arrive $0xFFFF  }
0x213: {  	_ =	strace $0x90000047  }
0x214: {  	[bflag:$0x2] =	sbarrier.arrive $0xFFFF  }
0x215: {  	s0 =	rddreg [dreg:$0x3]  }
0x216: {  	s0 =	sadd.s32 @!p0 $0x100000, s0  }
0x217: {  	[sflag:s0] =	ssyncadd.tile.s32 @!p0 $0x1;
	_ =	shalt  }
.Lfunc_end2:
_tile_overlayer_lowered:
.L_overlay_start_2:
0x218: {  	(tag) =	ssettag $0x2  }
0x219: {  	s0 =	rddreg [dreg:$0x0];
	s2 =	stileid.u32  }
0x21a: {  	s1 =	rddreg [dreg:$0x1];
	p0 =	sne.s32 s2, $0x0  }
0x21b: {  	s3 =	rddreg [dreg:$0x2];
	[bflag:$0x3] =	sbarrier.arrive $0xFFFF;
	s2 =	simm.s32 @!p0 $0x1C05  }
0x21c: {  	[timem:s3], [sflag:s2] =	dma.local @!p0 [hbm:s0], s1  }
0x21d: {  	s0 =	simm.s32 @!p0 $0x5  }
0x21e: {  	_ =	swait.ge @!p0 [sflag:s0], s1  }
0x21f: {  	s1 =	ssub.s32 @!p0 $0x0, s1;
	[sflag:s0] =	ssyncset.done @!p0 $0x0  }
0x220: {  	[sflag:s0] =	ssyncadd.s32 @!p0 s1  }
0x221: {  	[bflag:$0x3] =	sbarrier.arrive $0xFFFF  }
0x222: {  	_ =	shalt  }

// kernel: kernel.8.cloned.1.call-start
scs
__scs_entry_jumppad:
0x0: {  	(pc) =	sbr.rel $0x88, $3  }
0x1: {  	(tag) =	ssettag $0x0;
	lr =	simm.s32 $0x1  }
0x2: {  	[smem:$0x3F9A] =	sst lr;
	_ =	strace $0xD0000000  }
0x3: {  	_ = 	snop  }
0x4: {  	_ = 	snop  }
0x5: {  	_ = 	snop  }
0x6: {  	_ = 	snop  }
0x7: {  	_ = 	snop  }
__scs_overlays_trampoline_lowered:
0x8: {  	[smem:$0x3FA9] =	sst s0  }
0x9: {  	[smem:$0x3FAA] =	sst s1  }
0xa: {  	[smem:$0x3FAB] =	sst s2  }
0xb: {  	[smem:$0x3FAC] =	sst s3  }
0xc: {  	[smem:$0x3FAD] =	sst s4  }
0xd: {  	[smem:$0x3FAE] =	sst s5  }
0xe: {  	[smem:$0x3FAF] =	sst s6  }
0xf: {  	[smem:$0x3FB0] =	sst s7  }
0x10: {  	[smem:$0x3FB1] =	sst s8  }
0x11: {  	[smem:$0x3FB2] =	sst s9;
	s0 =	simm.s32 @!p0 $0x0  }
0x12: {  	s1 =	sld [smem:$0x3F98];
	s0 =	simm.s32 @p0 $0x1  }
0x13: {  	[smem:$0x3FB3] =	sst s0;
	s0 =	simm.s32 @!p1 $0x0  }
0x14: {  	s2 =	sld [smem:$0x3F97];
	s0 =	simm.s32 @p1 $0x1  }
0x15: {  	[smem:$0x3FB4] =	sst s0;
	s0 =	simm.s32 @!p2 $0x0  }
0x16: {  	s3 =	sld [smem:$0x3FDB];
	s0 =	simm.s32 @p2 $0x1  }
0x17: {  	s4 =	simm.s32 $0x1BF5;
	[smem:$0x3FB6] =	sst s0  }
0x18: {  	s0 =	sld [smem:$0x3F99];
	_ =	swait.ge [sflag:s4], $0x0  }
0x19: {  	s7 =	sld [smem:$0x3F9A]  }
0x1a: {  	s8 =	sadd.s32 $0xFFFFE003, lr  }
0x1b: {  	s9 =	sadd.s32 $0xFFFFFEF7, lr;
	s5 =	simm.s32 $0xFFFFFFFF;
	p2 =	slt.u32 s8, $0xFFFFF086  }
0x1c: {  	p1 =	slt.u32 s9, $0xF7A;
	s5 =	simm.s32 @!p2 $0x0  }
0x1d: {  	s5 =	simm.s32 @p1 $0x1;
	p0 =	seq.s32 s7, s2  }
0x1e: {  	s7 =	smul.u32 @!p0 $0xF7A, s2;
	p2 =	seq.s32 @!p0 s5, $0x0  }
0x1f: {  	s9 =	smul.u32 $0xF7A, s1;
	s8 =	simm.s32 @!p0 $0x1BF5;
	p2 =	por !p2, p0  }
0x20: {  	[sflag:s8] =	ssyncset.s32 @!p0 $0xFFFFF086;
	s6 =	sadd.s32 @!p0 s3, s7;
	s7 =	simm.s32 @!p0 $0x108  }
0x21: {  	s3 =	sadd.s32 s3, s9;
	s6 =	sadd.s32 @!p0 $0x88, s6;
	s7 =	simm.s32 @p2 $0x1082  }
0x22: {  	[simem:s7], [sflag:s8] =	dma.local @!p0 [hbm:s6], $0xF7A  }
0x23: {  	s9 =	sor.u32 $0xD0000000, s2;
	s6 =	simm.s32 $0x108;
	_ =	swait.ge @!p0 [sflag:s8], $0x0  }
0x24: {  	s3 =	sadd.s32 $0x88, s3;
	s6 =	simm.s32 @!p1 $0x1082;
	[sflag:s4] =	ssyncset.s32 $0xFFFFF086  }
0x25: {  	[simem:s6], [sflag:s4] =	dma.local [hbm:s3], $0xF7A  }
0x26: {  	[smem:$0x3F9A] =	sst s1;
	(tag) =	ssettag s2;
	_ =	strace s9  }
0x27: {  	s1 =	sld [smem:$0x3FAA]  }
0x28: {  	s2 =	sld [smem:$0x3FAB]  }
0x29: {  	s4 =	sld [smem:$0x3FAD]  }
0x2a: {  	p0 =	seq.s32 s5, $0x0;
	s5 =	sld [smem:$0x3FAE]  }
0x2b: {  	s6 =	sld [smem:$0x3FAF]  }
0x2c: {  	s7 =	sld [smem:$0x3FB0]  }
0x2d: {  	s3 =	simm.s32 $0x108;
	s8 =	sld [smem:$0x3FB1]  }
0x2e: {  	s3 =	simm.s32 @!p0 $0x1082;
	s9 =	sld [smem:$0x3FB2]  }
0x2f: {  	lr =	sadd.s32 s0, s3;
	s0 =	sld [smem:$0x3FA9]  }
0x30: {  	s3 =	sld [smem:$0x3FAC]  }
0x31: {  	[smem:$0x3FB5] =	sst s10  }
0x32: {  	s10 =	sld [smem:$0x3FB3];
	_ =	sdelay $0x3  }
0x33: {  	p0 =	seq.s32 s10, $0x1;
	s10 =	sld [smem:$0x3FB5];
	_ =	sdelay $0x3  }
0x34: {  	[smem:$0x3FB5] =	sst s10  }
0x35: {  	s10 =	sld [smem:$0x3FB4];
	_ =	sdelay $0x3  }
0x36: {  	p1 =	seq.s32 s10, $0x1;
	s10 =	sld [smem:$0x3FB5];
	_ =	sdelay $0x3  }
0x37: {  	[smem:$0x3FB5] =	sst s10  }
0x38: {  	s10 =	sld [smem:$0x3FB6]  }
0x39: {  	_ = 	snop;
	(pc) =	sbr.ind lr, $3  }
0x3a: {  	_ = 	snop  }
0x3b: {  	_ = 	snop  }
0x3c: {  	p2 =	seq.s32 s10, $0x1;
	s10 =	sld [smem:$0x3FB5]  }
0x3d: {  	_ =	shalt  }
0x3e: {  	_ =	shalt  }
0x3f: {  	_ =	shalt  }
0x40: {  	_ =	shalt  }
0x41: {  	_ =	shalt  }
0x42: {  	_ =	shalt  }
0x43: {  	_ =	shalt  }
0x44: {  	_ =	shalt  }
0x45: {  	_ =	shalt  }
0x46: {  	_ =	shalt  }
0x47: {  	_ =	shalt  }
0x48: {  	_ =	shalt  }
0x49: {  	_ =	shalt  }
0x4a: {  	_ =	shalt  }
0x4b: {  	_ =	shalt  }
0x4c: {  	_ =	shalt  }
0x4d: {  	_ =	shalt  }
0x4e: {  	_ =	shalt  }
0x4f: {  	_ =	shalt  }
0x50: {  	_ =	shalt  }
0x51: {  	_ =	shalt  }
0x52: {  	_ =	shalt  }
0x53: {  	_ =	shalt  }
0x54: {  	_ =	shalt  }
0x55: {  	_ =	shalt  }
0x56: {  	_ =	shalt  }
0x57: {  	_ =	shalt  }
0x58: {  	_ =	shalt  }
0x59: {  	_ =	shalt  }
0x5a: {  	_ =	shalt  }
0x5b: {  	_ =	shalt  }
0x5c: {  	_ =	shalt  }
0x5d: {  	_ =	shalt  }
0x5e: {  	_ =	shalt  }
0x5f: {  	_ =	shalt  }
0x60: {  	_ =	shalt  }
0x61: {  	_ =	shalt  }
0x62: {  	_ =	shalt  }
0x63: {  	_ =	shalt  }
0x64: {  	_ =	shalt  }
0x65: {  	_ =	shalt  }
0x66: {  	_ =	shalt  }
0x67: {  	_ =	shalt  }
0x68: {  	_ =	shalt  }
0x69: {  	_ =	shalt  }
0x6a: {  	_ =	shalt  }
0x6b: {  	_ =	shalt  }
0x6c: {  	_ =	shalt  }
0x6d: {  	_ =	shalt  }
0x6e: {  	_ =	shalt  }
0x6f: {  	_ =	shalt  }
0x70: {  	_ =	shalt  }
0x71: {  	_ =	shalt  }
0x72: {  	_ =	shalt  }
0x73: {  	_ =	shalt  }
0x74: {  	_ =	shalt  }
0x75: {  	_ =	shalt  }
0x76: {  	_ =	shalt  }
0x77: {  	_ =	shalt  }
0x78: {  	_ =	shalt  }
0x79: {  	_ =	shalt  }
0x7a: {  	_ =	shalt  }
0x7b: {  	_ =	shalt  }
0x7c: {  	_ =	shalt  }
0x7d: {  	_ =	shalt  }
0x7e: {  	_ =	shalt  }
0x7f: {  	_ =	shalt  }
0x80: {  	_ =	shalt  }
0x81: {  	_ =	shalt  }
0x82: {  	_ =	shalt  }
0x83: {  	_ =	shalt  }
0x84: {  	_ =	shalt  }
0x85: {  	_ =	shalt  }
0x86: {  	_ =	shalt  }
0x87: {  	_ =	shalt  }
.Lfunc_end0:
.L_simem_size_0:
called_computation.1_lowered:
.L_overlay_start_0:
0x88: {  	s2 =	sld [smem:$0x3FD9]  }
0x89: {  	s3 =	sld [smem:$0x3FFE];
	_ =	sdelay $0x1  }
0x8a: {  	s1 =	srdreg.scid  }
0x8b: {  	s0 =	sand.u32 $0x1, s1  }
0x8c: {  	s17 =	sshll.u32 s0, $0xA;
	s2 =	sadd.s32 s3, s2  }
0x8d: {  	s2 =	sadd.s32 s2, s17  }
0x8e: {  	[smem:$0x3FC1] =	sst s2  }
0x8f: {  	_ = 	snop  }
0x90: {  	s2 =	sld [smem:$0x3FD0];
	(tm) =	ssettm $0x1  }
0x91: {  	s18 =	sld [smem:$0x3FFB];
	_ =	sdelay $0x3  }
0x92: {  	_ =	strace s18  }
0x93: {  	s3 =	sld [smem:$0x3FFC];
	_ =	sdelay $0x3  }
0x94: {  	_ =	strace s3  }
0x95: {  	s3 =	sld [smem:$0x3FFD];
	_ =	sdelay $0x3  }
0x96: {  	_ =	strace s3  }
0x97: {  	_ =	strace $0x8FFFFFFF  }
0x98: {  	s19 =	sld [smem:$0x3FDB];
	_ =	sdelay $0x1  }
0x99: {  	s4 =	simm.s32 $_scs_section_size  }
0x9a: {  	s5 =	simm.s32 $_size__tile_overlayer_lowered;
	s6 =	simm.s32 $_tile_overlayer_lowered  }
0x9b: {  	s22 =	simm.s32 $0x1BFF;
	s21 =	sshll.u32 s6, $0x1;
	s3 =	sadd.s32 s4, s19  }
0x9c: {  	s7 =	simm.s32 $0x0;
	s20 =	sshll.u32 s5, $0x1;
	s5 =	sadd.s32 s21, s3  }
0x9d: {  	[timem:s7], [sflag:s22] =	dma.local [hbm:s5], s20  }
0x9e: {  	_ =	swait.ge [sflag:s22], s20  }
0x9f: {  	s4 =	ssub.s32 $0x0, s20;
	[sflag:s22] =	ssyncset.done $0x0  }
0xa0: {  	[sflag:s22] =	ssyncadd.s32 s4;
	_ =	sdelay $0x1  }
0xa1: {  	s23 =	simm.s32 $0x1B8B  }
0xa2: {  	_ =	swait.ge [sflag:s23], $0x1  }
0xa3: {  	[sflag:s23] =	ssyncset.done $0x0  }
0xa4: {  	s25 =	simm.s32 $0x1B8E;
	s24 =	sld [smem:$0x3FFE];
	[sflag:s23] =	ssyncadd.s32 $0xFFFFFFFF  }
0xa5: {  	s26 =	simm.s32 $execute0_lowered;
	[smem:$0x3FD2] =	sst s25  }
0xa6: {  	s5 =	sshll.u32 s26, $0x1;
	_ =	strace $0x80000049;
	[dreg:$0x1] =	wrdreg $0xFFFFFFFF  }
0xa7: {  	s28 =	simm.s32 $_size_execute0_lowered;
	s3 =	sadd.s32 s3, s5;
	[dreg:$0x0] =	wrdreg $0x0  }
0xa8: {  	s5 =	sshll.u32 s28, $0x1;
	[dreg:$0x2] =	wrdreg s3  }
0xa9: {  	[dreg:$0x3] =	wrdreg s5  }
0xaa: {  	[dreg:$0x4] =	wrdreg $0xC0  }
0xab: {  	_ =	task [dreg:s7], $0x5FFFF  }
0xac: {  	[dreg:$0x1] =	wrdreg $0xFFFFFFFF  }
0xad: {  	[dreg:$0x0] =	wrdreg $0x60  }
0xae: {  	[dreg:$0x2] =	wrdreg s24  }
0xaf: {  	[dreg:$0x3] =	wrdreg s2  }
0xb0: {  	[dreg:$0x4] =	wrdreg $0x9  }
0xb1: {  	_ =	task.clear_ibuf [dreg:s7], $0x5FFFF;
	_ =	strace $0x90000049  }
0xb2: {  	s29 =	simm.s32 $0x9;
	_ =	strace $0x8000004B  }
0xb3: {  	_ =	swait.ge [sflag:s29], $0x1  }
0xb4: {  	[sflag:s29] =	ssyncadd.s32 $0xFFFFFFFF  }
0xb5: {  	_ =	strace $0x9000004B  }
0xb6: {  	_ =	sfence  }
0xb7: {  	s30 =	sld [smem:$0x0];
	_ =	sdelay $0x2  }
0xb8: {  	s31 =	sshll.u32 s1, $0xD;
	s1 =	sshrl.u32 s1, $0x2  }
0xb9: {  	s3 =	sand.u32 $0x4000, s31;
	s1 =	sadd.s32 s1, s30  }
0xba: {  	s0 =	sor.u32 s3, s0;
	s1 =	sshll.u32 s1, $0x11  }
0xbb: {  	s0 =	sor.u32 s1, s0  }
0xbc: {  	s0 =	sadd.s32 $0x8F2B, s0  }
0xbd: {  	[sflag:s0] =	ssyncadd.remote.s32 $0x1  }
0xbe: {  	_ =	sfence.sel $0xFFFF  }
0xbf: {  	[dreg:$0x0] =	wrdreg $0xFFFFFFFF;
	(pc) =	sbr.abs _section_cstart, $3  }
0xc0: {  	[dreg:$0x1] =	wrdreg $0xFFFFFFFF  }
0xc1: {  	_ =	task.clear_ibuf [dreg:s7], $0x2FFFF;
	_ =	strace $0x9FFFFFFF  }
0xc2: {  	(tm) =	ssettm $0x7FFFFFFF  }
0xc3: {  	_ =	shalt  }
tec
execute0_lowered:
.L_overlay_start_1:
0x0: {  	(tag) =	ssettag $0x1  }
0x1: {  	s1 =	srdreg.scid;
	s7 =	rddreg [dreg:$0x0]  }
0x2: {  	s0 =	stileid.u32;
	s2 =	rddreg [dreg:$0x1]  }
0x3: {  	s3 =	simm.s32 $0x0;
	s12 =	simm.s32 $0x5;
	s13 =	simm.s32 $0x80  }
0x4: {  	s14 =	simm.s32 $0x3780;
	s15 =	simm.s32 $0x2780;
	s16 =	simm.s32 $0x1  }
0x5: {  	s17 =	simm.s32 $0x5780;
	s18 =	simm.s32 $0x4E200;
	s19 =	simm.s32 $0x2  }
0x6: {  	s20 =	simm.s32 $0x5F80;
	s21 =	simm.s32 $0x3;
	s22 =	simm.s32 $0x4  }
0x7: {  	s23 =	simm.s32 $0x0;
	s6 =	sand.u32 $0x1, s1;
	s1 =	rddreg [dreg:$0x2]  }
0x8: {  	s30 =	sshll.u32 s0, $0x1;
	[smem:$0x7FF] =	sst s3;
	p0 =	slt.u32 s0, $0x2  }
0x9: {  	s4 =	sor.u32 s6, s30;
	_ =	strace $0x8000004A;
	s8 =	ssub.s32 $0x2, s6  }
0xa: {  	v0 =	vlaneseq.u32;
	s6 =	simm.s32 $0x4F;
	s5 =	smul.u32 $0x4E, s4;
	s4 =	smin.u32 s4, $0x4  }
.Ltmp0:
0xb: {  	v0 =	vmul.u32 $0x80, v0;
	s10 =	sshrl.u32 s8, $0x1;
	s6 =	simm.s32 @!p0 $0x4E;
	(pc) =	sbr.rel .LBB2_1-.Ltmp0, $4  }
0xc: {  	v1 =	vimm.s32 $0x0;
	vm0 =	vcmask $0x300;
	p0 =	sgt.u32 s0, $0x1;
	s11 =	ssub.s32 s8, s10;
	s4 =	sadd.s32 s4, s5  }
0xd: {  	v1 =	vsel vm0, $0x3, v1;
	v2 =	vor.u32 $0x1, v0;
	s11 =	smax.u32 s11, $0x1;
	s5 =	sshll.u32 s4, $0x4;
	s31 =	sshll.u32 s4, $0x8  }
0xe: {  	v3 =	vor.u32 $0x2, v0;
	v4 =	vor.u32 $0x3, v0;
	v5 =	vor.u32 $0x4, v0;
	s9 =	sadd.s32 s5, s7;
	s5 =	sadd.s32 $0xB1A00, s7;
	s7 =	sadd.s32 $0x14DE00, s7  }
0xf: {  	v6 =	vor.u32 $0x5, v0;
	v7 =	vor.u32 $0x6, v0;
	v8 =	vor.u32 $0x7, v0;
	s8 =	sadd.s32 $0xA7C00, s9;
	s9 =	sadd.s32 $0xA80E0, s9;
	s10 =	sadd.s32 s5, s31  }
.LBB2_11:
0x10: {  	s23 =	sadd.s32 $0x1, s23  }
0x11: {  	_ =	swait.ge [sflag:s21], $0x800;
	p1 =	sne.s32 s23, s11  }
.Ltmp1:
0x12: {  	[sflag:s21] =	ssyncset.done $0x0;
	(pc) =	sbr.rel @!p1 .LBB2_12-.Ltmp1, $4  }
0x13: {  	[sflag:s21] =	ssyncadd.s32 $0xFFFFF800  }
0x14: {  	_ =	swait.ge [sflag:s22], $0x800  }
0x15: {  	[sflag:s22] =	ssyncset.done $0x0  }
0x16: {  	[sflag:s22] =	ssyncadd.s32 $0xFFFFF800  }
.LBB2_1:
0x17: {  	[tilespmem:s3], [sflag:$0x5] =	stream.linear.gather [hbm4b:s8+s3], $0x2700, $0x38;
	[tilespmem:$0x6780] =	vst v63  }
0x18: {  	_ =	swait.ge [sflag:s12], $0x2700  }
0x19: {  	[sflag:s12] =	ssyncset.done $0x0  }
0x1a: {  	s24 =	simm.s32 @!p0 $0x0;
	s25 =	simm.s32 @!p0 $0x2700;
	[sflag:s12] =	ssyncadd.s32 $0xFFFFD900  }
0x1b: {  	[tilespmem:s25], [sflag:$0x5] =	stream.linear.gather @!p0 [hbm4b:s9+s24], $0x80, $0x38;
	[tilespmem:$0x6780] =	vst v63  }
0x1c: {  	s24 =	simm.s32 @!p0 $0x5  }
0x1d: {  	_ =	swait.ge @!p0 [sflag:s24], $0x80  }
.Ltmp2:
0x1e: {  	[sflag:s24] =	ssyncset.done @!p0 $0x0;
	(pc) =	sbr.rel .LBB2_2-.Ltmp2, $4  }
0x1f: {  	[sflag:s24] =	ssyncadd.s32 @!p0 $0xFFFFFF80  }
0x20: {  	[tilespmem:s14], [sflag:$0x1] =	stream.indirect.gather [hbm4b:s7+s13], $0x20, s3, s13, $0xb8;
	[tilespmem:$0x6780] =	vst v63  }
0x21: {  	s24 =	simm.s32 $0x0  }
0x22: {  	[tilespmem:s15], [sflag:$0x1] =	stream.linear.gather [hbm4b:s10+s3], $0x800, $0x38;
	[tilespmem:$0x6780] =	vst v63  }
.LBB2_10:
0x23: {  	s24 =	sadd.s32 $0x1, s24  }
0x24: {  	p1 =	sne.s32 s24, $0x29  }
.Ltmp3:
0x25: {  	_ = 	snop;
	(pc) =	sbr.rel @!p1 .LBB2_11-.Ltmp3, $1  }
0x26: {  	_ =	sdelay $0x3  }
.LBB2_2:
0x27: {  	s26 =	sshll.u32 s24, $0x1  }
0x28: {  	p2 =	sge.u32 s26, s6  }
.Ltmp4:
0x29: {  	_ = 	snop;
	(pc) =	sbr.rel @p2 .LBB2_6-.Ltmp4, $3  }
0x2a: {  	_ =	sdelay $0x1  }
0x2b: {  	s25 =	sshllo.u32 s24, $0x1  }
0x2c: {  	p1 =	sge.u32 s25, s6  }
0x2d: {  	s28 =	sshll.u32 @!p1 s25, $0x7  }
0x2e: {  	s29 =	simm.s32 @!p1 $0x80;
	s30 =	simm.s32 @!p1 $0x4780;
	s28 =	sand.u32 @!p1 $0x3FFFFF80, s28  }
0x2f: {  	[tilespmem:s30], [sflag:$0x2] =	stream.indirect.gather @!p1 [hbm4b:s7+s29], $0x20, s28, s29, $0xb8;
	[tilespmem:$0x6780] =	vst v63  }
0x30: {  	s28 =	sadd.s32 @!p1 s4, s25  }
0x31: {  	s28 =	sshll.u32 @!p1 s28, $0x8  }
0x32: {  	s28 =	sand.u32 @!p1 $0x1FFFFF00, s28  }
0x33: {  	s29 =	simm.s32 @!p1 $0x0;
	s30 =	simm.s32 @!p1 $0x2F80;
	s28 =	sadd.s32 @!p1 s5, s28  }
0x34: {  	[tilespmem:s30], [sflag:$0x2] =	stream.linear.gather @!p1 [hbm4b:s28+s29], $0x800, $0x38;
	[tilespmem:$0x6780] =	vst v63  }
0x35: {  	_ =	swait.ge [sflag:s16], $0x1000  }
0x36: {  	[sflag:s16] =	ssyncset.done $0x0  }
0x37: {  	[sflag:s16] =	ssyncadd.s32 $0xFFFFF000  }
0x38: {  	_ =	swait.ge [sflag:s16], $0x800  }
0x39: {  	p2 =	seq.s32 s24, $0x0;
	[sflag:s16] =	ssyncset.done $0x0  }
0x3a: {  	s28 =	simm.s32 @!p2 $0x3;
	[sflag:s16] =	ssyncadd.s32 $0xFFFFF800  }
0x3b: {  	_ =	swait.ge @!p2 [sflag:s28], $0x800  }
0x3c: {  	s29 =	simm.s32 $0x3880;
	[sflag:s28] =	ssyncset.done @!p2 $0x0  }
0x3d: {  	s30 =	simm.s32 $0x2800;
	[sflag:s28] =	ssyncadd.s32 @!p2 $0xFFFFF800;
	s28 =	simm.s32 $0x0  }
.LBB2_4:
0x3e: {  	v9 =	vld [tilespmem:s29+$0xFFFFFF00]  }
0x3f: {  	v10 =	vld [tilespmem:s29+$0xFFFFFF10];
	_ =	sdelay $0x4  }
0x40: {  	v9 =	vadd.f32 v10, v9;
	_ =	sdelay $0x1  }
0x41: {  	(erf) = vrcp.f32 v9;
	_ =	sdelay $0x1  }
0x42: {  	v9 =	vmov s28  }
0x43: {  	v9 =	vshrl.u32 v9, $0x3  }
0x44: {  	v9 =	vshll.u32 v9, v1  }
0x45: {  	v10 =	vld [tilespmem:s30+$0xFFFFFF80];
	v9 =	vbroadcast v9, $0x0;
	_ =	sdelay $0x1  }
0x46: {  	v9 =	vor.u32 v0, v9;
	_ =	sdelay $0x1  }
0x47: {  	v11 =	vpop (erf)  }
0x48: {  	v10 =	vmul.f32 v11, v10;
	_ =	sdelay $0x1  }
0x49: {  	[tilespmem:v9+s17+$0x0] =	vst.idx.msk $0xffff, v10  }
0x4a: {  	v9 =	vld [tilespmem:s29+$0xFFFFFF20]  }
0x4b: {  	v10 =	vld [tilespmem:s29+$0xFFFFFF30];
	_ =	sdelay $0x4  }
0x4c: {  	v9 =	vadd.f32 v10, v9;
	_ =	sdelay $0x1  }
0x4d: {  	(erf) = vrcp.f32 v9  }
0x4e: {  	s31 =	sadd.s32 $0x1, s28  }
0x4f: {  	v9 =	vmov s31  }
0x50: {  	v9 =	vshrl.u32 v9, $0x3  }
0x51: {  	v9 =	vshll.u32 v9, v1  }
0x52: {  	v10 =	vld [tilespmem:s30+$0xFFFFFF90];
	v9 =	vbroadcast v9, $0x0;
	_ =	sdelay $0x1  }
0x53: {  	v9 =	vor.u32 v2, v9;
	_ =	sdelay $0x1  }
0x54: {  	v11 =	vpop (erf)  }
0x55: {  	v10 =	vmul.f32 v11, v10;
	_ =	sdelay $0x1  }
0x56: {  	[tilespmem:v9+s17+$0x0] =	vst.idx.msk $0xffff, v10  }
0x57: {  	v9 =	vld [tilespmem:s29+$0xFFFFFF40]  }
0x58: {  	v10 =	vld [tilespmem:s29+$0xFFFFFF50];
	_ =	sdelay $0x4  }
0x59: {  	v9 =	vadd.f32 v10, v9;
	_ =	sdelay $0x1  }
0x5a: {  	(erf) = vrcp.f32 v9  }
0x5b: {  	s31 =	sadd.s32 $0x2, s28  }
0x5c: {  	v9 =	vmov s31  }
0x5d: {  	v9 =	vshrl.u32 v9, $0x3  }
0x5e: {  	v9 =	vshll.u32 v9, v1  }
0x5f: {  	v10 =	vld [tilespmem:s30+$0xFFFFFFA0];
	v9 =	vbroadcast v9, $0x0;
	_ =	sdelay $0x1  }
0x60: {  	v9 =	vor.u32 v3, v9;
	_ =	sdelay $0x1  }
0x61: {  	v11 =	vpop (erf)  }
0x62: {  	v10 =	vmul.f32 v11, v10;
	_ =	sdelay $0x1  }
0x63: {  	[tilespmem:v9+s17+$0x0] =	vst.idx.msk $0xffff, v10  }
0x64: {  	v9 =	vld [tilespmem:s29+$0xFFFFFF60]  }
0x65: {  	v10 =	vld [tilespmem:s29+$0xFFFFFF70];
	_ =	sdelay $0x4  }
0x66: {  	v9 =	vadd.f32 v10, v9;
	_ =	sdelay $0x1  }
0x67: {  	(erf) = vrcp.f32 v9  }
0x68: {  	s31 =	sadd.s32 $0x3, s28  }
0x69: {  	v9 =	vmov s31  }
0x6a: {  	v9 =	vshrl.u32 v9, $0x3  }
0x6b: {  	v9 =	vshll.u32 v9, v1  }
0x6c: {  	v10 =	vld [tilespmem:s30+$0xFFFFFFB0];
	v9 =	vbroadcast v9, $0x0;
	_ =	sdelay $0x1  }
0x6d: {  	v9 =	vor.u32 v4, v9;
	_ =	sdelay $0x1  }
0x6e: {  	v11 =	vpop (erf)  }
0x6f: {  	v10 =	vmul.f32 v11, v10;
	_ =	sdelay $0x1  }
0x70: {  	[tilespmem:v9+s17+$0x0] =	vst.idx.msk $0xffff, v10  }
0x71: {  	v9 =	vld [tilespmem:s29+$0xFFFFFF80]  }
0x72: {  	v10 =	vld [tilespmem:s29+$0xFFFFFF90];
	_ =	sdelay $0x4  }
0x73: {  	v9 =	vadd.f32 v10, v9;
	_ =	sdelay $0x1  }
0x74: {  	(erf) = vrcp.f32 v9  }
0x75: {  	s31 =	sadd.s32 $0x4, s28  }
0x76: {  	v9 =	vmov s31  }
0x77: {  	v9 =	vshrl.u32 v9, $0x3  }
0x78: {  	v9 =	vshll.u32 v9, v1  }
0x79: {  	v10 =	vld [tilespmem:s30+$0xFFFFFFC0];
	v9 =	vbroadcast v9, $0x0;
	_ =	sdelay $0x1  }
0x7a: {  	v9 =	vor.u32 v5, v9;
	_ =	sdelay $0x1  }
0x7b: {  	v11 =	vpop (erf)  }
0x7c: {  	v10 =	vmul.f32 v11, v10;
	_ =	sdelay $0x1  }
0x7d: {  	[tilespmem:v9+s17+$0x0] =	vst.idx.msk $0xffff, v10  }
0x7e: {  	v9 =	vld [tilespmem:s29+$0xFFFFFFA0]  }
0x7f: {  	v10 =	vld [tilespmem:s29+$0xFFFFFFB0];
	_ =	sdelay $0x4  }
0x80: {  	v9 =	vadd.f32 v10, v9;
	_ =	sdelay $0x1  }
0x81: {  	(erf) = vrcp.f32 v9  }
0x82: {  	s31 =	sadd.s32 $0x5, s28  }
0x83: {  	v9 =	vmov s31  }
0x84: {  	v9 =	vshrl.u32 v9, $0x3  }
0x85: {  	v9 =	vshll.u32 v9, v1  }
0x86: {  	v10 =	vld [tilespmem:s30+$0xFFFFFFD0];
	v9 =	vbroadcast v9, $0x0;
	_ =	sdelay $0x1  }
0x87: {  	v9 =	vor.u32 v6, v9;
	_ =	sdelay $0x1  }
0x88: {  	v11 =	vpop (erf)  }
0x89: {  	v10 =	vmul.f32 v11, v10;
	_ =	sdelay $0x1  }
0x8a: {  	[tilespmem:v9+s17+$0x0] =	vst.idx.msk $0xffff, v10  }
0x8b: {  	v9 =	vld [tilespmem:s29+$0xFFFFFFC0]  }
0x8c: {  	v10 =	vld [tilespmem:s29+$0xFFFFFFD0];
	_ =	sdelay $0x4  }
0x8d: {  	v9 =	vadd.f32 v10, v9;
	_ =	sdelay $0x1  }
0x8e: {  	(erf) = vrcp.f32 v9  }
0x8f: {  	s31 =	sadd.s32 $0x6, s28  }
0x90: {  	v9 =	vmov s31  }
0x91: {  	v9 =	vshrl.u32 v9, $0x3  }
0x92: {  	v9 =	vshll.u32 v9, v1  }
0x93: {  	v10 =	vld [tilespmem:s30+$0xFFFFFFE0];
	v9 =	vbroadcast v9, $0x0;
	_ =	sdelay $0x1  }
0x94: {  	v9 =	vor.u32 v7, v9;
	_ =	sdelay $0x1  }
0x95: {  	v11 =	vpop (erf)  }
0x96: {  	v10 =	vmul.f32 v11, v10;
	_ =	sdelay $0x1  }
0x97: {  	[tilespmem:v9+s17+$0x0] =	vst.idx.msk $0xffff, v10  }
0x98: {  	v9 =	vld [tilespmem:s29+$0xFFFFFFE0]  }
0x99: {  	v10 =	vld [tilespmem:s29+$0xFFFFFFF0];
	_ =	sdelay $0x4  }
0x9a: {  	v9 =	vadd.f32 v10, v9;
	_ =	sdelay $0x1  }
0x9b: {  	(erf) = vrcp.f32 v9;
	_ =	sdelay $0x4  }
0x9c: {  	v9 =	vld [tilespmem:s30+$0xFFFFFFF0]  }
0x9d: {  	s31 =	sadd.s32 $0x7, s28  }
0x9e: {  	v10 =	vor.u32 s31, v8;
	_ =	sdelay $0x1  }
0x9f: {  	v11 =	vpop (erf)  }
0xa0: {  	v9 =	vmul.f32 v11, v9;
	_ =	sdelay $0x1  }
0xa1: {  	[tilespmem:v10+s17+$0x0] =	vst.idx.msk $0xffff, v9  }
0xa2: {  	v9 =	vld [tilespmem:s29+$0x0]  }
0xa3: {  	v10 =	vld [tilespmem:s29+$0x10];
	_ =	sdelay $0x4  }
0xa4: {  	v9 =	vadd.f32 v10, v9;
	_ =	sdelay $0x1  }
0xa5: {  	(erf) = vrcp.f32 v9  }
0xa6: {  	s31 =	sadd.s32 $0x8, s28  }
0xa7: {  	v9 =	vmov s31  }
0xa8: {  	v9 =	vshrl.u32 v9, $0x3  }
0xa9: {  	v9 =	vshll.u32 v9, v1  }
0xaa: {  	v10 =	vld [tilespmem:s30+$0x0];
	v9 =	vbroadcast v9, $0x0;
	_ =	sdelay $0x1  }
0xab: {  	v9 =	vor.u32 v0, v9;
	_ =	sdelay $0x1  }
0xac: {  	v11 =	vpop (erf)  }
0xad: {  	v10 =	vmul.f32 v11, v10;
	_ =	sdelay $0x1  }
0xae: {  	[tilespmem:v9+s17+$0x0] =	vst.idx.msk $0xffff, v10  }
0xaf: {  	v9 =	vld [tilespmem:s29+$0x20]  }
0xb0: {  	v10 =	vld [tilespmem:s29+$0x30];
	_ =	sdelay $0x4  }
0xb1: {  	v9 =	vadd.f32 v10, v9;
	_ =	sdelay $0x1  }
0xb2: {  	(erf) = vrcp.f32 v9  }
0xb3: {  	s31 =	sadd.s32 $0x9, s28  }
0xb4: {  	v9 =	vmov s31  }
0xb5: {  	v9 =	vshrl.u32 v9, $0x3  }
0xb6: {  	v9 =	vshll.u32 v9, v1  }
0xb7: {  	v10 =	vld [tilespmem:s30+$0x10];
	v9 =	vbroadcast v9, $0x0;
	_ =	sdelay $0x1  }
0xb8: {  	v9 =	vor.u32 v2, v9;
	_ =	sdelay $0x1  }
0xb9: {  	v11 =	vpop (erf)  }
0xba: {  	v10 =	vmul.f32 v11, v10;
	_ =	sdelay $0x1  }
0xbb: {  	[tilespmem:v9+s17+$0x0] =	vst.idx.msk $0xffff, v10  }
0xbc: {  	v9 =	vld [tilespmem:s29+$0x40]  }
0xbd: {  	v10 =	vld [tilespmem:s29+$0x50];
	_ =	sdelay $0x4  }
0xbe: {  	v9 =	vadd.f32 v10, v9;
	_ =	sdelay $0x1  }
0xbf: {  	(erf) = vrcp.f32 v9  }
0xc0: {  	s31 =	sadd.s32 $0xA, s28  }
0xc1: {  	v9 =	vmov s31  }
0xc2: {  	v9 =	vshrl.u32 v9, $0x3  }
0xc3: {  	v9 =	vshll.u32 v9, v1  }
0xc4: {  	v10 =	vld [tilespmem:s30+$0x20];
	v9 =	vbroadcast v9, $0x0;
	_ =	sdelay $0x1  }
0xc5: {  	v9 =	vor.u32 v3, v9;
	_ =	sdelay $0x1  }
0xc6: {  	v11 =	vpop (erf)  }
0xc7: {  	v10 =	vmul.f32 v11, v10;
	_ =	sdelay $0x1  }
0xc8: {  	[tilespmem:v9+s17+$0x0] =	vst.idx.msk $0xffff, v10  }
0xc9: {  	v9 =	vld [tilespmem:s29+$0x60]  }
0xca: {  	v10 =	vld [tilespmem:s29+$0x70];
	_ =	sdelay $0x4  }
0xcb: {  	v9 =	vadd.f32 v10, v9;
	_ =	sdelay $0x1  }
0xcc: {  	(erf) = vrcp.f32 v9  }
0xcd: {  	s31 =	sadd.s32 $0xB, s28  }
0xce: {  	v9 =	vmov s31  }
0xcf: {  	v9 =	vshrl.u32 v9, $0x3  }
0xd0: {  	v9 =	vshll.u32 v9, v1  }
0xd1: {  	v10 =	vld [tilespmem:s30+$0x30];
	v9 =	vbroadcast v9, $0x0;
	_ =	sdelay $0x1  }
0xd2: {  	v9 =	vor.u32 v4, v9;
	_ =	sdelay $0x1  }
0xd3: {  	v11 =	vpop (erf)  }
0xd4: {  	v10 =	vmul.f32 v11, v10;
	_ =	sdelay $0x1  }
0xd5: {  	[tilespmem:v9+s17+$0x0] =	vst.idx.msk $0xffff, v10  }
0xd6: {  	v9 =	vld [tilespmem:s29+$0x80]  }
0xd7: {  	v10 =	vld [tilespmem:s29+$0x90];
	_ =	sdelay $0x4  }
0xd8: {  	v9 =	vadd.f32 v10, v9;
	_ =	sdelay $0x1  }
0xd9: {  	(erf) = vrcp.f32 v9  }
0xda: {  	s31 =	sadd.s32 $0xC, s28  }
0xdb: {  	v9 =	vmov s31  }
0xdc: {  	v9 =	vshrl.u32 v9, $0x3  }
0xdd: {  	v9 =	vshll.u32 v9, v1  }
0xde: {  	v10 =	vld [tilespmem:s30+$0x40];
	v9 =	vbroadcast v9, $0x0;
	_ =	sdelay $0x1  }
0xdf: {  	v9 =	vor.u32 v5, v9;
	_ =	sdelay $0x1  }
0xe0: {  	v11 =	vpop (erf)  }
0xe1: {  	v10 =	vmul.f32 v11, v10;
	_ =	sdelay $0x1  }
0xe2: {  	[tilespmem:v9+s17+$0x0] =	vst.idx.msk $0xffff, v10  }
0xe3: {  	v9 =	vld [tilespmem:s29+$0xA0]  }
0xe4: {  	v10 =	vld [tilespmem:s29+$0xB0];
	_ =	sdelay $0x4  }
0xe5: {  	v9 =	vadd.f32 v10, v9;
	_ =	sdelay $0x1  }
0xe6: {  	(erf) = vrcp.f32 v9  }
0xe7: {  	s31 =	sadd.s32 $0xD, s28  }
0xe8: {  	v9 =	vmov s31  }
0xe9: {  	v9 =	vshrl.u32 v9, $0x3  }
0xea: {  	v9 =	vshll.u32 v9, v1  }
0xeb: {  	v10 =	vld [tilespmem:s30+$0x50];
	v9 =	vbroadcast v9, $0x0;
	_ =	sdelay $0x1  }
0xec: {  	v9 =	vor.u32 v6, v9;
	_ =	sdelay $0x1  }
0xed: {  	v11 =	vpop (erf)  }
0xee: {  	v10 =	vmul.f32 v11, v10;
	_ =	sdelay $0x1  }
0xef: {  	[tilespmem:v9+s17+$0x0] =	vst.idx.msk $0xffff, v10  }
0xf0: {  	v9 =	vld [tilespmem:s29+$0xC0]  }
0xf1: {  	v10 =	vld [tilespmem:s29+$0xD0];
	_ =	sdelay $0x4  }
0xf2: {  	v9 =	vadd.f32 v10, v9;
	_ =	sdelay $0x1  }
0xf3: {  	(erf) = vrcp.f32 v9  }
0xf4: {  	s31 =	sadd.s32 $0xE, s28  }
0xf5: {  	v9 =	vmov s31  }
0xf6: {  	v9 =	vshrl.u32 v9, $0x3  }
0xf7: {  	v9 =	vshll.u32 v9, v1  }
0xf8: {  	v10 =	vld [tilespmem:s30+$0x60];
	v9 =	vbroadcast v9, $0x0;
	_ =	sdelay $0x1  }
0xf9: {  	v9 =	vor.u32 v7, v9;
	_ =	sdelay $0x1  }
0xfa: {  	v11 =	vpop (erf)  }
0xfb: {  	v10 =	vmul.f32 v11, v10;
	_ =	sdelay $0x1  }
0xfc: {  	[tilespmem:v9+s17+$0x0] =	vst.idx.msk $0xffff, v10  }
0xfd: {  	v9 =	vld [tilespmem:s29+$0xE0]  }
0xfe: {  	v10 =	vld [tilespmem:s29+$0xF0];
	_ =	sdelay $0x4  }
0xff: {  	v9 =	vadd.f32 v10, v9;
	_ =	sdelay $0x1  }
0x100: {  	(erf) = vrcp.f32 v9;
	_ =	sdelay $0x4  }
0x101: {  	v9 =	vld [tilespmem:s30+$0x70]  }
0x102: {  	s31 =	sadd.s32 $0xF, s28  }
0x103: {  	p2 =	slt.u32 s28, $0x70;
	v10 =	vor.u32 s31, v8  }
.Ltmp5:
0x104: {  	_ = 	snop;
	(pc) =	sbr.rel @p2 .LBB2_4-.Ltmp5, $3  }
0x105: {  	v11 =	vpop (erf)  }
0x106: {  	v9 =	vmul.f32 v11, v9;
	_ =	sdelay $0x1  }
0x107: {  	s28 =	sadd.s32 $0x10, s28;
	s29 =	sadd.s32 $0x200, s29;
	s30 =	sadd.s32 $0x100, s30;
	[tilespmem:v10+s17+$0x0] =	vst.idx.msk $0xffff, v9  }
0x108: {  	s28 =	sadd.s32 s4, s26  }
0x109: {  	s28 =	sshll.u32 s28, $0x4  }
0x10a: {  	s28 =	sand.u32 $0x1FFFFFF0, s28  }
0x10b: {  	s28 =	sadd.s32 s2, s28  }
0x10c: {  	[hbm4b:s28+s13] =	stream.strided.scatter [tilespmem:s17], [sflag:$0x3], $0x800, s18, s13, $0x38;
	[tilespmem:$0x6780] =	vst v63  }
.LBB2_6:
.Ltmp6:
0x10d: {  	(pc) =	sbr.rel @p1 .LBB2_10-.Ltmp6, $1  }
0x10e: {  	_ =	sdelay $0x3  }
0x10f: {  	s26 =	sadd.s32 $0x2, s26  }
0x110: {  	p1 =	sge.u32 s26, s6  }
0x111: {  	s28 =	sshll.u32 @!p1 s26, $0x7;
	s29 =	simm.s32 @!p1 $0x80;
	s26 =	sadd.s32 @!p1 s4, s26  }
0x112: {  	s30 =	simm.s32 @!p1 $0x3780;
	s28 =	sand.u32 @!p1 $0x3FFFFF80, s28;
	s26 =	sshll.u32 @!p1 s26, $0x8  }
0x113: {  	[tilespmem:s30], [sflag:$0x1] =	stream.indirect.gather @!p1 [hbm4b:s7+s29], $0x20, s28, s29, $0xb8;
	[tilespmem:$0x6780] =	vst v63  }
0x114: {  	s26 =	sand.u32 @!p1 $0x1FFFFF00, s26  }
0x115: {  	s28 =	simm.s32 @!p1 $0x0;
	s29 =	simm.s32 @!p1 $0x2780;
	s26 =	sadd.s32 @!p1 s5, s26  }
0x116: {  	[tilespmem:s29], [sflag:$0x1] =	stream.linear.gather @!p1 [hbm4b:s26+s28], $0x800, $0x38;
	[tilespmem:$0x6780] =	vst v63  }
0x117: {  	_ =	swait.ge [sflag:s19], $0x1000  }
0x118: {  	[sflag:s19] =	ssyncset.done $0x0  }
0x119: {  	[sflag:s19] =	ssyncadd.s32 $0xFFFFF000  }
0x11a: {  	_ =	swait.ge [sflag:s19], $0x800  }
0x11b: {  	p1 =	seq.s32 s24, $0x0;
	[sflag:s19] =	ssyncset.done $0x0  }
0x11c: {  	s26 =	simm.s32 @!p1 $0x4;
	[sflag:s19] =	ssyncadd.s32 $0xFFFFF800  }
0x11d: {  	_ =	swait.ge @!p1 [sflag:s26], $0x800  }
0x11e: {  	s28 =	simm.s32 $0x4970;
	[sflag:s26] =	ssyncset.done @!p1 $0x0  }
0x11f: {  	s29 =	simm.s32 $0x3070;
	[sflag:s26] =	ssyncadd.s32 @!p1 $0xFFFFF800;
	s26 =	simm.s32 $0x0  }
.LBB2_8:
0x120: {  	v9 =	vld [tilespmem:s28+$0xFFFFFE10]  }
0x121: {  	v10 =	vld [tilespmem:s28+$0xFFFFFE20];
	_ =	sdelay $0x4  }
0x122: {  	v9 =	vadd.f32 v10, v9;
	_ =	sdelay $0x1  }
0x123: {  	(erf) = vrcp.f32 v9;
	_ =	sdelay $0x1  }
0x124: {  	v9 =	vmov s26  }
0x125: {  	v9 =	vshrl.u32 v9, $0x3  }
0x126: {  	v9 =	vshll.u32 v9, v1  }
0x127: {  	v10 =	vld [tilespmem:s29+$0xFFFFFF10];
	v9 =	vbroadcast v9, $0x0;
	_ =	sdelay $0x1  }
0x128: {  	v9 =	vor.u32 v0, v9;
	_ =	sdelay $0x1  }
0x129: {  	v11 =	vpop (erf)  }
0x12a: {  	v10 =	vmul.f32 v11, v10;
	_ =	sdelay $0x1  }
0x12b: {  	[tilespmem:v9+s20+$0x0] =	vst.idx.msk $0xffff, v10  }
0x12c: {  	v9 =	vld [tilespmem:s28+$0xFFFFFE30]  }
0x12d: {  	v10 =	vld [tilespmem:s28+$0xFFFFFE40];
	_ =	sdelay $0x4  }
0x12e: {  	v9 =	vadd.f32 v10, v9;
	_ =	sdelay $0x1  }
0x12f: {  	(erf) = vrcp.f32 v9  }
0x130: {  	s30 =	sadd.s32 $0x1, s26  }
0x131: {  	v9 =	vmov s30  }
0x132: {  	v9 =	vshrl.u32 v9, $0x3  }
0x133: {  	v9 =	vshll.u32 v9, v1  }
0x134: {  	v10 =	vld [tilespmem:s29+$0xFFFFFF20];
	v9 =	vbroadcast v9, $0x0;
	_ =	sdelay $0x1  }
0x135: {  	v9 =	vor.u32 v2, v9;
	_ =	sdelay $0x1  }
0x136: {  	v11 =	vpop (erf)  }
0x137: {  	v10 =	vmul.f32 v11, v10;
	_ =	sdelay $0x1  }
0x138: {  	[tilespmem:v9+s20+$0x0] =	vst.idx.msk $0xffff, v10  }
0x139: {  	v9 =	vld [tilespmem:s28+$0xFFFFFE50]  }
0x13a: {  	v10 =	vld [tilespmem:s28+$0xFFFFFE60];
	_ =	sdelay $0x4  }
0x13b: {  	v9 =	vadd.f32 v10, v9;
	_ =	sdelay $0x1  }
0x13c: {  	(erf) = vrcp.f32 v9  }
0x13d: {  	s31 =	sadd.s32 $0x2, s26  }
0x13e: {  	v9 =	vmov s31  }
0x13f: {  	v9 =	vshrl.u32 v9, $0x3  }
0x140: {  	v9 =	vshll.u32 v9, v1  }
0x141: {  	v10 =	vld [tilespmem:s29+$0xFFFFFF30];
	v9 =	vbroadcast v9, $0x0;
	_ =	sdelay $0x1  }
0x142: {  	v9 =	vor.u32 v3, v9;
	_ =	sdelay $0x1  }
0x143: {  	v11 =	vpop (erf)  }
0x144: {  	v10 =	vmul.f32 v11, v10;
	_ =	sdelay $0x1  }
0x145: {  	[tilespmem:v9+s20+$0x0] =	vst.idx.msk $0xffff, v10  }
0x146: {  	v9 =	vld [tilespmem:s28+$0xFFFFFE70]  }
0x147: {  	v10 =	vld [tilespmem:s28+$0xFFFFFE80];
	_ =	sdelay $0x4  }
0x148: {  	v9 =	vadd.f32 v10, v9;
	_ =	sdelay $0x1  }
0x149: {  	(erf) = vrcp.f32 v9  }
0x14a: {  	s31 =	sadd.s32 $0x3, s26  }
0x14b: {  	v9 =	vmov s31  }
0x14c: {  	v9 =	vshrl.u32 v9, $0x3  }
0x14d: {  	v9 =	vshll.u32 v9, v1  }
0x14e: {  	v10 =	vld [tilespmem:s29+$0xFFFFFF40];
	v9 =	vbroadcast v9, $0x0;
	_ =	sdelay $0x1  }
0x14f: {  	v9 =	vor.u32 v4, v9;
	_ =	sdelay $0x1  }
0x150: {  	v11 =	vpop (erf)  }
0x151: {  	v10 =	vmul.f32 v11, v10;
	_ =	sdelay $0x1  }
0x152: {  	[tilespmem:v9+s20+$0x0] =	vst.idx.msk $0xffff, v10  }
0x153: {  	v9 =	vld [tilespmem:s28+$0xFFFFFE90]  }
0x154: {  	v10 =	vld [tilespmem:s28+$0xFFFFFEA0];
	_ =	sdelay $0x4  }
0x155: {  	v9 =	vadd.f32 v10, v9;
	_ =	sdelay $0x1  }
0x156: {  	(erf) = vrcp.f32 v9  }
0x157: {  	s31 =	sadd.s32 $0x4, s26  }
0x158: {  	v9 =	vmov s31  }
0x159: {  	v9 =	vshrl.u32 v9, $0x3  }
0x15a: {  	v9 =	vshll.u32 v9, v1  }
0x15b: {  	v10 =	vld [tilespmem:s29+$0xFFFFFF50];
	v9 =	vbroadcast v9, $0x0;
	_ =	sdelay $0x1  }
0x15c: {  	v9 =	vor.u32 v5, v9;
	_ =	sdelay $0x1  }
0x15d: {  	v11 =	vpop (erf)  }
0x15e: {  	v10 =	vmul.f32 v11, v10;
	_ =	sdelay $0x1  }
0x15f: {  	[tilespmem:v9+s20+$0x0] =	vst.idx.msk $0xffff, v10  }
0x160: {  	v9 =	vld [tilespmem:s28+$0xFFFFFEB0]  }
0x161: {  	v10 =	vld [tilespmem:s28+$0xFFFFFEC0];
	_ =	sdelay $0x4  }
0x162: {  	v9 =	vadd.f32 v10, v9;
	_ =	sdelay $0x1  }
0x163: {  	(erf) = vrcp.f32 v9  }
0x164: {  	s31 =	sadd.s32 $0x5, s26  }
0x165: {  	v9 =	vmov s31  }
0x166: {  	v9 =	vshrl.u32 v9, $0x3  }
0x167: {  	v9 =	vshll.u32 v9, v1  }
0x168: {  	v10 =	vld [tilespmem:s29+$0xFFFFFF60];
	v9 =	vbroadcast v9, $0x0;
	_ =	sdelay $0x1  }
0x169: {  	v9 =	vor.u32 v6, v9;
	_ =	sdelay $0x1  }
0x16a: {  	v11 =	vpop (erf)  }
0x16b: {  	v10 =	vmul.f32 v11, v10;
	_ =	sdelay $0x1  }
0x16c: {  	[tilespmem:v9+s20+$0x0] =	vst.idx.msk $0xffff, v10  }
0x16d: {  	v9 =	vld [tilespmem:s28+$0xFFFFFED0]  }
0x16e: {  	v10 =	vld [tilespmem:s28+$0xFFFFFEE0];
	_ =	sdelay $0x4  }
0x16f: {  	v9 =	vadd.f32 v10, v9;
	_ =	sdelay $0x1  }
0x170: {  	(erf) = vrcp.f32 v9  }
0x171: {  	s31 =	sadd.s32 $0x6, s26  }
0x172: {  	v9 =	vmov s31  }
0x173: {  	v9 =	vshrl.u32 v9, $0x3  }
0x174: {  	v9 =	vshll.u32 v9, v1  }
0x175: {  	v10 =	vld [tilespmem:s29+$0xFFFFFF70];
	v9 =	vbroadcast v9, $0x0;
	_ =	sdelay $0x1  }
0x176: {  	v9 =	vor.u32 v7, v9;
	_ =	sdelay $0x1  }
0x177: {  	v11 =	vpop (erf)  }
0x178: {  	v10 =	vmul.f32 v11, v10;
	_ =	sdelay $0x1  }
0x179: {  	[tilespmem:v9+s20+$0x0] =	vst.idx.msk $0xffff, v10  }
0x17a: {  	v9 =	vld [tilespmem:s28+$0xFFFFFEF0]  }
0x17b: {  	v10 =	vld [tilespmem:s28+$0xFFFFFF00];
	_ =	sdelay $0x4  }
0x17c: {  	v9 =	vadd.f32 v10, v9;
	_ =	sdelay $0x1  }
0x17d: {  	(erf) = vrcp.f32 v9;
	_ =	sdelay $0x4  }
0x17e: {  	v9 =	vld [tilespmem:s29+$0xFFFFFF80]  }
0x17f: {  	s31 =	sadd.s32 $0x7, s26  }
0x180: {  	v10 =	vor.u32 s31, v8;
	_ =	sdelay $0x1  }
0x181: {  	v11 =	vpop (erf)  }
0x182: {  	v9 =	vmul.f32 v11, v9;
	_ =	sdelay $0x1  }
0x183: {  	[tilespmem:v10+s20+$0x0] =	vst.idx.msk $0xffff, v9  }
0x184: {  	v9 =	vld [tilespmem:s28+$0xFFFFFF10]  }
0x185: {  	v10 =	vld [tilespmem:s28+$0xFFFFFF20];
	_ =	sdelay $0x4  }
0x186: {  	v9 =	vadd.f32 v10, v9;
	_ =	sdelay $0x1  }
0x187: {  	(erf) = vrcp.f32 v9  }
0x188: {  	s31 =	sadd.s32 $0x8, s26  }
0x189: {  	v9 =	vmov s31  }
0x18a: {  	v9 =	vshrl.u32 v9, $0x3  }
0x18b: {  	v9 =	vshll.u32 v9, v1  }
0x18c: {  	v10 =	vld [tilespmem:s29+$0xFFFFFF90];
	v9 =	vbroadcast v9, $0x0;
	_ =	sdelay $0x1  }
0x18d: {  	v9 =	vor.u32 v0, v9;
	_ =	sdelay $0x1  }
0x18e: {  	v11 =	vpop (erf)  }
0x18f: {  	v10 =	vmul.f32 v11, v10;
	_ =	sdelay $0x1  }
0x190: {  	[tilespmem:v9+s20+$0x0] =	vst.idx.msk $0xffff, v10  }
0x191: {  	v9 =	vld [tilespmem:s28+$0xFFFFFF30]  }
0x192: {  	v10 =	vld [tilespmem:s28+$0xFFFFFF40];
	_ =	sdelay $0x4  }
0x193: {  	v9 =	vadd.f32 v10, v9;
	_ =	sdelay $0x1  }
0x194: {  	(erf) = vrcp.f32 v9  }
0x195: {  	s31 =	sadd.s32 $0x9, s26  }
0x196: {  	v9 =	vmov s31  }
0x197: {  	v9 =	vshrl.u32 v9, $0x3  }
0x198: {  	v9 =	vshll.u32 v9, v1  }
0x199: {  	v10 =	vld [tilespmem:s29+$0xFFFFFFA0];
	v9 =	vbroadcast v9, $0x0;
	_ =	sdelay $0x1  }
0x19a: {  	v9 =	vor.u32 v2, v9;
	_ =	sdelay $0x1  }
0x19b: {  	v11 =	vpop (erf)  }
0x19c: {  	v10 =	vmul.f32 v11, v10;
	_ =	sdelay $0x1  }
0x19d: {  	[tilespmem:v9+s20+$0x0] =	vst.idx.msk $0xffff, v10  }
0x19e: {  	v9 =	vld [tilespmem:s28+$0xFFFFFF50]  }
0x19f: {  	v10 =	vld [tilespmem:s28+$0xFFFFFF60];
	_ =	sdelay $0x4  }
0x1a0: {  	v9 =	vadd.f32 v10, v9;
	_ =	sdelay $0x1  }
0x1a1: {  	(erf) = vrcp.f32 v9  }
0x1a2: {  	s31 =	sadd.s32 $0xA, s26  }
0x1a3: {  	v9 =	vmov s31  }
0x1a4: {  	v9 =	vshrl.u32 v9, $0x3  }
0x1a5: {  	v9 =	vshll.u32 v9, v1  }
0x1a6: {  	v10 =	vld [tilespmem:s29+$0xFFFFFFB0];
	v9 =	vbroadcast v9, $0x0;
	_ =	sdelay $0x1  }
0x1a7: {  	v9 =	vor.u32 v3, v9;
	_ =	sdelay $0x1  }
0x1a8: {  	v11 =	vpop (erf)  }
0x1a9: {  	v10 =	vmul.f32 v11, v10;
	_ =	sdelay $0x1  }
0x1aa: {  	[tilespmem:v9+s20+$0x0] =	vst.idx.msk $0xffff, v10  }
0x1ab: {  	v9 =	vld [tilespmem:s28+$0xFFFFFF70]  }
0x1ac: {  	v10 =	vld [tilespmem:s28+$0xFFFFFF80];
	_ =	sdelay $0x4  }
0x1ad: {  	v9 =	vadd.f32 v10, v9;
	_ =	sdelay $0x1  }
0x1ae: {  	(erf) = vrcp.f32 v9  }
0x1af: {  	s31 =	sadd.s32 $0xB, s26  }
0x1b0: {  	v9 =	vmov s31  }
0x1b1: {  	v9 =	vshrl.u32 v9, $0x3  }
0x1b2: {  	v9 =	vshll.u32 v9, v1  }
0x1b3: {  	v10 =	vld [tilespmem:s29+$0xFFFFFFC0];
	v9 =	vbroadcast v9, $0x0;
	_ =	sdelay $0x1  }
0x1b4: {  	v9 =	vor.u32 v4, v9;
	_ =	sdelay $0x1  }
0x1b5: {  	v11 =	vpop (erf)  }
0x1b6: {  	v10 =	vmul.f32 v11, v10;
	_ =	sdelay $0x1  }
0x1b7: {  	[tilespmem:v9+s20+$0x0] =	vst.idx.msk $0xffff, v10  }
0x1b8: {  	v9 =	vld [tilespmem:s28+$0xFFFFFF90]  }
0x1b9: {  	v10 =	vld [tilespmem:s28+$0xFFFFFFA0];
	_ =	sdelay $0x4  }
0x1ba: {  	v9 =	vadd.f32 v10, v9;
	_ =	sdelay $0x1  }
0x1bb: {  	(erf) = vrcp.f32 v9  }
0x1bc: {  	s31 =	sadd.s32 $0xC, s26  }
0x1bd: {  	v9 =	vmov s31  }
0x1be: {  	v9 =	vshrl.u32 v9, $0x3  }
0x1bf: {  	v9 =	vshll.u32 v9, v1  }
0x1c0: {  	v10 =	vld [tilespmem:s29+$0xFFFFFFD0];
	v9 =	vbroadcast v9, $0x0;
	_ =	sdelay $0x1  }
0x1c1: {  	v9 =	vor.u32 v5, v9;
	_ =	sdelay $0x1  }
0x1c2: {  	v11 =	vpop (erf)  }
0x1c3: {  	v10 =	vmul.f32 v11, v10;
	_ =	sdelay $0x1  }
0x1c4: {  	[tilespmem:v9+s20+$0x0] =	vst.idx.msk $0xffff, v10  }
0x1c5: {  	v9 =	vld [tilespmem:s28+$0xFFFFFFB0]  }
0x1c6: {  	v10 =	vld [tilespmem:s28+$0xFFFFFFC0];
	_ =	sdelay $0x4  }
0x1c7: {  	v9 =	vadd.f32 v10, v9;
	_ =	sdelay $0x1  }
0x1c8: {  	(erf) = vrcp.f32 v9  }
0x1c9: {  	s31 =	sadd.s32 $0xD, s26  }
0x1ca: {  	v9 =	vmov s31  }
0x1cb: {  	v9 =	vshrl.u32 v9, $0x3  }
0x1cc: {  	v9 =	vshll.u32 v9, v1  }
0x1cd: {  	v10 =	vld [tilespmem:s29+$0xFFFFFFE0];
	v9 =	vbroadcast v9, $0x0;
	_ =	sdelay $0x1  }
0x1ce: {  	v9 =	vor.u32 v6, v9;
	_ =	sdelay $0x1  }
0x1cf: {  	v11 =	vpop (erf)  }
0x1d0: {  	v10 =	vmul.f32 v11, v10;
	_ =	sdelay $0x1  }
0x1d1: {  	[tilespmem:v9+s20+$0x0] =	vst.idx.msk $0xffff, v10  }
0x1d2: {  	v9 =	vld [tilespmem:s28+$0xFFFFFFD0]  }
0x1d3: {  	v10 =	vld [tilespmem:s28+$0xFFFFFFE0];
	_ =	sdelay $0x4  }
0x1d4: {  	v9 =	vadd.f32 v10, v9;
	_ =	sdelay $0x1  }
0x1d5: {  	(erf) = vrcp.f32 v9  }
0x1d6: {  	s31 =	sadd.s32 $0xE, s26  }
0x1d7: {  	v9 =	vmov s31  }
0x1d8: {  	v9 =	vshrl.u32 v9, $0x3  }
0x1d9: {  	v9 =	vshll.u32 v9, v1  }
0x1da: {  	v10 =	vld [tilespmem:s29+$0xFFFFFFF0];
	v9 =	vbroadcast v9, $0x0;
	_ =	sdelay $0x1  }
0x1db: {  	v9 =	vor.u32 v7, v9;
	_ =	sdelay $0x1  }
0x1dc: {  	v11 =	vpop (erf)  }
0x1dd: {  	v10 =	vmul.f32 v11, v10;
	_ =	sdelay $0x1  }
0x1de: {  	[tilespmem:v9+s20+$0x0] =	vst.idx.msk $0xffff, v10  }
0x1df: {  	v9 =	vld [tilespmem:s28+$0xFFFFFFF0]  }
0x1e0: {  	v10 =	vld [tilespmem:s28+$0x0];
	_ =	sdelay $0x4  }
0x1e1: {  	v9 =	vadd.f32 v10, v9;
	_ =	sdelay $0x1  }
0x1e2: {  	(erf) = vrcp.f32 v9;
	_ =	sdelay $0x4  }
0x1e3: {  	v9 =	vld [tilespmem:s29+$0x0]  }
0x1e4: {  	s31 =	sadd.s32 $0xF, s26  }
0x1e5: {  	p1 =	slt.u32 s26, $0x70;
	v10 =	vor.u32 s31, v8  }
.Ltmp7:
0x1e6: {  	_ = 	snop;
	(pc) =	sbr.rel @p1 .LBB2_8-.Ltmp7, $3  }
0x1e7: {  	v11 =	vpop (erf)  }
0x1e8: {  	v9 =	vmul.f32 v11, v9;
	_ =	sdelay $0x1  }
0x1e9: {  	s26 =	sadd.s32 $0x10, s26;
	s28 =	sadd.s32 $0x200, s28;
	s29 =	sadd.s32 $0x100, s29;
	[tilespmem:v10+s20+$0x0] =	vst.idx.msk $0xffff, v9  }
.Ltmp8:
0x1ea: {  	s25 =	sadd.s32 s4, s25;
	(pc) =	sbr.rel .LBB2_10-.Ltmp8, $4  }
0x1eb: {  	s25 =	sshll.u32 s25, $0x4  }
0x1ec: {  	s25 =	sand.u32 $0x1FFFFFF0, s25  }
0x1ed: {  	s25 =	sadd.s32 s2, s25  }
0x1ee: {  	[hbm4b:s25+s13] =	stream.strided.scatter [tilespmem:s20], [sflag:$0x4], $0x800, s18, s13, $0x38;
	[tilespmem:$0x6780] =	vst v63  }
.LBB2_12:
0x1ef: {  	_ =	sfence.sel $0x180000  }
0x1f0: {  	[bflag:$0x0] =	sbarrier.arrive $0xFFFF  }
0x1f1: {  	p0 =	sne.s32 s0, $0x0;
	_ =	strace $0x9000004A  }
0x1f2: {  	s0 =	sadd.s32 @!p0 $0x100000, s1;
	[bflag:$0x2] =	sbarrier.arrive $0xFFFF  }
0x1f3: {  	[sflag:s0] =	ssyncadd.tile.s32 @!p0 $0x1;
	_ =	shalt  }
.Lfunc_end2:
_tile_overlayer_lowered:
.L_overlay_start_2:
0x1f4: {  	(tag) =	ssettag $0x2  }
0x1f5: {  	s0 =	rddreg [dreg:$0x0];
	s2 =	stileid.u32  }
0x1f6: {  	s1 =	rddreg [dreg:$0x1];
	p0 =	sne.s32 s2, $0x0  }
0x1f7: {  	s3 =	rddreg [dreg:$0x2];
	[bflag:$0x3] =	sbarrier.arrive $0xFFFF;
	s2 =	simm.s32 @!p0 $0x1C05  }
0x1f8: {  	[timem:s3], [sflag:s2] =	dma.local @!p0 [hbm:s0], s1  }
0x1f9: {  	s0 =	simm.s32 @!p0 $0x5  }
0x1fa: {  	_ =	swait.ge @!p0 [sflag:s0], s1  }
0x1fb: {  	s1 =	ssub.s32 @!p0 $0x0, s1;
	[sflag:s0] =	ssyncset.done @!p0 $0x0  }
0x1fc: {  	[sflag:s0] =	ssyncadd.s32 @!p0 s1  }
0x1fd: {  	[bflag:$0x3] =	sbarrier.arrive $0xFFFF  }
0x1fe: {  	_ =	shalt  }

</sc_bundles>
